<compile_context>
chip_gen: v7x
topology: tpu7x:2x2x1
jax: 0.10.2.dev20260603
libtpu: 0.0.44.dev20260713+nightly
codegen_flags: <defaults>
</compile_context>

<pallas_src>
import jax
import jax.numpy as jnp
from jax import lax
from jax.experimental import pallas as pl
from jax.experimental.pallas import tpu as pltpu
from jax.experimental.pallas import tpu_sc as plsc

NN = 50000
EE = 800000
DD = 64
HF = DD // 2
GG = 128
NC = 2
NS = 16
LANES = 16

NP = 51200
ECH = 80
SB = 5
CPT = EE // ECH // NS
SBT = CPT // SB
RPT = NN // NS
IWCH = RPT // 5

_MESH = plsc.VectorSubcoreMesh(
    core_axis_name="c", subcore_axis_name="s", num_cores=NC, num_subcores=NS)
_SC_PARAMS = pltpu.CompilerParams(use_tc_tiling_on_sc=False)


def _agg_body(h_hbm, src_hbm, dst_hbm, out_hbm, acc, idxs, idxd, rows,
              gsem, ssem, isem):
  c = lax.axis_index("c")
  s = lax.axis_index("s")
  cbase = c * NP

  for k in range(RPT // IWCH):
    pltpu.sync_copy(
        h_hbm.at[pl.ds(cbase + s * RPT + k * IWCH, IWCH)],
        acc.at[pl.ds(s * RPT + k * IWCH, IWCH)])
  plsc.subcore_barrier()

  cb = s * CPT

  def load_idx_async(t, slot):
    pltpu.async_copy(src_hbm.at[pl.ds(cb + t * SB, SB)], idxs.at[slot], isem)
    pltpu.async_copy(dst_hbm.at[pl.ds(cb + t * SB, SB)], idxd.at[slot], isem)

  def wait_idx(slot):
    pltpu.make_async_copy(src_hbm.at[pl.ds(0, SB)], idxs.at[slot],
                          isem).wait()
    pltpu.make_async_copy(src_hbm.at[pl.ds(0, SB)], idxd.at[slot],
                          isem).wait()

  def shift_idx(slot):
    for j in range(SB):
      for k in range(ECH // LANES):
        v = idxs[slot, j, pl.ds(k * LANES, LANES)]
        idxs[slot, j, pl.ds(k * LANES, LANES)] = v + cbase

  def fire_gathers(islot, rslot):
    for j in range(SB):
      pltpu.async_copy(h_hbm.at[pl.ds(cbase, NP)].at[idxs.at[islot, j]],
                      rows.at[rslot, j], gsem)

  def drain_gather(rslot, j):
    pltpu.make_async_copy(h_hbm.at[pl.ds(0, ECH)], rows.at[rslot, j],
                          gsem).wait()

  def drain_scatter(rslot, j):
    pltpu.make_async_copy(rows.at[rslot, j], acc.at[pl.ds(0, ECH)],
                          ssem).wait()

  load_idx_async(0, 0)
  wait_idx(0)
  fire_gathers(0, 0)
  load_idx_async(1, 1)

  def sb_body(t, carry):
    p = lax.rem(t, 2)
    i0 = lax.rem(t, 3)
    i1 = lax.rem(t + 1, 3)
    i2 = lax.rem(t + 2, 3)

    @pl.when(t >= 1)
    def _():
      for j in range(SB):
        drain_scatter(1 - p, j)

    @pl.when(t < SBT - 1)
    def _():
      wait_idx(i1)
      fire_gathers(i1, 1 - p)

    @pl.when(t < SBT - 2)
    def _():
      load_idx_async(t + 2, i2)

    for j in range(SB):
      drain_gather(p, j)
      pltpu.async_copy(rows.at[p, j], acc.at[idxd.at[i0, j]], ssem, add=True)
    return carry

  lax.fori_loop(0, SBT, sb_body, 0)
  for j in range(SB):
    drain_scatter((SBT - 1) % 2, j)
  plsc.subcore_barrier()

  for k in range(RPT // IWCH):
    pltpu.sync_copy(
        acc.at[pl.ds(s * RPT + k * IWCH, IWCH)],
        out_hbm.at[pl.ds(cbase + s * RPT + k * IWCH, IWCH)])


_agg = pl.kernel(
    _agg_body,
    out_type=jax.ShapeDtypeStruct((NC * NP, HF), jnp.float32),
    mesh=_MESH,
    compiler_params=_SC_PARAMS,
    scratch_types=[
        pltpu.VMEM_SHARED((NN, HF), jnp.float32),
        pltpu.VMEM((3, SB, ECH), jnp.int32),
        pltpu.VMEM((3, SB, ECH), jnp.int32),
        pltpu.VMEM((2, SB, ECH, HF), jnp.float32),
        pltpu.SemaphoreType.DMA,
        pltpu.SemaphoreType.DMA,
        pltpu.SemaphoreType.DMA,
    ],
)

NQ = NC * NP * HF // 128
QB = 512
NRB = NQ // NC // QB



def _mlp_body(zl_ref, zh_ref, w1_ref, b1_ref, w2l_ref, w2h_ref,
              b2l_ref, b2h_ref, o_ref):
  j = pl.program_id(1)
  z = jnp.concatenate([zl_ref[...], zh_ref[...]], axis=1)
  t = jnp.dot(z, w1_ref[...], preferred_element_type=jnp.float32)
  t = jnp.maximum(t + b1_ref[...], 0.0)
  w2 = jnp.where(j == 0, w2l_ref[...], w2h_ref[...])
  b2 = jnp.where(j == 0, b2l_ref[...], b2h_ref[...])
  o = jnp.dot(t, w2, preferred_element_type=jnp.float32)
  o_ref[...] = jnp.maximum(o + b2, 0.0)


HQ = NP * HF // 128
HQREAL = NN * HF // 128


def _mlp_pool_body(zl_ref, zh_ref, w1_ref, b1_ref, w2l_ref, w2h_ref,
                   b2l_ref, b2h_ref, bcol_ref, g_ref):
  i = pl.program_id(0)
  j = pl.program_id(1)
  z = jnp.concatenate([zl_ref[...], zh_ref[...]], axis=1)
  t = jnp.dot(z, w1_ref[...], preferred_element_type=jnp.float32)
  t = jnp.maximum(t + b1_ref[...], 0.0)
  w2 = jnp.where(j == 0, w2l_ref[...], w2h_ref[...])
  b2 = jnp.where(j == 0, b2l_ref[...], b2h_ref[...])
  o = jnp.dot(t, w2, preferred_element_type=jnp.float32)
  o = jnp.maximum(o + b2, 0.0)

  rowid = lax.broadcasted_iota(jnp.int32, (QB, 128), 0)
  om = jnp.where(rowid < HQREAL - i * QB, o, 0.0)
  giota = lax.broadcasted_iota(jnp.int32, (QB, GG), 1)
  colid = lax.broadcasted_iota(jnp.int32, (GG, 128), 1)
  bcol = bcol_ref[...]
  gacc = jnp.zeros((GG, 128), jnp.float32)
  for a in range(4):
    sa = (bcol[:, a:a + 1] == giota).astype(jnp.float32)
    ga = lax.dot_general(sa, om, (((0,), (0,)), ((), ())),
                         preferred_element_type=jnp.float32)
    gacc = gacc + jnp.where((colid // HF) == a, ga, 0.0)

  @pl.when(i == 0)
  def _():
    g_ref[0] = gacc

  @pl.when(i > 0)
  def _():
    g_ref[0] = g_ref[0] + gacc


def _bd4(m):
  return jnp.kron(jnp.eye(4, dtype=m.dtype), m)


def _tile4(v):
  return jnp.tile(v, 4).reshape(1, 128)


def _packed_weights(W1, b1, W2, b2):
  w1big = jnp.concatenate([
      jnp.concatenate([_bd4(W1[:HF, :HF]), _bd4(W1[:HF, HF:])], axis=1),
      jnp.concatenate([_bd4(W1[HF:, :HF]), _bd4(W1[HF:, HF:])], axis=1),
  ], axis=0)
  b1big = jnp.concatenate([_tile4(b1[:HF]), _tile4(b1[HF:])], axis=1)
  w2lo = jnp.concatenate([_bd4(W2[:HF, :HF]), _bd4(W2[HF:, :HF])], axis=0)
  w2hi = jnp.concatenate([_bd4(W2[:HF, HF:]), _bd4(W2[HF:, HF:])], axis=0)
  return w1big, b1big, w2lo, w2hi, _tile4(b2[:HF]), _tile4(b2[HF:])


_FULL = lambda i, j: (0, 0)
_W_SPECS = [
    pl.BlockSpec((256, 256), _FULL),
    pl.BlockSpec((1, 256), _FULL),
    pl.BlockSpec((256, 128), _FULL),
    pl.BlockSpec((256, 128), _FULL),
    pl.BlockSpec((1, 128), _FULL),
    pl.BlockSpec((1, 128), _FULL),
]
_Z_SPECS = [
    pl.BlockSpec((QB, 128), lambda i, j: (i, 0)),
    pl.BlockSpec((QB, 128), lambda i, j: (NRB + i, 0)),
]


def _mlp(z2, W1, b1, W2, b2):
  zv = z2.reshape(NQ, 128)
  out = pl.pallas_call(
      _mlp_body,
      grid=(NRB, NC),
      in_specs=_Z_SPECS + _W_SPECS,
      out_specs=pl.BlockSpec((QB, 128), lambda i, j: (j * NRB + i, 0)),
      out_shape=jax.ShapeDtypeStruct((NQ, 128), jnp.float32),
  )(zv, zv, *_packed_weights(W1, b1, W2, b2))
  return out.reshape(NC * NP, HF)


def _mlp_pool(z2, W1, b1, W2, b2, bcol):
  zv = z2.reshape(NQ, 128)
  return pl.pallas_call(
      _mlp_pool_body,
      grid=(NRB, NC),
      in_specs=_Z_SPECS + _W_SPECS + [
          pl.BlockSpec((QB, 4), lambda i, j: (i, 0))],
      out_specs=pl.BlockSpec((1, GG, 128), lambda i, j: (j, 0, 0)),
      out_shape=jax.ShapeDtypeStruct((NC, GG, 128), jnp.float32),
  )(zv, zv, *_packed_weights(W1, b1, W2, b2), bcol)


def _final_body(p_ref, w1_ref, b1_ref, w2_ref, b2_ref, o_ref):
  gl = (p_ref[0][:, :HF] + p_ref[0][:, HF:2 * HF]
        + p_ref[0][:, 2 * HF:3 * HF] + p_ref[0][:, 3 * HF:])
  gh = (p_ref[1][:, :HF] + p_ref[1][:, HF:2 * HF]
        + p_ref[1][:, 2 * HF:3 * HF] + p_ref[1][:, 3 * HF:])
  g = jnp.concatenate([gl, gh], axis=1)
  t = jnp.dot(g, w1_ref[...], preferred_element_type=jnp.float32)
  t = jnp.maximum(t + b1_ref[...], 0.0)
  o_ref[...] = jnp.dot(t, w2_ref[...], preferred_element_type=jnp.float32) \
      + b2_ref[...]


def _final(parts, W1, b1, W2, b2):
  return pl.pallas_call(
      _final_body,
      out_shape=jax.ShapeDtypeStruct((GG, 1), jnp.float32),
  )(parts, W1, b1.reshape(1, DD), W2, b2.reshape(1, 1))


@jax.jit
def kernel(x, edge_index, batch, params):
  src2 = edge_index[0].reshape(EE // ECH, ECH)
  dst2 = edge_index[1].reshape(EE // ECH, ECH)
  zpad = jnp.zeros((NP - NN, HF), jnp.float32)
  h2 = jnp.concatenate([x[:, :HF], zpad, x[:, HF:], zpad], axis=0)
  bcol = jnp.concatenate(
      [batch, jnp.full((NP - NN,), GG, jnp.int32)]).reshape(HQ, 4)
  convs = params["convs"]
  for (W1, b1, W2, b2) in convs[:-1]:
    z2 = _agg(h2, src2, dst2)
    h2 = _mlp(z2, W1, b1, W2, b2)
  (W1, b1, W2, b2) = convs[-1]
  z2 = _agg(h2, src2, dst2)
  parts = _mlp_pool(z2, W1, b1, W2, b2, bcol)
  out = _final(parts, params["fc_W1"], params["fc_b1"],
               params["fc_W2"], params["fc_b2"])
  return out[:, 0]

# --- scband reference (transcript-rebuilt; emitter-appended) ---
"""Pipeline reference for scband-graph-discriminator-51780125721069 (READ-ONLY COPY).

The authoritative reference and input builder live on the scoring server;
editing this copy changes nothing except your own understanding.
"""

import jax, jax.numpy as jnp
import numpy as np

N = 50000
E = 800000
D = 64
H = 64
L = 3
G = 128


def setup_inputs(seed: int = 0) -> dict:
    key = jax.random.key(seed)
    ks = jax.random.split(key, 4 + 4 * L + 4)
    x = jax.random.normal(ks[0], (N, D), dtype=jnp.float32)
    edge_index = jax.random.randint(ks[1], (2, E), 0, N, dtype=jnp.int32)
    batch = jnp.sort(jax.random.randint(ks[2], (N,), 0, G, dtype=jnp.int32))
    convs = []
    for i in range(L):
        in_dim = D if i == 0 else H
        k0, k1, k2, k3 = ks[3 + 4 * i], ks[4 + 4 * i], ks[5 + 4 * i], ks[6 + 4 * i]
        W1 = jax.random.normal(k0, (in_dim, H), dtype=jnp.float32) * (1.0 / np.sqrt(in_dim))
        b1 = jnp.zeros((H,), dtype=jnp.float32)
        W2 = jax.random.normal(k1, (H, H), dtype=jnp.float32) * (1.0 / np.sqrt(H))
        b2 = jnp.zeros((H,), dtype=jnp.float32)
        convs.append((W1, b1, W2, b2))
    kf = ks[3 + 4 * L]
    kf2 = ks[4 + 4 * L]
    params = {
        "convs": convs,
        "fc_W1": jax.random.normal(kf, (H, H), dtype=jnp.float32) * (1.0 / np.sqrt(H)),
        "fc_b1": jnp.zeros((H,), dtype=jnp.float32),
        "fc_W2": jax.random.normal(kf2, (H, 1), dtype=jnp.float32) * (1.0 / np.sqrt(H)),
        "fc_b2": jnp.zeros((1,), dtype=jnp.float32),
    }
    return {"x": x, "edge_index": edge_index, "batch": batch, "params": params}


def reference(x, edge_index, batch, params):
    src = edge_index[0]
    dst = edge_index[1]
    h = x
    for (W1, b1, W2, b2) in params["convs"]:
        # GINConv with eps=0: mlp((1+eps)*x + sum_{j in N(i)} x_j)
        agg = jnp.zeros_like(h).at[dst].add(h[src])
        h = h + agg
        h = jnp.maximum(h @ W1 + b1, 0.0)
        h = h @ W2 + b2
        h = jnp.maximum(h, 0.0)  # F.relu after each conv
    g = jax.ops.segment_sum(h, batch, num_segments=G)
    g = jnp.maximum(g @ params["fc_W1"] + params["fc_b1"], 0.0)
    out = g @ params["fc_W2"] + params["fc_b2"]
    return out.squeeze(-1)

if __name__ == "__main__":
    import jax
    _d = setup_inputs()
    print(jax.jit(kernel)(*tuple(_d.values())))

</pallas_src>

<mosaic_0001>
#map = affine_map<(d0, d1) -> (0, 0)>
module attributes {stable_mosaic.version = 14 : i64} {
  func.func @_agg_body(%arg0: i32, %arg1: i32, %arg2: memref<102400x32xf32, #tpu.memory_space<hbm>>, %arg3: memref<10000x80xi32, #tpu.memory_space<hbm>>, %arg4: memref<10000x80xi32, #tpu.memory_space<hbm>>, %arg5: memref<102400x32xf32, #tpu.memory_space<hbm>>, %arg6: memref<50000x32xf32, #tpu.memory_space<vmem_shared>>, %arg7: memref<3x5x80xi32, #tpu.memory_space<vmem>>, %arg8: memref<3x5x80xi32, #tpu.memory_space<vmem>>, %arg9: memref<2x5x80x32xf32, #tpu.memory_space<vmem>>, %arg10: memref<!tpu.dma_semaphore, #tpu.memory_space<semaphore_mem>>, %arg11: memref<!tpu.dma_semaphore, #tpu.memory_space<semaphore_mem>>, %arg12: memref<!tpu.dma_semaphore, #tpu.memory_space<semaphore_mem>>) attributes {dimension_semantics = [#tpu.dimension_semantics<core_parallel>, #tpu.dimension_semantics<subcore_parallel>], iteration_bounds = array<i64: 2, 16>, scalar_prefetch = 0 : i64, scratch_operands = 7 : i64, tpu.core_type = #tpu.core_type<sc_vector_subcore>, window_params = [{transform_indices = #map}, {transform_indices = #map}, {transform_indices = #map}, {transform_indices = #map}]} {
    %mul3A = arith.constant 51200 : i32
    %mul3A_0 = arith.muli %arg0, %mul3A : i32
    %mul3A_1 = arith.constant 3125 : i32
    %mul3A_2 = arith.muli %arg1, %mul3A_1 : i32
    %add3A = arith.addi %mul3A_0, %mul3A_2 : i32
    %add3A_3 = arith.constant 0 : i32
    %add3A_4 = arith.addi %add3A, %add3A_3 : i32
    %mul3A_5 = arith.constant 3125 : i32
    %mul3A_6 = arith.muli %arg1, %mul3A_5 : i32
    %add3A_7 = arith.constant 0 : i32
    %add3A_8 = arith.addi %mul3A_6, %add3A_7 : i32
    "tpu.region"() ({
      %run_scoped3A = tpu.sem_alloc : memref<!tpu.dma_semaphore, #tpu.memory_space<semaphore_mem>>
      %dma_start3A_346 = arith.constant 0 : i32
      %dma_start3A_347 = tpu.memref_slice %arg6[%add3A_8, %dma_start3A_346] : memref<50000x32xf32, #tpu.memory_space<vmem_shared>> -> memref<625x32xf32, #tpu.memory_space<vmem_shared>>
      %dma_start3A_348 = arith.constant 0 : i32
      %dma_start3A_349 = tpu.memref_slice %arg2[%add3A_4, %dma_start3A_348] : memref<102400x32xf32, #tpu.memory_space<hbm>> -> memref<625x32xf32, #tpu.memory_space<hbm>>
      tpu.enqueue_dma source(%dma_start3A_349 : memref<625x32xf32, #tpu.memory_space<hbm>>) target(%dma_start3A_347 : memref<625x32xf32, #tpu.memory_space<vmem_shared>>) target_semaphore(%run_scoped3A : memref<!tpu.dma_semaphore, #tpu.memory_space<semaphore_mem>>)
      %dma_wait3A_350 = arith.constant 0 : i32
      %dma_wait3A_351 = tpu.memref_slice %arg6[%add3A_8, %dma_wait3A_350] : memref<50000x32xf32, #tpu.memory_space<vmem_shared>> -> memref<625x32xf32, #tpu.memory_space<vmem_shared>>
      %dma_wait3A_352 = arith.constant 0 : i32
      %dma_wait3A_353 = tpu.memref_slice %arg2[%add3A_4, %dma_wait3A_352] : memref<102400x32xf32, #tpu.memory_space<hbm>> -> memref<625x32xf32, #tpu.memory_space<hbm>>
      tpu.wait_dma2 semaphore(%run_scoped3A : memref<!tpu.dma_semaphore, #tpu.memory_space<semaphore_mem>>) src(%dma_wait3A_353 : memref<625x32xf32, #tpu.memory_space<hbm>>) dst(%dma_wait3A_351 : memref<625x32xf32, #tpu.memory_space<vmem_shared>>)
      tpu.yield
    }) : () -> ()
    %mul3A_9 = arith.constant 3125 : i32
    %mul3A_10 = arith.muli %arg1, %mul3A_9 : i32
    %add3A_11 = arith.addi %mul3A_0, %mul3A_10 : i32
    %add3A_12 = arith.constant 625 : i32
    %add3A_13 = arith.addi %add3A_11, %add3A_12 : i32
    %mul3A_14 = arith.constant 3125 : i32
    %mul3A_15 = arith.muli %arg1, %mul3A_14 : i32
    %add3A_16 = arith.constant 625 : i32
    %add3A_17 = arith.addi %mul3A_15, %add3A_16 : i32
    "tpu.region"() ({
      %run_scoped3A = tpu.sem_alloc : memref<!tpu.dma_semaphore, #tpu.memory_space<semaphore_mem>>
      %dma_start3A_346 = arith.constant 0 : i32
      %dma_start3A_347 = tpu.memref_slice %arg6[%add3A_17, %dma_start3A_346] : memref<50000x32xf32, #tpu.memory_space<vmem_shared>> -> memref<625x32xf32, #tpu.memory_space<vmem_shared>>
      %dma_start3A_348 = arith.constant 0 : i32
      %dma_start3A_349 = tpu.memref_slice %arg2[%add3A_13, %dma_start3A_348] : memref<102400x32xf32, #tpu.memory_space<hbm>> -> memref<625x32xf32, #tpu.memory_space<hbm>>
      tpu.enqueue_dma source(%dma_start3A_349 : memref<625x32xf32, #tpu.memory_space<hbm>>) target(%dma_start3A_347 : memref<625x32xf32, #tpu.memory_space<vmem_shared>>) target_semaphore(%run_scoped3A : memref<!tpu.dma_semaphore, #tpu.memory_space<semaphore_mem>>)
      %dma_wait3A_350 = arith.constant 0 : i32
      %dma_wait3A_351 = tpu.memref_slice %arg6[%add3A_17, %dma_wait3A_350] : memref<50000x32xf32, #tpu.memory_space<vmem_shared>> -> memref<625x32xf32, #tpu.memory_space<vmem_shared>>
      %dma_wait3A_352 = arith.constant 0 : i32
      %dma_wait3A_353 = tpu.memref_slice %arg2[%add3A_13, %dma_wait3A_352] : memref<102400x32xf32, #tpu.memory_space<hbm>> -> memref<625x32xf32, #tpu.memory_space<hbm>>
      tpu.wait_dma2 semaphore(%run_scoped3A : memref<!tpu.dma_semaphore, #tpu.memory_space<semaphore_mem>>) src(%dma_wait3A_353 : memref<625x32xf32, #tpu.memory_space<hbm>>) dst(%dma_wait3A_351 : memref<625x32xf32, #tpu.memory_space<vmem_shared>>)
      tpu.yield
    }) : () -> ()
    %mul3A_18 = arith.constant 3125 : i32
    %mul3A_19 = arith.muli %arg1, %mul3A_18 : i32
    %add3A_20 = arith.addi %mul3A_0, %mul3A_19 : i32
    %add3A_21 = arith.constant 1250 : i32
    %add3A_22 = arith.addi %add3A_20, %add3A_21 : i32
    %mul3A_23 = arith.constant 3125 : i32
    %mul3A_24 = arith.muli %arg1, %mul3A_23 : i32
    %add3A_25 = arith.constant 1250 : i32
    %add3A_26 = arith.addi %mul3A_24, %add3A_25 : i32
    "tpu.region"() ({
      %run_scoped3A = tpu.sem_alloc : memref<!tpu.dma_semaphore, #tpu.memory_space<semaphore_mem>>
      %dma_start3A_346 = arith.constant 0 : i32
      %dma_start3A_347 = tpu.memref_slice %arg6[%add3A_26, %dma_start3A_346] : memref<50000x32xf32, #tpu.memory_space<vmem_shared>> -> memref<625x32xf32, #tpu.memory_space<vmem_shared>>
      %dma_start3A_348 = arith.constant 0 : i32
      %dma_start3A_349 = tpu.memref_slice %arg2[%add3A_22, %dma_start3A_348] : memref<102400x32xf32, #tpu.memory_space<hbm>> -> memref<625x32xf32, #tpu.memory_space<hbm>>
      tpu.enqueue_dma source(%dma_start3A_349 : memref<625x32xf32, #tpu.memory_space<hbm>>) target(%dma_start3A_347 : memref<625x32xf32, #tpu.memory_space<vmem_shared>>) target_semaphore(%run_scoped3A : memref<!tpu.dma_semaphore, #tpu.memory_space<semaphore_mem>>)
      %dma_wait3A_350 = arith.constant 0 : i32
      %dma_wait3A_351 = tpu.memref_slice %arg6[%add3A_26, %dma_wait3A_350] : memref<50000x32xf32, #tpu.memory_space<vmem_shared>> -> memref<625x32xf32, #tpu.memory_space<vmem_shared>>
      %dma_wait3A_352 = arith.constant 0 : i32
      %dma_wait3A_353 = tpu.memref_slice %arg2[%add3A_22, %dma_wait3A_352] : memref<102400x32xf32, #tpu.memory_space<hbm>> -> memref<625x32xf32, #tpu.memory_space<hbm>>
      tpu.wait_dma2 semaphore(%run_scoped3A : memref<!tpu.dma_semaphore, #tpu.memory_space<semaphore_mem>>) src(%dma_wait3A_353 : memref<625x32xf32, #tpu.memory_space<hbm>>) dst(%dma_wait3A_351 : memref<625x32xf32, #tpu.memory_space<vmem_shared>>)
      tpu.yield
    }) : () -> ()
    %mul3A_27 = arith.constant 3125 : i32
    %mul3A_28 = arith.muli %arg1, %mul3A_27 : i32
    %add3A_29 = arith.addi %mul3A_0, %mul3A_28 : i32
    %add3A_30 = arith.constant 1875 : i32
    %add3A_31 = arith.addi %add3A_29, %add3A_30 : i32
    %mul3A_32 = arith.constant 3125 : i32
    %mul3A_33 = arith.muli %arg1, %mul3A_32 : i32
    %add3A_34 = arith.constant 1875 : i32
    %add3A_35 = arith.addi %mul3A_33, %add3A_34 : i32
    "tpu.region"() ({
      %run_scoped3A = tpu.sem_alloc : memref<!tpu.dma_semaphore, #tpu.memory_space<semaphore_mem>>
      %dma_start3A_346 = arith.constant 0 : i32
      %dma_start3A_347 = tpu.memref_slice %arg6[%add3A_35, %dma_start3A_346] : memref<50000x32xf32, #tpu.memory_space<vmem_shared>> -> memref<625x32xf32, #tpu.memory_space<vmem_shared>>
      %dma_start3A_348 = arith.constant 0 : i32
      %dma_start3A_349 = tpu.memref_slice %arg2[%add3A_31, %dma_start3A_348] : memref<102400x32xf32, #tpu.memory_space<hbm>> -> memref<625x32xf32, #tpu.memory_space<hbm>>
      tpu.enqueue_dma source(%dma_start3A_349 : memref<625x32xf32, #tpu.memory_space<hbm>>) target(%dma_start3A_347 : memref<625x32xf32, #tpu.memory_space<vmem_shared>>) target_semaphore(%run_scoped3A : memref<!tpu.dma_semaphore, #tpu.memory_space<semaphore_mem>>)
      %dma_wait3A_350 = arith.constant 0 : i32
      %dma_wait3A_351 = tpu.memref_slice %arg6[%add3A_35, %dma_wait3A_350] : memref<50000x32xf32, #tpu.memory_space<vmem_shared>> -> memref<625x32xf32, #tpu.memory_space<vmem_shared>>
      %dma_wait3A_352 = arith.constant 0 : i32
      %dma_wait3A_353 = tpu.memref_slice %arg2[%add3A_31, %dma_wait3A_352] : memref<102400x32xf32, #tpu.memory_space<hbm>> -> memref<625x32xf32, #tpu.memory_space<hbm>>
      tpu.wait_dma2 semaphore(%run_scoped3A : memref<!tpu.dma_semaphore, #tpu.memory_space<semaphore_mem>>) src(%dma_wait3A_353 : memref<625x32xf32, #tpu.memory_space<hbm>>) dst(%dma_wait3A_351 : memref<625x32xf32, #tpu.memory_space<vmem_shared>>)
      tpu.yield
    }) : () -> ()
    %mul3A_36 = arith.constant 3125 : i32
    %mul3A_37 = arith.muli %arg1, %mul3A_36 : i32
    %add3A_38 = arith.addi %mul3A_0, %mul3A_37 : i32
    %add3A_39 = arith.constant 2500 : i32
    %add3A_40 = arith.addi %add3A_38, %add3A_39 : i32
    %mul3A_41 = arith.constant 3125 : i32
    %mul3A_42 = arith.muli %arg1, %mul3A_41 : i32
    %add3A_43 = arith.constant 2500 : i32
    %add3A_44 = arith.addi %mul3A_42, %add3A_43 : i32
    "tpu.region"() ({
      %run_scoped3A = tpu.sem_alloc : memref<!tpu.dma_semaphore, #tpu.memory_space<semaphore_mem>>
      %dma_start3A_346 = arith.constant 0 : i32
      %dma_start3A_347 = tpu.memref_slice %arg6[%add3A_44, %dma_start3A_346] : memref<50000x32xf32, #tpu.memory_space<vmem_shared>> -> memref<625x32xf32, #tpu.memory_space<vmem_shared>>
      %dma_start3A_348 = arith.constant 0 : i32
      %dma_start3A_349 = tpu.memref_slice %arg2[%add3A_40, %dma_start3A_348] : memref<102400x32xf32, #tpu.memory_space<hbm>> -> memref<625x32xf32, #tpu.memory_space<hbm>>
      tpu.enqueue_dma source(%dma_start3A_349 : memref<625x32xf32, #tpu.memory_space<hbm>>) target(%dma_start3A_347 : memref<625x32xf32, #tpu.memory_space<vmem_shared>>) target_semaphore(%run_scoped3A : memref<!tpu.dma_semaphore, #tpu.memory_space<semaphore_mem>>)
      %dma_wait3A_350 = arith.constant 0 : i32
      %dma_wait3A_351 = tpu.memref_slice %arg6[%add3A_44, %dma_wait3A_350] : memref<50000x32xf32, #tpu.memory_space<vmem_shared>> -> memref<625x32xf32, #tpu.memory_space<vmem_shared>>
      %dma_wait3A_352 = arith.constant 0 : i32
      %dma_wait3A_353 = tpu.memref_slice %arg2[%add3A_40, %dma_wait3A_352] : memref<102400x32xf32, #tpu.memory_space<hbm>> -> memref<625x32xf32, #tpu.memory_space<hbm>>
      tpu.wait_dma2 semaphore(%run_scoped3A : memref<!tpu.dma_semaphore, #tpu.memory_space<semaphore_mem>>) src(%dma_wait3A_353 : memref<625x32xf32, #tpu.memory_space<hbm>>) dst(%dma_wait3A_351 : memref<625x32xf32, #tpu.memory_space<vmem_shared>>)
      tpu.yield
    }) : () -> ()
    %barrier3A = arith.constant 0 : index
    tpu.barrier barrier_id(%barrier3A)
    %mul3A_45 = arith.constant 625 : i32
    %mul3A_46 = arith.muli %arg1, %mul3A_45 : i32
    %add3A_47 = arith.constant 0 : i32
    %add3A_48 = arith.addi %mul3A_46, %add3A_47 : i32
    %dma_start3A = arith.constant 0 : i32
    %dma_start3A_49 = arith.constant 0 : i32
    %dma_start3A_50 = arith.constant 0 : i32
    %dma_start3A_51 = tpu.memref_slice %arg7[%dma_start3A, %dma_start3A_49, %dma_start3A_50] : memref<3x5x80xi32, #tpu.memory_space<vmem>> -> memref<1x5x80xi32, #tpu.memory_space<vmem>>
    %dma_start3A_52 = tpu.memref_squeeze %dma_start3A_51 : memref<1x5x80xi32, #tpu.memory_space<vmem>> -> memref<5x80xi32, #tpu.memory_space<vmem>>
    %dma_start3A_53 = arith.constant 0 : i32
    %dma_start3A_54 = tpu.memref_slice %arg3[%add3A_48, %dma_start3A_53] : memref<10000x80xi32, #tpu.memory_space<hbm>> -> memref<5x80xi32, #tpu.memory_space<hbm>>
    %dma_start3A_55 = arith.constant 0 : i32
    %dma_start3A_56 = arith.constant 0 : i32
    %dma_start3A_57 = tpu.memref_slice %arg7[%dma_start3A, %dma_start3A_55, %dma_start3A_56] : memref<3x5x80xi32, #tpu.memory_space<vmem>> -> memref<1x5x80xi32, #tpu.memory_space<vmem>>
    %dma_start3A_58 = tpu.memref_squeeze %dma_start3A_57 : memref<1x5x80xi32, #tpu.memory_space<vmem>> -> memref<5x80xi32, #tpu.memory_space<vmem>>
    %dma_start3A_59 = arith.constant 0 : i32
    %dma_start3A_60 = tpu.memref_slice %arg3[%add3A_48, %dma_start3A_59] : memref<10000x80xi32, #tpu.memory_space<hbm>> -> memref<5x80xi32, #tpu.memory_space<hbm>>
    tpu.enqueue_dma source(%dma_start3A_60 : memref<5x80xi32, #tpu.memory_space<hbm>>) target(%dma_start3A_58 : memref<5x80xi32, #tpu.memory_space<vmem>>) target_semaphore(%arg12 : memref<!tpu.dma_semaphore, #tpu.memory_space<semaphore_mem>>)
    %add3A_61 = arith.constant 0 : i32
    %add3A_62 = arith.addi %mul3A_46, %add3A_61 : i32
    %dma_start3A_63 = arith.constant 0 : i32
    %dma_start3A_64 = arith.constant 0 : i32
    %dma_start3A_65 = arith.constant 0 : i32
    %dma_start3A_66 = tpu.memref_slice %arg8[%dma_start3A_63, %dma_start3A_64, %dma_start3A_65] : memref<3x5x80xi32, #tpu.memory_space<vmem>> -> memref<1x5x80xi32, #tpu.memory_space<vmem>>
    %dma_start3A_67 = tpu.memref_squeeze %dma_start3A_66 : memref<1x5x80xi32, #tpu.memory_space<vmem>> -> memref<5x80xi32, #tpu.memory_space<vmem>>
    %dma_start3A_68 = arith.constant 0 : i32
    %dma_start3A_69 = tpu.memref_slice %arg4[%add3A_62, %dma_start3A_68] : memref<10000x80xi32, #tpu.memory_space<hbm>> -> memref<5x80xi32, #tpu.memory_space<hbm>>
    %dma_start3A_70 = arith.constant 0 : i32
    %dma_start3A_71 = arith.constant 0 : i32
    %dma_start3A_72 = tpu.memref_slice %arg8[%dma_start3A_63, %dma_start3A_70, %dma_start3A_71] : memref<3x5x80xi32, #tpu.memory_space<vmem>> -> memref<1x5x80xi32, #tpu.memory_space<vmem>>
    %dma_start3A_73 = tpu.memref_squeeze %dma_start3A_72 : memref<1x5x80xi32, #tpu.memory_space<vmem>> -> memref<5x80xi32, #tpu.memory_space<vmem>>
    %dma_start3A_74 = arith.constant 0 : i32
    %dma_start3A_75 = tpu.memref_slice %arg4[%add3A_62, %dma_start3A_74] : memref<10000x80xi32, #tpu.memory_space<hbm>> -> memref<5x80xi32, #tpu.memory_space<hbm>>
    tpu.enqueue_dma source(%dma_start3A_75 : memref<5x80xi32, #tpu.memory_space<hbm>>) target(%dma_start3A_73 : memref<5x80xi32, #tpu.memory_space<vmem>>) target_semaphore(%arg12 : memref<!tpu.dma_semaphore, #tpu.memory_space<semaphore_mem>>)
    %dma_wait3A = arith.constant 0 : i32
    %dma_wait3A_76 = arith.constant 0 : i32
    %dma_wait3A_77 = arith.constant 0 : i32
    %dma_wait3A_78 = tpu.memref_slice %arg7[%dma_wait3A, %dma_wait3A_76, %dma_wait3A_77] : memref<3x5x80xi32, #tpu.memory_space<vmem>> -> memref<1x5x80xi32, #tpu.memory_space<vmem>>
    %dma_wait3A_79 = tpu.memref_squeeze %dma_wait3A_78 : memref<1x5x80xi32, #tpu.memory_space<vmem>> -> memref<5x80xi32, #tpu.memory_space<vmem>>
    %dma_wait3A_80 = arith.constant 0 : i32
    %dma_wait3A_81 = arith.constant 0 : i32
    %dma_wait3A_82 = tpu.memref_slice %arg3[%dma_wait3A_80, %dma_wait3A_81] : memref<10000x80xi32, #tpu.memory_space<hbm>> -> memref<5x80xi32, #tpu.memory_space<hbm>>
    %dma_wait3A_83 = arith.constant 0 : i32
    %dma_wait3A_84 = arith.constant 0 : i32
    %dma_wait3A_85 = tpu.memref_slice %arg7[%dma_wait3A, %dma_wait3A_83, %dma_wait3A_84] : memref<3x5x80xi32, #tpu.memory_space<vmem>> -> memref<1x5x80xi32, #tpu.memory_space<vmem>>
    %dma_wait3A_86 = tpu.memref_squeeze %dma_wait3A_85 : memref<1x5x80xi32, #tpu.memory_space<vmem>> -> memref<5x80xi32, #tpu.memory_space<vmem>>
    %dma_wait3A_87 = arith.constant 0 : i32
    %dma_wait3A_88 = arith.constant 0 : i32
    %dma_wait3A_89 = tpu.memref_slice %arg3[%dma_wait3A_87, %dma_wait3A_88] : memref<10000x80xi32, #tpu.memory_space<hbm>> -> memref<5x80xi32, #tpu.memory_space<hbm>>
    tpu.wait_dma2 semaphore(%arg12 : memref<!tpu.dma_semaphore, #tpu.memory_space<semaphore_mem>>) src(%dma_wait3A_89 : memref<5x80xi32, #tpu.memory_space<hbm>>) dst(%dma_wait3A_86 : memref<5x80xi32, #tpu.memory_space<vmem>>)
    %dma_wait3A_90 = arith.constant 0 : i32
    %dma_wait3A_91 = arith.constant 0 : i32
    %dma_wait3A_92 = arith.constant 0 : i32
    %dma_wait3A_93 = tpu.memref_slice %arg8[%dma_wait3A_90, %dma_wait3A_91, %dma_wait3A_92] : memref<3x5x80xi32, #tpu.memory_space<vmem>> -> memref<1x5x80xi32, #tpu.memory_space<vmem>>
    %dma_wait3A_94 = tpu.memref_squeeze %dma_wait3A_93 : memref<1x5x80xi32, #tpu.memory_space<vmem>> -> memref<5x80xi32, #tpu.memory_space<vmem>>
    %dma_wait3A_95 = arith.constant 0 : i32
    %dma_wait3A_96 = arith.constant 0 : i32
    %dma_wait3A_97 = tpu.memref_slice %arg3[%dma_wait3A_95, %dma_wait3A_96] : memref<10000x80xi32, #tpu.memory_space<hbm>> -> memref<5x80xi32, #tpu.memory_space<hbm>>
    %dma_wait3A_98 = arith.constant 0 : i32
    %dma_wait3A_99 = arith.constant 0 : i32
    %dma_wait3A_100 = tpu.memref_slice %arg8[%dma_wait3A_90, %dma_wait3A_98, %dma_wait3A_99] : memref<3x5x80xi32, #tpu.memory_space<vmem>> -> memref<1x5x80xi32, #tpu.memory_space<vmem>>
    %dma_wait3A_101 = tpu.memref_squeeze %dma_wait3A_100 : memref<1x5x80xi32, #tpu.memory_space<vmem>> -> memref<5x80xi32, #tpu.memory_space<vmem>>
    %dma_wait3A_102 = arith.constant 0 : i32
    %dma_wait3A_103 = arith.constant 0 : i32
    %dma_wait3A_104 = tpu.memref_slice %arg3[%dma_wait3A_102, %dma_wait3A_103] : memref<10000x80xi32, #tpu.memory_space<hbm>> -> memref<5x80xi32, #tpu.memory_space<hbm>>
    tpu.wait_dma2 semaphore(%arg12 : memref<!tpu.dma_semaphore, #tpu.memory_space<semaphore_mem>>) src(%dma_wait3A_104 : memref<5x80xi32, #tpu.memory_space<hbm>>) dst(%dma_wait3A_101 : memref<5x80xi32, #tpu.memory_space<vmem>>)
    %dma_start3A_105 = arith.constant 0 : i32
    %dma_start3A_106 = arith.constant 0 : i32
    %dma_start3A_107 = arith.constant 0 : i32
    %dma_start3A_108 = arith.constant 0 : i32
    %dma_start3A_109 = arith.constant 0 : i32
    %dma_start3A_110 = arith.constant 0 : i32
    %dma_start3A_111 = tpu.memref_slice %arg9[%dma_start3A_107, %dma_start3A_108, %dma_start3A_109, %dma_start3A_110] : memref<2x5x80x32xf32, #tpu.memory_space<vmem>> -> memref<1x1x80x32xf32, #tpu.memory_space<vmem>>
    %dma_start3A_112 = tpu.memref_squeeze %dma_start3A_111 : memref<1x1x80x32xf32, #tpu.memory_space<vmem>> -> memref<80x32xf32, #tpu.memory_space<vmem>>
    %dma_start3A_113 = arith.constant 0 : i32
    %dma_start3A_114 = tpu.memref_slice %arg7[%dma_start3A_105, %dma_start3A_106, %dma_start3A_113] : memref<3x5x80xi32, #tpu.memory_space<vmem>> -> memref<1x1x80xi32, #tpu.memory_space<vmem>>
    %dma_start3A_115 = tpu.memref_squeeze %dma_start3A_114 : memref<1x1x80xi32, #tpu.memory_space<vmem>> -> memref<80xi32, #tpu.memory_space<vmem>>
    %dma_start3A_116 = arith.constant 0 : i32
    %dma_start3A_117 = tpu.memref_slice %arg2[%mul3A_0, %dma_start3A_116] : memref<102400x32xf32, #tpu.memory_space<hbm>> -> memref<51200x32xf32, #tpu.memory_space<hbm>>
    %dma_start3A_118 = arith.constant 0 : i32
    %dma_start3A_119 = arith.constant 0 : i32
    %dma_start3A_120 = tpu.memref_slice %dma_start3A_117[%dma_start3A_118, %dma_start3A_119] : memref<51200x32xf32, #tpu.memory_space<hbm>> -> memref<51200x32xf32, #tpu.memory_space<hbm>>
    tpu.enqueue_indirect_dma source(%dma_start3A_120 : memref<51200x32xf32, #tpu.memory_space<hbm>>) target(%dma_start3A_112 : memref<80x32xf32, #tpu.memory_space<vmem>>) offsets(%dma_start3A_115 : memref<80xi32, #tpu.memory_space<vmem>>) semaphore(%arg10 : memref<!tpu.dma_semaphore, #tpu.memory_space<semaphore_mem>>)
    %dma_start3A_121 = arith.constant 0 : i32
    %dma_start3A_122 = arith.constant 1 : i32
    %dma_start3A_123 = arith.constant 0 : i32
    %dma_start3A_124 = arith.constant 1 : i32
    %dma_start3A_125 = arith.constant 0 : i32
    %dma_start3A_126 = arith.constant 0 : i32
    %dma_start3A_127 = tpu.memref_slice %arg9[%dma_start3A_123, %dma_start3A_124, %dma_start3A_125, %dma_start3A_126] : memref<2x5x80x32xf32, #tpu.memory_space<vmem>> -> memref<1x1x80x32xf32, #tpu.memory_space<vmem>>
    %dma_start3A_128 = tpu.memref_squeeze %dma_start3A_127 : memref<1x1x80x32xf32, #tpu.memory_space<vmem>> -> memref<80x32xf32, #tpu.memory_space<vmem>>
    %dma_start3A_129 = arith.constant 0 : i32
    %dma_start3A_130 = tpu.memref_slice %arg7[%dma_start3A_121, %dma_start3A_122, %dma_start3A_129] : memref<3x5x80xi32, #tpu.memory_space<vmem>> -> memref<1x1x80xi32, #tpu.memory_space<vmem>>
    %dma_start3A_131 = tpu.memref_squeeze %dma_start3A_130 : memref<1x1x80xi32, #tpu.memory_space<vmem>> -> memref<80xi32, #tpu.memory_space<vmem>>
    %dma_start3A_132 = arith.constant 0 : i32
    %dma_start3A_133 = tpu.memref_slice %arg2[%mul3A_0, %dma_start3A_132] : memref<102400x32xf32, #tpu.memory_space<hbm>> -> memref<51200x32xf32, #tpu.memory_space<hbm>>
    %dma_start3A_134 = arith.constant 0 : i32
    %dma_start3A_135 = arith.constant 0 : i32
    %dma_start3A_136 = tpu.memref_slice %dma_start3A_133[%dma_start3A_134, %dma_start3A_135] : memref<51200x32xf32, #tpu.memory_space<hbm>> -> memref<51200x32xf32, #tpu.memory_space<hbm>>
    tpu.enqueue_indirect_dma source(%dma_start3A_136 : memref<51200x32xf32, #tpu.memory_space<hbm>>) target(%dma_start3A_128 : memref<80x32xf32, #tpu.memory_space<vmem>>) offsets(%dma_start3A_131 : memref<80xi32, #tpu.memory_space<vmem>>) semaphore(%arg10 : memref<!tpu.dma_semaphore, #tpu.memory_space<semaphore_mem>>)
    %dma_start3A_137 = arith.constant 0 : i32
    %dma_start3A_138 = arith.constant 2 : i32
    %dma_start3A_139 = arith.constant 0 : i32
    %dma_start3A_140 = arith.constant 2 : i32
    %dma_start3A_141 = arith.constant 0 : i32
    %dma_start3A_142 = arith.constant 0 : i32
    %dma_start3A_143 = tpu.memref_slice %arg9[%dma_start3A_139, %dma_start3A_140, %dma_start3A_141, %dma_start3A_142] : memref<2x5x80x32xf32, #tpu.memory_space<vmem>> -> memref<1x1x80x32xf32, #tpu.memory_space<vmem>>
    %dma_start3A_144 = tpu.memref_squeeze %dma_start3A_143 : memref<1x1x80x32xf32, #tpu.memory_space<vmem>> -> memref<80x32xf32, #tpu.memory_space<vmem>>
    %dma_start3A_145 = arith.constant 0 : i32
    %dma_start3A_146 = tpu.memref_slice %arg7[%dma_start3A_137, %dma_start3A_138, %dma_start3A_145] : memref<3x5x80xi32, #tpu.memory_space<vmem>> -> memref<1x1x80xi32, #tpu.memory_space<vmem>>
    %dma_start3A_147 = tpu.memref_squeeze %dma_start3A_146 : memref<1x1x80xi32, #tpu.memory_space<vmem>> -> memref<80xi32, #tpu.memory_space<vmem>>
    %dma_start3A_148 = arith.constant 0 : i32
    %dma_start3A_149 = tpu.memref_slice %arg2[%mul3A_0, %dma_start3A_148] : memref<102400x32xf32, #tpu.memory_space<hbm>> -> memref<51200x32xf32, #tpu.memory_space<hbm>>
    %dma_start3A_150 = arith.constant 0 : i32
    %dma_start3A_151 = arith.constant 0 : i32
    %dma_start3A_152 = tpu.memref_slice %dma_start3A_149[%dma_start3A_150, %dma_start3A_151] : memref<51200x32xf32, #tpu.memory_space<hbm>> -> memref<51200x32xf32, #tpu.memory_space<hbm>>
    tpu.enqueue_indirect_dma source(%dma_start3A_152 : memref<51200x32xf32, #tpu.memory_space<hbm>>) target(%dma_start3A_144 : memref<80x32xf32, #tpu.memory_space<vmem>>) offsets(%dma_start3A_147 : memref<80xi32, #tpu.memory_space<vmem>>) semaphore(%arg10 : memref<!tpu.dma_semaphore, #tpu.memory_space<semaphore_mem>>)
    %dma_start3A_153 = arith.constant 0 : i32
    %dma_start3A_154 = arith.constant 3 : i32
    %dma_start3A_155 = arith.constant 0 : i32
    %dma_start3A_156 = arith.constant 3 : i32
    %dma_start3A_157 = arith.constant 0 : i32
    %dma_start3A_158 = arith.constant 0 : i32
    %dma_start3A_159 = tpu.memref_slice %arg9[%dma_start3A_155, %dma_start3A_156, %dma_start3A_157, %dma_start3A_158] : memref<2x5x80x32xf32, #tpu.memory_space<vmem>> -> memref<1x1x80x32xf32, #tpu.memory_space<vmem>>
    %dma_start3A_160 = tpu.memref_squeeze %dma_start3A_159 : memref<1x1x80x32xf32, #tpu.memory_space<vmem>> -> memref<80x32xf32, #tpu.memory_space<vmem>>
    %dma_start3A_161 = arith.constant 0 : i32
    %dma_start3A_162 = tpu.memref_slice %arg7[%dma_start3A_153, %dma_start3A_154, %dma_start3A_161] : memref<3x5x80xi32, #tpu.memory_space<vmem>> -> memref<1x1x80xi32, #tpu.memory_space<vmem>>
    %dma_start3A_163 = tpu.memref_squeeze %dma_start3A_162 : memref<1x1x80xi32, #tpu.memory_space<vmem>> -> memref<80xi32, #tpu.memory_space<vmem>>
    %dma_start3A_164 = arith.constant 0 : i32
    %dma_start3A_165 = tpu.memref_slice %arg2[%mul3A_0, %dma_start3A_164] : memref<102400x32xf32, #tpu.memory_space<hbm>> -> memref<51200x32xf32, #tpu.memory_space<hbm>>
    %dma_start3A_166 = arith.constant 0 : i32
    %dma_start3A_167 = arith.constant 0 : i32
    %dma_start3A_168 = tpu.memref_slice %dma_start3A_165[%dma_start3A_166, %dma_start3A_167] : memref<51200x32xf32, #tpu.memory_space<hbm>> -> memref<51200x32xf32, #tpu.memory_space<hbm>>
    tpu.enqueue_indirect_dma source(%dma_start3A_168 : memref<51200x32xf32, #tpu.memory_space<hbm>>) target(%dma_start3A_160 : memref<80x32xf32, #tpu.memory_space<vmem>>) offsets(%dma_start3A_163 : memref<80xi32, #tpu.memory_space<vmem>>) semaphore(%arg10 : memref<!tpu.dma_semaphore, #tpu.memory_space<semaphore_mem>>)
    %dma_start3A_169 = arith.constant 0 : i32
    %dma_start3A_170 = arith.constant 4 : i32
    %dma_start3A_171 = arith.constant 0 : i32
    %dma_start3A_172 = arith.constant 4 : i32
    %dma_start3A_173 = arith.constant 0 : i32
    %dma_start3A_174 = arith.constant 0 : i32
    %dma_start3A_175 = tpu.memref_slice %arg9[%dma_start3A_171, %dma_start3A_172, %dma_start3A_173, %dma_start3A_174] : memref<2x5x80x32xf32, #tpu.memory_space<vmem>> -> memref<1x1x80x32xf32, #tpu.memory_space<vmem>>
    %dma_start3A_176 = tpu.memref_squeeze %dma_start3A_175 : memref<1x1x80x32xf32, #tpu.memory_space<vmem>> -> memref<80x32xf32, #tpu.memory_space<vmem>>
    %dma_start3A_177 = arith.constant 0 : i32
    %dma_start3A_178 = tpu.memref_slice %arg7[%dma_start3A_169, %dma_start3A_170, %dma_start3A_177] : memref<3x5x80xi32, #tpu.memory_space<vmem>> -> memref<1x1x80xi32, #tpu.memory_space<vmem>>
    %dma_start3A_179 = tpu.memref_squeeze %dma_start3A_178 : memref<1x1x80xi32, #tpu.memory_space<vmem>> -> memref<80xi32, #tpu.memory_space<vmem>>
    %dma_start3A_180 = arith.constant 0 : i32
    %dma_start3A_181 = tpu.memref_slice %arg2[%mul3A_0, %dma_start3A_180] : memref<102400x32xf32, #tpu.memory_space<hbm>> -> memref<51200x32xf32, #tpu.memory_space<hbm>>
    %dma_start3A_182 = arith.constant 0 : i32
    %dma_start3A_183 = arith.constant 0 : i32
    %dma_start3A_184 = tpu.memref_slice %dma_start3A_181[%dma_start3A_182, %dma_start3A_183] : memref<51200x32xf32, #tpu.memory_space<hbm>> -> memref<51200x32xf32, #tpu.memory_space<hbm>>
    tpu.enqueue_indirect_dma source(%dma_start3A_184 : memref<51200x32xf32, #tpu.memory_space<hbm>>) target(%dma_start3A_176 : memref<80x32xf32, #tpu.memory_space<vmem>>) offsets(%dma_start3A_179 : memref<80xi32, #tpu.memory_space<vmem>>) semaphore(%arg10 : memref<!tpu.dma_semaphore, #tpu.memory_space<semaphore_mem>>)
    %add3A_185 = arith.constant 5 : i32
    %add3A_186 = arith.addi %mul3A_46, %add3A_185 : i32
    %dma_start3A_187 = arith.constant 1 : i32
    %dma_start3A_188 = arith.constant 0 : i32
    %dma_start3A_189 = arith.constant 0 : i32
    %dma_start3A_190 = tpu.memref_slice %arg7[%dma_start3A_187, %dma_start3A_188, %dma_start3A_189] : memref<3x5x80xi32, #tpu.memory_space<vmem>> -> memref<1x5x80xi32, #tpu.memory_space<vmem>>
    %dma_start3A_191 = tpu.memref_squeeze %dma_start3A_190 : memref<1x5x80xi32, #tpu.memory_space<vmem>> -> memref<5x80xi32, #tpu.memory_space<vmem>>
    %dma_start3A_192 = arith.constant 0 : i32
    %dma_start3A_193 = tpu.memref_slice %arg3[%add3A_186, %dma_start3A_192] : memref<10000x80xi32, #tpu.memory_space<hbm>> -> memref<5x80xi32, #tpu.memory_space<hbm>>
    %dma_start3A_194 = arith.constant 0 : i32
    %dma_start3A_195 = arith.constant 0 : i32
    %dma_start3A_196 = tpu.memref_slice %arg7[%dma_start3A_187, %dma_start3A_194, %dma_start3A_195] : memref<3x5x80xi32, #tpu.memory_space<vmem>> -> memref<1x5x80xi32, #tpu.memory_space<vmem>>
    %dma_start3A_197 = tpu.memref_squeeze %dma_start3A_196 : memref<1x5x80xi32, #tpu.memory_space<vmem>> -> memref<5x80xi32, #tpu.memory_space<vmem>>
    %dma_start3A_198 = arith.constant 0 : i32
    %dma_start3A_199 = tpu.memref_slice %arg3[%add3A_186, %dma_start3A_198] : memref<10000x80xi32, #tpu.memory_space<hbm>> -> memref<5x80xi32, #tpu.memory_space<hbm>>
    tpu.enqueue_dma source(%dma_start3A_199 : memref<5x80xi32, #tpu.memory_space<hbm>>) target(%dma_start3A_197 : memref<5x80xi32, #tpu.memory_space<vmem>>) target_semaphore(%arg12 : memref<!tpu.dma_semaphore, #tpu.memory_space<semaphore_mem>>)
    %add3A_200 = arith.constant 5 : i32
    %add3A_201 = arith.addi %mul3A_46, %add3A_200 : i32
    %dma_start3A_202 = arith.constant 1 : i32
    %dma_start3A_203 = arith.constant 0 : i32
    %dma_start3A_204 = arith.constant 0 : i32
    %dma_start3A_205 = tpu.memref_slice %arg8[%dma_start3A_202, %dma_start3A_203, %dma_start3A_204] : memref<3x5x80xi32, #tpu.memory_space<vmem>> -> memref<1x5x80xi32, #tpu.memory_space<vmem>>
    %dma_start3A_206 = tpu.memref_squeeze %dma_start3A_205 : memref<1x5x80xi32, #tpu.memory_space<vmem>> -> memref<5x80xi32, #tpu.memory_space<vmem>>
    %dma_start3A_207 = arith.constant 0 : i32
    %dma_start3A_208 = tpu.memref_slice %arg4[%add3A_201, %dma_start3A_207] : memref<10000x80xi32, #tpu.memory_space<hbm>> -> memref<5x80xi32, #tpu.memory_space<hbm>>
    %dma_start3A_209 = arith.constant 0 : i32
    %dma_start3A_210 = arith.constant 0 : i32
    %dma_start3A_211 = tpu.memref_slice %arg8[%dma_start3A_202, %dma_start3A_209, %dma_start3A_210] : memref<3x5x80xi32, #tpu.memory_space<vmem>> -> memref<1x5x80xi32, #tpu.memory_space<vmem>>
    %dma_start3A_212 = tpu.memref_squeeze %dma_start3A_211 : memref<1x5x80xi32, #tpu.memory_space<vmem>> -> memref<5x80xi32, #tpu.memory_space<vmem>>
    %dma_start3A_213 = arith.constant 0 : i32
    %dma_start3A_214 = tpu.memref_slice %arg4[%add3A_201, %dma_start3A_213] : memref<10000x80xi32, #tpu.memory_space<hbm>> -> memref<5x80xi32, #tpu.memory_space<hbm>>
    tpu.enqueue_dma source(%dma_start3A_214 : memref<5x80xi32, #tpu.memory_space<hbm>>) target(%dma_start3A_212 : memref<5x80xi32, #tpu.memory_space<vmem>>) target_semaphore(%arg12 : memref<!tpu.dma_semaphore, #tpu.memory_space<semaphore_mem>>)
    %scan3A = arith.constant 0 : i32
    %scan3A_215 = arith.constant 0 : i32
    %scan3A_216 = arith.constant 125 : i32
    %scan3A_217 = arith.addi %scan3A_215, %scan3A_216 : i32
    %scan3A_218 = arith.constant 1 : i32
    scf.for %scan3A_346 = %scan3A_215 to %scan3A_217 step %scan3A_218  : i32 {
      %rem3A = arith.constant 2 : i32
      %rem3A_347 = arith.remsi %scan3A_346, %rem3A : i32
      %rem3A_348 = arith.constant 3 : i32
      %rem3A_349 = arith.remsi %scan3A_346, %rem3A_348 : i32
      %add3A_350 = arith.constant 1 : i32
      %add3A_351 = arith.addi %scan3A_346, %add3A_350 : i32
      %rem3A_352 = arith.constant 3 : i32
      %rem3A_353 = arith.remsi %add3A_351, %rem3A_352 : i32
      %add3A_354 = arith.constant 2 : i32
      %add3A_355 = arith.addi %scan3A_346, %add3A_354 : i32
      %rem3A_356 = arith.constant 3 : i32
      %rem3A_357 = arith.remsi %add3A_355, %rem3A_356 : i32
      %ge3A = arith.constant 1 : i32
      %ge3A_358 = arith.cmpi sge, %scan3A_346, %ge3A : i32
      %convert_element_type3A = arith.extui %ge3A_358 : i1 to i32
      %cond3A = arith.constant 0 : i32
      %cond3A_359 = arith.cmpi ne, %convert_element_type3A, %cond3A : i32
      scf.if %cond3A_359 {
        %sub3A = arith.constant 1 : i32
        %sub3A_504 = arith.subi %sub3A, %rem3A_347 : i32
        %dma_wait3A_505 = arith.constant 0 : i32
        %dma_wait3A_506 = arith.constant 0 : i32
        %dma_wait3A_507 = arith.constant 0 : i32
        %dma_wait3A_508 = tpu.memref_slice %arg9[%sub3A_504, %dma_wait3A_505, %dma_wait3A_506, %dma_wait3A_507] : memref<2x5x80x32xf32, #tpu.memory_space<vmem>> -> memref<1x1x80x32xf32, #tpu.memory_space<vmem>>
        %dma_wait3A_509 = tpu.memref_squeeze %dma_wait3A_508 : memref<1x1x80x32xf32, #tpu.memory_space<vmem>> -> memref<80x32xf32, #tpu.memory_space<vmem>>
        %dma_wait3A_510 = arith.constant 0 : i32
        %dma_wait3A_511 = arith.constant 0 : i32
        %dma_wait3A_512 = tpu.memref_slice %arg6[%dma_wait3A_510, %dma_wait3A_511] : memref<50000x32xf32, #tpu.memory_space<vmem_shared>> -> memref<80x32xf32, #tpu.memory_space<vmem_shared>>
        %dma_wait3A_513 = arith.constant 0 : i32
        %dma_wait3A_514 = arith.constant 0 : i32
        %dma_wait3A_515 = tpu.memref_slice %arg6[%dma_wait3A_513, %dma_wait3A_514] : memref<50000x32xf32, #tpu.memory_space<vmem_shared>> -> memref<80x32xf32, #tpu.memory_space<vmem_shared>>
        %dma_wait3A_516 = arith.constant 0 : i32
        %dma_wait3A_517 = arith.constant 0 : i32
        %dma_wait3A_518 = tpu.memref_slice %arg9[%sub3A_504, %dma_wait3A_505, %dma_wait3A_516, %dma_wait3A_517] : memref<2x5x80x32xf32, #tpu.memory_space<vmem>> -> memref<1x1x80x32xf32, #tpu.memory_space<vmem>>
        %dma_wait3A_519 = tpu.memref_squeeze %dma_wait3A_518 : memref<1x1x80x32xf32, #tpu.memory_space<vmem>> -> memref<80x32xf32, #tpu.memory_space<vmem>>
        tpu.wait_dma2 semaphore(%arg11 : memref<!tpu.dma_semaphore, #tpu.memory_space<semaphore_mem>>) src(%dma_wait3A_519 : memref<80x32xf32, #tpu.memory_space<vmem>>) dst(%dma_wait3A_515 : memref<80x32xf32, #tpu.memory_space<vmem_shared>>)
        %sub3A_520 = arith.constant 1 : i32
        %sub3A_521 = arith.subi %sub3A_520, %rem3A_347 : i32
        %dma_wait3A_522 = arith.constant 1 : i32
        %dma_wait3A_523 = arith.constant 0 : i32
        %dma_wait3A_524 = arith.constant 0 : i32
        %dma_wait3A_525 = tpu.memref_slice %arg9[%sub3A_521, %dma_wait3A_522, %dma_wait3A_523, %dma_wait3A_524] : memref<2x5x80x32xf32, #tpu.memory_space<vmem>> -> memref<1x1x80x32xf32, #tpu.memory_space<vmem>>
        %dma_wait3A_526 = tpu.memref_squeeze %dma_wait3A_525 : memref<1x1x80x32xf32, #tpu.memory_space<vmem>> -> memref<80x32xf32, #tpu.memory_space<vmem>>
        %dma_wait3A_527 = arith.constant 0 : i32
        %dma_wait3A_528 = arith.constant 0 : i32
        %dma_wait3A_529 = tpu.memref_slice %arg6[%dma_wait3A_527, %dma_wait3A_528] : memref<50000x32xf32, #tpu.memory_space<vmem_shared>> -> memref<80x32xf32, #tpu.memory_space<vmem_shared>>
        %dma_wait3A_530 = arith.constant 0 : i32
        %dma_wait3A_531 = arith.constant 0 : i32
        %dma_wait3A_532 = tpu.memref_slice %arg6[%dma_wait3A_530, %dma_wait3A_531] : memref<50000x32xf32, #tpu.memory_space<vmem_shared>> -> memref<80x32xf32, #tpu.memory_space<vmem_shared>>
        %dma_wait3A_533 = arith.constant 0 : i32
        %dma_wait3A_534 = arith.constant 0 : i32
        %dma_wait3A_535 = tpu.memref_slice %arg9[%sub3A_521, %dma_wait3A_522, %dma_wait3A_533, %dma_wait3A_534] : memref<2x5x80x32xf32, #tpu.memory_space<vmem>> -> memref<1x1x80x32xf32, #tpu.memory_space<vmem>>
        %dma_wait3A_536 = tpu.memref_squeeze %dma_wait3A_535 : memref<1x1x80x32xf32, #tpu.memory_space<vmem>> -> memref<80x32xf32, #tpu.memory_space<vmem>>
        tpu.wait_dma2 semaphore(%arg11 : memref<!tpu.dma_semaphore, #tpu.memory_space<semaphore_mem>>) src(%dma_wait3A_536 : memref<80x32xf32, #tpu.memory_space<vmem>>) dst(%dma_wait3A_532 : memref<80x32xf32, #tpu.memory_space<vmem_shared>>)
        %sub3A_537 = arith.constant 1 : i32
        %sub3A_538 = arith.subi %sub3A_537, %rem3A_347 : i32
        %dma_wait3A_539 = arith.constant 2 : i32
        %dma_wait3A_540 = arith.constant 0 : i32
        %dma_wait3A_541 = arith.constant 0 : i32
        %dma_wait3A_542 = tpu.memref_slice %arg9[%sub3A_538, %dma_wait3A_539, %dma_wait3A_540, %dma_wait3A_541] : memref<2x5x80x32xf32, #tpu.memory_space<vmem>> -> memref<1x1x80x32xf32, #tpu.memory_space<vmem>>
        %dma_wait3A_543 = tpu.memref_squeeze %dma_wait3A_542 : memref<1x1x80x32xf32, #tpu.memory_space<vmem>> -> memref<80x32xf32, #tpu.memory_space<vmem>>
        %dma_wait3A_544 = arith.constant 0 : i32
        %dma_wait3A_545 = arith.constant 0 : i32
        %dma_wait3A_546 = tpu.memref_slice %arg6[%dma_wait3A_544, %dma_wait3A_545] : memref<50000x32xf32, #tpu.memory_space<vmem_shared>> -> memref<80x32xf32, #tpu.memory_space<vmem_shared>>
        %dma_wait3A_547 = arith.constant 0 : i32
        %dma_wait3A_548 = arith.constant 0 : i32
        %dma_wait3A_549 = tpu.memref_slice %arg6[%dma_wait3A_547, %dma_wait3A_548] : memref<50000x32xf32, #tpu.memory_space<vmem_shared>> -> memref<80x32xf32, #tpu.memory_space<vmem_shared>>
        %dma_wait3A_550 = arith.constant 0 : i32
        %dma_wait3A_551 = arith.constant 0 : i32
        %dma_wait3A_552 = tpu.memref_slice %arg9[%sub3A_538, %dma_wait3A_539, %dma_wait3A_550, %dma_wait3A_551] : memref<2x5x80x32xf32, #tpu.memory_space<vmem>> -> memref<1x1x80x32xf32, #tpu.memory_space<vmem>>
        %dma_wait3A_553 = tpu.memref_squeeze %dma_wait3A_552 : memref<1x1x80x32xf32, #tpu.memory_space<vmem>> -> memref<80x32xf32, #tpu.memory_space<vmem>>
        tpu.wait_dma2 semaphore(%arg11 : memref<!tpu.dma_semaphore, #tpu.memory_space<semaphore_mem>>) src(%dma_wait3A_553 : memref<80x32xf32, #tpu.memory_space<vmem>>) dst(%dma_wait3A_549 : memref<80x32xf32, #tpu.memory_space<vmem_shared>>)
        %sub3A_554 = arith.constant 1 : i32
        %sub3A_555 = arith.subi %sub3A_554, %rem3A_347 : i32
        %dma_wait3A_556 = arith.constant 3 : i32
        %dma_wait3A_557 = arith.constant 0 : i32
        %dma_wait3A_558 = arith.constant 0 : i32
        %dma_wait3A_559 = tpu.memref_slice %arg9[%sub3A_555, %dma_wait3A_556, %dma_wait3A_557, %dma_wait3A_558] : memref<2x5x80x32xf32, #tpu.memory_space<vmem>> -> memref<1x1x80x32xf32, #tpu.memory_space<vmem>>
        %dma_wait3A_560 = tpu.memref_squeeze %dma_wait3A_559 : memref<1x1x80x32xf32, #tpu.memory_space<vmem>> -> memref<80x32xf32, #tpu.memory_space<vmem>>
        %dma_wait3A_561 = arith.constant 0 : i32
        %dma_wait3A_562 = arith.constant 0 : i32
        %dma_wait3A_563 = tpu.memref_slice %arg6[%dma_wait3A_561, %dma_wait3A_562] : memref<50000x32xf32, #tpu.memory_space<vmem_shared>> -> memref<80x32xf32, #tpu.memory_space<vmem_shared>>
        %dma_wait3A_564 = arith.constant 0 : i32
        %dma_wait3A_565 = arith.constant 0 : i32
        %dma_wait3A_566 = tpu.memref_slice %arg6[%dma_wait3A_564, %dma_wait3A_565] : memref<50000x32xf32, #tpu.memory_space<vmem_shared>> -> memref<80x32xf32, #tpu.memory_space<vmem_shared>>
        %dma_wait3A_567 = arith.constant 0 : i32
        %dma_wait3A_568 = arith.constant 0 : i32
        %dma_wait3A_569 = tpu.memref_slice %arg9[%sub3A_555, %dma_wait3A_556, %dma_wait3A_567, %dma_wait3A_568] : memref<2x5x80x32xf32, #tpu.memory_space<vmem>> -> memref<1x1x80x32xf32, #tpu.memory_space<vmem>>
        %dma_wait3A_570 = tpu.memref_squeeze %dma_wait3A_569 : memref<1x1x80x32xf32, #tpu.memory_space<vmem>> -> memref<80x32xf32, #tpu.memory_space<vmem>>
        tpu.wait_dma2 semaphore(%arg11 : memref<!tpu.dma_semaphore, #tpu.memory_space<semaphore_mem>>) src(%dma_wait3A_570 : memref<80x32xf32, #tpu.memory_space<vmem>>) dst(%dma_wait3A_566 : memref<80x32xf32, #tpu.memory_space<vmem_shared>>)
        %sub3A_571 = arith.constant 1 : i32
        %sub3A_572 = arith.subi %sub3A_571, %rem3A_347 : i32
        %dma_wait3A_573 = arith.constant 4 : i32
        %dma_wait3A_574 = arith.constant 0 : i32
        %dma_wait3A_575 = arith.constant 0 : i32
        %dma_wait3A_576 = tpu.memref_slice %arg9[%sub3A_572, %dma_wait3A_573, %dma_wait3A_574, %dma_wait3A_575] : memref<2x5x80x32xf32, #tpu.memory_space<vmem>> -> memref<1x1x80x32xf32, #tpu.memory_space<vmem>>
        %dma_wait3A_577 = tpu.memref_squeeze %dma_wait3A_576 : memref<1x1x80x32xf32, #tpu.memory_space<vmem>> -> memref<80x32xf32, #tpu.memory_space<vmem>>
        %dma_wait3A_578 = arith.constant 0 : i32
        %dma_wait3A_579 = arith.constant 0 : i32
        %dma_wait3A_580 = tpu.memref_slice %arg6[%dma_wait3A_578, %dma_wait3A_579] : memref<50000x32xf32, #tpu.memory_space<vmem_shared>> -> memref<80x32xf32, #tpu.memory_space<vmem_shared>>
        %dma_wait3A_581 = arith.constant 0 : i32
        %dma_wait3A_582 = arith.constant 0 : i32
        %dma_wait3A_583 = tpu.memref_slice %arg6[%dma_wait3A_581, %dma_wait3A_582] : memref<50000x32xf32, #tpu.memory_space<vmem_shared>> -> memref<80x32xf32, #tpu.memory_space<vmem_shared>>
        %dma_wait3A_584 = arith.constant 0 : i32
        %dma_wait3A_585 = arith.constant 0 : i32
        %dma_wait3A_586 = tpu.memref_slice %arg9[%sub3A_572, %dma_wait3A_573, %dma_wait3A_584, %dma_wait3A_585] : memref<2x5x80x32xf32, #tpu.memory_space<vmem>> -> memref<1x1x80x32xf32, #tpu.memory_space<vmem>>
        %dma_wait3A_587 = tpu.memref_squeeze %dma_wait3A_586 : memref<1x1x80x32xf32, #tpu.memory_space<vmem>> -> memref<80x32xf32, #tpu.memory_space<vmem>>
        tpu.wait_dma2 semaphore(%arg11 : memref<!tpu.dma_semaphore, #tpu.memory_space<semaphore_mem>>) src(%dma_wait3A_587 : memref<80x32xf32, #tpu.memory_space<vmem>>) dst(%dma_wait3A_583 : memref<80x32xf32, #tpu.memory_space<vmem_shared>>)
      } else {
      }
      %lt3A = arith.constant 124 : i32
      %lt3A_360 = arith.cmpi slt, %scan3A_346, %lt3A : i32
      %convert_element_type3A_361 = arith.extui %lt3A_360 : i1 to i32
      %cond3A_362 = arith.constant 0 : i32
      %cond3A_363 = arith.cmpi ne, %convert_element_type3A_361, %cond3A_362 : i32
      scf.if %cond3A_363 {
        %dma_wait3A_504 = arith.constant 0 : i32
        %dma_wait3A_505 = arith.constant 0 : i32
        %dma_wait3A_506 = tpu.memref_slice %arg7[%rem3A_353, %dma_wait3A_504, %dma_wait3A_505] : memref<3x5x80xi32, #tpu.memory_space<vmem>> -> memref<1x5x80xi32, #tpu.memory_space<vmem>>
        %dma_wait3A_507 = tpu.memref_squeeze %dma_wait3A_506 : memref<1x5x80xi32, #tpu.memory_space<vmem>> -> memref<5x80xi32, #tpu.memory_space<vmem>>
        %dma_wait3A_508 = arith.constant 0 : i32
        %dma_wait3A_509 = arith.constant 0 : i32
        %dma_wait3A_510 = tpu.memref_slice %arg3[%dma_wait3A_508, %dma_wait3A_509] : memref<10000x80xi32, #tpu.memory_space<hbm>> -> memref<5x80xi32, #tpu.memory_space<hbm>>
        %dma_wait3A_511 = arith.constant 0 : i32
        %dma_wait3A_512 = arith.constant 0 : i32
        %dma_wait3A_513 = tpu.memref_slice %arg7[%rem3A_353, %dma_wait3A_511, %dma_wait3A_512] : memref<3x5x80xi32, #tpu.memory_space<vmem>> -> memref<1x5x80xi32, #tpu.memory_space<vmem>>
        %dma_wait3A_514 = tpu.memref_squeeze %dma_wait3A_513 : memref<1x5x80xi32, #tpu.memory_space<vmem>> -> memref<5x80xi32, #tpu.memory_space<vmem>>
        %dma_wait3A_515 = arith.constant 0 : i32
        %dma_wait3A_516 = arith.constant 0 : i32
        %dma_wait3A_517 = tpu.memref_slice %arg3[%dma_wait3A_515, %dma_wait3A_516] : memref<10000x80xi32, #tpu.memory_space<hbm>> -> memref<5x80xi32, #tpu.memory_space<hbm>>
        tpu.wait_dma2 semaphore(%arg12 : memref<!tpu.dma_semaphore, #tpu.memory_space<semaphore_mem>>) src(%dma_wait3A_517 : memref<5x80xi32, #tpu.memory_space<hbm>>) dst(%dma_wait3A_514 : memref<5x80xi32, #tpu.memory_space<vmem>>)
        %dma_wait3A_518 = arith.constant 0 : i32
        %dma_wait3A_519 = arith.constant 0 : i32
        %dma_wait3A_520 = tpu.memref_slice %arg8[%rem3A_353, %dma_wait3A_518, %dma_wait3A_519] : memref<3x5x80xi32, #tpu.memory_space<vmem>> -> memref<1x5x80xi32, #tpu.memory_space<vmem>>
        %dma_wait3A_521 = tpu.memref_squeeze %dma_wait3A_520 : memref<1x5x80xi32, #tpu.memory_space<vmem>> -> memref<5x80xi32, #tpu.memory_space<vmem>>
        %dma_wait3A_522 = arith.constant 0 : i32
        %dma_wait3A_523 = arith.constant 0 : i32
        %dma_wait3A_524 = tpu.memref_slice %arg3[%dma_wait3A_522, %dma_wait3A_523] : memref<10000x80xi32, #tpu.memory_space<hbm>> -> memref<5x80xi32, #tpu.memory_space<hbm>>
        %dma_wait3A_525 = arith.constant 0 : i32
        %dma_wait3A_526 = arith.constant 0 : i32
        %dma_wait3A_527 = tpu.memref_slice %arg8[%rem3A_353, %dma_wait3A_525, %dma_wait3A_526] : memref<3x5x80xi32, #tpu.memory_space<vmem>> -> memref<1x5x80xi32, #tpu.memory_space<vmem>>
        %dma_wait3A_528 = tpu.memref_squeeze %dma_wait3A_527 : memref<1x5x80xi32, #tpu.memory_space<vmem>> -> memref<5x80xi32, #tpu.memory_space<vmem>>
        %dma_wait3A_529 = arith.constant 0 : i32
        %dma_wait3A_530 = arith.constant 0 : i32
        %dma_wait3A_531 = tpu.memref_slice %arg3[%dma_wait3A_529, %dma_wait3A_530] : memref<10000x80xi32, #tpu.memory_space<hbm>> -> memref<5x80xi32, #tpu.memory_space<hbm>>
        tpu.wait_dma2 semaphore(%arg12 : memref<!tpu.dma_semaphore, #tpu.memory_space<semaphore_mem>>) src(%dma_wait3A_531 : memref<5x80xi32, #tpu.memory_space<hbm>>) dst(%dma_wait3A_528 : memref<5x80xi32, #tpu.memory_space<vmem>>)
        %sub3A = arith.constant 1 : i32
        %sub3A_532 = arith.subi %sub3A, %rem3A_347 : i32
        %dma_start3A_533 = arith.constant 0 : i32
        %dma_start3A_534 = arith.constant 0 : i32
        %dma_start3A_535 = arith.constant 0 : i32
        %dma_start3A_536 = arith.constant 0 : i32
        %dma_start3A_537 = tpu.memref_slice %arg9[%sub3A_532, %dma_start3A_534, %dma_start3A_535, %dma_start3A_536] : memref<2x5x80x32xf32, #tpu.memory_space<vmem>> -> memref<1x1x80x32xf32, #tpu.memory_space<vmem>>
        %dma_start3A_538 = tpu.memref_squeeze %dma_start3A_537 : memref<1x1x80x32xf32, #tpu.memory_space<vmem>> -> memref<80x32xf32, #tpu.memory_space<vmem>>
        %dma_start3A_539 = arith.constant 0 : i32
        %dma_start3A_540 = tpu.memref_slice %arg7[%rem3A_353, %dma_start3A_533, %dma_start3A_539] : memref<3x5x80xi32, #tpu.memory_space<vmem>> -> memref<1x1x80xi32, #tpu.memory_space<vmem>>
        %dma_start3A_541 = tpu.memref_squeeze %dma_start3A_540 : memref<1x1x80xi32, #tpu.memory_space<vmem>> -> memref<80xi32, #tpu.memory_space<vmem>>
        %dma_start3A_542 = arith.constant 0 : i32
        %dma_start3A_543 = tpu.memref_slice %arg2[%mul3A_0, %dma_start3A_542] : memref<102400x32xf32, #tpu.memory_space<hbm>> -> memref<51200x32xf32, #tpu.memory_space<hbm>>
        %dma_start3A_544 = arith.constant 0 : i32
        %dma_start3A_545 = arith.constant 0 : i32
        %dma_start3A_546 = tpu.memref_slice %dma_start3A_543[%dma_start3A_544, %dma_start3A_545] : memref<51200x32xf32, #tpu.memory_space<hbm>> -> memref<51200x32xf32, #tpu.memory_space<hbm>>
        tpu.enqueue_indirect_dma source(%dma_start3A_546 : memref<51200x32xf32, #tpu.memory_space<hbm>>) target(%dma_start3A_538 : memref<80x32xf32, #tpu.memory_space<vmem>>) offsets(%dma_start3A_541 : memref<80xi32, #tpu.memory_space<vmem>>) semaphore(%arg10 : memref<!tpu.dma_semaphore, #tpu.memory_space<semaphore_mem>>)
        %dma_start3A_547 = arith.constant 1 : i32
        %dma_start3A_548 = arith.constant 1 : i32
        %dma_start3A_549 = arith.constant 0 : i32
        %dma_start3A_550 = arith.constant 0 : i32
        %dma_start3A_551 = tpu.memref_slice %arg9[%sub3A_532, %dma_start3A_548, %dma_start3A_549, %dma_start3A_550] : memref<2x5x80x32xf32, #tpu.memory_space<vmem>> -> memref<1x1x80x32xf32, #tpu.memory_space<vmem>>
        %dma_start3A_552 = tpu.memref_squeeze %dma_start3A_551 : memref<1x1x80x32xf32, #tpu.memory_space<vmem>> -> memref<80x32xf32, #tpu.memory_space<vmem>>
        %dma_start3A_553 = arith.constant 0 : i32
        %dma_start3A_554 = tpu.memref_slice %arg7[%rem3A_353, %dma_start3A_547, %dma_start3A_553] : memref<3x5x80xi32, #tpu.memory_space<vmem>> -> memref<1x1x80xi32, #tpu.memory_space<vmem>>
        %dma_start3A_555 = tpu.memref_squeeze %dma_start3A_554 : memref<1x1x80xi32, #tpu.memory_space<vmem>> -> memref<80xi32, #tpu.memory_space<vmem>>
        %dma_start3A_556 = arith.constant 0 : i32
        %dma_start3A_557 = tpu.memref_slice %arg2[%mul3A_0, %dma_start3A_556] : memref<102400x32xf32, #tpu.memory_space<hbm>> -> memref<51200x32xf32, #tpu.memory_space<hbm>>
        %dma_start3A_558 = arith.constant 0 : i32
        %dma_start3A_559 = arith.constant 0 : i32
        %dma_start3A_560 = tpu.memref_slice %dma_start3A_557[%dma_start3A_558, %dma_start3A_559] : memref<51200x32xf32, #tpu.memory_space<hbm>> -> memref<51200x32xf32, #tpu.memory_space<hbm>>
        tpu.enqueue_indirect_dma source(%dma_start3A_560 : memref<51200x32xf32, #tpu.memory_space<hbm>>) target(%dma_start3A_552 : memref<80x32xf32, #tpu.memory_space<vmem>>) offsets(%dma_start3A_555 : memref<80xi32, #tpu.memory_space<vmem>>) semaphore(%arg10 : memref<!tpu.dma_semaphore, #tpu.memory_space<semaphore_mem>>)
        %dma_start3A_561 = arith.constant 2 : i32
        %dma_start3A_562 = arith.constant 2 : i32
        %dma_start3A_563 = arith.constant 0 : i32
        %dma_start3A_564 = arith.constant 0 : i32
        %dma_start3A_565 = tpu.memref_slice %arg9[%sub3A_532, %dma_start3A_562, %dma_start3A_563, %dma_start3A_564] : memref<2x5x80x32xf32, #tpu.memory_space<vmem>> -> memref<1x1x80x32xf32, #tpu.memory_space<vmem>>
        %dma_start3A_566 = tpu.memref_squeeze %dma_start3A_565 : memref<1x1x80x32xf32, #tpu.memory_space<vmem>> -> memref<80x32xf32, #tpu.memory_space<vmem>>
        %dma_start3A_567 = arith.constant 0 : i32
        %dma_start3A_568 = tpu.memref_slice %arg7[%rem3A_353, %dma_start3A_561, %dma_start3A_567] : memref<3x5x80xi32, #tpu.memory_space<vmem>> -> memref<1x1x80xi32, #tpu.memory_space<vmem>>
        %dma_start3A_569 = tpu.memref_squeeze %dma_start3A_568 : memref<1x1x80xi32, #tpu.memory_space<vmem>> -> memref<80xi32, #tpu.memory_space<vmem>>
        %dma_start3A_570 = arith.constant 0 : i32
        %dma_start3A_571 = tpu.memref_slice %arg2[%mul3A_0, %dma_start3A_570] : memref<102400x32xf32, #tpu.memory_space<hbm>> -> memref<51200x32xf32, #tpu.memory_space<hbm>>
        %dma_start3A_572 = arith.constant 0 : i32
        %dma_start3A_573 = arith.constant 0 : i32
        %dma_start3A_574 = tpu.memref_slice %dma_start3A_571[%dma_start3A_572, %dma_start3A_573] : memref<51200x32xf32, #tpu.memory_space<hbm>> -> memref<51200x32xf32, #tpu.memory_space<hbm>>
        tpu.enqueue_indirect_dma source(%dma_start3A_574 : memref<51200x32xf32, #tpu.memory_space<hbm>>) target(%dma_start3A_566 : memref<80x32xf32, #tpu.memory_space<vmem>>) offsets(%dma_start3A_569 : memref<80xi32, #tpu.memory_space<vmem>>) semaphore(%arg10 : memref<!tpu.dma_semaphore, #tpu.memory_space<semaphore_mem>>)
        %dma_start3A_575 = arith.constant 3 : i32
        %dma_start3A_576 = arith.constant 3 : i32
        %dma_start3A_577 = arith.constant 0 : i32
        %dma_start3A_578 = arith.constant 0 : i32
        %dma_start3A_579 = tpu.memref_slice %arg9[%sub3A_532, %dma_start3A_576, %dma_start3A_577, %dma_start3A_578] : memref<2x5x80x32xf32, #tpu.memory_space<vmem>> -> memref<1x1x80x32xf32, #tpu.memory_space<vmem>>
        %dma_start3A_580 = tpu.memref_squeeze %dma_start3A_579 : memref<1x1x80x32xf32, #tpu.memory_space<vmem>> -> memref<80x32xf32, #tpu.memory_space<vmem>>
        %dma_start3A_581 = arith.constant 0 : i32
        %dma_start3A_582 = tpu.memref_slice %arg7[%rem3A_353, %dma_start3A_575, %dma_start3A_581] : memref<3x5x80xi32, #tpu.memory_space<vmem>> -> memref<1x1x80xi32, #tpu.memory_space<vmem>>
        %dma_start3A_583 = tpu.memref_squeeze %dma_start3A_582 : memref<1x1x80xi32, #tpu.memory_space<vmem>> -> memref<80xi32, #tpu.memory_space<vmem>>
        %dma_start3A_584 = arith.constant 0 : i32
        %dma_start3A_585 = tpu.memref_slice %arg2[%mul3A_0, %dma_start3A_584] : memref<102400x32xf32, #tpu.memory_space<hbm>> -> memref<51200x32xf32, #tpu.memory_space<hbm>>
        %dma_start3A_586 = arith.constant 0 : i32
        %dma_start3A_587 = arith.constant 0 : i32
        %dma_start3A_588 = tpu.memref_slice %dma_start3A_585[%dma_start3A_586, %dma_start3A_587] : memref<51200x32xf32, #tpu.memory_space<hbm>> -> memref<51200x32xf32, #tpu.memory_space<hbm>>
        tpu.enqueue_indirect_dma source(%dma_start3A_588 : memref<51200x32xf32, #tpu.memory_space<hbm>>) target(%dma_start3A_580 : memref<80x32xf32, #tpu.memory_space<vmem>>) offsets(%dma_start3A_583 : memref<80xi32, #tpu.memory_space<vmem>>) semaphore(%arg10 : memref<!tpu.dma_semaphore, #tpu.memory_space<semaphore_mem>>)
        %dma_start3A_589 = arith.constant 4 : i32
        %dma_start3A_590 = arith.constant 4 : i32
        %dma_start3A_591 = arith.constant 0 : i32
        %dma_start3A_592 = arith.constant 0 : i32
        %dma_start3A_593 = tpu.memref_slice %arg9[%sub3A_532, %dma_start3A_590, %dma_start3A_591, %dma_start3A_592] : memref<2x5x80x32xf32, #tpu.memory_space<vmem>> -> memref<1x1x80x32xf32, #tpu.memory_space<vmem>>
        %dma_start3A_594 = tpu.memref_squeeze %dma_start3A_593 : memref<1x1x80x32xf32, #tpu.memory_space<vmem>> -> memref<80x32xf32, #tpu.memory_space<vmem>>
        %dma_start3A_595 = arith.constant 0 : i32
        %dma_start3A_596 = tpu.memref_slice %arg7[%rem3A_353, %dma_start3A_589, %dma_start3A_595] : memref<3x5x80xi32, #tpu.memory_space<vmem>> -> memref<1x1x80xi32, #tpu.memory_space<vmem>>
        %dma_start3A_597 = tpu.memref_squeeze %dma_start3A_596 : memref<1x1x80xi32, #tpu.memory_space<vmem>> -> memref<80xi32, #tpu.memory_space<vmem>>
        %dma_start3A_598 = arith.constant 0 : i32
        %dma_start3A_599 = tpu.memref_slice %arg2[%mul3A_0, %dma_start3A_598] : memref<102400x32xf32, #tpu.memory_space<hbm>> -> memref<51200x32xf32, #tpu.memory_space<hbm>>
        %dma_start3A_600 = arith.constant 0 : i32
        %dma_start3A_601 = arith.constant 0 : i32
        %dma_start3A_602 = tpu.memref_slice %dma_start3A_599[%dma_start3A_600, %dma_start3A_601] : memref<51200x32xf32, #tpu.memory_space<hbm>> -> memref<51200x32xf32, #tpu.memory_space<hbm>>
        tpu.enqueue_indirect_dma source(%dma_start3A_602 : memref<51200x32xf32, #tpu.memory_space<hbm>>) target(%dma_start3A_594 : memref<80x32xf32, #tpu.memory_space<vmem>>) offsets(%dma_start3A_597 : memref<80xi32, #tpu.memory_space<vmem>>) semaphore(%arg10 : memref<!tpu.dma_semaphore, #tpu.memory_space<semaphore_mem>>)
      } else {
      }
      %lt3A_364 = arith.constant 123 : i32
      %lt3A_365 = arith.cmpi slt, %scan3A_346, %lt3A_364 : i32
      %convert_element_type3A_366 = arith.extui %lt3A_365 : i1 to i32
      %cond3A_367 = arith.constant 0 : i32
      %cond3A_368 = arith.cmpi ne, %convert_element_type3A_366, %cond3A_367 : i32
      scf.if %cond3A_368 {
        %add3A_504 = arith.constant 2 : i32
        %add3A_505 = arith.addi %scan3A_346, %add3A_504 : i32
        %mul3A_506 = arith.constant 5 : i32
        %mul3A_507 = arith.muli %add3A_505, %mul3A_506 : i32
        %add3A_508 = arith.addi %mul3A_46, %mul3A_507 : i32
        %dma_start3A_509 = arith.constant 0 : i32
        %dma_start3A_510 = arith.constant 0 : i32
        %dma_start3A_511 = tpu.memref_slice %arg7[%rem3A_357, %dma_start3A_509, %dma_start3A_510] : memref<3x5x80xi32, #tpu.memory_space<vmem>> -> memref<1x5x80xi32, #tpu.memory_space<vmem>>
        %dma_start3A_512 = tpu.memref_squeeze %dma_start3A_511 : memref<1x5x80xi32, #tpu.memory_space<vmem>> -> memref<5x80xi32, #tpu.memory_space<vmem>>
        %dma_start3A_513 = arith.constant 0 : i32
        %dma_start3A_514 = tpu.memref_slice %arg3[%add3A_508, %dma_start3A_513] : memref<10000x80xi32, #tpu.memory_space<hbm>> -> memref<5x80xi32, #tpu.memory_space<hbm>>
        %dma_start3A_515 = arith.constant 0 : i32
        %dma_start3A_516 = arith.constant 0 : i32
        %dma_start3A_517 = tpu.memref_slice %arg7[%rem3A_357, %dma_start3A_515, %dma_start3A_516] : memref<3x5x80xi32, #tpu.memory_space<vmem>> -> memref<1x5x80xi32, #tpu.memory_space<vmem>>
        %dma_start3A_518 = tpu.memref_squeeze %dma_start3A_517 : memref<1x5x80xi32, #tpu.memory_space<vmem>> -> memref<5x80xi32, #tpu.memory_space<vmem>>
        %dma_start3A_519 = arith.constant 0 : i32
        %dma_start3A_520 = tpu.memref_slice %arg3[%add3A_508, %dma_start3A_519] : memref<10000x80xi32, #tpu.memory_space<hbm>> -> memref<5x80xi32, #tpu.memory_space<hbm>>
        tpu.enqueue_dma source(%dma_start3A_520 : memref<5x80xi32, #tpu.memory_space<hbm>>) target(%dma_start3A_518 : memref<5x80xi32, #tpu.memory_space<vmem>>) target_semaphore(%arg12 : memref<!tpu.dma_semaphore, #tpu.memory_space<semaphore_mem>>)
        %mul3A_521 = arith.constant 5 : i32
        %mul3A_522 = arith.muli %add3A_505, %mul3A_521 : i32
        %add3A_523 = arith.addi %mul3A_46, %mul3A_522 : i32
        %dma_start3A_524 = arith.constant 0 : i32
        %dma_start3A_525 = arith.constant 0 : i32
        %dma_start3A_526 = tpu.memref_slice %arg8[%rem3A_357, %dma_start3A_524, %dma_start3A_525] : memref<3x5x80xi32, #tpu.memory_space<vmem>> -> memref<1x5x80xi32, #tpu.memory_space<vmem>>
        %dma_start3A_527 = tpu.memref_squeeze %dma_start3A_526 : memref<1x5x80xi32, #tpu.memory_space<vmem>> -> memref<5x80xi32, #tpu.memory_space<vmem>>
        %dma_start3A_528 = arith.constant 0 : i32
        %dma_start3A_529 = tpu.memref_slice %arg4[%add3A_523, %dma_start3A_528] : memref<10000x80xi32, #tpu.memory_space<hbm>> -> memref<5x80xi32, #tpu.memory_space<hbm>>
        %dma_start3A_530 = arith.constant 0 : i32
        %dma_start3A_531 = arith.constant 0 : i32
        %dma_start3A_532 = tpu.memref_slice %arg8[%rem3A_357, %dma_start3A_530, %dma_start3A_531] : memref<3x5x80xi32, #tpu.memory_space<vmem>> -> memref<1x5x80xi32, #tpu.memory_space<vmem>>
        %dma_start3A_533 = tpu.memref_squeeze %dma_start3A_532 : memref<1x5x80xi32, #tpu.memory_space<vmem>> -> memref<5x80xi32, #tpu.memory_space<vmem>>
        %dma_start3A_534 = arith.constant 0 : i32
        %dma_start3A_535 = tpu.memref_slice %arg4[%add3A_523, %dma_start3A_534] : memref<10000x80xi32, #tpu.memory_space<hbm>> -> memref<5x80xi32, #tpu.memory_space<hbm>>
        tpu.enqueue_dma source(%dma_start3A_535 : memref<5x80xi32, #tpu.memory_space<hbm>>) target(%dma_start3A_533 : memref<5x80xi32, #tpu.memory_space<vmem>>) target_semaphore(%arg12 : memref<!tpu.dma_semaphore, #tpu.memory_space<semaphore_mem>>)
      } else {
      }
      %dma_wait3A_369 = arith.constant 0 : i32
      %dma_wait3A_370 = arith.constant 0 : i32
      %dma_wait3A_371 = arith.constant 0 : i32
      %dma_wait3A_372 = tpu.memref_slice %arg9[%rem3A_347, %dma_wait3A_369, %dma_wait3A_370, %dma_wait3A_371] : memref<2x5x80x32xf32, #tpu.memory_space<vmem>> -> memref<1x1x80x32xf32, #tpu.memory_space<vmem>>
      %dma_wait3A_373 = tpu.memref_squeeze %dma_wait3A_372 : memref<1x1x80x32xf32, #tpu.memory_space<vmem>> -> memref<80x32xf32, #tpu.memory_space<vmem>>
      %dma_wait3A_374 = arith.constant 0 : i32
      %dma_wait3A_375 = arith.constant 0 : i32
      %dma_wait3A_376 = tpu.memref_slice %arg2[%dma_wait3A_374, %dma_wait3A_375] : memref<102400x32xf32, #tpu.memory_space<hbm>> -> memref<80x32xf32, #tpu.memory_space<hbm>>
      %dma_wait3A_377 = arith.constant 0 : i32
      %dma_wait3A_378 = arith.constant 0 : i32
      %dma_wait3A_379 = tpu.memref_slice %arg9[%rem3A_347, %dma_wait3A_369, %dma_wait3A_377, %dma_wait3A_378] : memref<2x5x80x32xf32, #tpu.memory_space<vmem>> -> memref<1x1x80x32xf32, #tpu.memory_space<vmem>>
      %dma_wait3A_380 = tpu.memref_squeeze %dma_wait3A_379 : memref<1x1x80x32xf32, #tpu.memory_space<vmem>> -> memref<80x32xf32, #tpu.memory_space<vmem>>
      %dma_wait3A_381 = arith.constant 0 : i32
      %dma_wait3A_382 = arith.constant 0 : i32
      %dma_wait3A_383 = tpu.memref_slice %arg2[%dma_wait3A_381, %dma_wait3A_382] : memref<102400x32xf32, #tpu.memory_space<hbm>> -> memref<80x32xf32, #tpu.memory_space<hbm>>
      tpu.wait_dma2 semaphore(%arg10 : memref<!tpu.dma_semaphore, #tpu.memory_space<semaphore_mem>>) src(%dma_wait3A_383 : memref<80x32xf32, #tpu.memory_space<hbm>>) dst(%dma_wait3A_380 : memref<80x32xf32, #tpu.memory_space<vmem>>)
      %dma_start3A_384 = arith.constant 0 : i32
      %dma_start3A_385 = arith.constant 0 : i32
      %dma_start3A_386 = arith.constant 0 : i32
      %dma_start3A_387 = arith.constant 0 : i32
      %dma_start3A_388 = tpu.memref_slice %arg9[%rem3A_347, %dma_start3A_384, %dma_start3A_386, %dma_start3A_387] : memref<2x5x80x32xf32, #tpu.memory_space<vmem>> -> memref<1x1x80x32xf32, #tpu.memory_space<vmem>>
      %dma_start3A_389 = tpu.memref_squeeze %dma_start3A_388 : memref<1x1x80x32xf32, #tpu.memory_space<vmem>> -> memref<80x32xf32, #tpu.memory_space<vmem>>
      %dma_start3A_390 = arith.constant 0 : i32
      %dma_start3A_391 = tpu.memref_slice %arg8[%rem3A_349, %dma_start3A_385, %dma_start3A_390] : memref<3x5x80xi32, #tpu.memory_space<vmem>> -> memref<1x1x80xi32, #tpu.memory_space<vmem>>
      %dma_start3A_392 = tpu.memref_squeeze %dma_start3A_391 : memref<1x1x80xi32, #tpu.memory_space<vmem>> -> memref<80xi32, #tpu.memory_space<vmem>>
      %dma_start3A_393 = arith.constant 0 : i32
      %dma_start3A_394 = arith.constant 0 : i32
      %dma_start3A_395 = tpu.memref_slice %arg6[%dma_start3A_393, %dma_start3A_394] : memref<50000x32xf32, #tpu.memory_space<vmem_shared>> -> memref<50000x32xf32, #tpu.memory_space<vmem_shared>>
      tpu.enqueue_indirect_dma source(%dma_start3A_389 : memref<80x32xf32, #tpu.memory_space<vmem>>) target(%dma_start3A_395 : memref<50000x32xf32, #tpu.memory_space<vmem_shared>>) offsets(%dma_start3A_392 : memref<80xi32, #tpu.memory_space<vmem>>) semaphore(%arg11 : memref<!tpu.dma_semaphore, #tpu.memory_space<semaphore_mem>>) {add = true}
      %dma_wait3A_396 = arith.constant 1 : i32
      %dma_wait3A_397 = arith.constant 0 : i32
      %dma_wait3A_398 = arith.constant 0 : i32
      %dma_wait3A_399 = tpu.memref_slice %arg9[%rem3A_347, %dma_wait3A_396, %dma_wait3A_397, %dma_wait3A_398] : memref<2x5x80x32xf32, #tpu.memory_space<vmem>> -> memref<1x1x80x32xf32, #tpu.memory_space<vmem>>
      %dma_wait3A_400 = tpu.memref_squeeze %dma_wait3A_399 : memref<1x1x80x32xf32, #tpu.memory_space<vmem>> -> memref<80x32xf32, #tpu.memory_space<vmem>>
      %dma_wait3A_401 = arith.constant 0 : i32
      %dma_wait3A_402 = arith.constant 0 : i32
      %dma_wait3A_403 = tpu.memref_slice %arg2[%dma_wait3A_401, %dma_wait3A_402] : memref<102400x32xf32, #tpu.memory_space<hbm>> -> memref<80x32xf32, #tpu.memory_space<hbm>>
      %dma_wait3A_404 = arith.constant 0 : i32
      %dma_wait3A_405 = arith.constant 0 : i32
      %dma_wait3A_406 = tpu.memref_slice %arg9[%rem3A_347, %dma_wait3A_396, %dma_wait3A_404, %dma_wait3A_405] : memref<2x5x80x32xf32, #tpu.memory_space<vmem>> -> memref<1x1x80x32xf32, #tpu.memory_space<vmem>>
      %dma_wait3A_407 = tpu.memref_squeeze %dma_wait3A_406 : memref<1x1x80x32xf32, #tpu.memory_space<vmem>> -> memref<80x32xf32, #tpu.memory_space<vmem>>
      %dma_wait3A_408 = arith.constant 0 : i32
      %dma_wait3A_409 = arith.constant 0 : i32
      %dma_wait3A_410 = tpu.memref_slice %arg2[%dma_wait3A_408, %dma_wait3A_409] : memref<102400x32xf32, #tpu.memory_space<hbm>> -> memref<80x32xf32, #tpu.memory_space<hbm>>
      tpu.wait_dma2 semaphore(%arg10 : memref<!tpu.dma_semaphore, #tpu.memory_space<semaphore_mem>>) src(%dma_wait3A_410 : memref<80x32xf32, #tpu.memory_space<hbm>>) dst(%dma_wait3A_407 : memref<80x32xf32, #tpu.memory_space<vmem>>)
      %dma_start3A_411 = arith.constant 1 : i32
      %dma_start3A_412 = arith.constant 1 : i32
      %dma_start3A_413 = arith.constant 0 : i32
      %dma_start3A_414 = arith.constant 0 : i32
      %dma_start3A_415 = tpu.memref_slice %arg9[%rem3A_347, %dma_start3A_411, %dma_start3A_413, %dma_start3A_414] : memref<2x5x80x32xf32, #tpu.memory_space<vmem>> -> memref<1x1x80x32xf32, #tpu.memory_space<vmem>>
      %dma_start3A_416 = tpu.memref_squeeze %dma_start3A_415 : memref<1x1x80x32xf32, #tpu.memory_space<vmem>> -> memref<80x32xf32, #tpu.memory_space<vmem>>
      %dma_start3A_417 = arith.constant 0 : i32
      %dma_start3A_418 = tpu.memref_slice %arg8[%rem3A_349, %dma_start3A_412, %dma_start3A_417] : memref<3x5x80xi32, #tpu.memory_space<vmem>> -> memref<1x1x80xi32, #tpu.memory_space<vmem>>
      %dma_start3A_419 = tpu.memref_squeeze %dma_start3A_418 : memref<1x1x80xi32, #tpu.memory_space<vmem>> -> memref<80xi32, #tpu.memory_space<vmem>>
      %dma_start3A_420 = arith.constant 0 : i32
      %dma_start3A_421 = arith.constant 0 : i32
      %dma_start3A_422 = tpu.memref_slice %arg6[%dma_start3A_420, %dma_start3A_421] : memref<50000x32xf32, #tpu.memory_space<vmem_shared>> -> memref<50000x32xf32, #tpu.memory_space<vmem_shared>>
      tpu.enqueue_indirect_dma source(%dma_start3A_416 : memref<80x32xf32, #tpu.memory_space<vmem>>) target(%dma_start3A_422 : memref<50000x32xf32, #tpu.memory_space<vmem_shared>>) offsets(%dma_start3A_419 : memref<80xi32, #tpu.memory_space<vmem>>) semaphore(%arg11 : memref<!tpu.dma_semaphore, #tpu.memory_space<semaphore_mem>>) {add = true}
      %dma_wait3A_423 = arith.constant 2 : i32
      %dma_wait3A_424 = arith.constant 0 : i32
      %dma_wait3A_425 = arith.constant 0 : i32
      %dma_wait3A_426 = tpu.memref_slice %arg9[%rem3A_347, %dma_wait3A_423, %dma_wait3A_424, %dma_wait3A_425] : memref<2x5x80x32xf32, #tpu.memory_space<vmem>> -> memref<1x1x80x32xf32, #tpu.memory_space<vmem>>
      %dma_wait3A_427 = tpu.memref_squeeze %dma_wait3A_426 : memref<1x1x80x32xf32, #tpu.memory_space<vmem>> -> memref<80x32xf32, #tpu.memory_space<vmem>>
      %dma_wait3A_428 = arith.constant 0 : i32
      %dma_wait3A_429 = arith.constant 0 : i32
      %dma_wait3A_430 = tpu.memref_slice %arg2[%dma_wait3A_428, %dma_wait3A_429] : memref<102400x32xf32, #tpu.memory_space<hbm>> -> memref<80x32xf32, #tpu.memory_space<hbm>>
      %dma_wait3A_431 = arith.constant 0 : i32
      %dma_wait3A_432 = arith.constant 0 : i32
      %dma_wait3A_433 = tpu.memref_slice %arg9[%rem3A_347, %dma_wait3A_423, %dma_wait3A_431, %dma_wait3A_432] : memref<2x5x80x32xf32, #tpu.memory_space<vmem>> -> memref<1x1x80x32xf32, #tpu.memory_space<vmem>>
      %dma_wait3A_434 = tpu.memref_squeeze %dma_wait3A_433 : memref<1x1x80x32xf32, #tpu.memory_space<vmem>> -> memref<80x32xf32, #tpu.memory_space<vmem>>
      %dma_wait3A_435 = arith.constant 0 : i32
      %dma_wait3A_436 = arith.constant 0 : i32
      %dma_wait3A_437 = tpu.memref_slice %arg2[%dma_wait3A_435, %dma_wait3A_436] : memref<102400x32xf32, #tpu.memory_space<hbm>> -> memref<80x32xf32, #tpu.memory_space<hbm>>
      tpu.wait_dma2 semaphore(%arg10 : memref<!tpu.dma_semaphore, #tpu.memory_space<semaphore_mem>>) src(%dma_wait3A_437 : memref<80x32xf32, #tpu.memory_space<hbm>>) dst(%dma_wait3A_434 : memref<80x32xf32, #tpu.memory_space<vmem>>)
      %dma_start3A_438 = arith.constant 2 : i32
      %dma_start3A_439 = arith.constant 2 : i32
      %dma_start3A_440 = arith.constant 0 : i32
      %dma_start3A_441 = arith.constant 0 : i32
      %dma_start3A_442 = tpu.memref_slice %arg9[%rem3A_347, %dma_start3A_438, %dma_start3A_440, %dma_start3A_441] : memref<2x5x80x32xf32, #tpu.memory_space<vmem>> -> memref<1x1x80x32xf32, #tpu.memory_space<vmem>>
      %dma_start3A_443 = tpu.memref_squeeze %dma_start3A_442 : memref<1x1x80x32xf32, #tpu.memory_space<vmem>> -> memref<80x32xf32, #tpu.memory_space<vmem>>
      %dma_start3A_444 = arith.constant 0 : i32
      %dma_start3A_445 = tpu.memref_slice %arg8[%rem3A_349, %dma_start3A_439, %dma_start3A_444] : memref<3x5x80xi32, #tpu.memory_space<vmem>> -> memref<1x1x80xi32, #tpu.memory_space<vmem>>
      %dma_start3A_446 = tpu.memref_squeeze %dma_start3A_445 : memref<1x1x80xi32, #tpu.memory_space<vmem>> -> memref<80xi32, #tpu.memory_space<vmem>>
      %dma_start3A_447 = arith.constant 0 : i32
      %dma_start3A_448 = arith.constant 0 : i32
      %dma_start3A_449 = tpu.memref_slice %arg6[%dma_start3A_447, %dma_start3A_448] : memref<50000x32xf32, #tpu.memory_space<vmem_shared>> -> memref<50000x32xf32, #tpu.memory_space<vmem_shared>>
      tpu.enqueue_indirect_dma source(%dma_start3A_443 : memref<80x32xf32, #tpu.memory_space<vmem>>) target(%dma_start3A_449 : memref<50000x32xf32, #tpu.memory_space<vmem_shared>>) offsets(%dma_start3A_446 : memref<80xi32, #tpu.memory_space<vmem>>) semaphore(%arg11 : memref<!tpu.dma_semaphore, #tpu.memory_space<semaphore_mem>>) {add = true}
      %dma_wait3A_450 = arith.constant 3 : i32
      %dma_wait3A_451 = arith.constant 0 : i32
      %dma_wait3A_452 = arith.constant 0 : i32
      %dma_wait3A_453 = tpu.memref_slice %arg9[%rem3A_347, %dma_wait3A_450, %dma_wait3A_451, %dma_wait3A_452] : memref<2x5x80x32xf32, #tpu.memory_space<vmem>> -> memref<1x1x80x32xf32, #tpu.memory_space<vmem>>
      %dma_wait3A_454 = tpu.memref_squeeze %dma_wait3A_453 : memref<1x1x80x32xf32, #tpu.memory_space<vmem>> -> memref<80x32xf32, #tpu.memory_space<vmem>>
      %dma_wait3A_455 = arith.constant 0 : i32
      %dma_wait3A_456 = arith.constant 0 : i32
      %dma_wait3A_457 = tpu.memref_slice %arg2[%dma_wait3A_455, %dma_wait3A_456] : memref<102400x32xf32, #tpu.memory_space<hbm>> -> memref<80x32xf32, #tpu.memory_space<hbm>>
      %dma_wait3A_458 = arith.constant 0 : i32
      %dma_wait3A_459 = arith.constant 0 : i32
      %dma_wait3A_460 = tpu.memref_slice %arg9[%rem3A_347, %dma_wait3A_450, %dma_wait3A_458, %dma_wait3A_459] : memref<2x5x80x32xf32, #tpu.memory_space<vmem>> -> memref<1x1x80x32xf32, #tpu.memory_space<vmem>>
      %dma_wait3A_461 = tpu.memref_squeeze %dma_wait3A_460 : memref<1x1x80x32xf32, #tpu.memory_space<vmem>> -> memref<80x32xf32, #tpu.memory_space<vmem>>
      %dma_wait3A_462 = arith.constant 0 : i32
      %dma_wait3A_463 = arith.constant 0 : i32
      %dma_wait3A_464 = tpu.memref_slice %arg2[%dma_wait3A_462, %dma_wait3A_463] : memref<102400x32xf32, #tpu.memory_space<hbm>> -> memref<80x32xf32, #tpu.memory_space<hbm>>
      tpu.wait_dma2 semaphore(%arg10 : memref<!tpu.dma_semaphore, #tpu.memory_space<semaphore_mem>>) src(%dma_wait3A_464 : memref<80x32xf32, #tpu.memory_space<hbm>>) dst(%dma_wait3A_461 : memref<80x32xf32, #tpu.memory_space<vmem>>)
      %dma_start3A_465 = arith.constant 3 : i32
      %dma_start3A_466 = arith.constant 3 : i32
      %dma_start3A_467 = arith.constant 0 : i32
      %dma_start3A_468 = arith.constant 0 : i32
      %dma_start3A_469 = tpu.memref_slice %arg9[%rem3A_347, %dma_start3A_465, %dma_start3A_467, %dma_start3A_468] : memref<2x5x80x32xf32, #tpu.memory_space<vmem>> -> memref<1x1x80x32xf32, #tpu.memory_space<vmem>>
      %dma_start3A_470 = tpu.memref_squeeze %dma_start3A_469 : memref<1x1x80x32xf32, #tpu.memory_space<vmem>> -> memref<80x32xf32, #tpu.memory_space<vmem>>
      %dma_start3A_471 = arith.constant 0 : i32
      %dma_start3A_472 = tpu.memref_slice %arg8[%rem3A_349, %dma_start3A_466, %dma_start3A_471] : memref<3x5x80xi32, #tpu.memory_space<vmem>> -> memref<1x1x80xi32, #tpu.memory_space<vmem>>
      %dma_start3A_473 = tpu.memref_squeeze %dma_start3A_472 : memref<1x1x80xi32, #tpu.memory_space<vmem>> -> memref<80xi32, #tpu.memory_space<vmem>>
      %dma_start3A_474 = arith.constant 0 : i32
      %dma_start3A_475 = arith.constant 0 : i32
      %dma_start3A_476 = tpu.memref_slice %arg6[%dma_start3A_474, %dma_start3A_475] : memref<50000x32xf32, #tpu.memory_space<vmem_shared>> -> memref<50000x32xf32, #tpu.memory_space<vmem_shared>>
      tpu.enqueue_indirect_dma source(%dma_start3A_470 : memref<80x32xf32, #tpu.memory_space<vmem>>) target(%dma_start3A_476 : memref<50000x32xf32, #tpu.memory_space<vmem_shared>>) offsets(%dma_start3A_473 : memref<80xi32, #tpu.memory_space<vmem>>) semaphore(%arg11 : memref<!tpu.dma_semaphore, #tpu.memory_space<semaphore_mem>>) {add = true}
      %dma_wait3A_477 = arith.constant 4 : i32
      %dma_wait3A_478 = arith.constant 0 : i32
      %dma_wait3A_479 = arith.constant 0 : i32
      %dma_wait3A_480 = tpu.memref_slice %arg9[%rem3A_347, %dma_wait3A_477, %dma_wait3A_478, %dma_wait3A_479] : memref<2x5x80x32xf32, #tpu.memory_space<vmem>> -> memref<1x1x80x32xf32, #tpu.memory_space<vmem>>
      %dma_wait3A_481 = tpu.memref_squeeze %dma_wait3A_480 : memref<1x1x80x32xf32, #tpu.memory_space<vmem>> -> memref<80x32xf32, #tpu.memory_space<vmem>>
      %dma_wait3A_482 = arith.constant 0 : i32
      %dma_wait3A_483 = arith.constant 0 : i32
      %dma_wait3A_484 = tpu.memref_slice %arg2[%dma_wait3A_482, %dma_wait3A_483] : memref<102400x32xf32, #tpu.memory_space<hbm>> -> memref<80x32xf32, #tpu.memory_space<hbm>>
      %dma_wait3A_485 = arith.constant 0 : i32
      %dma_wait3A_486 = arith.constant 0 : i32
      %dma_wait3A_487 = tpu.memref_slice %arg9[%rem3A_347, %dma_wait3A_477, %dma_wait3A_485, %dma_wait3A_486] : memref<2x5x80x32xf32, #tpu.memory_space<vmem>> -> memref<1x1x80x32xf32, #tpu.memory_space<vmem>>
      %dma_wait3A_488 = tpu.memref_squeeze %dma_wait3A_487 : memref<1x1x80x32xf32, #tpu.memory_space<vmem>> -> memref<80x32xf32, #tpu.memory_space<vmem>>
      %dma_wait3A_489 = arith.constant 0 : i32
      %dma_wait3A_490 = arith.constant 0 : i32
      %dma_wait3A_491 = tpu.memref_slice %arg2[%dma_wait3A_489, %dma_wait3A_490] : memref<102400x32xf32, #tpu.memory_space<hbm>> -> memref<80x32xf32, #tpu.memory_space<hbm>>
      tpu.wait_dma2 semaphore(%arg10 : memref<!tpu.dma_semaphore, #tpu.memory_space<semaphore_mem>>) src(%dma_wait3A_491 : memref<80x32xf32, #tpu.memory_space<hbm>>) dst(%dma_wait3A_488 : memref<80x32xf32, #tpu.memory_space<vmem>>)
      %dma_start3A_492 = arith.constant 4 : i32
      %dma_start3A_493 = arith.constant 4 : i32
      %dma_start3A_494 = arith.constant 0 : i32
      %dma_start3A_495 = arith.constant 0 : i32
      %dma_start3A_496 = tpu.memref_slice %arg9[%rem3A_347, %dma_start3A_492, %dma_start3A_494, %dma_start3A_495] : memref<2x5x80x32xf32, #tpu.memory_space<vmem>> -> memref<1x1x80x32xf32, #tpu.memory_space<vmem>>
      %dma_start3A_497 = tpu.memref_squeeze %dma_start3A_496 : memref<1x1x80x32xf32, #tpu.memory_space<vmem>> -> memref<80x32xf32, #tpu.memory_space<vmem>>
      %dma_start3A_498 = arith.constant 0 : i32
      %dma_start3A_499 = tpu.memref_slice %arg8[%rem3A_349, %dma_start3A_493, %dma_start3A_498] : memref<3x5x80xi32, #tpu.memory_space<vmem>> -> memref<1x1x80xi32, #tpu.memory_space<vmem>>
      %dma_start3A_500 = tpu.memref_squeeze %dma_start3A_499 : memref<1x1x80xi32, #tpu.memory_space<vmem>> -> memref<80xi32, #tpu.memory_space<vmem>>
      %dma_start3A_501 = arith.constant 0 : i32
      %dma_start3A_502 = arith.constant 0 : i32
      %dma_start3A_503 = tpu.memref_slice %arg6[%dma_start3A_501, %dma_start3A_502] : memref<50000x32xf32, #tpu.memory_space<vmem_shared>> -> memref<50000x32xf32, #tpu.memory_space<vmem_shared>>
      tpu.enqueue_indirect_dma source(%dma_start3A_497 : memref<80x32xf32, #tpu.memory_space<vmem>>) target(%dma_start3A_503 : memref<50000x32xf32, #tpu.memory_space<vmem_shared>>) offsets(%dma_start3A_500 : memref<80xi32, #tpu.memory_space<vmem>>) semaphore(%arg11 : memref<!tpu.dma_semaphore, #tpu.memory_space<semaphore_mem>>) {add = true}
    }
    %scan3A_219 = arith.constant 125 : i32
    %dma_wait3A_220 = arith.constant 0 : i32
    %dma_wait3A_221 = arith.constant 0 : i32
    %dma_wait3A_222 = arith.constant 0 : i32
    %dma_wait3A_223 = arith.constant 0 : i32
    %dma_wait3A_224 = tpu.memref_slice %arg9[%dma_wait3A_220, %dma_wait3A_221, %dma_wait3A_222, %dma_wait3A_223] : memref<2x5x80x32xf32, #tpu.memory_space<vmem>> -> memref<1x1x80x32xf32, #tpu.memory_space<vmem>>
    %dma_wait3A_225 = tpu.memref_squeeze %dma_wait3A_224 : memref<1x1x80x32xf32, #tpu.memory_space<vmem>> -> memref<80x32xf32, #tpu.memory_space<vmem>>
    %dma_wait3A_226 = arith.constant 0 : i32
    %dma_wait3A_227 = arith.constant 0 : i32
    %dma_wait3A_228 = tpu.memref_slice %arg6[%dma_wait3A_226, %dma_wait3A_227] : memref<50000x32xf32, #tpu.memory_space<vmem_shared>> -> memref<80x32xf32, #tpu.memory_space<vmem_shared>>
    %dma_wait3A_229 = arith.constant 0 : i32
    %dma_wait3A_230 = arith.constant 0 : i32
    %dma_wait3A_231 = tpu.memref_slice %arg6[%dma_wait3A_229, %dma_wait3A_230] : memref<50000x32xf32, #tpu.memory_space<vmem_shared>> -> memref<80x32xf32, #tpu.memory_space<vmem_shared>>
    %dma_wait3A_232 = arith.constant 0 : i32
    %dma_wait3A_233 = arith.constant 0 : i32
    %dma_wait3A_234 = tpu.memref_slice %arg9[%dma_wait3A_220, %dma_wait3A_221, %dma_wait3A_232, %dma_wait3A_233] : memref<2x5x80x32xf32, #tpu.memory_space<vmem>> -> memref<1x1x80x32xf32, #tpu.memory_space<vmem>>
    %dma_wait3A_235 = tpu.memref_squeeze %dma_wait3A_234 : memref<1x1x80x32xf32, #tpu.memory_space<vmem>> -> memref<80x32xf32, #tpu.memory_space<vmem>>
    tpu.wait_dma2 semaphore(%arg11 : memref<!tpu.dma_semaphore, #tpu.memory_space<semaphore_mem>>) src(%dma_wait3A_235 : memref<80x32xf32, #tpu.memory_space<vmem>>) dst(%dma_wait3A_231 : memref<80x32xf32, #tpu.memory_space<vmem_shared>>)
    %dma_wait3A_236 = arith.constant 0 : i32
    %dma_wait3A_237 = arith.constant 1 : i32
    %dma_wait3A_238 = arith.constant 0 : i32
    %dma_wait3A_239 = arith.constant 0 : i32
    %dma_wait3A_240 = tpu.memref_slice %arg9[%dma_wait3A_236, %dma_wait3A_237, %dma_wait3A_238, %dma_wait3A_239] : memref<2x5x80x32xf32, #tpu.memory_space<vmem>> -> memref<1x1x80x32xf32, #tpu.memory_space<vmem>>
    %dma_wait3A_241 = tpu.memref_squeeze %dma_wait3A_240 : memref<1x1x80x32xf32, #tpu.memory_space<vmem>> -> memref<80x32xf32, #tpu.memory_space<vmem>>
    %dma_wait3A_242 = arith.constant 0 : i32
    %dma_wait3A_243 = arith.constant 0 : i32
    %dma_wait3A_244 = tpu.memref_slice %arg6[%dma_wait3A_242, %dma_wait3A_243] : memref<50000x32xf32, #tpu.memory_space<vmem_shared>> -> memref<80x32xf32, #tpu.memory_space<vmem_shared>>
    %dma_wait3A_245 = arith.constant 0 : i32
    %dma_wait3A_246 = arith.constant 0 : i32
    %dma_wait3A_247 = tpu.memref_slice %arg6[%dma_wait3A_245, %dma_wait3A_246] : memref<50000x32xf32, #tpu.memory_space<vmem_shared>> -> memref<80x32xf32, #tpu.memory_space<vmem_shared>>
    %dma_wait3A_248 = arith.constant 0 : i32
    %dma_wait3A_249 = arith.constant 0 : i32
    %dma_wait3A_250 = tpu.memref_slice %arg9[%dma_wait3A_236, %dma_wait3A_237, %dma_wait3A_248, %dma_wait3A_249] : memref<2x5x80x32xf32, #tpu.memory_space<vmem>> -> memref<1x1x80x32xf32, #tpu.memory_space<vmem>>
    %dma_wait3A_251 = tpu.memref_squeeze %dma_wait3A_250 : memref<1x1x80x32xf32, #tpu.memory_space<vmem>> -> memref<80x32xf32, #tpu.memory_space<vmem>>
    tpu.wait_dma2 semaphore(%arg11 : memref<!tpu.dma_semaphore, #tpu.memory_space<semaphore_mem>>) src(%dma_wait3A_251 : memref<80x32xf32, #tpu.memory_space<vmem>>) dst(%dma_wait3A_247 : memref<80x32xf32, #tpu.memory_space<vmem_shared>>)
    %dma_wait3A_252 = arith.constant 0 : i32
    %dma_wait3A_253 = arith.constant 2 : i32
    %dma_wait3A_254 = arith.constant 0 : i32
    %dma_wait3A_255 = arith.constant 0 : i32
    %dma_wait3A_256 = tpu.memref_slice %arg9[%dma_wait3A_252, %dma_wait3A_253, %dma_wait3A_254, %dma_wait3A_255] : memref<2x5x80x32xf32, #tpu.memory_space<vmem>> -> memref<1x1x80x32xf32, #tpu.memory_space<vmem>>
    %dma_wait3A_257 = tpu.memref_squeeze %dma_wait3A_256 : memref<1x1x80x32xf32, #tpu.memory_space<vmem>> -> memref<80x32xf32, #tpu.memory_space<vmem>>
    %dma_wait3A_258 = arith.constant 0 : i32
    %dma_wait3A_259 = arith.constant 0 : i32
    %dma_wait3A_260 = tpu.memref_slice %arg6[%dma_wait3A_258, %dma_wait3A_259] : memref<50000x32xf32, #tpu.memory_space<vmem_shared>> -> memref<80x32xf32, #tpu.memory_space<vmem_shared>>
    %dma_wait3A_261 = arith.constant 0 : i32
    %dma_wait3A_262 = arith.constant 0 : i32
    %dma_wait3A_263 = tpu.memref_slice %arg6[%dma_wait3A_261, %dma_wait3A_262] : memref<50000x32xf32, #tpu.memory_space<vmem_shared>> -> memref<80x32xf32, #tpu.memory_space<vmem_shared>>
    %dma_wait3A_264 = arith.constant 0 : i32
    %dma_wait3A_265 = arith.constant 0 : i32
    %dma_wait3A_266 = tpu.memref_slice %arg9[%dma_wait3A_252, %dma_wait3A_253, %dma_wait3A_264, %dma_wait3A_265] : memref<2x5x80x32xf32, #tpu.memory_space<vmem>> -> memref<1x1x80x32xf32, #tpu.memory_space<vmem>>
    %dma_wait3A_267 = tpu.memref_squeeze %dma_wait3A_266 : memref<1x1x80x32xf32, #tpu.memory_space<vmem>> -> memref<80x32xf32, #tpu.memory_space<vmem>>
    tpu.wait_dma2 semaphore(%arg11 : memref<!tpu.dma_semaphore, #tpu.memory_space<semaphore_mem>>) src(%dma_wait3A_267 : memref<80x32xf32, #tpu.memory_space<vmem>>) dst(%dma_wait3A_263 : memref<80x32xf32, #tpu.memory_space<vmem_shared>>)
    %dma_wait3A_268 = arith.constant 0 : i32
    %dma_wait3A_269 = arith.constant 3 : i32
    %dma_wait3A_270 = arith.constant 0 : i32
    %dma_wait3A_271 = arith.constant 0 : i32
    %dma_wait3A_272 = tpu.memref_slice %arg9[%dma_wait3A_268, %dma_wait3A_269, %dma_wait3A_270, %dma_wait3A_271] : memref<2x5x80x32xf32, #tpu.memory_space<vmem>> -> memref<1x1x80x32xf32, #tpu.memory_space<vmem>>
    %dma_wait3A_273 = tpu.memref_squeeze %dma_wait3A_272 : memref<1x1x80x32xf32, #tpu.memory_space<vmem>> -> memref<80x32xf32, #tpu.memory_space<vmem>>
    %dma_wait3A_274 = arith.constant 0 : i32
    %dma_wait3A_275 = arith.constant 0 : i32
    %dma_wait3A_276 = tpu.memref_slice %arg6[%dma_wait3A_274, %dma_wait3A_275] : memref<50000x32xf32, #tpu.memory_space<vmem_shared>> -> memref<80x32xf32, #tpu.memory_space<vmem_shared>>
    %dma_wait3A_277 = arith.constant 0 : i32
    %dma_wait3A_278 = arith.constant 0 : i32
    %dma_wait3A_279 = tpu.memref_slice %arg6[%dma_wait3A_277, %dma_wait3A_278] : memref<50000x32xf32, #tpu.memory_space<vmem_shared>> -> memref<80x32xf32, #tpu.memory_space<vmem_shared>>
    %dma_wait3A_280 = arith.constant 0 : i32
    %dma_wait3A_281 = arith.constant 0 : i32
    %dma_wait3A_282 = tpu.memref_slice %arg9[%dma_wait3A_268, %dma_wait3A_269, %dma_wait3A_280, %dma_wait3A_281] : memref<2x5x80x32xf32, #tpu.memory_space<vmem>> -> memref<1x1x80x32xf32, #tpu.memory_space<vmem>>
    %dma_wait3A_283 = tpu.memref_squeeze %dma_wait3A_282 : memref<1x1x80x32xf32, #tpu.memory_space<vmem>> -> memref<80x32xf32, #tpu.memory_space<vmem>>
    tpu.wait_dma2 semaphore(%arg11 : memref<!tpu.dma_semaphore, #tpu.memory_space<semaphore_mem>>) src(%dma_wait3A_283 : memref<80x32xf32, #tpu.memory_space<vmem>>) dst(%dma_wait3A_279 : memref<80x32xf32, #tpu.memory_space<vmem_shared>>)
    %dma_wait3A_284 = arith.constant 0 : i32
    %dma_wait3A_285 = arith.constant 4 : i32
    %dma_wait3A_286 = arith.constant 0 : i32
    %dma_wait3A_287 = arith.constant 0 : i32
    %dma_wait3A_288 = tpu.memref_slice %arg9[%dma_wait3A_284, %dma_wait3A_285, %dma_wait3A_286, %dma_wait3A_287] : memref<2x5x80x32xf32, #tpu.memory_space<vmem>> -> memref<1x1x80x32xf32, #tpu.memory_space<vmem>>
    %dma_wait3A_289 = tpu.memref_squeeze %dma_wait3A_288 : memref<1x1x80x32xf32, #tpu.memory_space<vmem>> -> memref<80x32xf32, #tpu.memory_space<vmem>>
    %dma_wait3A_290 = arith.constant 0 : i32
    %dma_wait3A_291 = arith.constant 0 : i32
    %dma_wait3A_292 = tpu.memref_slice %arg6[%dma_wait3A_290, %dma_wait3A_291] : memref<50000x32xf32, #tpu.memory_space<vmem_shared>> -> memref<80x32xf32, #tpu.memory_space<vmem_shared>>
    %dma_wait3A_293 = arith.constant 0 : i32
    %dma_wait3A_294 = arith.constant 0 : i32
    %dma_wait3A_295 = tpu.memref_slice %arg6[%dma_wait3A_293, %dma_wait3A_294] : memref<50000x32xf32, #tpu.memory_space<vmem_shared>> -> memref<80x32xf32, #tpu.memory_space<vmem_shared>>
    %dma_wait3A_296 = arith.constant 0 : i32
    %dma_wait3A_297 = arith.constant 0 : i32
    %dma_wait3A_298 = tpu.memref_slice %arg9[%dma_wait3A_284, %dma_wait3A_285, %dma_wait3A_296, %dma_wait3A_297] : memref<2x5x80x32xf32, #tpu.memory_space<vmem>> -> memref<1x1x80x32xf32, #tpu.memory_space<vmem>>
    %dma_wait3A_299 = tpu.memref_squeeze %dma_wait3A_298 : memref<1x1x80x32xf32, #tpu.memory_space<vmem>> -> memref<80x32xf32, #tpu.memory_space<vmem>>
    tpu.wait_dma2 semaphore(%arg11 : memref<!tpu.dma_semaphore, #tpu.memory_space<semaphore_mem>>) src(%dma_wait3A_299 : memref<80x32xf32, #tpu.memory_space<vmem>>) dst(%dma_wait3A_295 : memref<80x32xf32, #tpu.memory_space<vmem_shared>>)
    %barrier3A_300 = arith.constant 0 : index
    tpu.barrier barrier_id(%barrier3A_300)
    %mul3A_301 = arith.constant 3125 : i32
    %mul3A_302 = arith.muli %arg1, %mul3A_301 : i32
    %add3A_303 = arith.constant 0 : i32
    %add3A_304 = arith.addi %mul3A_302, %add3A_303 : i32
    %mul3A_305 = arith.constant 3125 : i32
    %mul3A_306 = arith.muli %arg1, %mul3A_305 : i32
    %add3A_307 = arith.addi %mul3A_0, %mul3A_306 : i32
    %add3A_308 = arith.constant 0 : i32
    %add3A_309 = arith.addi %add3A_307, %add3A_308 : i32
    "tpu.region"() ({
      %run_scoped3A = tpu.sem_alloc : memref<!tpu.dma_semaphore, #tpu.memory_space<semaphore_mem>>
      %dma_start3A_346 = arith.constant 0 : i32
      %dma_start3A_347 = tpu.memref_slice %arg5[%add3A_309, %dma_start3A_346] : memref<102400x32xf32, #tpu.memory_space<hbm>> -> memref<625x32xf32, #tpu.memory_space<hbm>>
      %dma_start3A_348 = arith.constant 0 : i32
      %dma_start3A_349 = tpu.memref_slice %arg6[%add3A_304, %dma_start3A_348] : memref<50000x32xf32, #tpu.memory_space<vmem_shared>> -> memref<625x32xf32, #tpu.memory_space<vmem_shared>>
      tpu.enqueue_dma source(%dma_start3A_349 : memref<625x32xf32, #tpu.memory_space<vmem_shared>>) target(%dma_start3A_347 : memref<625x32xf32, #tpu.memory_space<hbm>>) target_semaphore(%run_scoped3A : memref<!tpu.dma_semaphore, #tpu.memory_space<semaphore_mem>>)
      %dma_wait3A_350 = arith.constant 0 : i32
      %dma_wait3A_351 = tpu.memref_slice %arg5[%add3A_309, %dma_wait3A_350] : memref<102400x32xf32, #tpu.memory_space<hbm>> -> memref<625x32xf32, #tpu.memory_space<hbm>>
      %dma_wait3A_352 = arith.constant 0 : i32
      %dma_wait3A_353 = tpu.memref_slice %arg6[%add3A_304, %dma_wait3A_352] : memref<50000x32xf32, #tpu.memory_space<vmem_shared>> -> memref<625x32xf32, #tpu.memory_space<vmem_shared>>
      tpu.wait_dma2 semaphore(%run_scoped3A : memref<!tpu.dma_semaphore, #tpu.memory_space<semaphore_mem>>) src(%dma_wait3A_353 : memref<625x32xf32, #tpu.memory_space<vmem_shared>>) dst(%dma_wait3A_351 : memref<625x32xf32, #tpu.memory_space<hbm>>)
      tpu.yield
    }) : () -> ()
    %mul3A_310 = arith.constant 3125 : i32
    %mul3A_311 = arith.muli %arg1, %mul3A_310 : i32
    %add3A_312 = arith.constant 625 : i32
    %add3A_313 = arith.addi %mul3A_311, %add3A_312 : i32
    %mul3A_314 = arith.constant 3125 : i32
    %mul3A_315 = arith.muli %arg1, %mul3A_314 : i32
    %add3A_316 = arith.addi %mul3A_0, %mul3A_315 : i32
    %add3A_317 = arith.constant 625 : i32
    %add3A_318 = arith.addi %add3A_316, %add3A_317 : i32
    "tpu.region"() ({
      %run_scoped3A = tpu.sem_alloc : memref<!tpu.dma_semaphore, #tpu.memory_space<semaphore_mem>>
      %dma_start3A_346 = arith.constant 0 : i32
      %dma_start3A_347 = tpu.memref_slice %arg5[%add3A_318, %dma_start3A_346] : memref<102400x32xf32, #tpu.memory_space<hbm>> -> memref<625x32xf32, #tpu.memory_space<hbm>>
      %dma_start3A_348 = arith.constant 0 : i32
      %dma_start3A_349 = tpu.memref_slice %arg6[%add3A_313, %dma_start3A_348] : memref<50000x32xf32, #tpu.memory_space<vmem_shared>> -> memref<625x32xf32, #tpu.memory_space<vmem_shared>>
      tpu.enqueue_dma source(%dma_start3A_349 : memref<625x32xf32, #tpu.memory_space<vmem_shared>>) target(%dma_start3A_347 : memref<625x32xf32, #tpu.memory_space<hbm>>) target_semaphore(%run_scoped3A : memref<!tpu.dma_semaphore, #tpu.memory_space<semaphore_mem>>)
      %dma_wait3A_350 = arith.constant 0 : i32
      %dma_wait3A_351 = tpu.memref_slice %arg5[%add3A_318, %dma_wait3A_350] : memref<102400x32xf32, #tpu.memory_space<hbm>> -> memref<625x32xf32, #tpu.memory_space<hbm>>
      %dma_wait3A_352 = arith.constant 0 : i32
      %dma_wait3A_353 = tpu.memref_slice %arg6[%add3A_313, %dma_wait3A_352] : memref<50000x32xf32, #tpu.memory_space<vmem_shared>> -> memref<625x32xf32, #tpu.memory_space<vmem_shared>>
      tpu.wait_dma2 semaphore(%run_scoped3A : memref<!tpu.dma_semaphore, #tpu.memory_space<semaphore_mem>>) src(%dma_wait3A_353 : memref<625x32xf32, #tpu.memory_space<vmem_shared>>) dst(%dma_wait3A_351 : memref<625x32xf32, #tpu.memory_space<hbm>>)
      tpu.yield
    }) : () -> ()
    %mul3A_319 = arith.constant 3125 : i32
    %mul3A_320 = arith.muli %arg1, %mul3A_319 : i32
    %add3A_321 = arith.constant 1250 : i32
    %add3A_322 = arith.addi %mul3A_320, %add3A_321 : i32
    %mul3A_323 = arith.constant 3125 : i32
    %mul3A_324 = arith.muli %arg1, %mul3A_323 : i32
    %add3A_325 = arith.addi %mul3A_0, %mul3A_324 : i32
    %add3A_326 = arith.constant 1250 : i32
    %add3A_327 = arith.addi %add3A_325, %add3A_326 : i32
    "tpu.region"() ({
      %run_scoped3A = tpu.sem_alloc : memref<!tpu.dma_semaphore, #tpu.memory_space<semaphore_mem>>
      %dma_start3A_346 = arith.constant 0 : i32
      %dma_start3A_347 = tpu.memref_slice %arg5[%add3A_327, %dma_start3A_346] : memref<102400x32xf32, #tpu.memory_space<hbm>> -> memref<625x32xf32, #tpu.memory_space<hbm>>
      %dma_start3A_348 = arith.constant 0 : i32
      %dma_start3A_349 = tpu.memref_slice %arg6[%add3A_322, %dma_start3A_348] : memref<50000x32xf32, #tpu.memory_space<vmem_shared>> -> memref<625x32xf32, #tpu.memory_space<vmem_shared>>
      tpu.enqueue_dma source(%dma_start3A_349 : memref<625x32xf32, #tpu.memory_space<vmem_shared>>) target(%dma_start3A_347 : memref<625x32xf32, #tpu.memory_space<hbm>>) target_semaphore(%run_scoped3A : memref<!tpu.dma_semaphore, #tpu.memory_space<semaphore_mem>>)
      %dma_wait3A_350 = arith.constant 0 : i32
      %dma_wait3A_351 = tpu.memref_slice %arg5[%add3A_327, %dma_wait3A_350] : memref<102400x32xf32, #tpu.memory_space<hbm>> -> memref<625x32xf32, #tpu.memory_space<hbm>>
      %dma_wait3A_352 = arith.constant 0 : i32
      %dma_wait3A_353 = tpu.memref_slice %arg6[%add3A_322, %dma_wait3A_352] : memref<50000x32xf32, #tpu.memory_space<vmem_shared>> -> memref<625x32xf32, #tpu.memory_space<vmem_shared>>
      tpu.wait_dma2 semaphore(%run_scoped3A : memref<!tpu.dma_semaphore, #tpu.memory_space<semaphore_mem>>) src(%dma_wait3A_353 : memref<625x32xf32, #tpu.memory_space<vmem_shared>>) dst(%dma_wait3A_351 : memref<625x32xf32, #tpu.memory_space<hbm>>)
      tpu.yield
    }) : () -> ()
    %mul3A_328 = arith.constant 3125 : i32
    %mul3A_329 = arith.muli %arg1, %mul3A_328 : i32
    %add3A_330 = arith.constant 1875 : i32
    %add3A_331 = arith.addi %mul3A_329, %add3A_330 : i32
    %mul3A_332 = arith.constant 3125 : i32
    %mul3A_333 = arith.muli %arg1, %mul3A_332 : i32
    %add3A_334 = arith.addi %mul3A_0, %mul3A_333 : i32
    %add3A_335 = arith.constant 1875 : i32
    %add3A_336 = arith.addi %add3A_334, %add3A_335 : i32
    "tpu.region"() ({
      %run_scoped3A = tpu.sem_alloc : memref<!tpu.dma_semaphore, #tpu.memory_space<semaphore_mem>>
      %dma_start3A_346 = arith.constant 0 : i32
      %dma_start3A_347 = tpu.memref_slice %arg5[%add3A_336, %dma_start3A_346] : memref<102400x32xf32, #tpu.memory_space<hbm>> -> memref<625x32xf32, #tpu.memory_space<hbm>>
      %dma_start3A_348 = arith.constant 0 : i32
      %dma_start3A_349 = tpu.memref_slice %arg6[%add3A_331, %dma_start3A_348] : memref<50000x32xf32, #tpu.memory_space<vmem_shared>> -> memref<625x32xf32, #tpu.memory_space<vmem_shared>>
      tpu.enqueue_dma source(%dma_start3A_349 : memref<625x32xf32, #tpu.memory_space<vmem_shared>>) target(%dma_start3A_347 : memref<625x32xf32, #tpu.memory_space<hbm>>) target_semaphore(%run_scoped3A : memref<!tpu.dma_semaphore, #tpu.memory_space<semaphore_mem>>)
      %dma_wait3A_350 = arith.constant 0 : i32
      %dma_wait3A_351 = tpu.memref_slice %arg5[%add3A_336, %dma_wait3A_350] : memref<102400x32xf32, #tpu.memory_space<hbm>> -> memref<625x32xf32, #tpu.memory_space<hbm>>
      %dma_wait3A_352 = arith.constant 0 : i32
      %dma_wait3A_353 = tpu.memref_slice %arg6[%add3A_331, %dma_wait3A_352] : memref<50000x32xf32, #tpu.memory_space<vmem_shared>> -> memref<625x32xf32, #tpu.memory_space<vmem_shared>>
      tpu.wait_dma2 semaphore(%run_scoped3A : memref<!tpu.dma_semaphore, #tpu.memory_space<semaphore_mem>>) src(%dma_wait3A_353 : memref<625x32xf32, #tpu.memory_space<vmem_shared>>) dst(%dma_wait3A_351 : memref<625x32xf32, #tpu.memory_space<hbm>>)
      tpu.yield
    }) : () -> ()
    %mul3A_337 = arith.constant 3125 : i32
    %mul3A_338 = arith.muli %arg1, %mul3A_337 : i32
    %add3A_339 = arith.constant 2500 : i32
    %add3A_340 = arith.addi %mul3A_338, %add3A_339 : i32
    %mul3A_341 = arith.constant 3125 : i32
    %mul3A_342 = arith.muli %arg1, %mul3A_341 : i32
    %add3A_343 = arith.addi %mul3A_0, %mul3A_342 : i32
    %add3A_344 = arith.constant 2500 : i32
    %add3A_345 = arith.addi %add3A_343, %add3A_344 : i32
    "tpu.region"() ({
      %run_scoped3A = tpu.sem_alloc : memref<!tpu.dma_semaphore, #tpu.memory_space<semaphore_mem>>
      %dma_start3A_346 = arith.constant 0 : i32
      %dma_start3A_347 = tpu.memref_slice %arg5[%add3A_345, %dma_start3A_346] : memref<102400x32xf32, #tpu.memory_space<hbm>> -> memref<625x32xf32, #tpu.memory_space<hbm>>
      %dma_start3A_348 = arith.constant 0 : i32
      %dma_start3A_349 = tpu.memref_slice %arg6[%add3A_340, %dma_start3A_348] : memref<50000x32xf32, #tpu.memory_space<vmem_shared>> -> memref<625x32xf32, #tpu.memory_space<vmem_shared>>
      tpu.enqueue_dma source(%dma_start3A_349 : memref<625x32xf32, #tpu.memory_space<vmem_shared>>) target(%dma_start3A_347 : memref<625x32xf32, #tpu.memory_space<hbm>>) target_semaphore(%run_scoped3A : memref<!tpu.dma_semaphore, #tpu.memory_space<semaphore_mem>>)
      %dma_wait3A_350 = arith.constant 0 : i32
      %dma_wait3A_351 = tpu.memref_slice %arg5[%add3A_345, %dma_wait3A_350] : memref<102400x32xf32, #tpu.memory_space<hbm>> -> memref<625x32xf32, #tpu.memory_space<hbm>>
      %dma_wait3A_352 = arith.constant 0 : i32
      %dma_wait3A_353 = tpu.memref_slice %arg6[%add3A_340, %dma_wait3A_352] : memref<50000x32xf32, #tpu.memory_space<vmem_shared>> -> memref<625x32xf32, #tpu.memory_space<vmem_shared>>
      tpu.wait_dma2 semaphore(%run_scoped3A : memref<!tpu.dma_semaphore, #tpu.memory_space<semaphore_mem>>) src(%dma_wait3A_353 : memref<625x32xf32, #tpu.memory_space<vmem_shared>>) dst(%dma_wait3A_351 : memref<625x32xf32, #tpu.memory_space<hbm>>)
      tpu.yield
    }) : () -> ()
    return
  }
}

#map = affine_map<(d0, d1) -> (0, 0)>
module attributes {stable_mosaic.version = 14 : i64} {
  func.func @_agg_body(%arg0: i32, %arg1: i32, %arg2: memref<102400x32xf32, #tpu.memory_space<hbm>>, %arg3: memref<10000x80xi32, #tpu.memory_space<hbm>>, %arg4: memref<10000x80xi32, #tpu.memory_space<hbm>>, %arg5: memref<102400x32xf32, #tpu.memory_space<hbm>>, %arg6: memref<50000x32xf32, #tpu.memory_space<vmem_shared>>, %arg7: memref<3x5x80xi32, #tpu.memory_space<vmem>>, %arg8: memref<3x5x80xi32, #tpu.memory_space<vmem>>, %arg9: memref<2x5x80x32xf32, #tpu.memory_space<vmem>>, %arg10: memref<!tpu.dma_semaphore, #tpu.memory_space<semaphore_mem>>, %arg11: memref<!tpu.dma_semaphore, #tpu.memory_space<semaphore_mem>>, %arg12: memref<!tpu.dma_semaphore, #tpu.memory_space<semaphore_mem>>) attributes {dimension_semantics = [#tpu.dimension_semantics<core_parallel>, #tpu.dimension_semantics<subcore_parallel>], iteration_bounds = array<i64: 2, 16>, scalar_prefetch = 0 : i64, scratch_operands = 7 : i64, tpu.core_type = #tpu.core_type<sc_vector_subcore>, window_params = [{transform_indices = #map}, {transform_indices = #map}, {transform_indices = #map}, {transform_indices = #map}]} {
    %mul3A = arith.constant 51200 : i32
    %mul3A_0 = arith.muli %arg0, %mul3A : i32
    %mul3A_1 = arith.constant 3125 : i32
    %mul3A_2 = arith.muli %arg1, %mul3A_1 : i32
    %add3A = arith.addi %mul3A_0, %mul3A_2 : i32
    %add3A_3 = arith.constant 0 : i32
    %add3A_4 = arith.addi %add3A, %add3A_3 : i32
    %mul3A_5 = arith.constant 3125 : i32
    %mul3A_6 = arith.muli %arg1, %mul3A_5 : i32
    %add3A_7 = arith.constant 0 : i32
    %add3A_8 = arith.addi %mul3A_6, %add3A_7 : i32
    "tpu.region"() ({
      %run_scoped3A = tpu.sem_alloc : memref<!tpu.dma_semaphore, #tpu.memory_space<semaphore_mem>>
      %dma_start3A_346 = arith.constant 0 : i32
      %dma_start3A_347 = tpu.memref_slice %arg6[%add3A_8, %dma_start3A_346] : memref<50000x32xf32, #tpu.memory_space<vmem_shared>> -> memref<625x32xf32, #tpu.memory_space<vmem_shared>>
      %dma_start3A_348 = arith.constant 0 : i32
      %dma_start3A_349 = tpu.memref_slice %arg2[%add3A_4, %dma_start3A_348] : memref<102400x32xf32, #tpu.memory_space<hbm>> -> memref<625x32xf32, #tpu.memory_space<hbm>>
      tpu.enqueue_dma source(%dma_start3A_349 : memref<625x32xf32, #tpu.memory_space<hbm>>) target(%dma_start3A_347 : memref<625x32xf32, #tpu.memory_space<vmem_shared>>) target_semaphore(%run_scoped3A : memref<!tpu.dma_semaphore, #tpu.memory_space<semaphore_mem>>)
      %dma_wait3A_350 = arith.constant 0 : i32
      %dma_wait3A_351 = tpu.memref_slice %arg6[%add3A_8, %dma_wait3A_350] : memref<50000x32xf32, #tpu.memory_space<vmem_shared>> -> memref<625x32xf32, #tpu.memory_space<vmem_shared>>
      %dma_wait3A_352 = arith.constant 0 : i32
      %dma_wait3A_353 = tpu.memref_slice %arg2[%add3A_4, %dma_wait3A_352] : memref<102400x32xf32, #tpu.memory_space<hbm>> -> memref<625x32xf32, #tpu.memory_space<hbm>>
      tpu.wait_dma2 semaphore(%run_scoped3A : memref<!tpu.dma_semaphore, #tpu.memory_space<semaphore_mem>>) src(%dma_wait3A_353 : memref<625x32xf32, #tpu.memory_space<hbm>>) dst(%dma_wait3A_351 : memref<625x32xf32, #tpu.memory_space<vmem_shared>>)
      tpu.yield
    }) : () -> ()
    %mul3A_9 = arith.constant 3125 : i32
    %mul3A_10 = arith.muli %arg1, %mul3A_9 : i32
    %add3A_11 = arith.addi %mul3A_0, %mul3A_10 : i32
    %add3A_12 = arith.constant 625 : i32
    %add3A_13 = arith.addi %add3A_11, %add3A_12 : i32
    %mul3A_14 = arith.constant 3125 : i32
    %mul3A_15 = arith.muli %arg1, %mul3A_14 : i32
    %add3A_16 = arith.constant 625 : i32
    %add3A_17 = arith.addi %mul3A_15, %add3A_16 : i32
    "tpu.region"() ({
      %run_scoped3A = tpu.sem_alloc : memref<!tpu.dma_semaphore, #tpu.memory_space<semaphore_mem>>
      %dma_start3A_346 = arith.constant 0 : i32
      %dma_start3A_347 = tpu.memref_slice %arg6[%add3A_17, %dma_start3A_346] : memref<50000x32xf32, #tpu.memory_space<vmem_shared>> -> memref<625x32xf32, #tpu.memory_space<vmem_shared>>
      %dma_start3A_348 = arith.constant 0 : i32
      %dma_start3A_349 = tpu.memref_slice %arg2[%add3A_13, %dma_start3A_348] : memref<102400x32xf32, #tpu.memory_space<hbm>> -> memref<625x32xf32, #tpu.memory_space<hbm>>
      tpu.enqueue_dma source(%dma_start3A_349 : memref<625x32xf32, #tpu.memory_space<hbm>>) target(%dma_start3A_347 : memref<625x32xf32, #tpu.memory_space<vmem_shared>>) target_semaphore(%run_scoped3A : memref<!tpu.dma_semaphore, #tpu.memory_space<semaphore_mem>>)
      %dma_wait3A_350 = arith.constant 0 : i32
      %dma_wait3A_351 = tpu.memref_slice %arg6[%add3A_17, %dma_wait3A_350] : memref<50000x32xf32, #tpu.memory_space<vmem_shared>> -> memref<625x32xf32, #tpu.memory_space<vmem_shared>>
      %dma_wait3A_352 = arith.constant 0 : i32
      %dma_wait3A_353 = tpu.memref_slice %arg2[%add3A_13, %dma_wait3A_352] : memref<102400x32xf32, #tpu.memory_space<hbm>> -> memref<625x32xf32, #tpu.memory_space<hbm>>
      tpu.wait_dma2 semaphore(%run_scoped3A : memref<!tpu.dma_semaphore, #tpu.memory_space<semaphore_mem>>) src(%dma_wait3A_353 : memref<625x32xf32, #tpu.memory_space<hbm>>) dst(%dma_wait3A_351 : memref<625x32xf32, #tpu.memory_space<vmem_shared>>)
      tpu.yield
    }) : () -> ()
    %mul3A_18 = arith.constant 3125 : i32
    %mul3A_19 = arith.muli %arg1, %mul3A_18 : i32
    %add3A_20 = arith.addi %mul3A_0, %mul3A_19 : i32
    %add3A_21 = arith.constant 1250 : i32
    %add3A_22 = arith.addi %add3A_20, %add3A_21 : i32
    %mul3A_23 = arith.constant 3125 : i32
    %mul3A_24 = arith.muli %arg1, %mul3A_23 : i32
    %add3A_25 = arith.constant 1250 : i32
    %add3A_26 = arith.addi %mul3A_24, %add3A_25 : i32
    "tpu.region"() ({
      %run_scoped3A = tpu.sem_alloc : memref<!tpu.dma_semaphore, #tpu.memory_space<semaphore_mem>>
      %dma_start3A_346 = arith.constant 0 : i32
      %dma_start3A_347 = tpu.memref_slice %arg6[%add3A_26, %dma_start3A_346] : memref<50000x32xf32, #tpu.memory_space<vmem_shared>> -> memref<625x32xf32, #tpu.memory_space<vmem_shared>>
      %dma_start3A_348 = arith.constant 0 : i32
      %dma_start3A_349 = tpu.memref_slice %arg2[%add3A_22, %dma_start3A_348] : memref<102400x32xf32, #tpu.memory_space<hbm>> -> memref<625x32xf32, #tpu.memory_space<hbm>>
      tpu.enqueue_dma source(%dma_start3A_349 : memref<625x32xf32, #tpu.memory_space<hbm>>) target(%dma_start3A_347 : memref<625x32xf32, #tpu.memory_space<vmem_shared>>) target_semaphore(%run_scoped3A : memref<!tpu.dma_semaphore, #tpu.memory_space<semaphore_mem>>)
      %dma_wait3A_350 = arith.constant 0 : i32
      %dma_wait3A_351 = tpu.memref_slice %arg6[%add3A_26, %dma_wait3A_350] : memref<50000x32xf32, #tpu.memory_space<vmem_shared>> -> memref<625x32xf32, #tpu.memory_space<vmem_shared>>
      %dma_wait3A_352 = arith.constant 0 : i32
      %dma_wait3A_353 = tpu.memref_slice %arg2[%add3A_22, %dma_wait3A_352] : memref<102400x32xf32, #tpu.memory_space<hbm>> -> memref<625x32xf32, #tpu.memory_space<hbm>>
      tpu.wait_dma2 semaphore(%run_scoped3A : memref<!tpu.dma_semaphore, #tpu.memory_space<semaphore_mem>>) src(%dma_wait3A_353 : memref<625x32xf32, #tpu.memory_space<hbm>>) dst(%dma_wait3A_351 : memref<625x32xf32, #tpu.memory_space<vmem_shared>>)
      tpu.yield
    }) : () -> ()
    %mul3A_27 = arith.constant 3125 : i32
    %mul3A_28 = arith.muli %arg1, %mul3A_27 : i32
    %add3A_29 = arith.addi %mul3A_0, %mul3A_28 : i32
    %add3A_30 = arith.constant 1875 : i32
    %add3A_31 = arith.addi %add3A_29, %add3A_30 : i32
    %mul3A_32 = arith.constant 3125 : i32
    %mul3A_33 = arith.muli %arg1, %mul3A_32 : i32
    %add3A_34 = arith.constant 1875 : i32
    %add3A_35 = arith.addi %mul3A_33, %add3A_34 : i32
    "tpu.region"() ({
      %run_scoped3A = tpu.sem_alloc : memref<!tpu.dma_semaphore, #tpu.memory_space<semaphore_mem>>
      %dma_start3A_346 = arith.constant 0 : i32
      %dma_start3A_347 = tpu.memref_slice %arg6[%add3A_35, %dma_start3A_346] : memref<50000x32xf32, #tpu.memory_space<vmem_shared>> -> memref<625x32xf32, #tpu.memory_space<vmem_shared>>
      %dma_start3A_348 = arith.constant 0 : i32
      %dma_start3A_349 = tpu.memref_slice %arg2[%add3A_31, %dma_start3A_348] : memref<102400x32xf32, #tpu.memory_space<hbm>> -> memref<625x32xf32, #tpu.memory_space<hbm>>
      tpu.enqueue_dma source(%dma_start3A_349 : memref<625x32xf32, #tpu.memory_space<hbm>>) target(%dma_start3A_347 : memref<625x32xf32, #tpu.memory_space<vmem_shared>>) target_semaphore(%run_scoped3A : memref<!tpu.dma_semaphore, #tpu.memory_space<semaphore_mem>>)
      %dma_wait3A_350 = arith.constant 0 : i32
      %dma_wait3A_351 = tpu.memref_slice %arg6[%add3A_35, %dma_wait3A_350] : memref<50000x32xf32, #tpu.memory_space<vmem_shared>> -> memref<625x32xf32, #tpu.memory_space<vmem_shared>>
      %dma_wait3A_352 = arith.constant 0 : i32
      %dma_wait3A_353 = tpu.memref_slice %arg2[%add3A_31, %dma_wait3A_352] : memref<102400x32xf32, #tpu.memory_space<hbm>> -> memref<625x32xf32, #tpu.memory_space<hbm>>
      tpu.wait_dma2 semaphore(%run_scoped3A : memref<!tpu.dma_semaphore, #tpu.memory_space<semaphore_mem>>) src(%dma_wait3A_353 : memref<625x32xf32, #tpu.memory_space<hbm>>) dst(%dma_wait3A_351 : memref<625x32xf32, #tpu.memory_space<vmem_shared>>)
      tpu.yield
    }) : () -> ()
    %mul3A_36 = arith.constant 3125 : i32
    %mul3A_37 = arith.muli %arg1, %mul3A_36 : i32
    %add3A_38 = arith.addi %mul3A_0, %mul3A_37 : i32
    %add3A_39 = arith.constant 2500 : i32
    %add3A_40 = arith.addi %add3A_38, %add3A_39 : i32
    %mul3A_41 = arith.constant 3125 : i32
    %mul3A_42 = arith.muli %arg1, %mul3A_41 : i32
    %add3A_43 = arith.constant 2500 : i32
    %add3A_44 = arith.addi %mul3A_42, %add3A_43 : i32
    "tpu.region"() ({
      %run_scoped3A = tpu.sem_alloc : memref<!tpu.dma_semaphore, #tpu.memory_space<semaphore_mem>>
      %dma_start3A_346 = arith.constant 0 : i32
      %dma_start3A_347 = tpu.memref_slice %arg6[%add3A_44, %dma_start3A_346] : memref<50000x32xf32, #tpu.memory_space<vmem_shared>> -> memref<625x32xf32, #tpu.memory_space<vmem_shared>>
      %dma_start3A_348 = arith.constant 0 : i32
      %dma_start3A_349 = tpu.memref_slice %arg2[%add3A_40, %dma_start3A_348] : memref<102400x32xf32, #tpu.memory_space<hbm>> -> memref<625x32xf32, #tpu.memory_space<hbm>>
      tpu.enqueue_dma source(%dma_start3A_349 : memref<625x32xf32, #tpu.memory_space<hbm>>) target(%dma_start3A_347 : memref<625x32xf32, #tpu.memory_space<vmem_shared>>) target_semaphore(%run_scoped3A : memref<!tpu.dma_semaphore, #tpu.memory_space<semaphore_mem>>)
      %dma_wait3A_350 = arith.constant 0 : i32
      %dma_wait3A_351 = tpu.memref_slice %arg6[%add3A_44, %dma_wait3A_350] : memref<50000x32xf32, #tpu.memory_space<vmem_shared>> -> memref<625x32xf32, #tpu.memory_space<vmem_shared>>
      %dma_wait3A_352 = arith.constant 0 : i32
      %dma_wait3A_353 = tpu.memref_slice %arg2[%add3A_40, %dma_wait3A_352] : memref<102400x32xf32, #tpu.memory_space<hbm>> -> memref<625x32xf32, #tpu.memory_space<hbm>>
      tpu.wait_dma2 semaphore(%run_scoped3A : memref<!tpu.dma_semaphore, #tpu.memory_space<semaphore_mem>>) src(%dma_wait3A_353 : memref<625x32xf32, #tpu.memory_space<hbm>>) dst(%dma_wait3A_351 : memref<625x32xf32, #tpu.memory_space<vmem_shared>>)
      tpu.yield
    }) : () -> ()
    %barrier3A = arith.constant 0 : index
    tpu.barrier barrier_id(%barrier3A)
    %mul3A_45 = arith.constant 625 : i32
    %mul3A_46 = arith.muli %arg1, %mul3A_45 : i32
    %add3A_47 = arith.constant 0 : i32
    %add3A_48 = arith.addi %mul3A_46, %add3A_47 : i32
    %dma_start3A = arith.constant 0 : i32
    %dma_start3A_49 = arith.constant 0 : i32
    %dma_start3A_50 = arith.constant 0 : i32
    %dma_start3A_51 = tpu.memref_slice %arg7[%dma_start3A, %dma_start3A_49, %dma_start3A_50] : memref<3x5x80xi32, #tpu.memory_space<vmem>> -> memref<1x5x80xi32, #tpu.memory_space<vmem>>
    %dma_start3A_52 = tpu.memref_squeeze %dma_start3A_51 : memref<1x5x80xi32, #tpu.memory_space<vmem>> -> memref<5x80xi32, #tpu.memory_space<vmem>>
    %dma_start3A_53 = arith.constant 0 : i32
    %dma_start3A_54 = tpu.memref_slice %arg3[%add3A_48, %dma_start3A_53] : memref<10000x80xi32, #tpu.memory_space<hbm>> -> memref<5x80xi32, #tpu.memory_space<hbm>>
    %dma_start3A_55 = arith.constant 0 : i32
    %dma_start3A_56 = arith.constant 0 : i32
    %dma_start3A_57 = tpu.memref_slice %arg7[%dma_start3A, %dma_start3A_55, %dma_start3A_56] : memref<3x5x80xi32, #tpu.memory_space<vmem>> -> memref<1x5x80xi32, #tpu.memory_space<vmem>>
    %dma_start3A_58 = tpu.memref_squeeze %dma_start3A_57 : memref<1x5x80xi32, #tpu.memory_space<vmem>> -> memref<5x80xi32, #tpu.memory_space<vmem>>
    %dma_start3A_59 = arith.constant 0 : i32
    %dma_start3A_60 = tpu.memref_slice %arg3[%add3A_48, %dma_start3A_59] : memref<10000x80xi32, #tpu.memory_space<hbm>> -> memref<5x80xi32, #tpu.memory_space<hbm>>
    tpu.enqueue_dma source(%dma_start3A_60 : memref<5x80xi32, #tpu.memory_space<hbm>>) target(%dma_start3A_58 : memref<5x80xi32, #tpu.memory_space<vmem>>) target_semaphore(%arg12 : memref<!tpu.dma_semaphore, #tpu.memory_space<semaphore_mem>>)
    %add3A_61 = arith.constant 0 : i32
    %add3A_62 = arith.addi %mul3A_46, %add3A_61 : i32
    %dma_start3A_63 = arith.constant 0 : i32
    %dma_start3A_64 = arith.constant 0 : i32
    %dma_start3A_65 = arith.constant 0 : i32
    %dma_start3A_66 = tpu.memref_slice %arg8[%dma_start3A_63, %dma_start3A_64, %dma_start3A_65] : memref<3x5x80xi32, #tpu.memory_space<vmem>> -> memref<1x5x80xi32, #tpu.memory_space<vmem>>
    %dma_start3A_67 = tpu.memref_squeeze %dma_start3A_66 : memref<1x5x80xi32, #tpu.memory_space<vmem>> -> memref<5x80xi32, #tpu.memory_space<vmem>>
    %dma_start3A_68 = arith.constant 0 : i32
    %dma_start3A_69 = tpu.memref_slice %arg4[%add3A_62, %dma_start3A_68] : memref<10000x80xi32, #tpu.memory_space<hbm>> -> memref<5x80xi32, #tpu.memory_space<hbm>>
    %dma_start3A_70 = arith.constant 0 : i32
    %dma_start3A_71 = arith.constant 0 : i32
    %dma_start3A_72 = tpu.memref_slice %arg8[%dma_start3A_63, %dma_start3A_70, %dma_start3A_71] : memref<3x5x80xi32, #tpu.memory_space<vmem>> -> memref<1x5x80xi32, #tpu.memory_space<vmem>>
    %dma_start3A_73 = tpu.memref_squeeze %dma_start3A_72 : memref<1x5x80xi32, #tpu.memory_space<vmem>> -> memref<5x80xi32, #tpu.memory_space<vmem>>
    %dma_start3A_74 = arith.constant 0 : i32
    %dma_start3A_75 = tpu.memref_slice %arg4[%add3A_62, %dma_start3A_74] : memref<10000x80xi32, #tpu.memory_space<hbm>> -> memref<5x80xi32, #tpu.memory_space<hbm>>
    tpu.enqueue_dma source(%dma_start3A_75 : memref<5x80xi32, #tpu.memory_space<hbm>>) target(%dma_start3A_73 : memref<5x80xi32, #tpu.memory_space<vmem>>) target_semaphore(%arg12 : memref<!tpu.dma_semaphore, #tpu.memory_space<semaphore_mem>>)
    %dma_wait3A = arith.constant 0 : i32
    %dma_wait3A_76 = arith.constant 0 : i32
    %dma_wait3A_77 = arith.constant 0 : i32
    %dma_wait3A_78 = tpu.memref_slice %arg7[%dma_wait3A, %dma_wait3A_76, %dma_wait3A_77] : memref<3x5x80xi32, #tpu.memory_space<vmem>> -> memref<1x5x80xi32, #tpu.memory_space<vmem>>
    %dma_wait3A_79 = tpu.memref_squeeze %dma_wait3A_78 : memref<1x5x80xi32, #tpu.memory_space<vmem>> -> memref<5x80xi32, #tpu.memory_space<vmem>>
    %dma_wait3A_80 = arith.constant 0 : i32
    %dma_wait3A_81 = arith.constant 0 : i32
    %dma_wait3A_82 = tpu.memref_slice %arg3[%dma_wait3A_80, %dma_wait3A_81] : memref<10000x80xi32, #tpu.memory_space<hbm>> -> memref<5x80xi32, #tpu.memory_space<hbm>>
    %dma_wait3A_83 = arith.constant 0 : i32
    %dma_wait3A_84 = arith.constant 0 : i32
    %dma_wait3A_85 = tpu.memref_slice %arg7[%dma_wait3A, %dma_wait3A_83, %dma_wait3A_84] : memref<3x5x80xi32, #tpu.memory_space<vmem>> -> memref<1x5x80xi32, #tpu.memory_space<vmem>>
    %dma_wait3A_86 = tpu.memref_squeeze %dma_wait3A_85 : memref<1x5x80xi32, #tpu.memory_space<vmem>> -> memref<5x80xi32, #tpu.memory_space<vmem>>
    %dma_wait3A_87 = arith.constant 0 : i32
    %dma_wait3A_88 = arith.constant 0 : i32
    %dma_wait3A_89 = tpu.memref_slice %arg3[%dma_wait3A_87, %dma_wait3A_88] : memref<10000x80xi32, #tpu.memory_space<hbm>> -> memref<5x80xi32, #tpu.memory_space<hbm>>
    tpu.wait_dma2 semaphore(%arg12 : memref<!tpu.dma_semaphore, #tpu.memory_space<semaphore_mem>>) src(%dma_wait3A_89 : memref<5x80xi32, #tpu.memory_space<hbm>>) dst(%dma_wait3A_86 : memref<5x80xi32, #tpu.memory_space<vmem>>)
    %dma_wait3A_90 = arith.constant 0 : i32
    %dma_wait3A_91 = arith.constant 0 : i32
    %dma_wait3A_92 = arith.constant 0 : i32
    %dma_wait3A_93 = tpu.memref_slice %arg8[%dma_wait3A_90, %dma_wait3A_91, %dma_wait3A_92] : memref<3x5x80xi32, #tpu.memory_space<vmem>> -> memref<1x5x80xi32, #tpu.memory_space<vmem>>
    %dma_wait3A_94 = tpu.memref_squeeze %dma_wait3A_93 : memref<1x5x80xi32, #tpu.memory_space<vmem>> -> memref<5x80xi32, #tpu.memory_space<vmem>>
    %dma_wait3A_95 = arith.constant 0 : i32
    %dma_wait3A_96 = arith.constant 0 : i32
    %dma_wait3A_97 = tpu.memref_slice %arg3[%dma_wait3A_95, %dma_wait3A_96] : memref<10000x80xi32, #tpu.memory_space<hbm>> -> memref<5x80xi32, #tpu.memory_space<hbm>>
    %dma_wait3A_98 = arith.constant 0 : i32
    %dma_wait3A_99 = arith.constant 0 : i32
    %dma_wait3A_100 = tpu.memref_slice %arg8[%dma_wait3A_90, %dma_wait3A_98, %dma_wait3A_99] : memref<3x5x80xi32, #tpu.memory_space<vmem>> -> memref<1x5x80xi32, #tpu.memory_space<vmem>>
    %dma_wait3A_101 = tpu.memref_squeeze %dma_wait3A_100 : memref<1x5x80xi32, #tpu.memory_space<vmem>> -> memref<5x80xi32, #tpu.memory_space<vmem>>
    %dma_wait3A_102 = arith.constant 0 : i32
    %dma_wait3A_103 = arith.constant 0 : i32
    %dma_wait3A_104 = tpu.memref_slice %arg3[%dma_wait3A_102, %dma_wait3A_103] : memref<10000x80xi32, #tpu.memory_space<hbm>> -> memref<5x80xi32, #tpu.memory_space<hbm>>
    tpu.wait_dma2 semaphore(%arg12 : memref<!tpu.dma_semaphore, #tpu.memory_space<semaphore_mem>>) src(%dma_wait3A_104 : memref<5x80xi32, #tpu.memory_space<hbm>>) dst(%dma_wait3A_101 : memref<5x80xi32, #tpu.memory_space<vmem>>)
    %dma_start3A_105 = arith.constant 0 : i32
    %dma_start3A_106 = arith.constant 0 : i32
    %dma_start3A_107 = arith.constant 0 : i32
    %dma_start3A_108 = arith.constant 0 : i32
    %dma_start3A_109 = arith.constant 0 : i32
    %dma_start3A_110 = arith.constant 0 : i32
    %dma_start3A_111 = tpu.memref_slice %arg9[%dma_start3A_107, %dma_start3A_108, %dma_start3A_109, %dma_start3A_110] : memref<2x5x80x32xf32, #tpu.memory_space<vmem>> -> memref<1x1x80x32xf32, #tpu.memory_space<vmem>>
    %dma_start3A_112 = tpu.memref_squeeze %dma_start3A_111 : memref<1x1x80x32xf32, #tpu.memory_space<vmem>> -> memref<80x32xf32, #tpu.memory_space<vmem>>
    %dma_start3A_113 = arith.constant 0 : i32
    %dma_start3A_114 = tpu.memref_slice %arg7[%dma_start3A_105, %dma_start3A_106, %dma_start3A_113] : memref<3x5x80xi32, #tpu.memory_space<vmem>> -> memref<1x1x80xi32, #tpu.memory_space<vmem>>
    %dma_start3A_115 = tpu.memref_squeeze %dma_start3A_114 : memref<1x1x80xi32, #tpu.memory_space<vmem>> -> memref<80xi32, #tpu.memory_space<vmem>>
    %dma_start3A_116 = arith.constant 0 : i32
    %dma_start3A_117 = tpu.memref_slice %arg2[%mul3A_0, %dma_start3A_116] : memref<102400x32xf32, #tpu.memory_space<hbm>> -> memref<51200x32xf32, #tpu.memory_space<hbm>>
    %dma_start3A_118 = arith.constant 0 : i32
    %dma_start3A_119 = arith.constant 0 : i32
    %dma_start3A_120 = tpu.memref_slice %dma_start3A_117[%dma_start3A_118, %dma_start3A_119] : memref<51200x32xf32, #tpu.memory_space<hbm>> -> memref<51200x32xf32, #tpu.memory_space<hbm>>
    tpu.enqueue_indirect_dma source(%dma_start3A_120 : memref<51200x32xf32, #tpu.memory_space<hbm>>) target(%dma_start3A_112 : memref<80x32xf32, #tpu.memory_space<vmem>>) offsets(%dma_start3A_115 : memref<80xi32, #tpu.memory_space<vmem>>) semaphore(%arg10 : memref<!tpu.dma_semaphore, #tpu.memory_space<semaphore_mem>>)
    %dma_start3A_121 = arith.constant 0 : i32
    %dma_start3A_122 = arith.constant 1 : i32
    %dma_start3A_123 = arith.constant 0 : i32
    %dma_start3A_124 = arith.constant 1 : i32
    %dma_start3A_125 = arith.constant 0 : i32
    %dma_start3A_126 = arith.constant 0 : i32
    %dma_start3A_127 = tpu.memref_slice %arg9[%dma_start3A_123, %dma_start3A_124, %dma_start3A_125, %dma_start3A_126] : memref<2x5x80x32xf32, #tpu.memory_space<vmem>> -> memref<1x1x80x32xf32, #tpu.memory_space<vmem>>
    %dma_start3A_128 = tpu.memref_squeeze %dma_start3A_127 : memref<1x1x80x32xf32, #tpu.memory_space<vmem>> -> memref<80x32xf32, #tpu.memory_space<vmem>>
    %dma_start3A_129 = arith.constant 0 : i32
    %dma_start3A_130 = tpu.memref_slice %arg7[%dma_start3A_121, %dma_start3A_122, %dma_start3A_129] : memref<3x5x80xi32, #tpu.memory_space<vmem>> -> memref<1x1x80xi32, #tpu.memory_space<vmem>>
    %dma_start3A_131 = tpu.memref_squeeze %dma_start3A_130 : memref<1x1x80xi32, #tpu.memory_space<vmem>> -> memref<80xi32, #tpu.memory_space<vmem>>
    %dma_start3A_132 = arith.constant 0 : i32
    %dma_start3A_133 = tpu.memref_slice %arg2[%mul3A_0, %dma_start3A_132] : memref<102400x32xf32, #tpu.memory_space<hbm>> -> memref<51200x32xf32, #tpu.memory_space<hbm>>
    %dma_start3A_134 = arith.constant 0 : i32
    %dma_start3A_135 = arith.constant 0 : i32
    %dma_start3A_136 = tpu.memref_slice %dma_start3A_133[%dma_start3A_134, %dma_start3A_135] : memref<51200x32xf32, #tpu.memory_space<hbm>> -> memref<51200x32xf32, #tpu.memory_space<hbm>>
    tpu.enqueue_indirect_dma source(%dma_start3A_136 : memref<51200x32xf32, #tpu.memory_space<hbm>>) target(%dma_start3A_128 : memref<80x32xf32, #tpu.memory_space<vmem>>) offsets(%dma_start3A_131 : memref<80xi32, #tpu.memory_space<vmem>>) semaphore(%arg10 : memref<!tpu.dma_semaphore, #tpu.memory_space<semaphore_mem>>)
    %dma_start3A_137 = arith.constant 0 : i32
    %dma_start3A_138 = arith.constant 2 : i32
    %dma_start3A_139 = arith.constant 0 : i32
    %dma_start3A_140 = arith.constant 2 : i32
    %dma_start3A_141 = arith.constant 0 : i32
    %dma_start3A_142 = arith.constant 0 : i32
    %dma_start3A_143 = tpu.memref_slice %arg9[%dma_start3A_139, %dma_start3A_140, %dma_start3A_141, %dma_start3A_142] : memref<2x5x80x32xf32, #tpu.memory_space<vmem>> -> memref<1x1x80x32xf32, #tpu.memory_space<vmem>>
    %dma_start3A_144 = tpu.memref_squeeze %dma_start3A_143 : memref<1x1x80x32xf32, #tpu.memory_space<vmem>> -> memref<80x32xf32, #tpu.memory_space<vmem>>
    %dma_start3A_145 = arith.constant 0 : i32
    %dma_start3A_146 = tpu.memref_slice %arg7[%dma_start3A_137, %dma_start3A_138, %dma_start3A_145] : memref<3x5x80xi32, #tpu.memory_space<vmem>> -> memref<1x1x80xi32, #tpu.memory_space<vmem>>
    %dma_start3A_147 = tpu.memref_squeeze %dma_start3A_146 : memref<1x1x80xi32, #tpu.memory_space<vmem>> -> memref<80xi32, #tpu.memory_space<vmem>>
    %dma_start3A_148 = arith.constant 0 : i32
    %dma_start3A_149 = tpu.memref_slice %arg2[%mul3A_0, %dma_start3A_148] : memref<102400x32xf32, #tpu.memory_space<hbm>> -> memref<51200x32xf32, #tpu.memory_space<hbm>>
    %dma_start3A_150 = arith.constant 0 : i32
    %dma_start3A_151 = arith.constant 0 : i32
    %dma_start3A_152 = tpu.memref_slice %dma_start3A_149[%dma_start3A_150, %dma_start3A_151] : memref<51200x32xf32, #tpu.memory_space<hbm>> -> memref<51200x32xf32, #tpu.memory_space<hbm>>
    tpu.enqueue_indirect_dma source(%dma_start3A_152 : memref<51200x32xf32, #tpu.memory_space<hbm>>) target(%dma_start3A_144 : memref<80x32xf32, #tpu.memory_space<vmem>>) offsets(%dma_start3A_147 : memref<80xi32, #tpu.memory_space<vmem>>) semaphore(%arg10 : memref<!tpu.dma_semaphore, #tpu.memory_space<semaphore_mem>>)
    %dma_start3A_153 = arith.constant 0 : i32
    %dma_start3A_154 = arith.constant 3 : i32
    %dma_start3A_155 = arith.constant 0 : i32
    %dma_start3A_156 = arith.constant 3 : i32
    %dma_start3A_157 = arith.constant 0 : i32
    %dma_start3A_158 = arith.constant 0 : i32
    %dma_start3A_159 = tpu.memref_slice %arg9[%dma_start3A_155, %dma_start3A_156, %dma_start3A_157, %dma_start3A_158] : memref<2x5x80x32xf32, #tpu.memory_space<vmem>> -> memref<1x1x80x32xf32, #tpu.memory_space<vmem>>
    %dma_start3A_160 = tpu.memref_squeeze %dma_start3A_159 : memref<1x1x80x32xf32, #tpu.memory_space<vmem>> -> memref<80x32xf32, #tpu.memory_space<vmem>>
    %dma_start3A_161 = arith.constant 0 : i32
    %dma_start3A_162 = tpu.memref_slice %arg7[%dma_start3A_153, %dma_start3A_154, %dma_start3A_161] : memref<3x5x80xi32, #tpu.memory_space<vmem>> -> memref<1x1x80xi32, #tpu.memory_space<vmem>>
    %dma_start3A_163 = tpu.memref_squeeze %dma_start3A_162 : memref<1x1x80xi32, #tpu.memory_space<vmem>> -> memref<80xi32, #tpu.memory_space<vmem>>
    %dma_start3A_164 = arith.constant 0 : i32
    %dma_start3A_165 = tpu.memref_slice %arg2[%mul3A_0, %dma_start3A_164] : memref<102400x32xf32, #tpu.memory_space<hbm>> -> memref<51200x32xf32, #tpu.memory_space<hbm>>
    %dma_start3A_166 = arith.constant 0 : i32
    %dma_start3A_167 = arith.constant 0 : i32
    %dma_start3A_168 = tpu.memref_slice %dma_start3A_165[%dma_start3A_166, %dma_start3A_167] : memref<51200x32xf32, #tpu.memory_space<hbm>> -> memref<51200x32xf32, #tpu.memory_space<hbm>>
    tpu.enqueue_indirect_dma source(%dma_start3A_168 : memref<51200x32xf32, #tpu.memory_space<hbm>>) target(%dma_start3A_160 : memref<80x32xf32, #tpu.memory_space<vmem>>) offsets(%dma_start3A_163 : memref<80xi32, #tpu.memory_space<vmem>>) semaphore(%arg10 : memref<!tpu.dma_semaphore, #tpu.memory_space<semaphore_mem>>)
    %dma_start3A_169 = arith.constant 0 : i32
    %dma_start3A_170 = arith.constant 4 : i32
    %dma_start3A_171 = arith.constant 0 : i32
    %dma_start3A_172 = arith.constant 4 : i32
    %dma_start3A_173 = arith.constant 0 : i32
    %dma_start3A_174 = arith.constant 0 : i32
    %dma_start3A_175 = tpu.memref_slice %arg9[%dma_start3A_171, %dma_start3A_172, %dma_start3A_173, %dma_start3A_174] : memref<2x5x80x32xf32, #tpu.memory_space<vmem>> -> memref<1x1x80x32xf32, #tpu.memory_space<vmem>>
    %dma_start3A_176 = tpu.memref_squeeze %dma_start3A_175 : memref<1x1x80x32xf32, #tpu.memory_space<vmem>> -> memref<80x32xf32, #tpu.memory_space<vmem>>
    %dma_start3A_177 = arith.constant 0 : i32
    %dma_start3A_178 = tpu.memref_slice %arg7[%dma_start3A_169, %dma_start3A_170, %dma_start3A_177] : memref<3x5x80xi32, #tpu.memory_space<vmem>> -> memref<1x1x80xi32, #tpu.memory_space<vmem>>
    %dma_start3A_179 = tpu.memref_squeeze %dma_start3A_178 : memref<1x1x80xi32, #tpu.memory_space<vmem>> -> memref<80xi32, #tpu.memory_space<vmem>>
    %dma_start3A_180 = arith.constant 0 : i32
    %dma_start3A_181 = tpu.memref_slice %arg2[%mul3A_0, %dma_start3A_180] : memref<102400x32xf32, #tpu.memory_space<hbm>> -> memref<51200x32xf32, #tpu.memory_space<hbm>>
    %dma_start3A_182 = arith.constant 0 : i32
    %dma_start3A_183 = arith.constant 0 : i32
    %dma_start3A_184 = tpu.memref_slice %dma_start3A_181[%dma_start3A_182, %dma_start3A_183] : memref<51200x32xf32, #tpu.memory_space<hbm>> -> memref<51200x32xf32, #tpu.memory_space<hbm>>
    tpu.enqueue_indirect_dma source(%dma_start3A_184 : memref<51200x32xf32, #tpu.memory_space<hbm>>) target(%dma_start3A_176 : memref<80x32xf32, #tpu.memory_space<vmem>>) offsets(%dma_start3A_179 : memref<80xi32, #tpu.memory_space<vmem>>) semaphore(%arg10 : memref<!tpu.dma_semaphore, #tpu.memory_space<semaphore_mem>>)
    %add3A_185 = arith.constant 5 : i32
    %add3A_186 = arith.addi %mul3A_46, %add3A_185 : i32
    %dma_start3A_187 = arith.constant 1 : i32
    %dma_start3A_188 = arith.constant 0 : i32
    %dma_start3A_189 = arith.constant 0 : i32
    %dma_start3A_190 = tpu.memref_slice %arg7[%dma_start3A_187, %dma_start3A_188, %dma_start3A_189] : memref<3x5x80xi32, #tpu.memory_space<vmem>> -> memref<1x5x80xi32, #tpu.memory_space<vmem>>
    %dma_start3A_191 = tpu.memref_squeeze %dma_start3A_190 : memref<1x5x80xi32, #tpu.memory_space<vmem>> -> memref<5x80xi32, #tpu.memory_space<vmem>>
    %dma_start3A_192 = arith.constant 0 : i32
    %dma_start3A_193 = tpu.memref_slice %arg3[%add3A_186, %dma_start3A_192] : memref<10000x80xi32, #tpu.memory_space<hbm>> -> memref<5x80xi32, #tpu.memory_space<hbm>>
    %dma_start3A_194 = arith.constant 0 : i32
    %dma_start3A_195 = arith.constant 0 : i32
    %dma_start3A_196 = tpu.memref_slice %arg7[%dma_start3A_187, %dma_start3A_194, %dma_start3A_195] : memref<3x5x80xi32, #tpu.memory_space<vmem>> -> memref<1x5x80xi32, #tpu.memory_space<vmem>>
    %dma_start3A_197 = tpu.memref_squeeze %dma_start3A_196 : memref<1x5x80xi32, #tpu.memory_space<vmem>> -> memref<5x80xi32, #tpu.memory_space<vmem>>
    %dma_start3A_198 = arith.constant 0 : i32
    %dma_start3A_199 = tpu.memref_slice %arg3[%add3A_186, %dma_start3A_198] : memref<10000x80xi32, #tpu.memory_space<hbm>> -> memref<5x80xi32, #tpu.memory_space<hbm>>
    tpu.enqueue_dma source(%dma_start3A_199 : memref<5x80xi32, #tpu.memory_space<hbm>>) target(%dma_start3A_197 : memref<5x80xi32, #tpu.memory_space<vmem>>) target_semaphore(%arg12 : memref<!tpu.dma_semaphore, #tpu.memory_space<semaphore_mem>>)
    %add3A_200 = arith.constant 5 : i32
    %add3A_201 = arith.addi %mul3A_46, %add3A_200 : i32
    %dma_start3A_202 = arith.constant 1 : i32
    %dma_start3A_203 = arith.constant 0 : i32
    %dma_start3A_204 = arith.constant 0 : i32
    %dma_start3A_205 = tpu.memref_slice %arg8[%dma_start3A_202, %dma_start3A_203, %dma_start3A_204] : memref<3x5x80xi32, #tpu.memory_space<vmem>> -> memref<1x5x80xi32, #tpu.memory_space<vmem>>
    %dma_start3A_206 = tpu.memref_squeeze %dma_start3A_205 : memref<1x5x80xi32, #tpu.memory_space<vmem>> -> memref<5x80xi32, #tpu.memory_space<vmem>>
    %dma_start3A_207 = arith.constant 0 : i32
    %dma_start3A_208 = tpu.memref_slice %arg4[%add3A_201, %dma_start3A_207] : memref<10000x80xi32, #tpu.memory_space<hbm>> -> memref<5x80xi32, #tpu.memory_space<hbm>>
    %dma_start3A_209 = arith.constant 0 : i32
    %dma_start3A_210 = arith.constant 0 : i32
    %dma_start3A_211 = tpu.memref_slice %arg8[%dma_start3A_202, %dma_start3A_209, %dma_start3A_210] : memref<3x5x80xi32, #tpu.memory_space<vmem>> -> memref<1x5x80xi32, #tpu.memory_space<vmem>>
    %dma_start3A_212 = tpu.memref_squeeze %dma_start3A_211 : memref<1x5x80xi32, #tpu.memory_space<vmem>> -> memref<5x80xi32, #tpu.memory_space<vmem>>
    %dma_start3A_213 = arith.constant 0 : i32
    %dma_start3A_214 = tpu.memref_slice %arg4[%add3A_201, %dma_start3A_213] : memref<10000x80xi32, #tpu.memory_space<hbm>> -> memref<5x80xi32, #tpu.memory_space<hbm>>
    tpu.enqueue_dma source(%dma_start3A_214 : memref<5x80xi32, #tpu.memory_space<hbm>>) target(%dma_start3A_212 : memref<5x80xi32, #tpu.memory_space<vmem>>) target_semaphore(%arg12 : memref<!tpu.dma_semaphore, #tpu.memory_space<semaphore_mem>>)
    %scan3A = arith.constant 0 : i32
    %scan3A_215 = arith.constant 0 : i32
    %scan3A_216 = arith.constant 125 : i32
    %scan3A_217 = arith.addi %scan3A_215, %scan3A_216 : i32
    %scan3A_218 = arith.constant 1 : i32
    scf.for %scan3A_346 = %scan3A_215 to %scan3A_217 step %scan3A_218  : i32 {
      %rem3A = arith.constant 2 : i32
      %rem3A_347 = arith.remsi %scan3A_346, %rem3A : i32
      %rem3A_348 = arith.constant 3 : i32
      %rem3A_349 = arith.remsi %scan3A_346, %rem3A_348 : i32
      %add3A_350 = arith.constant 1 : i32
      %add3A_351 = arith.addi %scan3A_346, %add3A_350 : i32
      %rem3A_352 = arith.constant 3 : i32
      %rem3A_353 = arith.remsi %add3A_351, %rem3A_352 : i32
      %add3A_354 = arith.constant 2 : i32
      %add3A_355 = arith.addi %scan3A_346, %add3A_354 : i32
      %rem3A_356 = arith.constant 3 : i32
      %rem3A_357 = arith.remsi %add3A_355, %rem3A_356 : i32
      %ge3A = arith.constant 1 : i32
      %ge3A_358 = arith.cmpi sge, %scan3A_346, %ge3A : i32
      %convert_element_type3A = arith.extui %ge3A_358 : i1 to i32
      %cond3A = arith.constant 0 : i32
      %cond3A_359 = arith.cmpi ne, %convert_element_type3A, %cond3A : i32
      scf.if %cond3A_359 {
        %sub3A = arith.constant 1 : i32
        %sub3A_504 = arith.subi %sub3A, %rem3A_347 : i32
        %dma_wait3A_505 = arith.constant 0 : i32
        %dma_wait3A_506 = arith.constant 0 : i32
        %dma_wait3A_507 = arith.constant 0 : i32
        %dma_wait3A_508 = tpu.memref_slice %arg9[%sub3A_504, %dma_wait3A_505, %dma_wait3A_506, %dma_wait3A_507] : memref<2x5x80x32xf32, #tpu.memory_space<vmem>> -> memref<1x1x80x32xf32, #tpu.memory_space<vmem>>
        %dma_wait3A_509 = tpu.memref_squeeze %dma_wait3A_508 : memref<1x1x80x32xf32, #tpu.memory_space<vmem>> -> memref<80x32xf32, #tpu.memory_space<vmem>>
        %dma_wait3A_510 = arith.constant 0 : i32
        %dma_wait3A_511 = arith.constant 0 : i32
        %dma_wait3A_512 = tpu.memref_slice %arg6[%dma_wait3A_510, %dma_wait3A_511] : memref<50000x32xf32, #tpu.memory_space<vmem_shared>> -> memref<80x32xf32, #tpu.memory_space<vmem_shared>>
        %dma_wait3A_513 = arith.constant 0 : i32
        %dma_wait3A_514 = arith.constant 0 : i32
        %dma_wait3A_515 = tpu.memref_slice %arg6[%dma_wait3A_513, %dma_wait3A_514] : memref<50000x32xf32, #tpu.memory_space<vmem_shared>> -> memref<80x32xf32, #tpu.memory_space<vmem_shared>>
        %dma_wait3A_516 = arith.constant 0 : i32
        %dma_wait3A_517 = arith.constant 0 : i32
        %dma_wait3A_518 = tpu.memref_slice %arg9[%sub3A_504, %dma_wait3A_505, %dma_wait3A_516, %dma_wait3A_517] : memref<2x5x80x32xf32, #tpu.memory_space<vmem>> -> memref<1x1x80x32xf32, #tpu.memory_space<vmem>>
        %dma_wait3A_519 = tpu.memref_squeeze %dma_wait3A_518 : memref<1x1x80x32xf32, #tpu.memory_space<vmem>> -> memref<80x32xf32, #tpu.memory_space<vmem>>
        tpu.wait_dma2 semaphore(%arg11 : memref<!tpu.dma_semaphore, #tpu.memory_space<semaphore_mem>>) src(%dma_wait3A_519 : memref<80x32xf32, #tpu.memory_space<vmem>>) dst(%dma_wait3A_515 : memref<80x32xf32, #tpu.memory_space<vmem_shared>>)
        %sub3A_520 = arith.constant 1 : i32
        %sub3A_521 = arith.subi %sub3A_520, %rem3A_347 : i32
        %dma_wait3A_522 = arith.constant 1 : i32
        %dma_wait3A_523 = arith.constant 0 : i32
        %dma_wait3A_524 = arith.constant 0 : i32
        %dma_wait3A_525 = tpu.memref_slice %arg9[%sub3A_521, %dma_wait3A_522, %dma_wait3A_523, %dma_wait3A_524] : memref<2x5x80x32xf32, #tpu.memory_space<vmem>> -> memref<1x1x80x32xf32, #tpu.memory_space<vmem>>
        %dma_wait3A_526 = tpu.memref_squeeze %dma_wait3A_525 : memref<1x1x80x32xf32, #tpu.memory_space<vmem>> -> memref<80x32xf32, #tpu.memory_space<vmem>>
        %dma_wait3A_527 = arith.constant 0 : i32
        %dma_wait3A_528 = arith.constant 0 : i32
        %dma_wait3A_529 = tpu.memref_slice %arg6[%dma_wait3A_527, %dma_wait3A_528] : memref<50000x32xf32, #tpu.memory_space<vmem_shared>> -> memref<80x32xf32, #tpu.memory_space<vmem_shared>>
        %dma_wait3A_530 = arith.constant 0 : i32
        %dma_wait3A_531 = arith.constant 0 : i32
        %dma_wait3A_532 = tpu.memref_slice %arg6[%dma_wait3A_530, %dma_wait3A_531] : memref<50000x32xf32, #tpu.memory_space<vmem_shared>> -> memref<80x32xf32, #tpu.memory_space<vmem_shared>>
        %dma_wait3A_533 = arith.constant 0 : i32
        %dma_wait3A_534 = arith.constant 0 : i32
        %dma_wait3A_535 = tpu.memref_slice %arg9[%sub3A_521, %dma_wait3A_522, %dma_wait3A_533, %dma_wait3A_534] : memref<2x5x80x32xf32, #tpu.memory_space<vmem>> -> memref<1x1x80x32xf32, #tpu.memory_space<vmem>>
        %dma_wait3A_536 = tpu.memref_squeeze %dma_wait3A_535 : memref<1x1x80x32xf32, #tpu.memory_space<vmem>> -> memref<80x32xf32, #tpu.memory_space<vmem>>
        tpu.wait_dma2 semaphore(%arg11 : memref<!tpu.dma_semaphore, #tpu.memory_space<semaphore_mem>>) src(%dma_wait3A_536 : memref<80x32xf32, #tpu.memory_space<vmem>>) dst(%dma_wait3A_532 : memref<80x32xf32, #tpu.memory_space<vmem_shared>>)
        %sub3A_537 = arith.constant 1 : i32
        %sub3A_538 = arith.subi %sub3A_537, %rem3A_347 : i32
        %dma_wait3A_539 = arith.constant 2 : i32
        %dma_wait3A_540 = arith.constant 0 : i32
        %dma_wait3A_541 = arith.constant 0 : i32
        %dma_wait3A_542 = tpu.memref_slice %arg9[%sub3A_538, %dma_wait3A_539, %dma_wait3A_540, %dma_wait3A_541] : memref<2x5x80x32xf32, #tpu.memory_space<vmem>> -> memref<1x1x80x32xf32, #tpu.memory_space<vmem>>
        %dma_wait3A_543 = tpu.memref_squeeze %dma_wait3A_542 : memref<1x1x80x32xf32, #tpu.memory_space<vmem>> -> memref<80x32xf32, #tpu.memory_space<vmem>>
        %dma_wait3A_544 = arith.constant 0 : i32
        %dma_wait3A_545 = arith.constant 0 : i32
        %dma_wait3A_546 = tpu.memref_slice %arg6[%dma_wait3A_544, %dma_wait3A_545] : memref<50000x32xf32, #tpu.memory_space<vmem_shared>> -> memref<80x32xf32, #tpu.memory_space<vmem_shared>>
        %dma_wait3A_547 = arith.constant 0 : i32
        %dma_wait3A_548 = arith.constant 0 : i32
        %dma_wait3A_549 = tpu.memref_slice %arg6[%dma_wait3A_547, %dma_wait3A_548] : memref<50000x32xf32, #tpu.memory_space<vmem_shared>> -> memref<80x32xf32, #tpu.memory_space<vmem_shared>>
        %dma_wait3A_550 = arith.constant 0 : i32
        %dma_wait3A_551 = arith.constant 0 : i32
        %dma_wait3A_552 = tpu.memref_slice %arg9[%sub3A_538, %dma_wait3A_539, %dma_wait3A_550, %dma_wait3A_551] : memref<2x5x80x32xf32, #tpu.memory_space<vmem>> -> memref<1x1x80x32xf32, #tpu.memory_space<vmem>>
        %dma_wait3A_553 = tpu.memref_squeeze %dma_wait3A_552 : memref<1x1x80x32xf32, #tpu.memory_space<vmem>> -> memref<80x32xf32, #tpu.memory_space<vmem>>
        tpu.wait_dma2 semaphore(%arg11 : memref<!tpu.dma_semaphore, #tpu.memory_space<semaphore_mem>>) src(%dma_wait3A_553 : memref<80x32xf32, #tpu.memory_space<vmem>>) dst(%dma_wait3A_549 : memref<80x32xf32, #tpu.memory_space<vmem_shared>>)
        %sub3A_554 = arith.constant 1 : i32
        %sub3A_555 = arith.subi %sub3A_554, %rem3A_347 : i32
        %dma_wait3A_556 = arith.constant 3 : i32
        %dma_wait3A_557 = arith.constant 0 : i32
        %dma_wait3A_558 = arith.constant 0 : i32
        %dma_wait3A_559 = tpu.memref_slice %arg9[%sub3A_555, %dma_wait3A_556, %dma_wait3A_557, %dma_wait3A_558] : memref<2x5x80x32xf32, #tpu.memory_space<vmem>> -> memref<1x1x80x32xf32, #tpu.memory_space<vmem>>
        %dma_wait3A_560 = tpu.memref_squeeze %dma_wait3A_559 : memref<1x1x80x32xf32, #tpu.memory_space<vmem>> -> memref<80x32xf32, #tpu.memory_space<vmem>>
        %dma_wait3A_561 = arith.constant 0 : i32
        %dma_wait3A_562 = arith.constant 0 : i32
        %dma_wait3A_563 = tpu.memref_slice %arg6[%dma_wait3A_561, %dma_wait3A_562] : memref<50000x32xf32, #tpu.memory_space<vmem_shared>> -> memref<80x32xf32, #tpu.memory_space<vmem_shared>>
        %dma_wait3A_564 = arith.constant 0 : i32
        %dma_wait3A_565 = arith.constant 0 : i32
        %dma_wait3A_566 = tpu.memref_slice %arg6[%dma_wait3A_564, %dma_wait3A_565] : memref<50000x32xf32, #tpu.memory_space<vmem_shared>> -> memref<80x32xf32, #tpu.memory_space<vmem_shared>>
        %dma_wait3A_567 = arith.constant 0 : i32
        %dma_wait3A_568 = arith.constant 0 : i32
        %dma_wait3A_569 = tpu.memref_slice %arg9[%sub3A_555, %dma_wait3A_556, %dma_wait3A_567, %dma_wait3A_568] : memref<2x5x80x32xf32, #tpu.memory_space<vmem>> -> memref<1x1x80x32xf32, #tpu.memory_space<vmem>>
        %dma_wait3A_570 = tpu.memref_squeeze %dma_wait3A_569 : memref<1x1x80x32xf32, #tpu.memory_space<vmem>> -> memref<80x32xf32, #tpu.memory_space<vmem>>
        tpu.wait_dma2 semaphore(%arg11 : memref<!tpu.dma_semaphore, #tpu.memory_space<semaphore_mem>>) src(%dma_wait3A_570 : memref<80x32xf32, #tpu.memory_space<vmem>>) dst(%dma_wait3A_566 : memref<80x32xf32, #tpu.memory_space<vmem_shared>>)
        %sub3A_571 = arith.constant 1 : i32
        %sub3A_572 = arith.subi %sub3A_571, %rem3A_347 : i32
        %dma_wait3A_573 = arith.constant 4 : i32
        %dma_wait3A_574 = arith.constant 0 : i32
        %dma_wait3A_575 = arith.constant 0 : i32
        %dma_wait3A_576 = tpu.memref_slice %arg9[%sub3A_572, %dma_wait3A_573, %dma_wait3A_574, %dma_wait3A_575] : memref<2x5x80x32xf32, #tpu.memory_space<vmem>> -> memref<1x1x80x32xf32, #tpu.memory_space<vmem>>
        %dma_wait3A_577 = tpu.memref_squeeze %dma_wait3A_576 : memref<1x1x80x32xf32, #tpu.memory_space<vmem>> -> memref<80x32xf32, #tpu.memory_space<vmem>>
        %dma_wait3A_578 = arith.constant 0 : i32
        %dma_wait3A_579 = arith.constant 0 : i32
        %dma_wait3A_580 = tpu.memref_slice %arg6[%dma_wait3A_578, %dma_wait3A_579] : memref<50000x32xf32, #tpu.memory_space<vmem_shared>> -> memref<80x32xf32, #tpu.memory_space<vmem_shared>>
        %dma_wait3A_581 = arith.constant 0 : i32
        %dma_wait3A_582 = arith.constant 0 : i32
        %dma_wait3A_583 = tpu.memref_slice %arg6[%dma_wait3A_581, %dma_wait3A_582] : memref<50000x32xf32, #tpu.memory_space<vmem_shared>> -> memref<80x32xf32, #tpu.memory_space<vmem_shared>>
        %dma_wait3A_584 = arith.constant 0 : i32
        %dma_wait3A_585 = arith.constant 0 : i32
        %dma_wait3A_586 = tpu.memref_slice %arg9[%sub3A_572, %dma_wait3A_573, %dma_wait3A_584, %dma_wait3A_585] : memref<2x5x80x32xf32, #tpu.memory_space<vmem>> -> memref<1x1x80x32xf32, #tpu.memory_space<vmem>>
        %dma_wait3A_587 = tpu.memref_squeeze %dma_wait3A_586 : memref<1x1x80x32xf32, #tpu.memory_space<vmem>> -> memref<80x32xf32, #tpu.memory_space<vmem>>
        tpu.wait_dma2 semaphore(%arg11 : memref<!tpu.dma_semaphore, #tpu.memory_space<semaphore_mem>>) src(%dma_wait3A_587 : memref<80x32xf32, #tpu.memory_space<vmem>>) dst(%dma_wait3A_583 : memref<80x32xf32, #tpu.memory_space<vmem_shared>>)
      } else {
      }
      %lt3A = arith.constant 124 : i32
      %lt3A_360 = arith.cmpi slt, %scan3A_346, %lt3A : i32
      %convert_element_type3A_361 = arith.extui %lt3A_360 : i1 to i32
      %cond3A_362 = arith.constant 0 : i32
      %cond3A_363 = arith.cmpi ne, %convert_element_type3A_361, %cond3A_362 : i32
      scf.if %cond3A_363 {
        %dma_wait3A_504 = arith.constant 0 : i32
        %dma_wait3A_505 = arith.constant 0 : i32
        %dma_wait3A_506 = tpu.memref_slice %arg7[%rem3A_353, %dma_wait3A_504, %dma_wait3A_505] : memref<3x5x80xi32, #tpu.memory_space<vmem>> -> memref<1x5x80xi32, #tpu.memory_space<vmem>>
        %dma_wait3A_507 = tpu.memref_squeeze %dma_wait3A_506 : memref<1x5x80xi32, #tpu.memory_space<vmem>> -> memref<5x80xi32, #tpu.memory_space<vmem>>
        %dma_wait3A_508 = arith.constant 0 : i32
        %dma_wait3A_509 = arith.constant 0 : i32
        %dma_wait3A_510 = tpu.memref_slice %arg3[%dma_wait3A_508, %dma_wait3A_509] : memref<10000x80xi32, #tpu.memory_space<hbm>> -> memref<5x80xi32, #tpu.memory_space<hbm>>
        %dma_wait3A_511 = arith.constant 0 : i32
        %dma_wait3A_512 = arith.constant 0 : i32
        %dma_wait3A_513 = tpu.memref_slice %arg7[%rem3A_353, %dma_wait3A_511, %dma_wait3A_512] : memref<3x5x80xi32, #tpu.memory_space<vmem>> -> memref<1x5x80xi32, #tpu.memory_space<vmem>>
        %dma_wait3A_514 = tpu.memref_squeeze %dma_wait3A_513 : memref<1x5x80xi32, #tpu.memory_space<vmem>> -> memref<5x80xi32, #tpu.memory_space<vmem>>
        %dma_wait3A_515 = arith.constant 0 : i32
        %dma_wait3A_516 = arith.constant 0 : i32
        %dma_wait3A_517 = tpu.memref_slice %arg3[%dma_wait3A_515, %dma_wait3A_516] : memref<10000x80xi32, #tpu.memory_space<hbm>> -> memref<5x80xi32, #tpu.memory_space<hbm>>
        tpu.wait_dma2 semaphore(%arg12 : memref<!tpu.dma_semaphore, #tpu.memory_space<semaphore_mem>>) src(%dma_wait3A_517 : memref<5x80xi32, #tpu.memory_space<hbm>>) dst(%dma_wait3A_514 : memref<5x80xi32, #tpu.memory_space<vmem>>)
        %dma_wait3A_518 = arith.constant 0 : i32
        %dma_wait3A_519 = arith.constant 0 : i32
        %dma_wait3A_520 = tpu.memref_slice %arg8[%rem3A_353, %dma_wait3A_518, %dma_wait3A_519] : memref<3x5x80xi32, #tpu.memory_space<vmem>> -> memref<1x5x80xi32, #tpu.memory_space<vmem>>
        %dma_wait3A_521 = tpu.memref_squeeze %dma_wait3A_520 : memref<1x5x80xi32, #tpu.memory_space<vmem>> -> memref<5x80xi32, #tpu.memory_space<vmem>>
        %dma_wait3A_522 = arith.constant 0 : i32
        %dma_wait3A_523 = arith.constant 0 : i32
        %dma_wait3A_524 = tpu.memref_slice %arg3[%dma_wait3A_522, %dma_wait3A_523] : memref<10000x80xi32, #tpu.memory_space<hbm>> -> memref<5x80xi32, #tpu.memory_space<hbm>>
        %dma_wait3A_525 = arith.constant 0 : i32
        %dma_wait3A_526 = arith.constant 0 : i32
        %dma_wait3A_527 = tpu.memref_slice %arg8[%rem3A_353, %dma_wait3A_525, %dma_wait3A_526] : memref<3x5x80xi32, #tpu.memory_space<vmem>> -> memref<1x5x80xi32, #tpu.memory_space<vmem>>
        %dma_wait3A_528 = tpu.memref_squeeze %dma_wait3A_527 : memref<1x5x80xi32, #tpu.memory_space<vmem>> -> memref<5x80xi32, #tpu.memory_space<vmem>>
        %dma_wait3A_529 = arith.constant 0 : i32
        %dma_wait3A_530 = arith.constant 0 : i32
        %dma_wait3A_531 = tpu.memref_slice %arg3[%dma_wait3A_529, %dma_wait3A_530] : memref<10000x80xi32, #tpu.memory_space<hbm>> -> memref<5x80xi32, #tpu.memory_space<hbm>>
        tpu.wait_dma2 semaphore(%arg12 : memref<!tpu.dma_semaphore, #tpu.memory_space<semaphore_mem>>) src(%dma_wait3A_531 : memref<5x80xi32, #tpu.memory_space<hbm>>) dst(%dma_wait3A_528 : memref<5x80xi32, #tpu.memory_space<vmem>>)
        %sub3A = arith.constant 1 : i32
        %sub3A_532 = arith.subi %sub3A, %rem3A_347 : i32
        %dma_start3A_533 = arith.constant 0 : i32
        %dma_start3A_534 = arith.constant 0 : i32
        %dma_start3A_535 = arith.constant 0 : i32
        %dma_start3A_536 = arith.constant 0 : i32
        %dma_start3A_537 = tpu.memref_slice %arg9[%sub3A_532, %dma_start3A_534, %dma_start3A_535, %dma_start3A_536] : memref<2x5x80x32xf32, #tpu.memory_space<vmem>> -> memref<1x1x80x32xf32, #tpu.memory_space<vmem>>
        %dma_start3A_538 = tpu.memref_squeeze %dma_start3A_537 : memref<1x1x80x32xf32, #tpu.memory_space<vmem>> -> memref<80x32xf32, #tpu.memory_space<vmem>>
        %dma_start3A_539 = arith.constant 0 : i32
        %dma_start3A_540 = tpu.memref_slice %arg7[%rem3A_353, %dma_start3A_533, %dma_start3A_539] : memref<3x5x80xi32, #tpu.memory_space<vmem>> -> memref<1x1x80xi32, #tpu.memory_space<vmem>>
        %dma_start3A_541 = tpu.memref_squeeze %dma_start3A_540 : memref<1x1x80xi32, #tpu.memory_space<vmem>> -> memref<80xi32, #tpu.memory_space<vmem>>
        %dma_start3A_542 = arith.constant 0 : i32
        %dma_start3A_543 = tpu.memref_slice %arg2[%mul3A_0, %dma_start3A_542] : memref<102400x32xf32, #tpu.memory_space<hbm>> -> memref<51200x32xf32, #tpu.memory_space<hbm>>
        %dma_start3A_544 = arith.constant 0 : i32
        %dma_start3A_545 = arith.constant 0 : i32
        %dma_start3A_546 = tpu.memref_slice %dma_start3A_543[%dma_start3A_544, %dma_start3A_545] : memref<51200x32xf32, #tpu.memory_space<hbm>> -> memref<51200x32xf32, #tpu.memory_space<hbm>>
        tpu.enqueue_indirect_dma source(%dma_start3A_546 : memref<51200x32xf32, #tpu.memory_space<hbm>>) target(%dma_start3A_538 : memref<80x32xf32, #tpu.memory_space<vmem>>) offsets(%dma_start3A_541 : memref<80xi32, #tpu.memory_space<vmem>>) semaphore(%arg10 : memref<!tpu.dma_semaphore, #tpu.memory_space<semaphore_mem>>)
        %dma_start3A_547 = arith.constant 1 : i32
        %dma_start3A_548 = arith.constant 1 : i32
        %dma_start3A_549 = arith.constant 0 : i32
        %dma_start3A_550 = arith.constant 0 : i32
        %dma_start3A_551 = tpu.memref_slice %arg9[%sub3A_532, %dma_start3A_548, %dma_start3A_549, %dma_start3A_550] : memref<2x5x80x32xf32, #tpu.memory_space<vmem>> -> memref<1x1x80x32xf32, #tpu.memory_space<vmem>>
        %dma_start3A_552 = tpu.memref_squeeze %dma_start3A_551 : memref<1x1x80x32xf32, #tpu.memory_space<vmem>> -> memref<80x32xf32, #tpu.memory_space<vmem>>
        %dma_start3A_553 = arith.constant 0 : i32
        %dma_start3A_554 = tpu.memref_slice %arg7[%rem3A_353, %dma_start3A_547, %dma_start3A_553] : memref<3x5x80xi32, #tpu.memory_space<vmem>> -> memref<1x1x80xi32, #tpu.memory_space<vmem>>
        %dma_start3A_555 = tpu.memref_squeeze %dma_start3A_554 : memref<1x1x80xi32, #tpu.memory_space<vmem>> -> memref<80xi32, #tpu.memory_space<vmem>>
        %dma_start3A_556 = arith.constant 0 : i32
        %dma_start3A_557 = tpu.memref_slice %arg2[%mul3A_0, %dma_start3A_556] : memref<102400x32xf32, #tpu.memory_space<hbm>> -> memref<51200x32xf32, #tpu.memory_space<hbm>>
        %dma_start3A_558 = arith.constant 0 : i32
        %dma_start3A_559 = arith.constant 0 : i32
        %dma_start3A_560 = tpu.memref_slice %dma_start3A_557[%dma_start3A_558, %dma_start3A_559] : memref<51200x32xf32, #tpu.memory_space<hbm>> -> memref<51200x32xf32, #tpu.memory_space<hbm>>
        tpu.enqueue_indirect_dma source(%dma_start3A_560 : memref<51200x32xf32, #tpu.memory_space<hbm>>) target(%dma_start3A_552 : memref<80x32xf32, #tpu.memory_space<vmem>>) offsets(%dma_start3A_555 : memref<80xi32, #tpu.memory_space<vmem>>) semaphore(%arg10 : memref<!tpu.dma_semaphore, #tpu.memory_space<semaphore_mem>>)
        %dma_start3A_561 = arith.constant 2 : i32
        %dma_start3A_562 = arith.constant 2 : i32
        %dma_start3A_563 = arith.constant 0 : i32
        %dma_start3A_564 = arith.constant 0 : i32
        %dma_start3A_565 = tpu.memref_slice %arg9[%sub3A_532, %dma_start3A_562, %dma_start3A_563, %dma_start3A_564] : memref<2x5x80x32xf32, #tpu.memory_space<vmem>> -> memref<1x1x80x32xf32, #tpu.memory_space<vmem>>
        %dma_start3A_566 = tpu.memref_squeeze %dma_start3A_565 : memref<1x1x80x32xf32, #tpu.memory_space<vmem>> -> memref<80x32xf32, #tpu.memory_space<vmem>>
        %dma_start3A_567 = arith.constant 0 : i32
        %dma_start3A_568 = tpu.memref_slice %arg7[%rem3A_353, %dma_start3A_561, %dma_start3A_567] : memref<3x5x80xi32, #tpu.memory_space<vmem>> -> memref<1x1x80xi32, #tpu.memory_space<vmem>>
        %dma_start3A_569 = tpu.memref_squeeze %dma_start3A_568 : memref<1x1x80xi32, #tpu.memory_space<vmem>> -> memref<80xi32, #tpu.memory_space<vmem>>
        %dma_start3A_570 = arith.constant 0 : i32
        %dma_start3A_571 = tpu.memref_slice %arg2[%mul3A_0, %dma_start3A_570] : memref<102400x32xf32, #tpu.memory_space<hbm>> -> memref<51200x32xf32, #tpu.memory_space<hbm>>
        %dma_start3A_572 = arith.constant 0 : i32
        %dma_start3A_573 = arith.constant 0 : i32
        %dma_start3A_574 = tpu.memref_slice %dma_start3A_571[%dma_start3A_572, %dma_start3A_573] : memref<51200x32xf32, #tpu.memory_space<hbm>> -> memref<51200x32xf32, #tpu.memory_space<hbm>>
        tpu.enqueue_indirect_dma source(%dma_start3A_574 : memref<51200x32xf32, #tpu.memory_space<hbm>>) target(%dma_start3A_566 : memref<80x32xf32, #tpu.memory_space<vmem>>) offsets(%dma_start3A_569 : memref<80xi32, #tpu.memory_space<vmem>>) semaphore(%arg10 : memref<!tpu.dma_semaphore, #tpu.memory_space<semaphore_mem>>)
        %dma_start3A_575 = arith.constant 3 : i32
        %dma_start3A_576 = arith.constant 3 : i32
        %dma_start3A_577 = arith.constant 0 : i32
        %dma_start3A_578 = arith.constant 0 : i32
        %dma_start3A_579 = tpu.memref_slice %arg9[%sub3A_532, %dma_start3A_576, %dma_start3A_577, %dma_start3A_578] : memref<2x5x80x32xf32, #tpu.memory_space<vmem>> -> memref<1x1x80x32xf32, #tpu.memory_space<vmem>>
        %dma_start3A_580 = tpu.memref_squeeze %dma_start3A_579 : memref<1x1x80x32xf32, #tpu.memory_space<vmem>> -> memref<80x32xf32, #tpu.memory_space<vmem>>
        %dma_start3A_581 = arith.constant 0 : i32
        %dma_start3A_582 = tpu.memref_slice %arg7[%rem3A_353, %dma_start3A_575, %dma_start3A_581] : memref<3x5x80xi32, #tpu.memory_space<vmem>> -> memref<1x1x80xi32, #tpu.memory_space<vmem>>
        %dma_start3A_583 = tpu.memref_squeeze %dma_start3A_582 : memref<1x1x80xi32, #tpu.memory_space<vmem>> -> memref<80xi32, #tpu.memory_space<vmem>>
        %dma_start3A_584 = arith.constant 0 : i32
        %dma_start3A_585 = tpu.memref_slice %arg2[%mul3A_0, %dma_start3A_584] : memref<102400x32xf32, #tpu.memory_space<hbm>> -> memref<51200x32xf32, #tpu.memory_space<hbm>>
        %dma_start3A_586 = arith.constant 0 : i32
        %dma_start3A_587 = arith.constant 0 : i32
        %dma_start3A_588 = tpu.memref_slice %dma_start3A_585[%dma_start3A_586, %dma_start3A_587] : memref<51200x32xf32, #tpu.memory_space<hbm>> -> memref<51200x32xf32, #tpu.memory_space<hbm>>
        tpu.enqueue_indirect_dma source(%dma_start3A_588 : memref<51200x32xf32, #tpu.memory_space<hbm>>) target(%dma_start3A_580 : memref<80x32xf32, #tpu.memory_space<vmem>>) offsets(%dma_start3A_583 : memref<80xi32, #tpu.memory_space<vmem>>) semaphore(%arg10 : memref<!tpu.dma_semaphore, #tpu.memory_space<semaphore_mem>>)
        %dma_start3A_589 = arith.constant 4 : i32
        %dma_start3A_590 = arith.constant 4 : i32
        %dma_start3A_591 = arith.constant 0 : i32
        %dma_start3A_592 = arith.constant 0 : i32
        %dma_start3A_593 = tpu.memref_slice %arg9[%sub3A_532, %dma_start3A_590, %dma_start3A_591, %dma_start3A_592] : memref<2x5x80x32xf32, #tpu.memory_space<vmem>> -> memref<1x1x80x32xf32, #tpu.memory_space<vmem>>
        %dma_start3A_594 = tpu.memref_squeeze %dma_start3A_593 : memref<1x1x80x32xf32, #tpu.memory_space<vmem>> -> memref<80x32xf32, #tpu.memory_space<vmem>>
        %dma_start3A_595 = arith.constant 0 : i32
        %dma_start3A_596 = tpu.memref_slice %arg7[%rem3A_353, %dma_start3A_589, %dma_start3A_595] : memref<3x5x80xi32, #tpu.memory_space<vmem>> -> memref<1x1x80xi32, #tpu.memory_space<vmem>>
        %dma_start3A_597 = tpu.memref_squeeze %dma_start3A_596 : memref<1x1x80xi32, #tpu.memory_space<vmem>> -> memref<80xi32, #tpu.memory_space<vmem>>
        %dma_start3A_598 = arith.constant 0 : i32
        %dma_start3A_599 = tpu.memref_slice %arg2[%mul3A_0, %dma_start3A_598] : memref<102400x32xf32, #tpu.memory_space<hbm>> -> memref<51200x32xf32, #tpu.memory_space<hbm>>
        %dma_start3A_600 = arith.constant 0 : i32
        %dma_start3A_601 = arith.constant 0 : i32
        %dma_start3A_602 = tpu.memref_slice %dma_start3A_599[%dma_start3A_600, %dma_start3A_601] : memref<51200x32xf32, #tpu.memory_space<hbm>> -> memref<51200x32xf32, #tpu.memory_space<hbm>>
        tpu.enqueue_indirect_dma source(%dma_start3A_602 : memref<51200x32xf32, #tpu.memory_space<hbm>>) target(%dma_start3A_594 : memref<80x32xf32, #tpu.memory_space<vmem>>) offsets(%dma_start3A_597 : memref<80xi32, #tpu.memory_space<vmem>>) semaphore(%arg10 : memref<!tpu.dma_semaphore, #tpu.memory_space<semaphore_mem>>)
      } else {
      }
      %lt3A_364 = arith.constant 123 : i32
      %lt3A_365 = arith.cmpi slt, %scan3A_346, %lt3A_364 : i32
      %convert_element_type3A_366 = arith.extui %lt3A_365 : i1 to i32
      %cond3A_367 = arith.constant 0 : i32
      %cond3A_368 = arith.cmpi ne, %convert_element_type3A_366, %cond3A_367 : i32
      scf.if %cond3A_368 {
        %add3A_504 = arith.constant 2 : i32
        %add3A_505 = arith.addi %scan3A_346, %add3A_504 : i32
        %mul3A_506 = arith.constant 5 : i32
        %mul3A_507 = arith.muli %add3A_505, %mul3A_506 : i32
        %add3A_508 = arith.addi %mul3A_46, %mul3A_507 : i32
        %dma_start3A_509 = arith.constant 0 : i32
        %dma_start3A_510 = arith.constant 0 : i32
        %dma_start3A_511 = tpu.memref_slice %arg7[%rem3A_357, %dma_start3A_509, %dma_start3A_510] : memref<3x5x80xi32, #tpu.memory_space<vmem>> -> memref<1x5x80xi32, #tpu.memory_space<vmem>>
        %dma_start3A_512 = tpu.memref_squeeze %dma_start3A_511 : memref<1x5x80xi32, #tpu.memory_space<vmem>> -> memref<5x80xi32, #tpu.memory_space<vmem>>
        %dma_start3A_513 = arith.constant 0 : i32
        %dma_start3A_514 = tpu.memref_slice %arg3[%add3A_508, %dma_start3A_513] : memref<10000x80xi32, #tpu.memory_space<hbm>> -> memref<5x80xi32, #tpu.memory_space<hbm>>
        %dma_start3A_515 = arith.constant 0 : i32
        %dma_start3A_516 = arith.constant 0 : i32
        %dma_start3A_517 = tpu.memref_slice %arg7[%rem3A_357, %dma_start3A_515, %dma_start3A_516] : memref<3x5x80xi32, #tpu.memory_space<vmem>> -> memref<1x5x80xi32, #tpu.memory_space<vmem>>
        %dma_start3A_518 = tpu.memref_squeeze %dma_start3A_517 : memref<1x5x80xi32, #tpu.memory_space<vmem>> -> memref<5x80xi32, #tpu.memory_space<vmem>>
        %dma_start3A_519 = arith.constant 0 : i32
        %dma_start3A_520 = tpu.memref_slice %arg3[%add3A_508, %dma_start3A_519] : memref<10000x80xi32, #tpu.memory_space<hbm>> -> memref<5x80xi32, #tpu.memory_space<hbm>>
        tpu.enqueue_dma source(%dma_start3A_520 : memref<5x80xi32, #tpu.memory_space<hbm>>) target(%dma_start3A_518 : memref<5x80xi32, #tpu.memory_space<vmem>>) target_semaphore(%arg12 : memref<!tpu.dma_semaphore, #tpu.memory_space<semaphore_mem>>)
        %mul3A_521 = arith.constant 5 : i32
        %mul3A_522 = arith.muli %add3A_505, %mul3A_521 : i32
        %add3A_523 = arith.addi %mul3A_46, %mul3A_522 : i32
        %dma_start3A_524 = arith.constant 0 : i32
        %dma_start3A_525 = arith.constant 0 : i32
        %dma_start3A_526 = tpu.memref_slice %arg8[%rem3A_357, %dma_start3A_524, %dma_start3A_525] : memref<3x5x80xi32, #tpu.memory_space<vmem>> -> memref<1x5x80xi32, #tpu.memory_space<vmem>>
        %dma_start3A_527 = tpu.memref_squeeze %dma_start3A_526 : memref<1x5x80xi32, #tpu.memory_space<vmem>> -> memref<5x80xi32, #tpu.memory_space<vmem>>
        %dma_start3A_528 = arith.constant 0 : i32
        %dma_start3A_529 = tpu.memref_slice %arg4[%add3A_523, %dma_start3A_528] : memref<10000x80xi32, #tpu.memory_space<hbm>> -> memref<5x80xi32, #tpu.memory_space<hbm>>
        %dma_start3A_530 = arith.constant 0 : i32
        %dma_start3A_531 = arith.constant 0 : i32
        %dma_start3A_532 = tpu.memref_slice %arg8[%rem3A_357, %dma_start3A_530, %dma_start3A_531] : memref<3x5x80xi32, #tpu.memory_space<vmem>> -> memref<1x5x80xi32, #tpu.memory_space<vmem>>
        %dma_start3A_533 = tpu.memref_squeeze %dma_start3A_532 : memref<1x5x80xi32, #tpu.memory_space<vmem>> -> memref<5x80xi32, #tpu.memory_space<vmem>>
        %dma_start3A_534 = arith.constant 0 : i32
        %dma_start3A_535 = tpu.memref_slice %arg4[%add3A_523, %dma_start3A_534] : memref<10000x80xi32, #tpu.memory_space<hbm>> -> memref<5x80xi32, #tpu.memory_space<hbm>>
        tpu.enqueue_dma source(%dma_start3A_535 : memref<5x80xi32, #tpu.memory_space<hbm>>) target(%dma_start3A_533 : memref<5x80xi32, #tpu.memory_space<vmem>>) target_semaphore(%arg12 : memref<!tpu.dma_semaphore, #tpu.memory_space<semaphore_mem>>)
      } else {
      }
      %dma_wait3A_369 = arith.constant 0 : i32
      %dma_wait3A_370 = arith.constant 0 : i32
      %dma_wait3A_371 = arith.constant 0 : i32
      %dma_wait3A_372 = tpu.memref_slice %arg9[%rem3A_347, %dma_wait3A_369, %dma_wait3A_370, %dma_wait3A_371] : memref<2x5x80x32xf32, #tpu.memory_space<vmem>> -> memref<1x1x80x32xf32, #tpu.memory_space<vmem>>
      %dma_wait3A_373 = tpu.memref_squeeze %dma_wait3A_372 : memref<1x1x80x32xf32, #tpu.memory_space<vmem>> -> memref<80x32xf32, #tpu.memory_space<vmem>>
      %dma_wait3A_374 = arith.constant 0 : i32
      %dma_wait3A_375 = arith.constant 0 : i32
      %dma_wait3A_376 = tpu.memref_slice %arg2[%dma_wait3A_374, %dma_wait3A_375] : memref<102400x32xf32, #tpu.memory_space<hbm>> -> memref<80x32xf32, #tpu.memory_space<hbm>>
      %dma_wait3A_377 = arith.constant 0 : i32
      %dma_wait3A_378 = arith.constant 0 : i32
      %dma_wait3A_379 = tpu.memref_slice %arg9[%rem3A_347, %dma_wait3A_369, %dma_wait3A_377, %dma_wait3A_378] : memref<2x5x80x32xf32, #tpu.memory_space<vmem>> -> memref<1x1x80x32xf32, #tpu.memory_space<vmem>>
      %dma_wait3A_380 = tpu.memref_squeeze %dma_wait3A_379 : memref<1x1x80x32xf32, #tpu.memory_space<vmem>> -> memref<80x32xf32, #tpu.memory_space<vmem>>
      %dma_wait3A_381 = arith.constant 0 : i32
      %dma_wait3A_382 = arith.constant 0 : i32
      %dma_wait3A_383 = tpu.memref_slice %arg2[%dma_wait3A_381, %dma_wait3A_382] : memref<102400x32xf32, #tpu.memory_space<hbm>> -> memref<80x32xf32, #tpu.memory_space<hbm>>
      tpu.wait_dma2 semaphore(%arg10 : memref<!tpu.dma_semaphore, #tpu.memory_space<semaphore_mem>>) src(%dma_wait3A_383 : memref<80x32xf32, #tpu.memory_space<hbm>>) dst(%dma_wait3A_380 : memref<80x32xf32, #tpu.memory_space<vmem>>)
      %dma_start3A_384 = arith.constant 0 : i32
      %dma_start3A_385 = arith.constant 0 : i32
      %dma_start3A_386 = arith.constant 0 : i32
      %dma_start3A_387 = arith.constant 0 : i32
      %dma_start3A_388 = tpu.memref_slice %arg9[%rem3A_347, %dma_start3A_384, %dma_start3A_386, %dma_start3A_387] : memref<2x5x80x32xf32, #tpu.memory_space<vmem>> -> memref<1x1x80x32xf32, #tpu.memory_space<vmem>>
      %dma_start3A_389 = tpu.memref_squeeze %dma_start3A_388 : memref<1x1x80x32xf32, #tpu.memory_space<vmem>> -> memref<80x32xf32, #tpu.memory_space<vmem>>
      %dma_start3A_390 = arith.constant 0 : i32
      %dma_start3A_391 = tpu.memref_slice %arg8[%rem3A_349, %dma_start3A_385, %dma_start3A_390] : memref<3x5x80xi32, #tpu.memory_space<vmem>> -> memref<1x1x80xi32, #tpu.memory_space<vmem>>
      %dma_start3A_392 = tpu.memref_squeeze %dma_start3A_391 : memref<1x1x80xi32, #tpu.memory_space<vmem>> -> memref<80xi32, #tpu.memory_space<vmem>>
      %dma_start3A_393 = arith.constant 0 : i32
      %dma_start3A_394 = arith.constant 0 : i32
      %dma_start3A_395 = tpu.memref_slice %arg6[%dma_start3A_393, %dma_start3A_394] : memref<50000x32xf32, #tpu.memory_space<vmem_shared>> -> memref<50000x32xf32, #tpu.memory_space<vmem_shared>>
      tpu.enqueue_indirect_dma source(%dma_start3A_389 : memref<80x32xf32, #tpu.memory_space<vmem>>) target(%dma_start3A_395 : memref<50000x32xf32, #tpu.memory_space<vmem_shared>>) offsets(%dma_start3A_392 : memref<80xi32, #tpu.memory_space<vmem>>) semaphore(%arg11 : memref<!tpu.dma_semaphore, #tpu.memory_space<semaphore_mem>>) {add = true}
      %dma_wait3A_396 = arith.constant 1 : i32
      %dma_wait3A_397 = arith.constant 0 : i32
      %dma_wait3A_398 = arith.constant 0 : i32
      %dma_wait3A_399 = tpu.memref_slice %arg9[%rem3A_347, %dma_wait3A_396, %dma_wait3A_397, %dma_wait3A_398] : memref<2x5x80x32xf32, #tpu.memory_space<vmem>> -> memref<1x1x80x32xf32, #tpu.memory_space<vmem>>
      %dma_wait3A_400 = tpu.memref_squeeze %dma_wait3A_399 : memref<1x1x80x32xf32, #tpu.memory_space<vmem>> -> memref<80x32xf32, #tpu.memory_space<vmem>>
      %dma_wait3A_401 = arith.constant 0 : i32
      %dma_wait3A_402 = arith.constant 0 : i32
      %dma_wait3A_403 = tpu.memref_slice %arg2[%dma_wait3A_401, %dma_wait3A_402] : memref<102400x32xf32, #tpu.memory_space<hbm>> -> memref<80x32xf32, #tpu.memory_space<hbm>>
      %dma_wait3A_404 = arith.constant 0 : i32
      %dma_wait3A_405 = arith.constant 0 : i32
      %dma_wait3A_406 = tpu.memref_slice %arg9[%rem3A_347, %dma_wait3A_396, %dma_wait3A_404, %dma_wait3A_405] : memref<2x5x80x32xf32, #tpu.memory_space<vmem>> -> memref<1x1x80x32xf32, #tpu.memory_space<vmem>>
      %dma_wait3A_407 = tpu.memref_squeeze %dma_wait3A_406 : memref<1x1x80x32xf32, #tpu.memory_space<vmem>> -> memref<80x32xf32, #tpu.memory_space<vmem>>
      %dma_wait3A_408 = arith.constant 0 : i32
      %dma_wait3A_409 = arith.constant 0 : i32
      %dma_wait3A_410 = tpu.memref_slice %arg2[%dma_wait3A_408, %dma_wait3A_409] : memref<102400x32xf32, #tpu.memory_space<hbm>> -> memref<80x32xf32, #tpu.memory_space<hbm>>
      tpu.wait_dma2 semaphore(%arg10 : memref<!tpu.dma_semaphore, #tpu.memory_space<semaphore_mem>>) src(%dma_wait3A_410 : memref<80x32xf32, #tpu.memory_space<hbm>>) dst(%dma_wait3A_407 : memref<80x32xf32, #tpu.memory_space<vmem>>)
      %dma_start3A_411 = arith.constant 1 : i32
      %dma_start3A_412 = arith.constant 1 : i32
      %dma_start3A_413 = arith.constant 0 : i32
      %dma_start3A_414 = arith.constant 0 : i32
      %dma_start3A_415 = tpu.memref_slice %arg9[%rem3A_347, %dma_start3A_411, %dma_start3A_413, %dma_start3A_414] : memref<2x5x80x32xf32, #tpu.memory_space<vmem>> -> memref<1x1x80x32xf32, #tpu.memory_space<vmem>>
      %dma_start3A_416 = tpu.memref_squeeze %dma_start3A_415 : memref<1x1x80x32xf32, #tpu.memory_space<vmem>> -> memref<80x32xf32, #tpu.memory_space<vmem>>
      %dma_start3A_417 = arith.constant 0 : i32
      %dma_start3A_418 = tpu.memref_slice %arg8[%rem3A_349, %dma_start3A_412, %dma_start3A_417] : memref<3x5x80xi32, #tpu.memory_space<vmem>> -> memref<1x1x80xi32, #tpu.memory_space<vmem>>
      %dma_start3A_419 = tpu.memref_squeeze %dma_start3A_418 : memref<1x1x80xi32, #tpu.memory_space<vmem>> -> memref<80xi32, #tpu.memory_space<vmem>>
      %dma_start3A_420 = arith.constant 0 : i32
      %dma_start3A_421 = arith.constant 0 : i32
      %dma_start3A_422 = tpu.memref_slice %arg6[%dma_start3A_420, %dma_start3A_421] : memref<50000x32xf32, #tpu.memory_space<vmem_shared>> -> memref<50000x32xf32, #tpu.memory_space<vmem_shared>>
      tpu.enqueue_indirect_dma source(%dma_start3A_416 : memref<80x32xf32, #tpu.memory_space<vmem>>) target(%dma_start3A_422 : memref<50000x32xf32, #tpu.memory_space<vmem_shared>>) offsets(%dma_start3A_419 : memref<80xi32, #tpu.memory_space<vmem>>) semaphore(%arg11 : memref<!tpu.dma_semaphore, #tpu.memory_space<semaphore_mem>>) {add = true}
      %dma_wait3A_423 = arith.constant 2 : i32
      %dma_wait3A_424 = arith.constant 0 : i32
      %dma_wait3A_425 = arith.constant 0 : i32
      %dma_wait3A_426 = tpu.memref_slice %arg9[%rem3A_347, %dma_wait3A_423, %dma_wait3A_424, %dma_wait3A_425] : memref<2x5x80x32xf32, #tpu.memory_space<vmem>> -> memref<1x1x80x32xf32, #tpu.memory_space<vmem>>
      %dma_wait3A_427 = tpu.memref_squeeze %dma_wait3A_426 : memref<1x1x80x32xf32, #tpu.memory_space<vmem>> -> memref<80x32xf32, #tpu.memory_space<vmem>>
      %dma_wait3A_428 = arith.constant 0 : i32
      %dma_wait3A_429 = arith.constant 0 : i32
      %dma_wait3A_430 = tpu.memref_slice %arg2[%dma_wait3A_428, %dma_wait3A_429] : memref<102400x32xf32, #tpu.memory_space<hbm>> -> memref<80x32xf32, #tpu.memory_space<hbm>>
      %dma_wait3A_431 = arith.constant 0 : i32
      %dma_wait3A_432 = arith.constant 0 : i32
      %dma_wait3A_433 = tpu.memref_slice %arg9[%rem3A_347, %dma_wait3A_423, %dma_wait3A_431, %dma_wait3A_432] : memref<2x5x80x32xf32, #tpu.memory_space<vmem>> -> memref<1x1x80x32xf32, #tpu.memory_space<vmem>>
      %dma_wait3A_434 = tpu.memref_squeeze %dma_wait3A_433 : memref<1x1x80x32xf32, #tpu.memory_space<vmem>> -> memref<80x32xf32, #tpu.memory_space<vmem>>
      %dma_wait3A_435 = arith.constant 0 : i32
      %dma_wait3A_436 = arith.constant 0 : i32
      %dma_wait3A_437 = tpu.memref_slice %arg2[%dma_wait3A_435, %dma_wait3A_436] : memref<102400x32xf32, #tpu.memory_space<hbm>> -> memref<80x32xf32, #tpu.memory_space<hbm>>
      tpu.wait_dma2 semaphore(%arg10 : memref<!tpu.dma_semaphore, #tpu.memory_space<semaphore_mem>>) src(%dma_wait3A_437 : memref<80x32xf32, #tpu.memory_space<hbm>>) dst(%dma_wait3A_434 : memref<80x32xf32, #tpu.memory_space<vmem>>)
      %dma_start3A_438 = arith.constant 2 : i32
      %dma_start3A_439 = arith.constant 2 : i32
      %dma_start3A_440 = arith.constant 0 : i32
      %dma_start3A_441 = arith.constant 0 : i32
      %dma_start3A_442 = tpu.memref_slice %arg9[%rem3A_347, %dma_start3A_438, %dma_start3A_440, %dma_start3A_441] : memref<2x5x80x32xf32, #tpu.memory_space<vmem>> -> memref<1x1x80x32xf32, #tpu.memory_space<vmem>>
      %dma_start3A_443 = tpu.memref_squeeze %dma_start3A_442 : memref<1x1x80x32xf32, #tpu.memory_space<vmem>> -> memref<80x32xf32, #tpu.memory_space<vmem>>
      %dma_start3A_444 = arith.constant 0 : i32
      %dma_start3A_445 = tpu.memref_slice %arg8[%rem3A_349, %dma_start3A_439, %dma_start3A_444] : memref<3x5x80xi32, #tpu.memory_space<vmem>> -> memref<1x1x80xi32, #tpu.memory_space<vmem>>
      %dma_start3A_446 = tpu.memref_squeeze %dma_start3A_445 : memref<1x1x80xi32, #tpu.memory_space<vmem>> -> memref<80xi32, #tpu.memory_space<vmem>>
      %dma_start3A_447 = arith.constant 0 : i32
      %dma_start3A_448 = arith.constant 0 : i32
      %dma_start3A_449 = tpu.memref_slice %arg6[%dma_start3A_447, %dma_start3A_448] : memref<50000x32xf32, #tpu.memory_space<vmem_shared>> -> memref<50000x32xf32, #tpu.memory_space<vmem_shared>>
      tpu.enqueue_indirect_dma source(%dma_start3A_443 : memref<80x32xf32, #tpu.memory_space<vmem>>) target(%dma_start3A_449 : memref<50000x32xf32, #tpu.memory_space<vmem_shared>>) offsets(%dma_start3A_446 : memref<80xi32, #tpu.memory_space<vmem>>) semaphore(%arg11 : memref<!tpu.dma_semaphore, #tpu.memory_space<semaphore_mem>>) {add = true}
      %dma_wait3A_450 = arith.constant 3 : i32
      %dma_wait3A_451 = arith.constant 0 : i32
      %dma_wait3A_452 = arith.constant 0 : i32
      %dma_wait3A_453 = tpu.memref_slice %arg9[%rem3A_347, %dma_wait3A_450, %dma_wait3A_451, %dma_wait3A_452] : memref<2x5x80x32xf32, #tpu.memory_space<vmem>> -> memref<1x1x80x32xf32, #tpu.memory_space<vmem>>
      %dma_wait3A_454 = tpu.memref_squeeze %dma_wait3A_453 : memref<1x1x80x32xf32, #tpu.memory_space<vmem>> -> memref<80x32xf32, #tpu.memory_space<vmem>>
      %dma_wait3A_455 = arith.constant 0 : i32
      %dma_wait3A_456 = arith.constant 0 : i32
      %dma_wait3A_457 = tpu.memref_slice %arg2[%dma_wait3A_455, %dma_wait3A_456] : memref<102400x32xf32, #tpu.memory_space<hbm>> -> memref<80x32xf32, #tpu.memory_space<hbm>>
      %dma_wait3A_458 = arith.constant 0 : i32
      %dma_wait3A_459 = arith.constant 0 : i32
      %dma_wait3A_460 = tpu.memref_slice %arg9[%rem3A_347, %dma_wait3A_450, %dma_wait3A_458, %dma_wait3A_459] : memref<2x5x80x32xf32, #tpu.memory_space<vmem>> -> memref<1x1x80x32xf32, #tpu.memory_space<vmem>>
      %dma_wait3A_461 = tpu.memref_squeeze %dma_wait3A_460 : memref<1x1x80x32xf32, #tpu.memory_space<vmem>> -> memref<80x32xf32, #tpu.memory_space<vmem>>
      %dma_wait3A_462 = arith.constant 0 : i32
      %dma_wait3A_463 = arith.constant 0 : i32
      %dma_wait3A_464 = tpu.memref_slice %arg2[%dma_wait3A_462, %dma_wait3A_463] : memref<102400x32xf32, #tpu.memory_space<hbm>> -> memref<80x32xf32, #tpu.memory_space<hbm>>
      tpu.wait_dma2 semaphore(%arg10 : memref<!tpu.dma_semaphore, #tpu.memory_space<semaphore_mem>>) src(%dma_wait3A_464 : memref<80x32xf32, #tpu.memory_space<hbm>>) dst(%dma_wait3A_461 : memref<80x32xf32, #tpu.memory_space<vmem>>)
      %dma_start3A_465 = arith.constant 3 : i32
      %dma_start3A_466 = arith.constant 3 : i32
      %dma_start3A_467 = arith.constant 0 : i32
      %dma_start3A_468 = arith.constant 0 : i32
      %dma_start3A_469 = tpu.memref_slice %arg9[%rem3A_347, %dma_start3A_465, %dma_start3A_467, %dma_start3A_468] : memref<2x5x80x32xf32, #tpu.memory_space<vmem>> -> memref<1x1x80x32xf32, #tpu.memory_space<vmem>>
      %dma_start3A_470 = tpu.memref_squeeze %dma_start3A_469 : memref<1x1x80x32xf32, #tpu.memory_space<vmem>> -> memref<80x32xf32, #tpu.memory_space<vmem>>
      %dma_start3A_471 = arith.constant 0 : i32
      %dma_start3A_472 = tpu.memref_slice %arg8[%rem3A_349, %dma_start3A_466, %dma_start3A_471] : memref<3x5x80xi32, #tpu.memory_space<vmem>> -> memref<1x1x80xi32, #tpu.memory_space<vmem>>
      %dma_start3A_473 = tpu.memref_squeeze %dma_start3A_472 : memref<1x1x80xi32, #tpu.memory_space<vmem>> -> memref<80xi32, #tpu.memory_space<vmem>>
      %dma_start3A_474 = arith.constant 0 : i32
      %dma_start3A_475 = arith.constant 0 : i32
      %dma_start3A_476 = tpu.memref_slice %arg6[%dma_start3A_474, %dma_start3A_475] : memref<50000x32xf32, #tpu.memory_space<vmem_shared>> -> memref<50000x32xf32, #tpu.memory_space<vmem_shared>>
      tpu.enqueue_indirect_dma source(%dma_start3A_470 : memref<80x32xf32, #tpu.memory_space<vmem>>) target(%dma_start3A_476 : memref<50000x32xf32, #tpu.memory_space<vmem_shared>>) offsets(%dma_start3A_473 : memref<80xi32, #tpu.memory_space<vmem>>) semaphore(%arg11 : memref<!tpu.dma_semaphore, #tpu.memory_space<semaphore_mem>>) {add = true}
      %dma_wait3A_477 = arith.constant 4 : i32
      %dma_wait3A_478 = arith.constant 0 : i32
      %dma_wait3A_479 = arith.constant 0 : i32
      %dma_wait3A_480 = tpu.memref_slice %arg9[%rem3A_347, %dma_wait3A_477, %dma_wait3A_478, %dma_wait3A_479] : memref<2x5x80x32xf32, #tpu.memory_space<vmem>> -> memref<1x1x80x32xf32, #tpu.memory_space<vmem>>
      %dma_wait3A_481 = tpu.memref_squeeze %dma_wait3A_480 : memref<1x1x80x32xf32, #tpu.memory_space<vmem>> -> memref<80x32xf32, #tpu.memory_space<vmem>>
      %dma_wait3A_482 = arith.constant 0 : i32
      %dma_wait3A_483 = arith.constant 0 : i32
      %dma_wait3A_484 = tpu.memref_slice %arg2[%dma_wait3A_482, %dma_wait3A_483] : memref<102400x32xf32, #tpu.memory_space<hbm>> -> memref<80x32xf32, #tpu.memory_space<hbm>>
      %dma_wait3A_485 = arith.constant 0 : i32
      %dma_wait3A_486 = arith.constant 0 : i32
      %dma_wait3A_487 = tpu.memref_slice %arg9[%rem3A_347, %dma_wait3A_477, %dma_wait3A_485, %dma_wait3A_486] : memref<2x5x80x32xf32, #tpu.memory_space<vmem>> -> memref<1x1x80x32xf32, #tpu.memory_space<vmem>>
      %dma_wait3A_488 = tpu.memref_squeeze %dma_wait3A_487 : memref<1x1x80x32xf32, #tpu.memory_space<vmem>> -> memref<80x32xf32, #tpu.memory_space<vmem>>
      %dma_wait3A_489 = arith.constant 0 : i32
      %dma_wait3A_490 = arith.constant 0 : i32
      %dma_wait3A_491 = tpu.memref_slice %arg2[%dma_wait3A_489, %dma_wait3A_490] : memref<102400x32xf32, #tpu.memory_space<hbm>> -> memref<80x32xf32, #tpu.memory_space<hbm>>
      tpu.wait_dma2 semaphore(%arg10 : memref<!tpu.dma_semaphore, #tpu.memory_space<semaphore_mem>>) src(%dma_wait3A_491 : memref<80x32xf32, #tpu.memory_space<hbm>>) dst(%dma_wait3A_488 : memref<80x32xf32, #tpu.memory_space<vmem>>)
      %dma_start3A_492 = arith.constant 4 : i32
      %dma_start3A_493 = arith.constant 4 : i32
      %dma_start3A_494 = arith.constant 0 : i32
      %dma_start3A_495 = arith.constant 0 : i32
      %dma_start3A_496 = tpu.memref_slice %arg9[%rem3A_347, %dma_start3A_492, %dma_start3A_494, %dma_start3A_495] : memref<2x5x80x32xf32, #tpu.memory_space<vmem>> -> memref<1x1x80x32xf32, #tpu.memory_space<vmem>>
      %dma_start3A_497 = tpu.memref_squeeze %dma_start3A_496 : memref<1x1x80x32xf32, #tpu.memory_space<vmem>> -> memref<80x32xf32, #tpu.memory_space<vmem>>
      %dma_start3A_498 = arith.constant 0 : i32
      %dma_start3A_499 = tpu.memref_slice %arg8[%rem3A_349, %dma_start3A_493, %dma_start3A_498] : memref<3x5x80xi32, #tpu.memory_space<vmem>> -> memref<1x1x80xi32, #tpu.memory_space<vmem>>
      %dma_start3A_500 = tpu.memref_squeeze %dma_start3A_499 : memref<1x1x80xi32, #tpu.memory_space<vmem>> -> memref<80xi32, #tpu.memory_space<vmem>>
      %dma_start3A_501 = arith.constant 0 : i32
      %dma_start3A_502 = arith.constant 0 : i32
      %dma_start3A_503 = tpu.memref_slice %arg6[%dma_start3A_501, %dma_start3A_502] : memref<50000x32xf32, #tpu.memory_space<vmem_shared>> -> memref<50000x32xf32, #tpu.memory_space<vmem_shared>>
      tpu.enqueue_indirect_dma source(%dma_start3A_497 : memref<80x32xf32, #tpu.memory_space<vmem>>) target(%dma_start3A_503 : memref<50000x32xf32, #tpu.memory_space<vmem_shared>>) offsets(%dma_start3A_500 : memref<80xi32, #tpu.memory_space<vmem>>) semaphore(%arg11 : memref<!tpu.dma_semaphore, #tpu.memory_space<semaphore_mem>>) {add = true}
    }
    %scan3A_219 = arith.constant 125 : i32
    %dma_wait3A_220 = arith.constant 0 : i32
    %dma_wait3A_221 = arith.constant 0 : i32
    %dma_wait3A_222 = arith.constant 0 : i32
    %dma_wait3A_223 = arith.constant 0 : i32
    %dma_wait3A_224 = tpu.memref_slice %arg9[%dma_wait3A_220, %dma_wait3A_221, %dma_wait3A_222, %dma_wait3A_223] : memref<2x5x80x32xf32, #tpu.memory_space<vmem>> -> memref<1x1x80x32xf32, #tpu.memory_space<vmem>>
    %dma_wait3A_225 = tpu.memref_squeeze %dma_wait3A_224 : memref<1x1x80x32xf32, #tpu.memory_space<vmem>> -> memref<80x32xf32, #tpu.memory_space<vmem>>
    %dma_wait3A_226 = arith.constant 0 : i32
    %dma_wait3A_227 = arith.constant 0 : i32
    %dma_wait3A_228 = tpu.memref_slice %arg6[%dma_wait3A_226, %dma_wait3A_227] : memref<50000x32xf32, #tpu.memory_space<vmem_shared>> -> memref<80x32xf32, #tpu.memory_space<vmem_shared>>
    %dma_wait3A_229 = arith.constant 0 : i32
    %dma_wait3A_230 = arith.constant 0 : i32
    %dma_wait3A_231 = tpu.memref_slice %arg6[%dma_wait3A_229, %dma_wait3A_230] : memref<50000x32xf32, #tpu.memory_space<vmem_shared>> -> memref<80x32xf32, #tpu.memory_space<vmem_shared>>
    %dma_wait3A_232 = arith.constant 0 : i32
    %dma_wait3A_233 = arith.constant 0 : i32
    %dma_wait3A_234 = tpu.memref_slice %arg9[%dma_wait3A_220, %dma_wait3A_221, %dma_wait3A_232, %dma_wait3A_233] : memref<2x5x80x32xf32, #tpu.memory_space<vmem>> -> memref<1x1x80x32xf32, #tpu.memory_space<vmem>>
    %dma_wait3A_235 = tpu.memref_squeeze %dma_wait3A_234 : memref<1x1x80x32xf32, #tpu.memory_space<vmem>> -> memref<80x32xf32, #tpu.memory_space<vmem>>
    tpu.wait_dma2 semaphore(%arg11 : memref<!tpu.dma_semaphore, #tpu.memory_space<semaphore_mem>>) src(%dma_wait3A_235 : memref<80x32xf32, #tpu.memory_space<vmem>>) dst(%dma_wait3A_231 : memref<80x32xf32, #tpu.memory_space<vmem_shared>>)
    %dma_wait3A_236 = arith.constant 0 : i32
    %dma_wait3A_237 = arith.constant 1 : i32
    %dma_wait3A_238 = arith.constant 0 : i32
    %dma_wait3A_239 = arith.constant 0 : i32
    %dma_wait3A_240 = tpu.memref_slice %arg9[%dma_wait3A_236, %dma_wait3A_237, %dma_wait3A_238, %dma_wait3A_239] : memref<2x5x80x32xf32, #tpu.memory_space<vmem>> -> memref<1x1x80x32xf32, #tpu.memory_space<vmem>>
    %dma_wait3A_241 = tpu.memref_squeeze %dma_wait3A_240 : memref<1x1x80x32xf32, #tpu.memory_space<vmem>> -> memref<80x32xf32, #tpu.memory_space<vmem>>
    %dma_wait3A_242 = arith.constant 0 : i32
    %dma_wait3A_243 = arith.constant 0 : i32
    %dma_wait3A_244 = tpu.memref_slice %arg6[%dma_wait3A_242, %dma_wait3A_243] : memref<50000x32xf32, #tpu.memory_space<vmem_shared>> -> memref<80x32xf32, #tpu.memory_space<vmem_shared>>
    %dma_wait3A_245 = arith.constant 0 : i32
    %dma_wait3A_246 = arith.constant 0 : i32
    %dma_wait3A_247 = tpu.memref_slice %arg6[%dma_wait3A_245, %dma_wait3A_246] : memref<50000x32xf32, #tpu.memory_space<vmem_shared>> -> memref<80x32xf32, #tpu.memory_space<vmem_shared>>
    %dma_wait3A_248 = arith.constant 0 : i32
    %dma_wait3A_249 = arith.constant 0 : i32
    %dma_wait3A_250 = tpu.memref_slice %arg9[%dma_wait3A_236, %dma_wait3A_237, %dma_wait3A_248, %dma_wait3A_249] : memref<2x5x80x32xf32, #tpu.memory_space<vmem>> -> memref<1x1x80x32xf32, #tpu.memory_space<vmem>>
    %dma_wait3A_251 = tpu.memref_squeeze %dma_wait3A_250 : memref<1x1x80x32xf32, #tpu.memory_space<vmem>> -> memref<80x32xf32, #tpu.memory_space<vmem>>
    tpu.wait_dma2 semaphore(%arg11 : memref<!tpu.dma_semaphore, #tpu.memory_space<semaphore_mem>>) src(%dma_wait3A_251 : memref<80x32xf32, #tpu.memory_space<vmem>>) dst(%dma_wait3A_247 : memref<80x32xf32, #tpu.memory_space<vmem_shared>>)
    %dma_wait3A_252 = arith.constant 0 : i32
    %dma_wait3A_253 = arith.constant 2 : i32
    %dma_wait3A_254 = arith.constant 0 : i32
    %dma_wait3A_255 = arith.constant 0 : i32
    %dma_wait3A_256 = tpu.memref_slice %arg9[%dma_wait3A_252, %dma_wait3A_253, %dma_wait3A_254, %dma_wait3A_255] : memref<2x5x80x32xf32, #tpu.memory_space<vmem>> -> memref<1x1x80x32xf32, #tpu.memory_space<vmem>>
    %dma_wait3A_257 = tpu.memref_squeeze %dma_wait3A_256 : memref<1x1x80x32xf32, #tpu.memory_space<vmem>> -> memref<80x32xf32, #tpu.memory_space<vmem>>
    %dma_wait3A_258 = arith.constant 0 : i32
    %dma_wait3A_259 = arith.constant 0 : i32
    %dma_wait3A_260 = tpu.memref_slice %arg6[%dma_wait3A_258, %dma_wait3A_259] : memref<50000x32xf32, #tpu.memory_space<vmem_shared>> -> memref<80x32xf32, #tpu.memory_space<vmem_shared>>
    %dma_wait3A_261 = arith.constant 0 : i32
    %dma_wait3A_262 = arith.constant 0 : i32
    %dma_wait3A_263 = tpu.memref_slice %arg6[%dma_wait3A_261, %dma_wait3A_262] : memref<50000x32xf32, #tpu.memory_space<vmem_shared>> -> memref<80x32xf32, #tpu.memory_space<vmem_shared>>
    %dma_wait3A_264 = arith.constant 0 : i32
    %dma_wait3A_265 = arith.constant 0 : i32
    %dma_wait3A_266 = tpu.memref_slice %arg9[%dma_wait3A_252, %dma_wait3A_253, %dma_wait3A_264, %dma_wait3A_265] : memref<2x5x80x32xf32, #tpu.memory_space<vmem>> -> memref<1x1x80x32xf32, #tpu.memory_space<vmem>>
    %dma_wait3A_267 = tpu.memref_squeeze %dma_wait3A_266 : memref<1x1x80x32xf32, #tpu.memory_space<vmem>> -> memref<80x32xf32, #tpu.memory_space<vmem>>
    tpu.wait_dma2 semaphore(%arg11 : memref<!tpu.dma_semaphore, #tpu.memory_space<semaphore_mem>>) src(%dma_wait3A_267 : memref<80x32xf32, #tpu.memory_space<vmem>>) dst(%dma_wait3A_263 : memref<80x32xf32, #tpu.memory_space<vmem_shared>>)
    %dma_wait3A_268 = arith.constant 0 : i32
    %dma_wait3A_269 = arith.constant 3 : i32
    %dma_wait3A_270 = arith.constant 0 : i32
    %dma_wait3A_271 = arith.constant 0 : i32
    %dma_wait3A_272 = tpu.memref_slice %arg9[%dma_wait3A_268, %dma_wait3A_269, %dma_wait3A_270, %dma_wait3A_271] : memref<2x5x80x32xf32, #tpu.memory_space<vmem>> -> memref<1x1x80x32xf32, #tpu.memory_space<vmem>>
    %dma_wait3A_273 = tpu.memref_squeeze %dma_wait3A_272 : memref<1x1x80x32xf32, #tpu.memory_space<vmem>> -> memref<80x32xf32, #tpu.memory_space<vmem>>
    %dma_wait3A_274 = arith.constant 0 : i32
    %dma_wait3A_275 = arith.constant 0 : i32
    %dma_wait3A_276 = tpu.memref_slice %arg6[%dma_wait3A_274, %dma_wait3A_275] : memref<50000x32xf32, #tpu.memory_space<vmem_shared>> -> memref<80x32xf32, #tpu.memory_space<vmem_shared>>
    %dma_wait3A_277 = arith.constant 0 : i32
    %dma_wait3A_278 = arith.constant 0 : i32
    %dma_wait3A_279 = tpu.memref_slice %arg6[%dma_wait3A_277, %dma_wait3A_278] : memref<50000x32xf32, #tpu.memory_space<vmem_shared>> -> memref<80x32xf32, #tpu.memory_space<vmem_shared>>
    %dma_wait3A_280 = arith.constant 0 : i32
    %dma_wait3A_281 = arith.constant 0 : i32
    %dma_wait3A_282 = tpu.memref_slice %arg9[%dma_wait3A_268, %dma_wait3A_269, %dma_wait3A_280, %dma_wait3A_281] : memref<2x5x80x32xf32, #tpu.memory_space<vmem>> -> memref<1x1x80x32xf32, #tpu.memory_space<vmem>>
    %dma_wait3A_283 = tpu.memref_squeeze %dma_wait3A_282 : memref<1x1x80x32xf32, #tpu.memory_space<vmem>> -> memref<80x32xf32, #tpu.memory_space<vmem>>
    tpu.wait_dma2 semaphore(%arg11 : memref<!tpu.dma_semaphore, #tpu.memory_space<semaphore_mem>>) src(%dma_wait3A_283 : memref<80x32xf32, #tpu.memory_space<vmem>>) dst(%dma_wait3A_279 : memref<80x32xf32, #tpu.memory_space<vmem_shared>>)
    %dma_wait3A_284 = arith.constant 0 : i32
    %dma_wait3A_285 = arith.constant 4 : i32
    %dma_wait3A_286 = arith.constant 0 : i32
    %dma_wait3A_287 = arith.constant 0 : i32
    %dma_wait3A_288 = tpu.memref_slice %arg9[%dma_wait3A_284, %dma_wait3A_285, %dma_wait3A_286, %dma_wait3A_287] : memref<2x5x80x32xf32, #tpu.memory_space<vmem>> -> memref<1x1x80x32xf32, #tpu.memory_space<vmem>>
    %dma_wait3A_289 = tpu.memref_squeeze %dma_wait3A_288 : memref<1x1x80x32xf32, #tpu.memory_space<vmem>> -> memref<80x32xf32, #tpu.memory_space<vmem>>
    %dma_wait3A_290 = arith.constant 0 : i32
    %dma_wait3A_291 = arith.constant 0 : i32
    %dma_wait3A_292 = tpu.memref_slice %arg6[%dma_wait3A_290, %dma_wait3A_291] : memref<50000x32xf32, #tpu.memory_space<vmem_shared>> -> memref<80x32xf32, #tpu.memory_space<vmem_shared>>
    %dma_wait3A_293 = arith.constant 0 : i32
    %dma_wait3A_294 = arith.constant 0 : i32
    %dma_wait3A_295 = tpu.memref_slice %arg6[%dma_wait3A_293, %dma_wait3A_294] : memref<50000x32xf32, #tpu.memory_space<vmem_shared>> -> memref<80x32xf32, #tpu.memory_space<vmem_shared>>
    %dma_wait3A_296 = arith.constant 0 : i32
    %dma_wait3A_297 = arith.constant 0 : i32
    %dma_wait3A_298 = tpu.memref_slice %arg9[%dma_wait3A_284, %dma_wait3A_285, %dma_wait3A_296, %dma_wait3A_297] : memref<2x5x80x32xf32, #tpu.memory_space<vmem>> -> memref<1x1x80x32xf32, #tpu.memory_space<vmem>>
    %dma_wait3A_299 = tpu.memref_squeeze %dma_wait3A_298 : memref<1x1x80x32xf32, #tpu.memory_space<vmem>> -> memref<80x32xf32, #tpu.memory_space<vmem>>
    tpu.wait_dma2 semaphore(%arg11 : memref<!tpu.dma_semaphore, #tpu.memory_space<semaphore_mem>>) src(%dma_wait3A_299 : memref<80x32xf32, #tpu.memory_space<vmem>>) dst(%dma_wait3A_295 : memref<80x32xf32, #tpu.memory_space<vmem_shared>>)
    %barrier3A_300 = arith.constant 0 : index
    tpu.barrier barrier_id(%barrier3A_300)
    %mul3A_301 = arith.constant 3125 : i32
    %mul3A_302 = arith.muli %arg1, %mul3A_301 : i32
    %add3A_303 = arith.constant 0 : i32
    %add3A_304 = arith.addi %mul3A_302, %add3A_303 : i32
    %mul3A_305 = arith.constant 3125 : i32
    %mul3A_306 = arith.muli %arg1, %mul3A_305 : i32
    %add3A_307 = arith.addi %mul3A_0, %mul3A_306 : i32
    %add3A_308 = arith.constant 0 : i32
    %add3A_309 = arith.addi %add3A_307, %add3A_308 : i32
    "tpu.region"() ({
      %run_scoped3A = tpu.sem_alloc : memref<!tpu.dma_semaphore, #tpu.memory_space<semaphore_mem>>
      %dma_start3A_346 = arith.constant 0 : i32
      %dma_start3A_347 = tpu.memref_slice %arg5[%add3A_309, %dma_start3A_346] : memref<102400x32xf32, #tpu.memory_space<hbm>> -> memref<625x32xf32, #tpu.memory_space<hbm>>
      %dma_start3A_348 = arith.constant 0 : i32
      %dma_start3A_349 = tpu.memref_slice %arg6[%add3A_304, %dma_start3A_348] : memref<50000x32xf32, #tpu.memory_space<vmem_shared>> -> memref<625x32xf32, #tpu.memory_space<vmem_shared>>
      tpu.enqueue_dma source(%dma_start3A_349 : memref<625x32xf32, #tpu.memory_space<vmem_shared>>) target(%dma_start3A_347 : memref<625x32xf32, #tpu.memory_space<hbm>>) target_semaphore(%run_scoped3A : memref<!tpu.dma_semaphore, #tpu.memory_space<semaphore_mem>>)
      %dma_wait3A_350 = arith.constant 0 : i32
      %dma_wait3A_351 = tpu.memref_slice %arg5[%add3A_309, %dma_wait3A_350] : memref<102400x32xf32, #tpu.memory_space<hbm>> -> memref<625x32xf32, #tpu.memory_space<hbm>>
      %dma_wait3A_352 = arith.constant 0 : i32
      %dma_wait3A_353 = tpu.memref_slice %arg6[%add3A_304, %dma_wait3A_352] : memref<50000x32xf32, #tpu.memory_space<vmem_shared>> -> memref<625x32xf32, #tpu.memory_space<vmem_shared>>
      tpu.wait_dma2 semaphore(%run_scoped3A : memref<!tpu.dma_semaphore, #tpu.memory_space<semaphore_mem>>) src(%dma_wait3A_353 : memref<625x32xf32, #tpu.memory_space<vmem_shared>>) dst(%dma_wait3A_351 : memref<625x32xf32, #tpu.memory_space<hbm>>)
      tpu.yield
    }) : () -> ()
    %mul3A_310 = arith.constant 3125 : i32
    %mul3A_311 = arith.muli %arg1, %mul3A_310 : i32
    %add3A_312 = arith.constant 625 : i32
    %add3A_313 = arith.addi %mul3A_311, %add3A_312 : i32
    %mul3A_314 = arith.constant 3125 : i32
    %mul3A_315 = arith.muli %arg1, %mul3A_314 : i32
    %add3A_316 = arith.addi %mul3A_0, %mul3A_315 : i32
    %add3A_317 = arith.constant 625 : i32
    %add3A_318 = arith.addi %add3A_316, %add3A_317 : i32
    "tpu.region"() ({
      %run_scoped3A = tpu.sem_alloc : memref<!tpu.dma_semaphore, #tpu.memory_space<semaphore_mem>>
      %dma_start3A_346 = arith.constant 0 : i32
      %dma_start3A_347 = tpu.memref_slice %arg5[%add3A_318, %dma_start3A_346] : memref<102400x32xf32, #tpu.memory_space<hbm>> -> memref<625x32xf32, #tpu.memory_space<hbm>>
      %dma_start3A_348 = arith.constant 0 : i32
      %dma_start3A_349 = tpu.memref_slice %arg6[%add3A_313, %dma_start3A_348] : memref<50000x32xf32, #tpu.memory_space<vmem_shared>> -> memref<625x32xf32, #tpu.memory_space<vmem_shared>>
      tpu.enqueue_dma source(%dma_start3A_349 : memref<625x32xf32, #tpu.memory_space<vmem_shared>>) target(%dma_start3A_347 : memref<625x32xf32, #tpu.memory_space<hbm>>) target_semaphore(%run_scoped3A : memref<!tpu.dma_semaphore, #tpu.memory_space<semaphore_mem>>)
      %dma_wait3A_350 = arith.constant 0 : i32
      %dma_wait3A_351 = tpu.memref_slice %arg5[%add3A_318, %dma_wait3A_350] : memref<102400x32xf32, #tpu.memory_space<hbm>> -> memref<625x32xf32, #tpu.memory_space<hbm>>
      %dma_wait3A_352 = arith.constant 0 : i32
      %dma_wait3A_353 = tpu.memref_slice %arg6[%add3A_313, %dma_wait3A_352] : memref<50000x32xf32, #tpu.memory_space<vmem_shared>> -> memref<625x32xf32, #tpu.memory_space<vmem_shared>>
      tpu.wait_dma2 semaphore(%run_scoped3A : memref<!tpu.dma_semaphore, #tpu.memory_space<semaphore_mem>>) src(%dma_wait3A_353 : memref<625x32xf32, #tpu.memory_space<vmem_shared>>) dst(%dma_wait3A_351 : memref<625x32xf32, #tpu.memory_space<hbm>>)
      tpu.yield
    }) : () -> ()
    %mul3A_319 = arith.constant 3125 : i32
    %mul3A_320 = arith.muli %arg1, %mul3A_319 : i32
    %add3A_321 = arith.constant 1250 : i32
    %add3A_322 = arith.addi %mul3A_320, %add3A_321 : i32
    %mul3A_323 = arith.constant 3125 : i32
    %mul3A_324 = arith.muli %arg1, %mul3A_323 : i32
    %add3A_325 = arith.addi %mul3A_0, %mul3A_324 : i32
    %add3A_326 = arith.constant 1250 : i32
    %add3A_327 = arith.addi %add3A_325, %add3A_326 : i32
    "tpu.region"() ({
      %run_scoped3A = tpu.sem_alloc : memref<!tpu.dma_semaphore, #tpu.memory_space<semaphore_mem>>
      %dma_start3A_346 = arith.constant 0 : i32
      %dma_start3A_347 = tpu.memref_slice %arg5[%add3A_327, %dma_start3A_346] : memref<102400x32xf32, #tpu.memory_space<hbm>> -> memref<625x32xf32, #tpu.memory_space<hbm>>
      %dma_start3A_348 = arith.constant 0 : i32
      %dma_start3A_349 = tpu.memref_slice %arg6[%add3A_322, %dma_start3A_348] : memref<50000x32xf32, #tpu.memory_space<vmem_shared>> -> memref<625x32xf32, #tpu.memory_space<vmem_shared>>
      tpu.enqueue_dma source(%dma_start3A_349 : memref<625x32xf32, #tpu.memory_space<vmem_shared>>) target(%dma_start3A_347 : memref<625x32xf32, #tpu.memory_space<hbm>>) target_semaphore(%run_scoped3A : memref<!tpu.dma_semaphore, #tpu.memory_space<semaphore_mem>>)
      %dma_wait3A_350 = arith.constant 0 : i32
      %dma_wait3A_351 = tpu.memref_slice %arg5[%add3A_327, %dma_wait3A_350] : memref<102400x32xf32, #tpu.memory_space<hbm>> -> memref<625x32xf32, #tpu.memory_space<hbm>>
      %dma_wait3A_352 = arith.constant 0 : i32
      %dma_wait3A_353 = tpu.memref_slice %arg6[%add3A_322, %dma_wait3A_352] : memref<50000x32xf32, #tpu.memory_space<vmem_shared>> -> memref<625x32xf32, #tpu.memory_space<vmem_shared>>
      tpu.wait_dma2 semaphore(%run_scoped3A : memref<!tpu.dma_semaphore, #tpu.memory_space<semaphore_mem>>) src(%dma_wait3A_353 : memref<625x32xf32, #tpu.memory_space<vmem_shared>>) dst(%dma_wait3A_351 : memref<625x32xf32, #tpu.memory_space<hbm>>)
      tpu.yield
    }) : () -> ()
    %mul3A_328 = arith.constant 3125 : i32
    %mul3A_329 = arith.muli %arg1, %mul3A_328 : i32
    %add3A_330 = arith.constant 1875 : i32
    %add3A_331 = arith.addi %mul3A_329, %add3A_330 : i32
    %mul3A_332 = arith.constant 3125 : i32
    %mul3A_333 = arith.muli %arg1, %mul3A_332 : i32
    %add3A_334 = arith.addi %mul3A_0, %mul3A_333 : i32
    %add3A_335 = arith.constant 1875 : i32
    %add3A_336 = arith.addi %add3A_334, %add3A_335 : i32
    "tpu.region"() ({
      %run_scoped3A = tpu.sem_alloc : memref<!tpu.dma_semaphore, #tpu.memory_space<semaphore_mem>>
      %dma_start3A_346 = arith.constant 0 : i32
      %dma_start3A_347 = tpu.memref_slice %arg5[%add3A_336, %dma_start3A_346] : memref<102400x32xf32, #tpu.memory_space<hbm>> -> memref<625x32xf32, #tpu.memory_space<hbm>>
      %dma_start3A_348 = arith.constant 0 : i32
      %dma_start3A_349 = tpu.memref_slice %arg6[%add3A_331, %dma_start3A_348] : memref<50000x32xf32, #tpu.memory_space<vmem_shared>> -> memref<625x32xf32, #tpu.memory_space<vmem_shared>>
      tpu.enqueue_dma source(%dma_start3A_349 : memref<625x32xf32, #tpu.memory_space<vmem_shared>>) target(%dma_start3A_347 : memref<625x32xf32, #tpu.memory_space<hbm>>) target_semaphore(%run_scoped3A : memref<!tpu.dma_semaphore, #tpu.memory_space<semaphore_mem>>)
      %dma_wait3A_350 = arith.constant 0 : i32
      %dma_wait3A_351 = tpu.memref_slice %arg5[%add3A_336, %dma_wait3A_350] : memref<102400x32xf32, #tpu.memory_space<hbm>> -> memref<625x32xf32, #tpu.memory_space<hbm>>
      %dma_wait3A_352 = arith.constant 0 : i32
      %dma_wait3A_353 = tpu.memref_slice %arg6[%add3A_331, %dma_wait3A_352] : memref<50000x32xf32, #tpu.memory_space<vmem_shared>> -> memref<625x32xf32, #tpu.memory_space<vmem_shared>>
      tpu.wait_dma2 semaphore(%run_scoped3A : memref<!tpu.dma_semaphore, #tpu.memory_space<semaphore_mem>>) src(%dma_wait3A_353 : memref<625x32xf32, #tpu.memory_space<vmem_shared>>) dst(%dma_wait3A_351 : memref<625x32xf32, #tpu.memory_space<hbm>>)
      tpu.yield
    }) : () -> ()
    %mul3A_337 = arith.constant 3125 : i32
    %mul3A_338 = arith.muli %arg1, %mul3A_337 : i32
    %add3A_339 = arith.constant 2500 : i32
    %add3A_340 = arith.addi %mul3A_338, %add3A_339 : i32
    %mul3A_341 = arith.constant 3125 : i32
    %mul3A_342 = arith.muli %arg1, %mul3A_341 : i32
    %add3A_343 = arith.addi %mul3A_0, %mul3A_342 : i32
    %add3A_344 = arith.constant 2500 : i32
    %add3A_345 = arith.addi %add3A_343, %add3A_344 : i32
    "tpu.region"() ({
      %run_scoped3A = tpu.sem_alloc : memref<!tpu.dma_semaphore, #tpu.memory_space<semaphore_mem>>
      %dma_start3A_346 = arith.constant 0 : i32
      %dma_start3A_347 = tpu.memref_slice %arg5[%add3A_345, %dma_start3A_346] : memref<102400x32xf32, #tpu.memory_space<hbm>> -> memref<625x32xf32, #tpu.memory_space<hbm>>
      %dma_start3A_348 = arith.constant 0 : i32
      %dma_start3A_349 = tpu.memref_slice %arg6[%add3A_340, %dma_start3A_348] : memref<50000x32xf32, #tpu.memory_space<vmem_shared>> -> memref<625x32xf32, #tpu.memory_space<vmem_shared>>
      tpu.enqueue_dma source(%dma_start3A_349 : memref<625x32xf32, #tpu.memory_space<vmem_shared>>) target(%dma_start3A_347 : memref<625x32xf32, #tpu.memory_space<hbm>>) target_semaphore(%run_scoped3A : memref<!tpu.dma_semaphore, #tpu.memory_space<semaphore_mem>>)
      %dma_wait3A_350 = arith.constant 0 : i32
      %dma_wait3A_351 = tpu.memref_slice %arg5[%add3A_345, %dma_wait3A_350] : memref<102400x32xf32, #tpu.memory_space<hbm>> -> memref<625x32xf32, #tpu.memory_space<hbm>>
      %dma_wait3A_352 = arith.constant 0 : i32
      %dma_wait3A_353 = tpu.memref_slice %arg6[%add3A_340, %dma_wait3A_352] : memref<50000x32xf32, #tpu.memory_space<vmem_shared>> -> memref<625x32xf32, #tpu.memory_space<vmem_shared>>
      tpu.wait_dma2 semaphore(%run_scoped3A : memref<!tpu.dma_semaphore, #tpu.memory_space<semaphore_mem>>) src(%dma_wait3A_353 : memref<625x32xf32, #tpu.memory_space<vmem_shared>>) dst(%dma_wait3A_351 : memref<625x32xf32, #tpu.memory_space<hbm>>)
      tpu.yield
    }) : () -> ()
    return
  }
}

#map = affine_map<(d0, d1) -> (0, 0)>
module attributes {stable_mosaic.version = 14 : i64} {
  func.func @_agg_body(%arg0: i32, %arg1: i32, %arg2: memref<102400x32xf32, #tpu.memory_space<hbm>>, %arg3: memref<10000x80xi32, #tpu.memory_space<hbm>>, %arg4: memref<10000x80xi32, #tpu.memory_space<hbm>>, %arg5: memref<102400x32xf32, #tpu.memory_space<hbm>>, %arg6: memref<50000x32xf32, #tpu.memory_space<vmem_shared>>, %arg7: memref<3x5x80xi32, #tpu.memory_space<vmem>>, %arg8: memref<3x5x80xi32, #tpu.memory_space<vmem>>, %arg9: memref<2x5x80x32xf32, #tpu.memory_space<vmem>>, %arg10: memref<!tpu.dma_semaphore, #tpu.memory_space<semaphore_mem>>, %arg11: memref<!tpu.dma_semaphore, #tpu.memory_space<semaphore_mem>>, %arg12: memref<!tpu.dma_semaphore, #tpu.memory_space<semaphore_mem>>) attributes {dimension_semantics = [#tpu.dimension_semantics<core_parallel>, #tpu.dimension_semantics<subcore_parallel>], iteration_bounds = array<i64: 2, 16>, scalar_prefetch = 0 : i64, scratch_operands = 7 : i64, tpu.core_type = #tpu.core_type<sc_vector_subcore>, window_params = [{transform_indices = #map}, {transform_indices = #map}, {transform_indices = #map}, {transform_indices = #map}]} {
    %mul3A = arith.constant 51200 : i32
    %mul3A_0 = arith.muli %arg0, %mul3A : i32
    %mul3A_1 = arith.constant 3125 : i32
    %mul3A_2 = arith.muli %arg1, %mul3A_1 : i32
    %add3A = arith.addi %mul3A_0, %mul3A_2 : i32
    %add3A_3 = arith.constant 0 : i32
    %add3A_4 = arith.addi %add3A, %add3A_3 : i32
    %mul3A_5 = arith.constant 3125 : i32
    %mul3A_6 = arith.muli %arg1, %mul3A_5 : i32
    %add3A_7 = arith.constant 0 : i32
    %add3A_8 = arith.addi %mul3A_6, %add3A_7 : i32
    "tpu.region"() ({
      %run_scoped3A = tpu.sem_alloc : memref<!tpu.dma_semaphore, #tpu.memory_space<semaphore_mem>>
      %dma_start3A_346 = arith.constant 0 : i32
      %dma_start3A_347 = tpu.memref_slice %arg6[%add3A_8, %dma_start3A_346] : memref<50000x32xf32, #tpu.memory_space<vmem_shared>> -> memref<625x32xf32, #tpu.memory_space<vmem_shared>>
      %dma_start3A_348 = arith.constant 0 : i32
      %dma_start3A_349 = tpu.memref_slice %arg2[%add3A_4, %dma_start3A_348] : memref<102400x32xf32, #tpu.memory_space<hbm>> -> memref<625x32xf32, #tpu.memory_space<hbm>>
      tpu.enqueue_dma source(%dma_start3A_349 : memref<625x32xf32, #tpu.memory_space<hbm>>) target(%dma_start3A_347 : memref<625x32xf32, #tpu.memory_space<vmem_shared>>) target_semaphore(%run_scoped3A : memref<!tpu.dma_semaphore, #tpu.memory_space<semaphore_mem>>)
      %dma_wait3A_350 = arith.constant 0 : i32
      %dma_wait3A_351 = tpu.memref_slice %arg6[%add3A_8, %dma_wait3A_350] : memref<50000x32xf32, #tpu.memory_space<vmem_shared>> -> memref<625x32xf32, #tpu.memory_space<vmem_shared>>
      %dma_wait3A_352 = arith.constant 0 : i32
      %dma_wait3A_353 = tpu.memref_slice %arg2[%add3A_4, %dma_wait3A_352] : memref<102400x32xf32, #tpu.memory_space<hbm>> -> memref<625x32xf32, #tpu.memory_space<hbm>>
      tpu.wait_dma2 semaphore(%run_scoped3A : memref<!tpu.dma_semaphore, #tpu.memory_space<semaphore_mem>>) src(%dma_wait3A_353 : memref<625x32xf32, #tpu.memory_space<hbm>>) dst(%dma_wait3A_351 : memref<625x32xf32, #tpu.memory_space<vmem_shared>>)
      tpu.yield
    }) : () -> ()
    %mul3A_9 = arith.constant 3125 : i32
    %mul3A_10 = arith.muli %arg1, %mul3A_9 : i32
    %add3A_11 = arith.addi %mul3A_0, %mul3A_10 : i32
    %add3A_12 = arith.constant 625 : i32
    %add3A_13 = arith.addi %add3A_11, %add3A_12 : i32
    %mul3A_14 = arith.constant 3125 : i32
    %mul3A_15 = arith.muli %arg1, %mul3A_14 : i32
    %add3A_16 = arith.constant 625 : i32
    %add3A_17 = arith.addi %mul3A_15, %add3A_16 : i32
    "tpu.region"() ({
      %run_scoped3A = tpu.sem_alloc : memref<!tpu.dma_semaphore, #tpu.memory_space<semaphore_mem>>
      %dma_start3A_346 = arith.constant 0 : i32
      %dma_start3A_347 = tpu.memref_slice %arg6[%add3A_17, %dma_start3A_346] : memref<50000x32xf32, #tpu.memory_space<vmem_shared>> -> memref<625x32xf32, #tpu.memory_space<vmem_shared>>
      %dma_start3A_348 = arith.constant 0 : i32
      %dma_start3A_349 = tpu.memref_slice %arg2[%add3A_13, %dma_start3A_348] : memref<102400x32xf32, #tpu.memory_space<hbm>> -> memref<625x32xf32, #tpu.memory_space<hbm>>
      tpu.enqueue_dma source(%dma_start3A_349 : memref<625x32xf32, #tpu.memory_space<hbm>>) target(%dma_start3A_347 : memref<625x32xf32, #tpu.memory_space<vmem_shared>>) target_semaphore(%run_scoped3A : memref<!tpu.dma_semaphore, #tpu.memory_space<semaphore_mem>>)
      %dma_wait3A_350 = arith.constant 0 : i32
      %dma_wait3A_351 = tpu.memref_slice %arg6[%add3A_17, %dma_wait3A_350] : memref<50000x32xf32, #tpu.memory_space<vmem_shared>> -> memref<625x32xf32, #tpu.memory_space<vmem_shared>>
      %dma_wait3A_352 = arith.constant 0 : i32
      %dma_wait3A_353 = tpu.memref_slice %arg2[%add3A_13, %dma_wait3A_352] : memref<102400x32xf32, #tpu.memory_space<hbm>> -> memref<625x32xf32, #tpu.memory_space<hbm>>
      tpu.wait_dma2 semaphore(%run_scoped3A : memref<!tpu.dma_semaphore, #tpu.memory_space<semaphore_mem>>) src(%dma_wait3A_353 : memref<625x32xf32, #tpu.memory_space<hbm>>) dst(%dma_wait3A_351 : memref<625x32xf32, #tpu.memory_space<vmem_shared>>)
      tpu.yield
    }) : () -> ()
    %mul3A_18 = arith.constant 3125 : i32
    %mul3A_19 = arith.muli %arg1, %mul3A_18 : i32
    %add3A_20 = arith.addi %mul3A_0, %mul3A_19 : i32
    %add3A_21 = arith.constant 1250 : i32
    %add3A_22 = arith.addi %add3A_20, %add3A_21 : i32
    %mul3A_23 = arith.constant 3125 : i32
    %mul3A_24 = arith.muli %arg1, %mul3A_23 : i32
    %add3A_25 = arith.constant 1250 : i32
    %add3A_26 = arith.addi %mul3A_24, %add3A_25 : i32
    "tpu.region"() ({
      %run_scoped3A = tpu.sem_alloc : memref<!tpu.dma_semaphore, #tpu.memory_space<semaphore_mem>>
      %dma_start3A_346 = arith.constant 0 : i32
      %dma_start3A_347 = tpu.memref_slice %arg6[%add3A_26, %dma_start3A_346] : memref<50000x32xf32, #tpu.memory_space<vmem_shared>> -> memref<625x32xf32, #tpu.memory_space<vmem_shared>>
      %dma_start3A_348 = arith.constant 0 : i32
      %dma_start3A_349 = tpu.memref_slice %arg2[%add3A_22, %dma_start3A_348] : memref<102400x32xf32, #tpu.memory_space<hbm>> -> memref<625x32xf32, #tpu.memory_space<hbm>>
      tpu.enqueue_dma source(%dma_start3A_349 : memref<625x32xf32, #tpu.memory_space<hbm>>) target(%dma_start3A_347 : memref<625x32xf32, #tpu.memory_space<vmem_shared>>) target_semaphore(%run_scoped3A : memref<!tpu.dma_semaphore, #tpu.memory_space<semaphore_mem>>)
      %dma_wait3A_350 = arith.constant 0 : i32
      %dma_wait3A_351 = tpu.memref_slice %arg6[%add3A_26, %dma_wait3A_350] : memref<50000x32xf32, #tpu.memory_space<vmem_shared>> -> memref<625x32xf32, #tpu.memory_space<vmem_shared>>
      %dma_wait3A_352 = arith.constant 0 : i32
      %dma_wait3A_353 = tpu.memref_slice %arg2[%add3A_22, %dma_wait3A_352] : memref<102400x32xf32, #tpu.memory_space<hbm>> -> memref<625x32xf32, #tpu.memory_space<hbm>>
      tpu.wait_dma2 semaphore(%run_scoped3A : memref<!tpu.dma_semaphore, #tpu.memory_space<semaphore_mem>>) src(%dma_wait3A_353 : memref<625x32xf32, #tpu.memory_space<hbm>>) dst(%dma_wait3A_351 : memref<625x32xf32, #tpu.memory_space<vmem_shared>>)
      tpu.yield
    }) : () -> ()
    %mul3A_27 = arith.constant 3125 : i32
    %mul3A_28 = arith.muli %arg1, %mul3A_27 : i32
    %add3A_29 = arith.addi %mul3A_0, %mul3A_28 : i32
    %add3A_30 = arith.constant 1875 : i32
    %add3A_31 = arith.addi %add3A_29, %add3A_30 : i32
    %mul3A_32 = arith.constant 3125 : i32
    %mul3A_33 = arith.muli %arg1, %mul3A_32 : i32
    %add3A_34 = arith.constant 1875 : i32
    %add3A_35 = arith.addi %mul3A_33, %add3A_34 : i32
    "tpu.region"() ({
      %run_scoped3A = tpu.sem_alloc : memref<!tpu.dma_semaphore, #tpu.memory_space<semaphore_mem>>
      %dma_start3A_346 = arith.constant 0 : i32
      %dma_start3A_347 = tpu.memref_slice %arg6[%add3A_35, %dma_start3A_346] : memref<50000x32xf32, #tpu.memory_space<vmem_shared>> -> memref<625x32xf32, #tpu.memory_space<vmem_shared>>
      %dma_start3A_348 = arith.constant 0 : i32
      %dma_start3A_349 = tpu.memref_slice %arg2[%add3A_31, %dma_start3A_348] : memref<102400x32xf32, #tpu.memory_space<hbm>> -> memref<625x32xf32, #tpu.memory_space<hbm>>
      tpu.enqueue_dma source(%dma_start3A_349 : memref<625x32xf32, #tpu.memory_space<hbm>>) target(%dma_start3A_347 : memref<625x32xf32, #tpu.memory_space<vmem_shared>>) target_semaphore(%run_scoped3A : memref<!tpu.dma_semaphore, #tpu.memory_space<semaphore_mem>>)
      %dma_wait3A_350 = arith.constant 0 : i32
      %dma_wait3A_351 = tpu.memref_slice %arg6[%add3A_35, %dma_wait3A_350] : memref<50000x32xf32, #tpu.memory_space<vmem_shared>> -> memref<625x32xf32, #tpu.memory_space<vmem_shared>>
      %dma_wait3A_352 = arith.constant 0 : i32
      %dma_wait3A_353 = tpu.memref_slice %arg2[%add3A_31, %dma_wait3A_352] : memref<102400x32xf32, #tpu.memory_space<hbm>> -> memref<625x32xf32, #tpu.memory_space<hbm>>
      tpu.wait_dma2 semaphore(%run_scoped3A : memref<!tpu.dma_semaphore, #tpu.memory_space<semaphore_mem>>) src(%dma_wait3A_353 : memref<625x32xf32, #tpu.memory_space<hbm>>) dst(%dma_wait3A_351 : memref<625x32xf32, #tpu.memory_space<vmem_shared>>)
      tpu.yield
    }) : () -> ()
    %mul3A_36 = arith.constant 3125 : i32
    %mul3A_37 = arith.muli %arg1, %mul3A_36 : i32
    %add3A_38 = arith.addi %mul3A_0, %mul3A_37 : i32
    %add3A_39 = arith.constant 2500 : i32
    %add3A_40 = arith.addi %add3A_38, %add3A_39 : i32
    %mul3A_41 = arith.constant 3125 : i32
    %mul3A_42 = arith.muli %arg1, %mul3A_41 : i32
    %add3A_43 = arith.constant 2500 : i32
    %add3A_44 = arith.addi %mul3A_42, %add3A_43 : i32
    "tpu.region"() ({
      %run_scoped3A = tpu.sem_alloc : memref<!tpu.dma_semaphore, #tpu.memory_space<semaphore_mem>>
      %dma_start3A_346 = arith.constant 0 : i32
      %dma_start3A_347 = tpu.memref_slice %arg6[%add3A_44, %dma_start3A_346] : memref<50000x32xf32, #tpu.memory_space<vmem_shared>> -> memref<625x32xf32, #tpu.memory_space<vmem_shared>>
      %dma_start3A_348 = arith.constant 0 : i32
      %dma_start3A_349 = tpu.memref_slice %arg2[%add3A_40, %dma_start3A_348] : memref<102400x32xf32, #tpu.memory_space<hbm>> -> memref<625x32xf32, #tpu.memory_space<hbm>>
      tpu.enqueue_dma source(%dma_start3A_349 : memref<625x32xf32, #tpu.memory_space<hbm>>) target(%dma_start3A_347 : memref<625x32xf32, #tpu.memory_space<vmem_shared>>) target_semaphore(%run_scoped3A : memref<!tpu.dma_semaphore, #tpu.memory_space<semaphore_mem>>)
      %dma_wait3A_350 = arith.constant 0 : i32
      %dma_wait3A_351 = tpu.memref_slice %arg6[%add3A_44, %dma_wait3A_350] : memref<50000x32xf32, #tpu.memory_space<vmem_shared>> -> memref<625x32xf32, #tpu.memory_space<vmem_shared>>
      %dma_wait3A_352 = arith.constant 0 : i32
      %dma_wait3A_353 = tpu.memref_slice %arg2[%add3A_40, %dma_wait3A_352] : memref<102400x32xf32, #tpu.memory_space<hbm>> -> memref<625x32xf32, #tpu.memory_space<hbm>>
      tpu.wait_dma2 semaphore(%run_scoped3A : memref<!tpu.dma_semaphore, #tpu.memory_space<semaphore_mem>>) src(%dma_wait3A_353 : memref<625x32xf32, #tpu.memory_space<hbm>>) dst(%dma_wait3A_351 : memref<625x32xf32, #tpu.memory_space<vmem_shared>>)
      tpu.yield
    }) : () -> ()
    %barrier3A = arith.constant 0 : index
    tpu.barrier barrier_id(%barrier3A)
    %mul3A_45 = arith.constant 625 : i32
    %mul3A_46 = arith.muli %arg1, %mul3A_45 : i32
    %add3A_47 = arith.constant 0 : i32
    %add3A_48 = arith.addi %mul3A_46, %add3A_47 : i32
    %dma_start3A = arith.constant 0 : i32
    %dma_start3A_49 = arith.constant 0 : i32
    %dma_start3A_50 = arith.constant 0 : i32
    %dma_start3A_51 = tpu.memref_slice %arg7[%dma_start3A, %dma_start3A_49, %dma_start3A_50] : memref<3x5x80xi32, #tpu.memory_space<vmem>> -> memref<1x5x80xi32, #tpu.memory_space<vmem>>
    %dma_start3A_52 = tpu.memref_squeeze %dma_start3A_51 : memref<1x5x80xi32, #tpu.memory_space<vmem>> -> memref<5x80xi32, #tpu.memory_space<vmem>>
    %dma_start3A_53 = arith.constant 0 : i32
    %dma_start3A_54 = tpu.memref_slice %arg3[%add3A_48, %dma_start3A_53] : memref<10000x80xi32, #tpu.memory_space<hbm>> -> memref<5x80xi32, #tpu.memory_space<hbm>>
    %dma_start3A_55 = arith.constant 0 : i32
    %dma_start3A_56 = arith.constant 0 : i32
    %dma_start3A_57 = tpu.memref_slice %arg7[%dma_start3A, %dma_start3A_55, %dma_start3A_56] : memref<3x5x80xi32, #tpu.memory_space<vmem>> -> memref<1x5x80xi32, #tpu.memory_space<vmem>>
    %dma_start3A_58 = tpu.memref_squeeze %dma_start3A_57 : memref<1x5x80xi32, #tpu.memory_space<vmem>> -> memref<5x80xi32, #tpu.memory_space<vmem>>
    %dma_start3A_59 = arith.constant 0 : i32
    %dma_start3A_60 = tpu.memref_slice %arg3[%add3A_48, %dma_start3A_59] : memref<10000x80xi32, #tpu.memory_space<hbm>> -> memref<5x80xi32, #tpu.memory_space<hbm>>
    tpu.enqueue_dma source(%dma_start3A_60 : memref<5x80xi32, #tpu.memory_space<hbm>>) target(%dma_start3A_58 : memref<5x80xi32, #tpu.memory_space<vmem>>) target_semaphore(%arg12 : memref<!tpu.dma_semaphore, #tpu.memory_space<semaphore_mem>>)
    %add3A_61 = arith.constant 0 : i32
    %add3A_62 = arith.addi %mul3A_46, %add3A_61 : i32
    %dma_start3A_63 = arith.constant 0 : i32
    %dma_start3A_64 = arith.constant 0 : i32
    %dma_start3A_65 = arith.constant 0 : i32
    %dma_start3A_66 = tpu.memref_slice %arg8[%dma_start3A_63, %dma_start3A_64, %dma_start3A_65] : memref<3x5x80xi32, #tpu.memory_space<vmem>> -> memref<1x5x80xi32, #tpu.memory_space<vmem>>
    %dma_start3A_67 = tpu.memref_squeeze %dma_start3A_66 : memref<1x5x80xi32, #tpu.memory_space<vmem>> -> memref<5x80xi32, #tpu.memory_space<vmem>>
    %dma_start3A_68 = arith.constant 0 : i32
    %dma_start3A_69 = tpu.memref_slice %arg4[%add3A_62, %dma_start3A_68] : memref<10000x80xi32, #tpu.memory_space<hbm>> -> memref<5x80xi32, #tpu.memory_space<hbm>>
    %dma_start3A_70 = arith.constant 0 : i32
    %dma_start3A_71 = arith.constant 0 : i32
    %dma_start3A_72 = tpu.memref_slice %arg8[%dma_start3A_63, %dma_start3A_70, %dma_start3A_71] : memref<3x5x80xi32, #tpu.memory_space<vmem>> -> memref<1x5x80xi32, #tpu.memory_space<vmem>>
    %dma_start3A_73 = tpu.memref_squeeze %dma_start3A_72 : memref<1x5x80xi32, #tpu.memory_space<vmem>> -> memref<5x80xi32, #tpu.memory_space<vmem>>
    %dma_start3A_74 = arith.constant 0 : i32
    %dma_start3A_75 = tpu.memref_slice %arg4[%add3A_62, %dma_start3A_74] : memref<10000x80xi32, #tpu.memory_space<hbm>> -> memref<5x80xi32, #tpu.memory_space<hbm>>
    tpu.enqueue_dma source(%dma_start3A_75 : memref<5x80xi32, #tpu.memory_space<hbm>>) target(%dma_start3A_73 : memref<5x80xi32, #tpu.memory_space<vmem>>) target_semaphore(%arg12 : memref<!tpu.dma_semaphore, #tpu.memory_space<semaphore_mem>>)
    %dma_wait3A = arith.constant 0 : i32
    %dma_wait3A_76 = arith.constant 0 : i32
    %dma_wait3A_77 = arith.constant 0 : i32
    %dma_wait3A_78 = tpu.memref_slice %arg7[%dma_wait3A, %dma_wait3A_76, %dma_wait3A_77] : memref<3x5x80xi32, #tpu.memory_space<vmem>> -> memref<1x5x80xi32, #tpu.memory_space<vmem>>
    %dma_wait3A_79 = tpu.memref_squeeze %dma_wait3A_78 : memref<1x5x80xi32, #tpu.memory_space<vmem>> -> memref<5x80xi32, #tpu.memory_space<vmem>>
    %dma_wait3A_80 = arith.constant 0 : i32
    %dma_wait3A_81 = arith.constant 0 : i32
    %dma_wait3A_82 = tpu.memref_slice %arg3[%dma_wait3A_80, %dma_wait3A_81] : memref<10000x80xi32, #tpu.memory_space<hbm>> -> memref<5x80xi32, #tpu.memory_space<hbm>>
    %dma_wait3A_83 = arith.constant 0 : i32
    %dma_wait3A_84 = arith.constant 0 : i32
    %dma_wait3A_85 = tpu.memref_slice %arg7[%dma_wait3A, %dma_wait3A_83, %dma_wait3A_84] : memref<3x5x80xi32, #tpu.memory_space<vmem>> -> memref<1x5x80xi32, #tpu.memory_space<vmem>>
    %dma_wait3A_86 = tpu.memref_squeeze %dma_wait3A_85 : memref<1x5x80xi32, #tpu.memory_space<vmem>> -> memref<5x80xi32, #tpu.memory_space<vmem>>
    %dma_wait3A_87 = arith.constant 0 : i32
    %dma_wait3A_88 = arith.constant 0 : i32
    %dma_wait3A_89 = tpu.memref_slice %arg3[%dma_wait3A_87, %dma_wait3A_88] : memref<10000x80xi32, #tpu.memory_space<hbm>> -> memref<5x80xi32, #tpu.memory_space<hbm>>
    tpu.wait_dma2 semaphore(%arg12 : memref<!tpu.dma_semaphore, #tpu.memory_space<semaphore_mem>>) src(%dma_wait3A_89 : memref<5x80xi32, #tpu.memory_space<hbm>>) dst(%dma_wait3A_86 : memref<5x80xi32, #tpu.memory_space<vmem>>)
    %dma_wait3A_90 = arith.constant 0 : i32
    %dma_wait3A_91 = arith.constant 0 : i32
    %dma_wait3A_92 = arith.constant 0 : i32
    %dma_wait3A_93 = tpu.memref_slice %arg8[%dma_wait3A_90, %dma_wait3A_91, %dma_wait3A_92] : memref<3x5x80xi32, #tpu.memory_space<vmem>> -> memref<1x5x80xi32, #tpu.memory_space<vmem>>
    %dma_wait3A_94 = tpu.memref_squeeze %dma_wait3A_93 : memref<1x5x80xi32, #tpu.memory_space<vmem>> -> memref<5x80xi32, #tpu.memory_space<vmem>>
    %dma_wait3A_95 = arith.constant 0 : i32
    %dma_wait3A_96 = arith.constant 0 : i32
    %dma_wait3A_97 = tpu.memref_slice %arg3[%dma_wait3A_95, %dma_wait3A_96] : memref<10000x80xi32, #tpu.memory_space<hbm>> -> memref<5x80xi32, #tpu.memory_space<hbm>>
    %dma_wait3A_98 = arith.constant 0 : i32
    %dma_wait3A_99 = arith.constant 0 : i32
    %dma_wait3A_100 = tpu.memref_slice %arg8[%dma_wait3A_90, %dma_wait3A_98, %dma_wait3A_99] : memref<3x5x80xi32, #tpu.memory_space<vmem>> -> memref<1x5x80xi32, #tpu.memory_space<vmem>>
    %dma_wait3A_101 = tpu.memref_squeeze %dma_wait3A_100 : memref<1x5x80xi32, #tpu.memory_space<vmem>> -> memref<5x80xi32, #tpu.memory_space<vmem>>
    %dma_wait3A_102 = arith.constant 0 : i32
    %dma_wait3A_103 = arith.constant 0 : i32
    %dma_wait3A_104 = tpu.memref_slice %arg3[%dma_wait3A_102, %dma_wait3A_103] : memref<10000x80xi32, #tpu.memory_space<hbm>> -> memref<5x80xi32, #tpu.memory_space<hbm>>
    tpu.wait_dma2 semaphore(%arg12 : memref<!tpu.dma_semaphore, #tpu.memory_space<semaphore_mem>>) src(%dma_wait3A_104 : memref<5x80xi32, #tpu.memory_space<hbm>>) dst(%dma_wait3A_101 : memref<5x80xi32, #tpu.memory_space<vmem>>)
    %dma_start3A_105 = arith.constant 0 : i32
    %dma_start3A_106 = arith.constant 0 : i32
    %dma_start3A_107 = arith.constant 0 : i32
    %dma_start3A_108 = arith.constant 0 : i32
    %dma_start3A_109 = arith.constant 0 : i32
    %dma_start3A_110 = arith.constant 0 : i32
    %dma_start3A_111 = tpu.memref_slice %arg9[%dma_start3A_107, %dma_start3A_108, %dma_start3A_109, %dma_start3A_110] : memref<2x5x80x32xf32, #tpu.memory_space<vmem>> -> memref<1x1x80x32xf32, #tpu.memory_space<vmem>>
    %dma_start3A_112 = tpu.memref_squeeze %dma_start3A_111 : memref<1x1x80x32xf32, #tpu.memory_space<vmem>> -> memref<80x32xf32, #tpu.memory_space<vmem>>
    %dma_start3A_113 = arith.constant 0 : i32
    %dma_start3A_114 = tpu.memref_slice %arg7[%dma_start3A_105, %dma_start3A_106, %dma_start3A_113] : memref<3x5x80xi32, #tpu.memory_space<vmem>> -> memref<1x1x80xi32, #tpu.memory_space<vmem>>
    %dma_start3A_115 = tpu.memref_squeeze %dma_start3A_114 : memref<1x1x80xi32, #tpu.memory_space<vmem>> -> memref<80xi32, #tpu.memory_space<vmem>>
    %dma_start3A_116 = arith.constant 0 : i32
    %dma_start3A_117 = tpu.memref_slice %arg2[%mul3A_0, %dma_start3A_116] : memref<102400x32xf32, #tpu.memory_space<hbm>> -> memref<51200x32xf32, #tpu.memory_space<hbm>>
    %dma_start3A_118 = arith.constant 0 : i32
    %dma_start3A_119 = arith.constant 0 : i32
    %dma_start3A_120 = tpu.memref_slice %dma_start3A_117[%dma_start3A_118, %dma_start3A_119] : memref<51200x32xf32, #tpu.memory_space<hbm>> -> memref<51200x32xf32, #tpu.memory_space<hbm>>
    tpu.enqueue_indirect_dma source(%dma_start3A_120 : memref<51200x32xf32, #tpu.memory_space<hbm>>) target(%dma_start3A_112 : memref<80x32xf32, #tpu.memory_space<vmem>>) offsets(%dma_start3A_115 : memref<80xi32, #tpu.memory_space<vmem>>) semaphore(%arg10 : memref<!tpu.dma_semaphore, #tpu.memory_space<semaphore_mem>>)
    %dma_start3A_121 = arith.constant 0 : i32
    %dma_start3A_122 = arith.constant 1 : i32
    %dma_start3A_123 = arith.constant 0 : i32
    %dma_start3A_124 = arith.constant 1 : i32
    %dma_start3A_125 = arith.constant 0 : i32
    %dma_start3A_126 = arith.constant 0 : i32
    %dma_start3A_127 = tpu.memref_slice %arg9[%dma_start3A_123, %dma_start3A_124, %dma_start3A_125, %dma_start3A_126] : memref<2x5x80x32xf32, #tpu.memory_space<vmem>> -> memref<1x1x80x32xf32, #tpu.memory_space<vmem>>
    %dma_start3A_128 = tpu.memref_squeeze %dma_start3A_127 : memref<1x1x80x32xf32, #tpu.memory_space<vmem>> -> memref<80x32xf32, #tpu.memory_space<vmem>>
    %dma_start3A_129 = arith.constant 0 : i32
    %dma_start3A_130 = tpu.memref_slice %arg7[%dma_start3A_121, %dma_start3A_122, %dma_start3A_129] : memref<3x5x80xi32, #tpu.memory_space<vmem>> -> memref<1x1x80xi32, #tpu.memory_space<vmem>>
    %dma_start3A_131 = tpu.memref_squeeze %dma_start3A_130 : memref<1x1x80xi32, #tpu.memory_space<vmem>> -> memref<80xi32, #tpu.memory_space<vmem>>
    %dma_start3A_132 = arith.constant 0 : i32
    %dma_start3A_133 = tpu.memref_slice %arg2[%mul3A_0, %dma_start3A_132] : memref<102400x32xf32, #tpu.memory_space<hbm>> -> memref<51200x32xf32, #tpu.memory_space<hbm>>
    %dma_start3A_134 = arith.constant 0 : i32
    %dma_start3A_135 = arith.constant 0 : i32
    %dma_start3A_136 = tpu.memref_slice %dma_start3A_133[%dma_start3A_134, %dma_start3A_135] : memref<51200x32xf32, #tpu.memory_space<hbm>> -> memref<51200x32xf32, #tpu.memory_space<hbm>>
    tpu.enqueue_indirect_dma source(%dma_start3A_136 : memref<51200x32xf32, #tpu.memory_space<hbm>>) target(%dma_start3A_128 : memref<80x32xf32, #tpu.memory_space<vmem>>) offsets(%dma_start3A_131 : memref<80xi32, #tpu.memory_space<vmem>>) semaphore(%arg10 : memref<!tpu.dma_semaphore, #tpu.memory_space<semaphore_mem>>)
    %dma_start3A_137 = arith.constant 0 : i32
    %dma_start3A_138 = arith.constant 2 : i32
    %dma_start3A_139 = arith.constant 0 : i32
    %dma_start3A_140 = arith.constant 2 : i32
    %dma_start3A_141 = arith.constant 0 : i32
    %dma_start3A_142 = arith.constant 0 : i32
    %dma_start3A_143 = tpu.memref_slice %arg9[%dma_start3A_139, %dma_start3A_140, %dma_start3A_141, %dma_start3A_142] : memref<2x5x80x32xf32, #tpu.memory_space<vmem>> -> memref<1x1x80x32xf32, #tpu.memory_space<vmem>>
    %dma_start3A_144 = tpu.memref_squeeze %dma_start3A_143 : memref<1x1x80x32xf32, #tpu.memory_space<vmem>> -> memref<80x32xf32, #tpu.memory_space<vmem>>
    %dma_start3A_145 = arith.constant 0 : i32
    %dma_start3A_146 = tpu.memref_slice %arg7[%dma_start3A_137, %dma_start3A_138, %dma_start3A_145] : memref<3x5x80xi32, #tpu.memory_space<vmem>> -> memref<1x1x80xi32, #tpu.memory_space<vmem>>
    %dma_start3A_147 = tpu.memref_squeeze %dma_start3A_146 : memref<1x1x80xi32, #tpu.memory_space<vmem>> -> memref<80xi32, #tpu.memory_space<vmem>>
    %dma_start3A_148 = arith.constant 0 : i32
    %dma_start3A_149 = tpu.memref_slice %arg2[%mul3A_0, %dma_start3A_148] : memref<102400x32xf32, #tpu.memory_space<hbm>> -> memref<51200x32xf32, #tpu.memory_space<hbm>>
    %dma_start3A_150 = arith.constant 0 : i32
    %dma_start3A_151 = arith.constant 0 : i32
    %dma_start3A_152 = tpu.memref_slice %dma_start3A_149[%dma_start3A_150, %dma_start3A_151] : memref<51200x32xf32, #tpu.memory_space<hbm>> -> memref<51200x32xf32, #tpu.memory_space<hbm>>
    tpu.enqueue_indirect_dma source(%dma_start3A_152 : memref<51200x32xf32, #tpu.memory_space<hbm>>) target(%dma_start3A_144 : memref<80x32xf32, #tpu.memory_space<vmem>>) offsets(%dma_start3A_147 : memref<80xi32, #tpu.memory_space<vmem>>) semaphore(%arg10 : memref<!tpu.dma_semaphore, #tpu.memory_space<semaphore_mem>>)
    %dma_start3A_153 = arith.constant 0 : i32
    %dma_start3A_154 = arith.constant 3 : i32
    %dma_start3A_155 = arith.constant 0 : i32
    %dma_start3A_156 = arith.constant 3 : i32
    %dma_start3A_157 = arith.constant 0 : i32
    %dma_start3A_158 = arith.constant 0 : i32
    %dma_start3A_159 = tpu.memref_slice %arg9[%dma_start3A_155, %dma_start3A_156, %dma_start3A_157, %dma_start3A_158] : memref<2x5x80x32xf32, #tpu.memory_space<vmem>> -> memref<1x1x80x32xf32, #tpu.memory_space<vmem>>
    %dma_start3A_160 = tpu.memref_squeeze %dma_start3A_159 : memref<1x1x80x32xf32, #tpu.memory_space<vmem>> -> memref<80x32xf32, #tpu.memory_space<vmem>>
    %dma_start3A_161 = arith.constant 0 : i32
    %dma_start3A_162 = tpu.memref_slice %arg7[%dma_start3A_153, %dma_start3A_154, %dma_start3A_161] : memref<3x5x80xi32, #tpu.memory_space<vmem>> -> memref<1x1x80xi32, #tpu.memory_space<vmem>>
    %dma_start3A_163 = tpu.memref_squeeze %dma_start3A_162 : memref<1x1x80xi32, #tpu.memory_space<vmem>> -> memref<80xi32, #tpu.memory_space<vmem>>
    %dma_start3A_164 = arith.constant 0 : i32
    %dma_start3A_165 = tpu.memref_slice %arg2[%mul3A_0, %dma_start3A_164] : memref<102400x32xf32, #tpu.memory_space<hbm>> -> memref<51200x32xf32, #tpu.memory_space<hbm>>
    %dma_start3A_166 = arith.constant 0 : i32
    %dma_start3A_167 = arith.constant 0 : i32
    %dma_start3A_168 = tpu.memref_slice %dma_start3A_165[%dma_start3A_166, %dma_start3A_167] : memref<51200x32xf32, #tpu.memory_space<hbm>> -> memref<51200x32xf32, #tpu.memory_space<hbm>>
    tpu.enqueue_indirect_dma source(%dma_start3A_168 : memref<51200x32xf32, #tpu.memory_space<hbm>>) target(%dma_start3A_160 : memref<80x32xf32, #tpu.memory_space<vmem>>) offsets(%dma_start3A_163 : memref<80xi32, #tpu.memory_space<vmem>>) semaphore(%arg10 : memref<!tpu.dma_semaphore, #tpu.memory_space<semaphore_mem>>)
    %dma_start3A_169 = arith.constant 0 : i32
    %dma_start3A_170 = arith.constant 4 : i32
    %dma_start3A_171 = arith.constant 0 : i32
    %dma_start3A_172 = arith.constant 4 : i32
    %dma_start3A_173 = arith.constant 0 : i32
    %dma_start3A_174 = arith.constant 0 : i32
    %dma_start3A_175 = tpu.memref_slice %arg9[%dma_start3A_171, %dma_start3A_172, %dma_start3A_173, %dma_start3A_174] : memref<2x5x80x32xf32, #tpu.memory_space<vmem>> -> memref<1x1x80x32xf32, #tpu.memory_space<vmem>>
    %dma_start3A_176 = tpu.memref_squeeze %dma_start3A_175 : memref<1x1x80x32xf32, #tpu.memory_space<vmem>> -> memref<80x32xf32, #tpu.memory_space<vmem>>
    %dma_start3A_177 = arith.constant 0 : i32
    %dma_start3A_178 = tpu.memref_slice %arg7[%dma_start3A_169, %dma_start3A_170, %dma_start3A_177] : memref<3x5x80xi32, #tpu.memory_space<vmem>> -> memref<1x1x80xi32, #tpu.memory_space<vmem>>
    %dma_start3A_179 = tpu.memref_squeeze %dma_start3A_178 : memref<1x1x80xi32, #tpu.memory_space<vmem>> -> memref<80xi32, #tpu.memory_space<vmem>>
    %dma_start3A_180 = arith.constant 0 : i32
    %dma_start3A_181 = tpu.memref_slice %arg2[%mul3A_0, %dma_start3A_180] : memref<102400x32xf32, #tpu.memory_space<hbm>> -> memref<51200x32xf32, #tpu.memory_space<hbm>>
    %dma_start3A_182 = arith.constant 0 : i32
    %dma_start3A_183 = arith.constant 0 : i32
    %dma_start3A_184 = tpu.memref_slice %dma_start3A_181[%dma_start3A_182, %dma_start3A_183] : memref<51200x32xf32, #tpu.memory_space<hbm>> -> memref<51200x32xf32, #tpu.memory_space<hbm>>
    tpu.enqueue_indirect_dma source(%dma_start3A_184 : memref<51200x32xf32, #tpu.memory_space<hbm>>) target(%dma_start3A_176 : memref<80x32xf32, #tpu.memory_space<vmem>>) offsets(%dma_start3A_179 : memref<80xi32, #tpu.memory_space<vmem>>) semaphore(%arg10 : memref<!tpu.dma_semaphore, #tpu.memory_space<semaphore_mem>>)
    %add3A_185 = arith.constant 5 : i32
    %add3A_186 = arith.addi %mul3A_46, %add3A_185 : i32
    %dma_start3A_187 = arith.constant 1 : i32
    %dma_start3A_188 = arith.constant 0 : i32
    %dma_start3A_189 = arith.constant 0 : i32
    %dma_start3A_190 = tpu.memref_slice %arg7[%dma_start3A_187, %dma_start3A_188, %dma_start3A_189] : memref<3x5x80xi32, #tpu.memory_space<vmem>> -> memref<1x5x80xi32, #tpu.memory_space<vmem>>
    %dma_start3A_191 = tpu.memref_squeeze %dma_start3A_190 : memref<1x5x80xi32, #tpu.memory_space<vmem>> -> memref<5x80xi32, #tpu.memory_space<vmem>>
    %dma_start3A_192 = arith.constant 0 : i32
    %dma_start3A_193 = tpu.memref_slice %arg3[%add3A_186, %dma_start3A_192] : memref<10000x80xi32, #tpu.memory_space<hbm>> -> memref<5x80xi32, #tpu.memory_space<hbm>>
    %dma_start3A_194 = arith.constant 0 : i32
    %dma_start3A_195 = arith.constant 0 : i32
    %dma_start3A_196 = tpu.memref_slice %arg7[%dma_start3A_187, %dma_start3A_194, %dma_start3A_195] : memref<3x5x80xi32, #tpu.memory_space<vmem>> -> memref<1x5x80xi32, #tpu.memory_space<vmem>>
    %dma_start3A_197 = tpu.memref_squeeze %dma_start3A_196 : memref<1x5x80xi32, #tpu.memory_space<vmem>> -> memref<5x80xi32, #tpu.memory_space<vmem>>
    %dma_start3A_198 = arith.constant 0 : i32
    %dma_start3A_199 = tpu.memref_slice %arg3[%add3A_186, %dma_start3A_198] : memref<10000x80xi32, #tpu.memory_space<hbm>> -> memref<5x80xi32, #tpu.memory_space<hbm>>
    tpu.enqueue_dma source(%dma_start3A_199 : memref<5x80xi32, #tpu.memory_space<hbm>>) target(%dma_start3A_197 : memref<5x80xi32, #tpu.memory_space<vmem>>) target_semaphore(%arg12 : memref<!tpu.dma_semaphore, #tpu.memory_space<semaphore_mem>>)
    %add3A_200 = arith.constant 5 : i32
    %add3A_201 = arith.addi %mul3A_46, %add3A_200 : i32
    %dma_start3A_202 = arith.constant 1 : i32
    %dma_start3A_203 = arith.constant 0 : i32
    %dma_start3A_204 = arith.constant 0 : i32
    %dma_start3A_205 = tpu.memref_slice %arg8[%dma_start3A_202, %dma_start3A_203, %dma_start3A_204] : memref<3x5x80xi32, #tpu.memory_space<vmem>> -> memref<1x5x80xi32, #tpu.memory_space<vmem>>
    %dma_start3A_206 = tpu.memref_squeeze %dma_start3A_205 : memref<1x5x80xi32, #tpu.memory_space<vmem>> -> memref<5x80xi32, #tpu.memory_space<vmem>>
    %dma_start3A_207 = arith.constant 0 : i32
    %dma_start3A_208 = tpu.memref_slice %arg4[%add3A_201, %dma_start3A_207] : memref<10000x80xi32, #tpu.memory_space<hbm>> -> memref<5x80xi32, #tpu.memory_space<hbm>>
    %dma_start3A_209 = arith.constant 0 : i32
    %dma_start3A_210 = arith.constant 0 : i32
    %dma_start3A_211 = tpu.memref_slice %arg8[%dma_start3A_202, %dma_start3A_209, %dma_start3A_210] : memref<3x5x80xi32, #tpu.memory_space<vmem>> -> memref<1x5x80xi32, #tpu.memory_space<vmem>>
    %dma_start3A_212 = tpu.memref_squeeze %dma_start3A_211 : memref<1x5x80xi32, #tpu.memory_space<vmem>> -> memref<5x80xi32, #tpu.memory_space<vmem>>
    %dma_start3A_213 = arith.constant 0 : i32
    %dma_start3A_214 = tpu.memref_slice %arg4[%add3A_201, %dma_start3A_213] : memref<10000x80xi32, #tpu.memory_space<hbm>> -> memref<5x80xi32, #tpu.memory_space<hbm>>
    tpu.enqueue_dma source(%dma_start3A_214 : memref<5x80xi32, #tpu.memory_space<hbm>>) target(%dma_start3A_212 : memref<5x80xi32, #tpu.memory_space<vmem>>) target_semaphore(%arg12 : memref<!tpu.dma_semaphore, #tpu.memory_space<semaphore_mem>>)
    %scan3A = arith.constant 0 : i32
    %scan3A_215 = arith.constant 0 : i32
    %scan3A_216 = arith.constant 125 : i32
    %scan3A_217 = arith.addi %scan3A_215, %scan3A_216 : i32
    %scan3A_218 = arith.constant 1 : i32
    scf.for %scan3A_346 = %scan3A_215 to %scan3A_217 step %scan3A_218  : i32 {
      %rem3A = arith.constant 2 : i32
      %rem3A_347 = arith.remsi %scan3A_346, %rem3A : i32
      %rem3A_348 = arith.constant 3 : i32
      %rem3A_349 = arith.remsi %scan3A_346, %rem3A_348 : i32
      %add3A_350 = arith.constant 1 : i32
      %add3A_351 = arith.addi %scan3A_346, %add3A_350 : i32
      %rem3A_352 = arith.constant 3 : i32
      %rem3A_353 = arith.remsi %add3A_351, %rem3A_352 : i32
      %add3A_354 = arith.constant 2 : i32
      %add3A_355 = arith.addi %scan3A_346, %add3A_354 : i32
      %rem3A_356 = arith.constant 3 : i32
      %rem3A_357 = arith.remsi %add3A_355, %rem3A_356 : i32
      %ge3A = arith.constant 1 : i32
      %ge3A_358 = arith.cmpi sge, %scan3A_346, %ge3A : i32
      %convert_element_type3A = arith.extui %ge3A_358 : i1 to i32
      %cond3A = arith.constant 0 : i32
      %cond3A_359 = arith.cmpi ne, %convert_element_type3A, %cond3A : i32
      scf.if %cond3A_359 {
        %sub3A = arith.constant 1 : i32
        %sub3A_504 = arith.subi %sub3A, %rem3A_347 : i32
        %dma_wait3A_505 = arith.constant 0 : i32
        %dma_wait3A_506 = arith.constant 0 : i32
        %dma_wait3A_507 = arith.constant 0 : i32
        %dma_wait3A_508 = tpu.memref_slice %arg9[%sub3A_504, %dma_wait3A_505, %dma_wait3A_506, %dma_wait3A_507] : memref<2x5x80x32xf32, #tpu.memory_space<vmem>> -> memref<1x1x80x32xf32, #tpu.memory_space<vmem>>
        %dma_wait3A_509 = tpu.memref_squeeze %dma_wait3A_508 : memref<1x1x80x32xf32, #tpu.memory_space<vmem>> -> memref<80x32xf32, #tpu.memory_space<vmem>>
        %dma_wait3A_510 = arith.constant 0 : i32
        %dma_wait3A_511 = arith.constant 0 : i32
        %dma_wait3A_512 = tpu.memref_slice %arg6[%dma_wait3A_510, %dma_wait3A_511] : memref<50000x32xf32, #tpu.memory_space<vmem_shared>> -> memref<80x32xf32, #tpu.memory_space<vmem_shared>>
        %dma_wait3A_513 = arith.constant 0 : i32
        %dma_wait3A_514 = arith.constant 0 : i32
        %dma_wait3A_515 = tpu.memref_slice %arg6[%dma_wait3A_513, %dma_wait3A_514] : memref<50000x32xf32, #tpu.memory_space<vmem_shared>> -> memref<80x32xf32, #tpu.memory_space<vmem_shared>>
        %dma_wait3A_516 = arith.constant 0 : i32
        %dma_wait3A_517 = arith.constant 0 : i32
        %dma_wait3A_518 = tpu.memref_slice %arg9[%sub3A_504, %dma_wait3A_505, %dma_wait3A_516, %dma_wait3A_517] : memref<2x5x80x32xf32, #tpu.memory_space<vmem>> -> memref<1x1x80x32xf32, #tpu.memory_space<vmem>>
        %dma_wait3A_519 = tpu.memref_squeeze %dma_wait3A_518 : memref<1x1x80x32xf32, #tpu.memory_space<vmem>> -> memref<80x32xf32, #tpu.memory_space<vmem>>
        tpu.wait_dma2 semaphore(%arg11 : memref<!tpu.dma_semaphore, #tpu.memory_space<semaphore_mem>>) src(%dma_wait3A_519 : memref<80x32xf32, #tpu.memory_space<vmem>>) dst(%dma_wait3A_515 : memref<80x32xf32, #tpu.memory_space<vmem_shared>>)
        %sub3A_520 = arith.constant 1 : i32
        %sub3A_521 = arith.subi %sub3A_520, %rem3A_347 : i32
        %dma_wait3A_522 = arith.constant 1 : i32
        %dma_wait3A_523 = arith.constant 0 : i32
        %dma_wait3A_524 = arith.constant 0 : i32
        %dma_wait3A_525 = tpu.memref_slice %arg9[%sub3A_521, %dma_wait3A_522, %dma_wait3A_523, %dma_wait3A_524] : memref<2x5x80x32xf32, #tpu.memory_space<vmem>> -> memref<1x1x80x32xf32, #tpu.memory_space<vmem>>
        %dma_wait3A_526 = tpu.memref_squeeze %dma_wait3A_525 : memref<1x1x80x32xf32, #tpu.memory_space<vmem>> -> memref<80x32xf32, #tpu.memory_space<vmem>>
        %dma_wait3A_527 = arith.constant 0 : i32
        %dma_wait3A_528 = arith.constant 0 : i32
        %dma_wait3A_529 = tpu.memref_slice %arg6[%dma_wait3A_527, %dma_wait3A_528] : memref<50000x32xf32, #tpu.memory_space<vmem_shared>> -> memref<80x32xf32, #tpu.memory_space<vmem_shared>>
        %dma_wait3A_530 = arith.constant 0 : i32
        %dma_wait3A_531 = arith.constant 0 : i32
        %dma_wait3A_532 = tpu.memref_slice %arg6[%dma_wait3A_530, %dma_wait3A_531] : memref<50000x32xf32, #tpu.memory_space<vmem_shared>> -> memref<80x32xf32, #tpu.memory_space<vmem_shared>>
        %dma_wait3A_533 = arith.constant 0 : i32
        %dma_wait3A_534 = arith.constant 0 : i32
        %dma_wait3A_535 = tpu.memref_slice %arg9[%sub3A_521, %dma_wait3A_522, %dma_wait3A_533, %dma_wait3A_534] : memref<2x5x80x32xf32, #tpu.memory_space<vmem>> -> memref<1x1x80x32xf32, #tpu.memory_space<vmem>>
        %dma_wait3A_536 = tpu.memref_squeeze %dma_wait3A_535 : memref<1x1x80x32xf32, #tpu.memory_space<vmem>> -> memref<80x32xf32, #tpu.memory_space<vmem>>
        tpu.wait_dma2 semaphore(%arg11 : memref<!tpu.dma_semaphore, #tpu.memory_space<semaphore_mem>>) src(%dma_wait3A_536 : memref<80x32xf32, #tpu.memory_space<vmem>>) dst(%dma_wait3A_532 : memref<80x32xf32, #tpu.memory_space<vmem_shared>>)
        %sub3A_537 = arith.constant 1 : i32
        %sub3A_538 = arith.subi %sub3A_537, %rem3A_347 : i32
        %dma_wait3A_539 = arith.constant 2 : i32
        %dma_wait3A_540 = arith.constant 0 : i32
        %dma_wait3A_541 = arith.constant 0 : i32
        %dma_wait3A_542 = tpu.memref_slice %arg9[%sub3A_538, %dma_wait3A_539, %dma_wait3A_540, %dma_wait3A_541] : memref<2x5x80x32xf32, #tpu.memory_space<vmem>> -> memref<1x1x80x32xf32, #tpu.memory_space<vmem>>
        %dma_wait3A_543 = tpu.memref_squeeze %dma_wait3A_542 : memref<1x1x80x32xf32, #tpu.memory_space<vmem>> -> memref<80x32xf32, #tpu.memory_space<vmem>>
        %dma_wait3A_544 = arith.constant 0 : i32
        %dma_wait3A_545 = arith.constant 0 : i32
        %dma_wait3A_546 = tpu.memref_slice %arg6[%dma_wait3A_544, %dma_wait3A_545] : memref<50000x32xf32, #tpu.memory_space<vmem_shared>> -> memref<80x32xf32, #tpu.memory_space<vmem_shared>>
        %dma_wait3A_547 = arith.constant 0 : i32
        %dma_wait3A_548 = arith.constant 0 : i32
        %dma_wait3A_549 = tpu.memref_slice %arg6[%dma_wait3A_547, %dma_wait3A_548] : memref<50000x32xf32, #tpu.memory_space<vmem_shared>> -> memref<80x32xf32, #tpu.memory_space<vmem_shared>>
        %dma_wait3A_550 = arith.constant 0 : i32
        %dma_wait3A_551 = arith.constant 0 : i32
        %dma_wait3A_552 = tpu.memref_slice %arg9[%sub3A_538, %dma_wait3A_539, %dma_wait3A_550, %dma_wait3A_551] : memref<2x5x80x32xf32, #tpu.memory_space<vmem>> -> memref<1x1x80x32xf32, #tpu.memory_space<vmem>>
        %dma_wait3A_553 = tpu.memref_squeeze %dma_wait3A_552 : memref<1x1x80x32xf32, #tpu.memory_space<vmem>> -> memref<80x32xf32, #tpu.memory_space<vmem>>
        tpu.wait_dma2 semaphore(%arg11 : memref<!tpu.dma_semaphore, #tpu.memory_space<semaphore_mem>>) src(%dma_wait3A_553 : memref<80x32xf32, #tpu.memory_space<vmem>>) dst(%dma_wait3A_549 : memref<80x32xf32, #tpu.memory_space<vmem_shared>>)
        %sub3A_554 = arith.constant 1 : i32
        %sub3A_555 = arith.subi %sub3A_554, %rem3A_347 : i32
        %dma_wait3A_556 = arith.constant 3 : i32
        %dma_wait3A_557 = arith.constant 0 : i32
        %dma_wait3A_558 = arith.constant 0 : i32
        %dma_wait3A_559 = tpu.memref_slice %arg9[%sub3A_555, %dma_wait3A_556, %dma_wait3A_557, %dma_wait3A_558] : memref<2x5x80x32xf32, #tpu.memory_space<vmem>> -> memref<1x1x80x32xf32, #tpu.memory_space<vmem>>
        %dma_wait3A_560 = tpu.memref_squeeze %dma_wait3A_559 : memref<1x1x80x32xf32, #tpu.memory_space<vmem>> -> memref<80x32xf32, #tpu.memory_space<vmem>>
        %dma_wait3A_561 = arith.constant 0 : i32
        %dma_wait3A_562 = arith.constant 0 : i32
        %dma_wait3A_563 = tpu.memref_slice %arg6[%dma_wait3A_561, %dma_wait3A_562] : memref<50000x32xf32, #tpu.memory_space<vmem_shared>> -> memref<80x32xf32, #tpu.memory_space<vmem_shared>>
        %dma_wait3A_564 = arith.constant 0 : i32
        %dma_wait3A_565 = arith.constant 0 : i32
        %dma_wait3A_566 = tpu.memref_slice %arg6[%dma_wait3A_564, %dma_wait3A_565] : memref<50000x32xf32, #tpu.memory_space<vmem_shared>> -> memref<80x32xf32, #tpu.memory_space<vmem_shared>>
        %dma_wait3A_567 = arith.constant 0 : i32
        %dma_wait3A_568 = arith.constant 0 : i32
        %dma_wait3A_569 = tpu.memref_slice %arg9[%sub3A_555, %dma_wait3A_556, %dma_wait3A_567, %dma_wait3A_568] : memref<2x5x80x32xf32, #tpu.memory_space<vmem>> -> memref<1x1x80x32xf32, #tpu.memory_space<vmem>>
        %dma_wait3A_570 = tpu.memref_squeeze %dma_wait3A_569 : memref<1x1x80x32xf32, #tpu.memory_space<vmem>> -> memref<80x32xf32, #tpu.memory_space<vmem>>
        tpu.wait_dma2 semaphore(%arg11 : memref<!tpu.dma_semaphore, #tpu.memory_space<semaphore_mem>>) src(%dma_wait3A_570 : memref<80x32xf32, #tpu.memory_space<vmem>>) dst(%dma_wait3A_566 : memref<80x32xf32, #tpu.memory_space<vmem_shared>>)
        %sub3A_571 = arith.constant 1 : i32
        %sub3A_572 = arith.subi %sub3A_571, %rem3A_347 : i32
        %dma_wait3A_573 = arith.constant 4 : i32
        %dma_wait3A_574 = arith.constant 0 : i32
        %dma_wait3A_575 = arith.constant 0 : i32
        %dma_wait3A_576 = tpu.memref_slice %arg9[%sub3A_572, %dma_wait3A_573, %dma_wait3A_574, %dma_wait3A_575] : memref<2x5x80x32xf32, #tpu.memory_space<vmem>> -> memref<1x1x80x32xf32, #tpu.memory_space<vmem>>
        %dma_wait3A_577 = tpu.memref_squeeze %dma_wait3A_576 : memref<1x1x80x32xf32, #tpu.memory_space<vmem>> -> memref<80x32xf32, #tpu.memory_space<vmem>>
        %dma_wait3A_578 = arith.constant 0 : i32
        %dma_wait3A_579 = arith.constant 0 : i32
        %dma_wait3A_580 = tpu.memref_slice %arg6[%dma_wait3A_578, %dma_wait3A_579] : memref<50000x32xf32, #tpu.memory_space<vmem_shared>> -> memref<80x32xf32, #tpu.memory_space<vmem_shared>>
        %dma_wait3A_581 = arith.constant 0 : i32
        %dma_wait3A_582 = arith.constant 0 : i32
        %dma_wait3A_583 = tpu.memref_slice %arg6[%dma_wait3A_581, %dma_wait3A_582] : memref<50000x32xf32, #tpu.memory_space<vmem_shared>> -> memref<80x32xf32, #tpu.memory_space<vmem_shared>>
        %dma_wait3A_584 = arith.constant 0 : i32
        %dma_wait3A_585 = arith.constant 0 : i32
        %dma_wait3A_586 = tpu.memref_slice %arg9[%sub3A_572, %dma_wait3A_573, %dma_wait3A_584, %dma_wait3A_585] : memref<2x5x80x32xf32, #tpu.memory_space<vmem>> -> memref<1x1x80x32xf32, #tpu.memory_space<vmem>>
        %dma_wait3A_587 = tpu.memref_squeeze %dma_wait3A_586 : memref<1x1x80x32xf32, #tpu.memory_space<vmem>> -> memref<80x32xf32, #tpu.memory_space<vmem>>
        tpu.wait_dma2 semaphore(%arg11 : memref<!tpu.dma_semaphore, #tpu.memory_space<semaphore_mem>>) src(%dma_wait3A_587 : memref<80x32xf32, #tpu.memory_space<vmem>>) dst(%dma_wait3A_583 : memref<80x32xf32, #tpu.memory_space<vmem_shared>>)
      } else {
      }
      %lt3A = arith.constant 124 : i32
      %lt3A_360 = arith.cmpi slt, %scan3A_346, %lt3A : i32
      %convert_element_type3A_361 = arith.extui %lt3A_360 : i1 to i32
      %cond3A_362 = arith.constant 0 : i32
      %cond3A_363 = arith.cmpi ne, %convert_element_type3A_361, %cond3A_362 : i32
      scf.if %cond3A_363 {
        %dma_wait3A_504 = arith.constant 0 : i32
        %dma_wait3A_505 = arith.constant 0 : i32
        %dma_wait3A_506 = tpu.memref_slice %arg7[%rem3A_353, %dma_wait3A_504, %dma_wait3A_505] : memref<3x5x80xi32, #tpu.memory_space<vmem>> -> memref<1x5x80xi32, #tpu.memory_space<vmem>>
        %dma_wait3A_507 = tpu.memref_squeeze %dma_wait3A_506 : memref<1x5x80xi32, #tpu.memory_space<vmem>> -> memref<5x80xi32, #tpu.memory_space<vmem>>
        %dma_wait3A_508 = arith.constant 0 : i32
        %dma_wait3A_509 = arith.constant 0 : i32
        %dma_wait3A_510 = tpu.memref_slice %arg3[%dma_wait3A_508, %dma_wait3A_509] : memref<10000x80xi32, #tpu.memory_space<hbm>> -> memref<5x80xi32, #tpu.memory_space<hbm>>
        %dma_wait3A_511 = arith.constant 0 : i32
        %dma_wait3A_512 = arith.constant 0 : i32
        %dma_wait3A_513 = tpu.memref_slice %arg7[%rem3A_353, %dma_wait3A_511, %dma_wait3A_512] : memref<3x5x80xi32, #tpu.memory_space<vmem>> -> memref<1x5x80xi32, #tpu.memory_space<vmem>>
        %dma_wait3A_514 = tpu.memref_squeeze %dma_wait3A_513 : memref<1x5x80xi32, #tpu.memory_space<vmem>> -> memref<5x80xi32, #tpu.memory_space<vmem>>
        %dma_wait3A_515 = arith.constant 0 : i32
        %dma_wait3A_516 = arith.constant 0 : i32
        %dma_wait3A_517 = tpu.memref_slice %arg3[%dma_wait3A_515, %dma_wait3A_516] : memref<10000x80xi32, #tpu.memory_space<hbm>> -> memref<5x80xi32, #tpu.memory_space<hbm>>
        tpu.wait_dma2 semaphore(%arg12 : memref<!tpu.dma_semaphore, #tpu.memory_space<semaphore_mem>>) src(%dma_wait3A_517 : memref<5x80xi32, #tpu.memory_space<hbm>>) dst(%dma_wait3A_514 : memref<5x80xi32, #tpu.memory_space<vmem>>)
        %dma_wait3A_518 = arith.constant 0 : i32
        %dma_wait3A_519 = arith.constant 0 : i32
        %dma_wait3A_520 = tpu.memref_slice %arg8[%rem3A_353, %dma_wait3A_518, %dma_wait3A_519] : memref<3x5x80xi32, #tpu.memory_space<vmem>> -> memref<1x5x80xi32, #tpu.memory_space<vmem>>
        %dma_wait3A_521 = tpu.memref_squeeze %dma_wait3A_520 : memref<1x5x80xi32, #tpu.memory_space<vmem>> -> memref<5x80xi32, #tpu.memory_space<vmem>>
        %dma_wait3A_522 = arith.constant 0 : i32
        %dma_wait3A_523 = arith.constant 0 : i32
        %dma_wait3A_524 = tpu.memref_slice %arg3[%dma_wait3A_522, %dma_wait3A_523] : memref<10000x80xi32, #tpu.memory_space<hbm>> -> memref<5x80xi32, #tpu.memory_space<hbm>>
        %dma_wait3A_525 = arith.constant 0 : i32
        %dma_wait3A_526 = arith.constant 0 : i32
        %dma_wait3A_527 = tpu.memref_slice %arg8[%rem3A_353, %dma_wait3A_525, %dma_wait3A_526] : memref<3x5x80xi32, #tpu.memory_space<vmem>> -> memref<1x5x80xi32, #tpu.memory_space<vmem>>
        %dma_wait3A_528 = tpu.memref_squeeze %dma_wait3A_527 : memref<1x5x80xi32, #tpu.memory_space<vmem>> -> memref<5x80xi32, #tpu.memory_space<vmem>>
        %dma_wait3A_529 = arith.constant 0 : i32
        %dma_wait3A_530 = arith.constant 0 : i32
        %dma_wait3A_531 = tpu.memref_slice %arg3[%dma_wait3A_529, %dma_wait3A_530] : memref<10000x80xi32, #tpu.memory_space<hbm>> -> memref<5x80xi32, #tpu.memory_space<hbm>>
        tpu.wait_dma2 semaphore(%arg12 : memref<!tpu.dma_semaphore, #tpu.memory_space<semaphore_mem>>) src(%dma_wait3A_531 : memref<5x80xi32, #tpu.memory_space<hbm>>) dst(%dma_wait3A_528 : memref<5x80xi32, #tpu.memory_space<vmem>>)
        %sub3A = arith.constant 1 : i32
        %sub3A_532 = arith.subi %sub3A, %rem3A_347 : i32
        %dma_start3A_533 = arith.constant 0 : i32
        %dma_start3A_534 = arith.constant 0 : i32
        %dma_start3A_535 = arith.constant 0 : i32
        %dma_start3A_536 = arith.constant 0 : i32
        %dma_start3A_537 = tpu.memref_slice %arg9[%sub3A_532, %dma_start3A_534, %dma_start3A_535, %dma_start3A_536] : memref<2x5x80x32xf32, #tpu.memory_space<vmem>> -> memref<1x1x80x32xf32, #tpu.memory_space<vmem>>
        %dma_start3A_538 = tpu.memref_squeeze %dma_start3A_537 : memref<1x1x80x32xf32, #tpu.memory_space<vmem>> -> memref<80x32xf32, #tpu.memory_space<vmem>>
        %dma_start3A_539 = arith.constant 0 : i32
        %dma_start3A_540 = tpu.memref_slice %arg7[%rem3A_353, %dma_start3A_533, %dma_start3A_539] : memref<3x5x80xi32, #tpu.memory_space<vmem>> -> memref<1x1x80xi32, #tpu.memory_space<vmem>>
        %dma_start3A_541 = tpu.memref_squeeze %dma_start3A_540 : memref<1x1x80xi32, #tpu.memory_space<vmem>> -> memref<80xi32, #tpu.memory_space<vmem>>
        %dma_start3A_542 = arith.constant 0 : i32
        %dma_start3A_543 = tpu.memref_slice %arg2[%mul3A_0, %dma_start3A_542] : memref<102400x32xf32, #tpu.memory_space<hbm>> -> memref<51200x32xf32, #tpu.memory_space<hbm>>
        %dma_start3A_544 = arith.constant 0 : i32
        %dma_start3A_545 = arith.constant 0 : i32
        %dma_start3A_546 = tpu.memref_slice %dma_start3A_543[%dma_start3A_544, %dma_start3A_545] : memref<51200x32xf32, #tpu.memory_space<hbm>> -> memref<51200x32xf32, #tpu.memory_space<hbm>>
        tpu.enqueue_indirect_dma source(%dma_start3A_546 : memref<51200x32xf32, #tpu.memory_space<hbm>>) target(%dma_start3A_538 : memref<80x32xf32, #tpu.memory_space<vmem>>) offsets(%dma_start3A_541 : memref<80xi32, #tpu.memory_space<vmem>>) semaphore(%arg10 : memref<!tpu.dma_semaphore, #tpu.memory_space<semaphore_mem>>)
        %dma_start3A_547 = arith.constant 1 : i32
        %dma_start3A_548 = arith.constant 1 : i32
        %dma_start3A_549 = arith.constant 0 : i32
        %dma_start3A_550 = arith.constant 0 : i32
        %dma_start3A_551 = tpu.memref_slice %arg9[%sub3A_532, %dma_start3A_548, %dma_start3A_549, %dma_start3A_550] : memref<2x5x80x32xf32, #tpu.memory_space<vmem>> -> memref<1x1x80x32xf32, #tpu.memory_space<vmem>>
        %dma_start3A_552 = tpu.memref_squeeze %dma_start3A_551 : memref<1x1x80x32xf32, #tpu.memory_space<vmem>> -> memref<80x32xf32, #tpu.memory_space<vmem>>
        %dma_start3A_553 = arith.constant 0 : i32
        %dma_start3A_554 = tpu.memref_slice %arg7[%rem3A_353, %dma_start3A_547, %dma_start3A_553] : memref<3x5x80xi32, #tpu.memory_space<vmem>> -> memref<1x1x80xi32, #tpu.memory_space<vmem>>
        %dma_start3A_555 = tpu.memref_squeeze %dma_start3A_554 : memref<1x1x80xi32, #tpu.memory_space<vmem>> -> memref<80xi32, #tpu.memory_space<vmem>>
        %dma_start3A_556 = arith.constant 0 : i32
        %dma_start3A_557 = tpu.memref_slice %arg2[%mul3A_0, %dma_start3A_556] : memref<102400x32xf32, #tpu.memory_space<hbm>> -> memref<51200x32xf32, #tpu.memory_space<hbm>>
        %dma_start3A_558 = arith.constant 0 : i32
        %dma_start3A_559 = arith.constant 0 : i32
        %dma_start3A_560 = tpu.memref_slice %dma_start3A_557[%dma_start3A_558, %dma_start3A_559] : memref<51200x32xf32, #tpu.memory_space<hbm>> -> memref<51200x32xf32, #tpu.memory_space<hbm>>
        tpu.enqueue_indirect_dma source(%dma_start3A_560 : memref<51200x32xf32, #tpu.memory_space<hbm>>) target(%dma_start3A_552 : memref<80x32xf32, #tpu.memory_space<vmem>>) offsets(%dma_start3A_555 : memref<80xi32, #tpu.memory_space<vmem>>) semaphore(%arg10 : memref<!tpu.dma_semaphore, #tpu.memory_space<semaphore_mem>>)
        %dma_start3A_561 = arith.constant 2 : i32
        %dma_start3A_562 = arith.constant 2 : i32
        %dma_start3A_563 = arith.constant 0 : i32
        %dma_start3A_564 = arith.constant 0 : i32
        %dma_start3A_565 = tpu.memref_slice %arg9[%sub3A_532, %dma_start3A_562, %dma_start3A_563, %dma_start3A_564] : memref<2x5x80x32xf32, #tpu.memory_space<vmem>> -> memref<1x1x80x32xf32, #tpu.memory_space<vmem>>
        %dma_start3A_566 = tpu.memref_squeeze %dma_start3A_565 : memref<1x1x80x32xf32, #tpu.memory_space<vmem>> -> memref<80x32xf32, #tpu.memory_space<vmem>>
        %dma_start3A_567 = arith.constant 0 : i32
        %dma_start3A_568 = tpu.memref_slice %arg7[%rem3A_353, %dma_start3A_561, %dma_start3A_567] : memref<3x5x80xi32, #tpu.memory_space<vmem>> -> memref<1x1x80xi32, #tpu.memory_space<vmem>>
        %dma_start3A_569 = tpu.memref_squeeze %dma_start3A_568 : memref<1x1x80xi32, #tpu.memory_space<vmem>> -> memref<80xi32, #tpu.memory_space<vmem>>
        %dma_start3A_570 = arith.constant 0 : i32
        %dma_start3A_571 = tpu.memref_slice %arg2[%mul3A_0, %dma_start3A_570] : memref<102400x32xf32, #tpu.memory_space<hbm>> -> memref<51200x32xf32, #tpu.memory_space<hbm>>
        %dma_start3A_572 = arith.constant 0 : i32
        %dma_start3A_573 = arith.constant 0 : i32
        %dma_start3A_574 = tpu.memref_slice %dma_start3A_571[%dma_start3A_572, %dma_start3A_573] : memref<51200x32xf32, #tpu.memory_space<hbm>> -> memref<51200x32xf32, #tpu.memory_space<hbm>>
        tpu.enqueue_indirect_dma source(%dma_start3A_574 : memref<51200x32xf32, #tpu.memory_space<hbm>>) target(%dma_start3A_566 : memref<80x32xf32, #tpu.memory_space<vmem>>) offsets(%dma_start3A_569 : memref<80xi32, #tpu.memory_space<vmem>>) semaphore(%arg10 : memref<!tpu.dma_semaphore, #tpu.memory_space<semaphore_mem>>)
        %dma_start3A_575 = arith.constant 3 : i32
        %dma_start3A_576 = arith.constant 3 : i32
        %dma_start3A_577 = arith.constant 0 : i32
        %dma_start3A_578 = arith.constant 0 : i32
        %dma_start3A_579 = tpu.memref_slice %arg9[%sub3A_532, %dma_start3A_576, %dma_start3A_577, %dma_start3A_578] : memref<2x5x80x32xf32, #tpu.memory_space<vmem>> -> memref<1x1x80x32xf32, #tpu.memory_space<vmem>>
        %dma_start3A_580 = tpu.memref_squeeze %dma_start3A_579 : memref<1x1x80x32xf32, #tpu.memory_space<vmem>> -> memref<80x32xf32, #tpu.memory_space<vmem>>
        %dma_start3A_581 = arith.constant 0 : i32
        %dma_start3A_582 = tpu.memref_slice %arg7[%rem3A_353, %dma_start3A_575, %dma_start3A_581] : memref<3x5x80xi32, #tpu.memory_space<vmem>> -> memref<1x1x80xi32, #tpu.memory_space<vmem>>
        %dma_start3A_583 = tpu.memref_squeeze %dma_start3A_582 : memref<1x1x80xi32, #tpu.memory_space<vmem>> -> memref<80xi32, #tpu.memory_space<vmem>>
        %dma_start3A_584 = arith.constant 0 : i32
        %dma_start3A_585 = tpu.memref_slice %arg2[%mul3A_0, %dma_start3A_584] : memref<102400x32xf32, #tpu.memory_space<hbm>> -> memref<51200x32xf32, #tpu.memory_space<hbm>>
        %dma_start3A_586 = arith.constant 0 : i32
        %dma_start3A_587 = arith.constant 0 : i32
        %dma_start3A_588 = tpu.memref_slice %dma_start3A_585[%dma_start3A_586, %dma_start3A_587] : memref<51200x32xf32, #tpu.memory_space<hbm>> -> memref<51200x32xf32, #tpu.memory_space<hbm>>
        tpu.enqueue_indirect_dma source(%dma_start3A_588 : memref<51200x32xf32, #tpu.memory_space<hbm>>) target(%dma_start3A_580 : memref<80x32xf32, #tpu.memory_space<vmem>>) offsets(%dma_start3A_583 : memref<80xi32, #tpu.memory_space<vmem>>) semaphore(%arg10 : memref<!tpu.dma_semaphore, #tpu.memory_space<semaphore_mem>>)
        %dma_start3A_589 = arith.constant 4 : i32
        %dma_start3A_590 = arith.constant 4 : i32
        %dma_start3A_591 = arith.constant 0 : i32
        %dma_start3A_592 = arith.constant 0 : i32
        %dma_start3A_593 = tpu.memref_slice %arg9[%sub3A_532, %dma_start3A_590, %dma_start3A_591, %dma_start3A_592] : memref<2x5x80x32xf32, #tpu.memory_space<vmem>> -> memref<1x1x80x32xf32, #tpu.memory_space<vmem>>
        %dma_start3A_594 = tpu.memref_squeeze %dma_start3A_593 : memref<1x1x80x32xf32, #tpu.memory_space<vmem>> -> memref<80x32xf32, #tpu.memory_space<vmem>>
        %dma_start3A_595 = arith.constant 0 : i32
        %dma_start3A_596 = tpu.memref_slice %arg7[%rem3A_353, %dma_start3A_589, %dma_start3A_595] : memref<3x5x80xi32, #tpu.memory_space<vmem>> -> memref<1x1x80xi32, #tpu.memory_space<vmem>>
        %dma_start3A_597 = tpu.memref_squeeze %dma_start3A_596 : memref<1x1x80xi32, #tpu.memory_space<vmem>> -> memref<80xi32, #tpu.memory_space<vmem>>
        %dma_start3A_598 = arith.constant 0 : i32
        %dma_start3A_599 = tpu.memref_slice %arg2[%mul3A_0, %dma_start3A_598] : memref<102400x32xf32, #tpu.memory_space<hbm>> -> memref<51200x32xf32, #tpu.memory_space<hbm>>
        %dma_start3A_600 = arith.constant 0 : i32
        %dma_start3A_601 = arith.constant 0 : i32
        %dma_start3A_602 = tpu.memref_slice %dma_start3A_599[%dma_start3A_600, %dma_start3A_601] : memref<51200x32xf32, #tpu.memory_space<hbm>> -> memref<51200x32xf32, #tpu.memory_space<hbm>>
        tpu.enqueue_indirect_dma source(%dma_start3A_602 : memref<51200x32xf32, #tpu.memory_space<hbm>>) target(%dma_start3A_594 : memref<80x32xf32, #tpu.memory_space<vmem>>) offsets(%dma_start3A_597 : memref<80xi32, #tpu.memory_space<vmem>>) semaphore(%arg10 : memref<!tpu.dma_semaphore, #tpu.memory_space<semaphore_mem>>)
      } else {
      }
      %lt3A_364 = arith.constant 123 : i32
      %lt3A_365 = arith.cmpi slt, %scan3A_346, %lt3A_364 : i32
      %convert_element_type3A_366 = arith.extui %lt3A_365 : i1 to i32
      %cond3A_367 = arith.constant 0 : i32
      %cond3A_368 = arith.cmpi ne, %convert_element_type3A_366, %cond3A_367 : i32
      scf.if %cond3A_368 {
        %add3A_504 = arith.constant 2 : i32
        %add3A_505 = arith.addi %scan3A_346, %add3A_504 : i32
        %mul3A_506 = arith.constant 5 : i32
        %mul3A_507 = arith.muli %add3A_505, %mul3A_506 : i32
        %add3A_508 = arith.addi %mul3A_46, %mul3A_507 : i32
        %dma_start3A_509 = arith.constant 0 : i32
        %dma_start3A_510 = arith.constant 0 : i32
        %dma_start3A_511 = tpu.memref_slice %arg7[%rem3A_357, %dma_start3A_509, %dma_start3A_510] : memref<3x5x80xi32, #tpu.memory_space<vmem>> -> memref<1x5x80xi32, #tpu.memory_space<vmem>>
        %dma_start3A_512 = tpu.memref_squeeze %dma_start3A_511 : memref<1x5x80xi32, #tpu.memory_space<vmem>> -> memref<5x80xi32, #tpu.memory_space<vmem>>
        %dma_start3A_513 = arith.constant 0 : i32
        %dma_start3A_514 = tpu.memref_slice %arg3[%add3A_508, %dma_start3A_513] : memref<10000x80xi32, #tpu.memory_space<hbm>> -> memref<5x80xi32, #tpu.memory_space<hbm>>
        %dma_start3A_515 = arith.constant 0 : i32
        %dma_start3A_516 = arith.constant 0 : i32
        %dma_start3A_517 = tpu.memref_slice %arg7[%rem3A_357, %dma_start3A_515, %dma_start3A_516] : memref<3x5x80xi32, #tpu.memory_space<vmem>> -> memref<1x5x80xi32, #tpu.memory_space<vmem>>
        %dma_start3A_518 = tpu.memref_squeeze %dma_start3A_517 : memref<1x5x80xi32, #tpu.memory_space<vmem>> -> memref<5x80xi32, #tpu.memory_space<vmem>>
        %dma_start3A_519 = arith.constant 0 : i32
        %dma_start3A_520 = tpu.memref_slice %arg3[%add3A_508, %dma_start3A_519] : memref<10000x80xi32, #tpu.memory_space<hbm>> -> memref<5x80xi32, #tpu.memory_space<hbm>>
        tpu.enqueue_dma source(%dma_start3A_520 : memref<5x80xi32, #tpu.memory_space<hbm>>) target(%dma_start3A_518 : memref<5x80xi32, #tpu.memory_space<vmem>>) target_semaphore(%arg12 : memref<!tpu.dma_semaphore, #tpu.memory_space<semaphore_mem>>)
        %mul3A_521 = arith.constant 5 : i32
        %mul3A_522 = arith.muli %add3A_505, %mul3A_521 : i32
        %add3A_523 = arith.addi %mul3A_46, %mul3A_522 : i32
        %dma_start3A_524 = arith.constant 0 : i32
        %dma_start3A_525 = arith.constant 0 : i32
        %dma_start3A_526 = tpu.memref_slice %arg8[%rem3A_357, %dma_start3A_524, %dma_start3A_525] : memref<3x5x80xi32, #tpu.memory_space<vmem>> -> memref<1x5x80xi32, #tpu.memory_space<vmem>>
        %dma_start3A_527 = tpu.memref_squeeze %dma_start3A_526 : memref<1x5x80xi32, #tpu.memory_space<vmem>> -> memref<5x80xi32, #tpu.memory_space<vmem>>
        %dma_start3A_528 = arith.constant 0 : i32
        %dma_start3A_529 = tpu.memref_slice %arg4[%add3A_523, %dma_start3A_528] : memref<10000x80xi32, #tpu.memory_space<hbm>> -> memref<5x80xi32, #tpu.memory_space<hbm>>
        %dma_start3A_530 = arith.constant 0 : i32
        %dma_start3A_531 = arith.constant 0 : i32
        %dma_start3A_532 = tpu.memref_slice %arg8[%rem3A_357, %dma_start3A_530, %dma_start3A_531] : memref<3x5x80xi32, #tpu.memory_space<vmem>> -> memref<1x5x80xi32, #tpu.memory_space<vmem>>
        %dma_start3A_533 = tpu.memref_squeeze %dma_start3A_532 : memref<1x5x80xi32, #tpu.memory_space<vmem>> -> memref<5x80xi32, #tpu.memory_space<vmem>>
        %dma_start3A_534 = arith.constant 0 : i32
        %dma_start3A_535 = tpu.memref_slice %arg4[%add3A_523, %dma_start3A_534] : memref<10000x80xi32, #tpu.memory_space<hbm>> -> memref<5x80xi32, #tpu.memory_space<hbm>>
        tpu.enqueue_dma source(%dma_start3A_535 : memref<5x80xi32, #tpu.memory_space<hbm>>) target(%dma_start3A_533 : memref<5x80xi32, #tpu.memory_space<vmem>>) target_semaphore(%arg12 : memref<!tpu.dma_semaphore, #tpu.memory_space<semaphore_mem>>)
      } else {
      }
      %dma_wait3A_369 = arith.constant 0 : i32
      %dma_wait3A_370 = arith.constant 0 : i32
      %dma_wait3A_371 = arith.constant 0 : i32
      %dma_wait3A_372 = tpu.memref_slice %arg9[%rem3A_347, %dma_wait3A_369, %dma_wait3A_370, %dma_wait3A_371] : memref<2x5x80x32xf32, #tpu.memory_space<vmem>> -> memref<1x1x80x32xf32, #tpu.memory_space<vmem>>
      %dma_wait3A_373 = tpu.memref_squeeze %dma_wait3A_372 : memref<1x1x80x32xf32, #tpu.memory_space<vmem>> -> memref<80x32xf32, #tpu.memory_space<vmem>>
      %dma_wait3A_374 = arith.constant 0 : i32
      %dma_wait3A_375 = arith.constant 0 : i32
      %dma_wait3A_376 = tpu.memref_slice %arg2[%dma_wait3A_374, %dma_wait3A_375] : memref<102400x32xf32, #tpu.memory_space<hbm>> -> memref<80x32xf32, #tpu.memory_space<hbm>>
      %dma_wait3A_377 = arith.constant 0 : i32
      %dma_wait3A_378 = arith.constant 0 : i32
      %dma_wait3A_379 = tpu.memref_slice %arg9[%rem3A_347, %dma_wait3A_369, %dma_wait3A_377, %dma_wait3A_378] : memref<2x5x80x32xf32, #tpu.memory_space<vmem>> -> memref<1x1x80x32xf32, #tpu.memory_space<vmem>>
      %dma_wait3A_380 = tpu.memref_squeeze %dma_wait3A_379 : memref<1x1x80x32xf32, #tpu.memory_space<vmem>> -> memref<80x32xf32, #tpu.memory_space<vmem>>
      %dma_wait3A_381 = arith.constant 0 : i32
      %dma_wait3A_382 = arith.constant 0 : i32
      %dma_wait3A_383 = tpu.memref_slice %arg2[%dma_wait3A_381, %dma_wait3A_382] : memref<102400x32xf32, #tpu.memory_space<hbm>> -> memref<80x32xf32, #tpu.memory_space<hbm>>
      tpu.wait_dma2 semaphore(%arg10 : memref<!tpu.dma_semaphore, #tpu.memory_space<semaphore_mem>>) src(%dma_wait3A_383 : memref<80x32xf32, #tpu.memory_space<hbm>>) dst(%dma_wait3A_380 : memref<80x32xf32, #tpu.memory_space<vmem>>)
      %dma_start3A_384 = arith.constant 0 : i32
      %dma_start3A_385 = arith.constant 0 : i32
      %dma_start3A_386 = arith.constant 0 : i32
      %dma_start3A_387 = arith.constant 0 : i32
      %dma_start3A_388 = tpu.memref_slice %arg9[%rem3A_347, %dma_start3A_384, %dma_start3A_386, %dma_start3A_387] : memref<2x5x80x32xf32, #tpu.memory_space<vmem>> -> memref<1x1x80x32xf32, #tpu.memory_space<vmem>>
      %dma_start3A_389 = tpu.memref_squeeze %dma_start3A_388 : memref<1x1x80x32xf32, #tpu.memory_space<vmem>> -> memref<80x32xf32, #tpu.memory_space<vmem>>
      %dma_start3A_390 = arith.constant 0 : i32
      %dma_start3A_391 = tpu.memref_slice %arg8[%rem3A_349, %dma_start3A_385, %dma_start3A_390] : memref<3x5x80xi32, #tpu.memory_space<vmem>> -> memref<1x1x80xi32, #tpu.memory_space<vmem>>
      %dma_start3A_392 = tpu.memref_squeeze %dma_start3A_391 : memref<1x1x80xi32, #tpu.memory_space<vmem>> -> memref<80xi32, #tpu.memory_space<vmem>>
      %dma_start3A_393 = arith.constant 0 : i32
      %dma_start3A_394 = arith.constant 0 : i32
      %dma_start3A_395 = tpu.memref_slice %arg6[%dma_start3A_393, %dma_start3A_394] : memref<50000x32xf32, #tpu.memory_space<vmem_shared>> -> memref<50000x32xf32, #tpu.memory_space<vmem_shared>>
      tpu.enqueue_indirect_dma source(%dma_start3A_389 : memref<80x32xf32, #tpu.memory_space<vmem>>) target(%dma_start3A_395 : memref<50000x32xf32, #tpu.memory_space<vmem_shared>>) offsets(%dma_start3A_392 : memref<80xi32, #tpu.memory_space<vmem>>) semaphore(%arg11 : memref<!tpu.dma_semaphore, #tpu.memory_space<semaphore_mem>>) {add = true}
      %dma_wait3A_396 = arith.constant 1 : i32
      %dma_wait3A_397 = arith.constant 0 : i32
      %dma_wait3A_398 = arith.constant 0 : i32
      %dma_wait3A_399 = tpu.memref_slice %arg9[%rem3A_347, %dma_wait3A_396, %dma_wait3A_397, %dma_wait3A_398] : memref<2x5x80x32xf32, #tpu.memory_space<vmem>> -> memref<1x1x80x32xf32, #tpu.memory_space<vmem>>
      %dma_wait3A_400 = tpu.memref_squeeze %dma_wait3A_399 : memref<1x1x80x32xf32, #tpu.memory_space<vmem>> -> memref<80x32xf32, #tpu.memory_space<vmem>>
      %dma_wait3A_401 = arith.constant 0 : i32
      %dma_wait3A_402 = arith.constant 0 : i32
      %dma_wait3A_403 = tpu.memref_slice %arg2[%dma_wait3A_401, %dma_wait3A_402] : memref<102400x32xf32, #tpu.memory_space<hbm>> -> memref<80x32xf32, #tpu.memory_space<hbm>>
      %dma_wait3A_404 = arith.constant 0 : i32
      %dma_wait3A_405 = arith.constant 0 : i32
      %dma_wait3A_406 = tpu.memref_slice %arg9[%rem3A_347, %dma_wait3A_396, %dma_wait3A_404, %dma_wait3A_405] : memref<2x5x80x32xf32, #tpu.memory_space<vmem>> -> memref<1x1x80x32xf32, #tpu.memory_space<vmem>>
      %dma_wait3A_407 = tpu.memref_squeeze %dma_wait3A_406 : memref<1x1x80x32xf32, #tpu.memory_space<vmem>> -> memref<80x32xf32, #tpu.memory_space<vmem>>
      %dma_wait3A_408 = arith.constant 0 : i32
      %dma_wait3A_409 = arith.constant 0 : i32
      %dma_wait3A_410 = tpu.memref_slice %arg2[%dma_wait3A_408, %dma_wait3A_409] : memref<102400x32xf32, #tpu.memory_space<hbm>> -> memref<80x32xf32, #tpu.memory_space<hbm>>
      tpu.wait_dma2 semaphore(%arg10 : memref<!tpu.dma_semaphore, #tpu.memory_space<semaphore_mem>>) src(%dma_wait3A_410 : memref<80x32xf32, #tpu.memory_space<hbm>>) dst(%dma_wait3A_407 : memref<80x32xf32, #tpu.memory_space<vmem>>)
      %dma_start3A_411 = arith.constant 1 : i32
      %dma_start3A_412 = arith.constant 1 : i32
      %dma_start3A_413 = arith.constant 0 : i32
      %dma_start3A_414 = arith.constant 0 : i32
      %dma_start3A_415 = tpu.memref_slice %arg9[%rem3A_347, %dma_start3A_411, %dma_start3A_413, %dma_start3A_414] : memref<2x5x80x32xf32, #tpu.memory_space<vmem>> -> memref<1x1x80x32xf32, #tpu.memory_space<vmem>>
      %dma_start3A_416 = tpu.memref_squeeze %dma_start3A_415 : memref<1x1x80x32xf32, #tpu.memory_space<vmem>> -> memref<80x32xf32, #tpu.memory_space<vmem>>
      %dma_start3A_417 = arith.constant 0 : i32
      %dma_start3A_418 = tpu.memref_slice %arg8[%rem3A_349, %dma_start3A_412, %dma_start3A_417] : memref<3x5x80xi32, #tpu.memory_space<vmem>> -> memref<1x1x80xi32, #tpu.memory_space<vmem>>
      %dma_start3A_419 = tpu.memref_squeeze %dma_start3A_418 : memref<1x1x80xi32, #tpu.memory_space<vmem>> -> memref<80xi32, #tpu.memory_space<vmem>>
      %dma_start3A_420 = arith.constant 0 : i32
      %dma_start3A_421 = arith.constant 0 : i32
      %dma_start3A_422 = tpu.memref_slice %arg6[%dma_start3A_420, %dma_start3A_421] : memref<50000x32xf32, #tpu.memory_space<vmem_shared>> -> memref<50000x32xf32, #tpu.memory_space<vmem_shared>>
      tpu.enqueue_indirect_dma source(%dma_start3A_416 : memref<80x32xf32, #tpu.memory_space<vmem>>) target(%dma_start3A_422 : memref<50000x32xf32, #tpu.memory_space<vmem_shared>>) offsets(%dma_start3A_419 : memref<80xi32, #tpu.memory_space<vmem>>) semaphore(%arg11 : memref<!tpu.dma_semaphore, #tpu.memory_space<semaphore_mem>>) {add = true}
      %dma_wait3A_423 = arith.constant 2 : i32
      %dma_wait3A_424 = arith.constant 0 : i32
      %dma_wait3A_425 = arith.constant 0 : i32
      %dma_wait3A_426 = tpu.memref_slice %arg9[%rem3A_347, %dma_wait3A_423, %dma_wait3A_424, %dma_wait3A_425] : memref<2x5x80x32xf32, #tpu.memory_space<vmem>> -> memref<1x1x80x32xf32, #tpu.memory_space<vmem>>
      %dma_wait3A_427 = tpu.memref_squeeze %dma_wait3A_426 : memref<1x1x80x32xf32, #tpu.memory_space<vmem>> -> memref<80x32xf32, #tpu.memory_space<vmem>>
      %dma_wait3A_428 = arith.constant 0 : i32
      %dma_wait3A_429 = arith.constant 0 : i32
      %dma_wait3A_430 = tpu.memref_slice %arg2[%dma_wait3A_428, %dma_wait3A_429] : memref<102400x32xf32, #tpu.memory_space<hbm>> -> memref<80x32xf32, #tpu.memory_space<hbm>>
      %dma_wait3A_431 = arith.constant 0 : i32
      %dma_wait3A_432 = arith.constant 0 : i32
      %dma_wait3A_433 = tpu.memref_slice %arg9[%rem3A_347, %dma_wait3A_423, %dma_wait3A_431, %dma_wait3A_432] : memref<2x5x80x32xf32, #tpu.memory_space<vmem>> -> memref<1x1x80x32xf32, #tpu.memory_space<vmem>>
      %dma_wait3A_434 = tpu.memref_squeeze %dma_wait3A_433 : memref<1x1x80x32xf32, #tpu.memory_space<vmem>> -> memref<80x32xf32, #tpu.memory_space<vmem>>
      %dma_wait3A_435 = arith.constant 0 : i32
      %dma_wait3A_436 = arith.constant 0 : i32
      %dma_wait3A_437 = tpu.memref_slice %arg2[%dma_wait3A_435, %dma_wait3A_436] : memref<102400x32xf32, #tpu.memory_space<hbm>> -> memref<80x32xf32, #tpu.memory_space<hbm>>
      tpu.wait_dma2 semaphore(%arg10 : memref<!tpu.dma_semaphore, #tpu.memory_space<semaphore_mem>>) src(%dma_wait3A_437 : memref<80x32xf32, #tpu.memory_space<hbm>>) dst(%dma_wait3A_434 : memref<80x32xf32, #tpu.memory_space<vmem>>)
      %dma_start3A_438 = arith.constant 2 : i32
      %dma_start3A_439 = arith.constant 2 : i32
      %dma_start3A_440 = arith.constant 0 : i32
      %dma_start3A_441 = arith.constant 0 : i32
      %dma_start3A_442 = tpu.memref_slice %arg9[%rem3A_347, %dma_start3A_438, %dma_start3A_440, %dma_start3A_441] : memref<2x5x80x32xf32, #tpu.memory_space<vmem>> -> memref<1x1x80x32xf32, #tpu.memory_space<vmem>>
      %dma_start3A_443 = tpu.memref_squeeze %dma_start3A_442 : memref<1x1x80x32xf32, #tpu.memory_space<vmem>> -> memref<80x32xf32, #tpu.memory_space<vmem>>
      %dma_start3A_444 = arith.constant 0 : i32
      %dma_start3A_445 = tpu.memref_slice %arg8[%rem3A_349, %dma_start3A_439, %dma_start3A_444] : memref<3x5x80xi32, #tpu.memory_space<vmem>> -> memref<1x1x80xi32, #tpu.memory_space<vmem>>
      %dma_start3A_446 = tpu.memref_squeeze %dma_start3A_445 : memref<1x1x80xi32, #tpu.memory_space<vmem>> -> memref<80xi32, #tpu.memory_space<vmem>>
      %dma_start3A_447 = arith.constant 0 : i32
      %dma_start3A_448 = arith.constant 0 : i32
      %dma_start3A_449 = tpu.memref_slice %arg6[%dma_start3A_447, %dma_start3A_448] : memref<50000x32xf32, #tpu.memory_space<vmem_shared>> -> memref<50000x32xf32, #tpu.memory_space<vmem_shared>>
      tpu.enqueue_indirect_dma source(%dma_start3A_443 : memref<80x32xf32, #tpu.memory_space<vmem>>) target(%dma_start3A_449 : memref<50000x32xf32, #tpu.memory_space<vmem_shared>>) offsets(%dma_start3A_446 : memref<80xi32, #tpu.memory_space<vmem>>) semaphore(%arg11 : memref<!tpu.dma_semaphore, #tpu.memory_space<semaphore_mem>>) {add = true}
      %dma_wait3A_450 = arith.constant 3 : i32
      %dma_wait3A_451 = arith.constant 0 : i32
      %dma_wait3A_452 = arith.constant 0 : i32
      %dma_wait3A_453 = tpu.memref_slice %arg9[%rem3A_347, %dma_wait3A_450, %dma_wait3A_451, %dma_wait3A_452] : memref<2x5x80x32xf32, #tpu.memory_space<vmem>> -> memref<1x1x80x32xf32, #tpu.memory_space<vmem>>
      %dma_wait3A_454 = tpu.memref_squeeze %dma_wait3A_453 : memref<1x1x80x32xf32, #tpu.memory_space<vmem>> -> memref<80x32xf32, #tpu.memory_space<vmem>>
      %dma_wait3A_455 = arith.constant 0 : i32
      %dma_wait3A_456 = arith.constant 0 : i32
      %dma_wait3A_457 = tpu.memref_slice %arg2[%dma_wait3A_455, %dma_wait3A_456] : memref<102400x32xf32, #tpu.memory_space<hbm>> -> memref<80x32xf32, #tpu.memory_space<hbm>>
      %dma_wait3A_458 = arith.constant 0 : i32
      %dma_wait3A_459 = arith.constant 0 : i32
      %dma_wait3A_460 = tpu.memref_slice %arg9[%rem3A_347, %dma_wait3A_450, %dma_wait3A_458, %dma_wait3A_459] : memref<2x5x80x32xf32, #tpu.memory_space<vmem>> -> memref<1x1x80x32xf32, #tpu.memory_space<vmem>>
      %dma_wait3A_461 = tpu.memref_squeeze %dma_wait3A_460 : memref<1x1x80x32xf32, #tpu.memory_space<vmem>> -> memref<80x32xf32, #tpu.memory_space<vmem>>
      %dma_wait3A_462 = arith.constant 0 : i32
      %dma_wait3A_463 = arith.constant 0 : i32
      %dma_wait3A_464 = tpu.memref_slice %arg2[%dma_wait3A_462, %dma_wait3A_463] : memref<102400x32xf32, #tpu.memory_space<hbm>> -> memref<80x32xf32, #tpu.memory_space<hbm>>
      tpu.wait_dma2 semaphore(%arg10 : memref<!tpu.dma_semaphore, #tpu.memory_space<semaphore_mem>>) src(%dma_wait3A_464 : memref<80x32xf32, #tpu.memory_space<hbm>>) dst(%dma_wait3A_461 : memref<80x32xf32, #tpu.memory_space<vmem>>)
      %dma_start3A_465 = arith.constant 3 : i32
      %dma_start3A_466 = arith.constant 3 : i32
      %dma_start3A_467 = arith.constant 0 : i32
      %dma_start3A_468 = arith.constant 0 : i32
      %dma_start3A_469 = tpu.memref_slice %arg9[%rem3A_347, %dma_start3A_465, %dma_start3A_467, %dma_start3A_468] : memref<2x5x80x32xf32, #tpu.memory_space<vmem>> -> memref<1x1x80x32xf32, #tpu.memory_space<vmem>>
      %dma_start3A_470 = tpu.memref_squeeze %dma_start3A_469 : memref<1x1x80x32xf32, #tpu.memory_space<vmem>> -> memref<80x32xf32, #tpu.memory_space<vmem>>
      %dma_start3A_471 = arith.constant 0 : i32
      %dma_start3A_472 = tpu.memref_slice %arg8[%rem3A_349, %dma_start3A_466, %dma_start3A_471] : memref<3x5x80xi32, #tpu.memory_space<vmem>> -> memref<1x1x80xi32, #tpu.memory_space<vmem>>
      %dma_start3A_473 = tpu.memref_squeeze %dma_start3A_472 : memref<1x1x80xi32, #tpu.memory_space<vmem>> -> memref<80xi32, #tpu.memory_space<vmem>>
      %dma_start3A_474 = arith.constant 0 : i32
      %dma_start3A_475 = arith.constant 0 : i32
      %dma_start3A_476 = tpu.memref_slice %arg6[%dma_start3A_474, %dma_start3A_475] : memref<50000x32xf32, #tpu.memory_space<vmem_shared>> -> memref<50000x32xf32, #tpu.memory_space<vmem_shared>>
      tpu.enqueue_indirect_dma source(%dma_start3A_470 : memref<80x32xf32, #tpu.memory_space<vmem>>) target(%dma_start3A_476 : memref<50000x32xf32, #tpu.memory_space<vmem_shared>>) offsets(%dma_start3A_473 : memref<80xi32, #tpu.memory_space<vmem>>) semaphore(%arg11 : memref<!tpu.dma_semaphore, #tpu.memory_space<semaphore_mem>>) {add = true}
      %dma_wait3A_477 = arith.constant 4 : i32
      %dma_wait3A_478 = arith.constant 0 : i32
      %dma_wait3A_479 = arith.constant 0 : i32
      %dma_wait3A_480 = tpu.memref_slice %arg9[%rem3A_347, %dma_wait3A_477, %dma_wait3A_478, %dma_wait3A_479] : memref<2x5x80x32xf32, #tpu.memory_space<vmem>> -> memref<1x1x80x32xf32, #tpu.memory_space<vmem>>
      %dma_wait3A_481 = tpu.memref_squeeze %dma_wait3A_480 : memref<1x1x80x32xf32, #tpu.memory_space<vmem>> -> memref<80x32xf32, #tpu.memory_space<vmem>>
      %dma_wait3A_482 = arith.constant 0 : i32
      %dma_wait3A_483 = arith.constant 0 : i32
      %dma_wait3A_484 = tpu.memref_slice %arg2[%dma_wait3A_482, %dma_wait3A_483] : memref<102400x32xf32, #tpu.memory_space<hbm>> -> memref<80x32xf32, #tpu.memory_space<hbm>>
      %dma_wait3A_485 = arith.constant 0 : i32
      %dma_wait3A_486 = arith.constant 0 : i32
      %dma_wait3A_487 = tpu.memref_slice %arg9[%rem3A_347, %dma_wait3A_477, %dma_wait3A_485, %dma_wait3A_486] : memref<2x5x80x32xf32, #tpu.memory_space<vmem>> -> memref<1x1x80x32xf32, #tpu.memory_space<vmem>>
      %dma_wait3A_488 = tpu.memref_squeeze %dma_wait3A_487 : memref<1x1x80x32xf32, #tpu.memory_space<vmem>> -> memref<80x32xf32, #tpu.memory_space<vmem>>
      %dma_wait3A_489 = arith.constant 0 : i32
      %dma_wait3A_490 = arith.constant 0 : i32
      %dma_wait3A_491 = tpu.memref_slice %arg2[%dma_wait3A_489, %dma_wait3A_490] : memref<102400x32xf32, #tpu.memory_space<hbm>> -> memref<80x32xf32, #tpu.memory_space<hbm>>
      tpu.wait_dma2 semaphore(%arg10 : memref<!tpu.dma_semaphore, #tpu.memory_space<semaphore_mem>>) src(%dma_wait3A_491 : memref<80x32xf32, #tpu.memory_space<hbm>>) dst(%dma_wait3A_488 : memref<80x32xf32, #tpu.memory_space<vmem>>)
      %dma_start3A_492 = arith.constant 4 : i32
      %dma_start3A_493 = arith.constant 4 : i32
      %dma_start3A_494 = arith.constant 0 : i32
      %dma_start3A_495 = arith.constant 0 : i32
      %dma_start3A_496 = tpu.memref_slice %arg9[%rem3A_347, %dma_start3A_492, %dma_start3A_494, %dma_start3A_495] : memref<2x5x80x32xf32, #tpu.memory_space<vmem>> -> memref<1x1x80x32xf32, #tpu.memory_space<vmem>>
      %dma_start3A_497 = tpu.memref_squeeze %dma_start3A_496 : memref<1x1x80x32xf32, #tpu.memory_space<vmem>> -> memref<80x32xf32, #tpu.memory_space<vmem>>
      %dma_start3A_498 = arith.constant 0 : i32
      %dma_start3A_499 = tpu.memref_slice %arg8[%rem3A_349, %dma_start3A_493, %dma_start3A_498] : memref<3x5x80xi32, #tpu.memory_space<vmem>> -> memref<1x1x80xi32, #tpu.memory_space<vmem>>
      %dma_start3A_500 = tpu.memref_squeeze %dma_start3A_499 : memref<1x1x80xi32, #tpu.memory_space<vmem>> -> memref<80xi32, #tpu.memory_space<vmem>>
      %dma_start3A_501 = arith.constant 0 : i32
      %dma_start3A_502 = arith.constant 0 : i32
      %dma_start3A_503 = tpu.memref_slice %arg6[%dma_start3A_501, %dma_start3A_502] : memref<50000x32xf32, #tpu.memory_space<vmem_shared>> -> memref<50000x32xf32, #tpu.memory_space<vmem_shared>>
      tpu.enqueue_indirect_dma source(%dma_start3A_497 : memref<80x32xf32, #tpu.memory_space<vmem>>) target(%dma_start3A_503 : memref<50000x32xf32, #tpu.memory_space<vmem_shared>>) offsets(%dma_start3A_500 : memref<80xi32, #tpu.memory_space<vmem>>) semaphore(%arg11 : memref<!tpu.dma_semaphore, #tpu.memory_space<semaphore_mem>>) {add = true}
    }
    %scan3A_219 = arith.constant 125 : i32
    %dma_wait3A_220 = arith.constant 0 : i32
    %dma_wait3A_221 = arith.constant 0 : i32
    %dma_wait3A_222 = arith.constant 0 : i32
    %dma_wait3A_223 = arith.constant 0 : i32
    %dma_wait3A_224 = tpu.memref_slice %arg9[%dma_wait3A_220, %dma_wait3A_221, %dma_wait3A_222, %dma_wait3A_223] : memref<2x5x80x32xf32, #tpu.memory_space<vmem>> -> memref<1x1x80x32xf32, #tpu.memory_space<vmem>>
    %dma_wait3A_225 = tpu.memref_squeeze %dma_wait3A_224 : memref<1x1x80x32xf32, #tpu.memory_space<vmem>> -> memref<80x32xf32, #tpu.memory_space<vmem>>
    %dma_wait3A_226 = arith.constant 0 : i32
    %dma_wait3A_227 = arith.constant 0 : i32
    %dma_wait3A_228 = tpu.memref_slice %arg6[%dma_wait3A_226, %dma_wait3A_227] : memref<50000x32xf32, #tpu.memory_space<vmem_shared>> -> memref<80x32xf32, #tpu.memory_space<vmem_shared>>
    %dma_wait3A_229 = arith.constant 0 : i32
    %dma_wait3A_230 = arith.constant 0 : i32
    %dma_wait3A_231 = tpu.memref_slice %arg6[%dma_wait3A_229, %dma_wait3A_230] : memref<50000x32xf32, #tpu.memory_space<vmem_shared>> -> memref<80x32xf32, #tpu.memory_space<vmem_shared>>
    %dma_wait3A_232 = arith.constant 0 : i32
    %dma_wait3A_233 = arith.constant 0 : i32
    %dma_wait3A_234 = tpu.memref_slice %arg9[%dma_wait3A_220, %dma_wait3A_221, %dma_wait3A_232, %dma_wait3A_233] : memref<2x5x80x32xf32, #tpu.memory_space<vmem>> -> memref<1x1x80x32xf32, #tpu.memory_space<vmem>>
    %dma_wait3A_235 = tpu.memref_squeeze %dma_wait3A_234 : memref<1x1x80x32xf32, #tpu.memory_space<vmem>> -> memref<80x32xf32, #tpu.memory_space<vmem>>
    tpu.wait_dma2 semaphore(%arg11 : memref<!tpu.dma_semaphore, #tpu.memory_space<semaphore_mem>>) src(%dma_wait3A_235 : memref<80x32xf32, #tpu.memory_space<vmem>>) dst(%dma_wait3A_231 : memref<80x32xf32, #tpu.memory_space<vmem_shared>>)
    %dma_wait3A_236 = arith.constant 0 : i32
    %dma_wait3A_237 = arith.constant 1 : i32
    %dma_wait3A_238 = arith.constant 0 : i32
    %dma_wait3A_239 = arith.constant 0 : i32
    %dma_wait3A_240 = tpu.memref_slice %arg9[%dma_wait3A_236, %dma_wait3A_237, %dma_wait3A_238, %dma_wait3A_239] : memref<2x5x80x32xf32, #tpu.memory_space<vmem>> -> memref<1x1x80x32xf32, #tpu.memory_space<vmem>>
    %dma_wait3A_241 = tpu.memref_squeeze %dma_wait3A_240 : memref<1x1x80x32xf32, #tpu.memory_space<vmem>> -> memref<80x32xf32, #tpu.memory_space<vmem>>
    %dma_wait3A_242 = arith.constant 0 : i32
    %dma_wait3A_243 = arith.constant 0 : i32
    %dma_wait3A_244 = tpu.memref_slice %arg6[%dma_wait3A_242, %dma_wait3A_243] : memref<50000x32xf32, #tpu.memory_space<vmem_shared>> -> memref<80x32xf32, #tpu.memory_space<vmem_shared>>
    %dma_wait3A_245 = arith.constant 0 : i32
    %dma_wait3A_246 = arith.constant 0 : i32
    %dma_wait3A_247 = tpu.memref_slice %arg6[%dma_wait3A_245, %dma_wait3A_246] : memref<50000x32xf32, #tpu.memory_space<vmem_shared>> -> memref<80x32xf32, #tpu.memory_space<vmem_shared>>
    %dma_wait3A_248 = arith.constant 0 : i32
    %dma_wait3A_249 = arith.constant 0 : i32
    %dma_wait3A_250 = tpu.memref_slice %arg9[%dma_wait3A_236, %dma_wait3A_237, %dma_wait3A_248, %dma_wait3A_249] : memref<2x5x80x32xf32, #tpu.memory_space<vmem>> -> memref<1x1x80x32xf32, #tpu.memory_space<vmem>>
    %dma_wait3A_251 = tpu.memref_squeeze %dma_wait3A_250 : memref<1x1x80x32xf32, #tpu.memory_space<vmem>> -> memref<80x32xf32, #tpu.memory_space<vmem>>
    tpu.wait_dma2 semaphore(%arg11 : memref<!tpu.dma_semaphore, #tpu.memory_space<semaphore_mem>>) src(%dma_wait3A_251 : memref<80x32xf32, #tpu.memory_space<vmem>>) dst(%dma_wait3A_247 : memref<80x32xf32, #tpu.memory_space<vmem_shared>>)
    %dma_wait3A_252 = arith.constant 0 : i32
    %dma_wait3A_253 = arith.constant 2 : i32
    %dma_wait3A_254 = arith.constant 0 : i32
    %dma_wait3A_255 = arith.constant 0 : i32
    %dma_wait3A_256 = tpu.memref_slice %arg9[%dma_wait3A_252, %dma_wait3A_253, %dma_wait3A_254, %dma_wait3A_255] : memref<2x5x80x32xf32, #tpu.memory_space<vmem>> -> memref<1x1x80x32xf32, #tpu.memory_space<vmem>>
    %dma_wait3A_257 = tpu.memref_squeeze %dma_wait3A_256 : memref<1x1x80x32xf32, #tpu.memory_space<vmem>> -> memref<80x32xf32, #tpu.memory_space<vmem>>
    %dma_wait3A_258 = arith.constant 0 : i32
    %dma_wait3A_259 = arith.constant 0 : i32
    %dma_wait3A_260 = tpu.memref_slice %arg6[%dma_wait3A_258, %dma_wait3A_259] : memref<50000x32xf32, #tpu.memory_space<vmem_shared>> -> memref<80x32xf32, #tpu.memory_space<vmem_shared>>
    %dma_wait3A_261 = arith.constant 0 : i32
    %dma_wait3A_262 = arith.constant 0 : i32
    %dma_wait3A_263 = tpu.memref_slice %arg6[%dma_wait3A_261, %dma_wait3A_262] : memref<50000x32xf32, #tpu.memory_space<vmem_shared>> -> memref<80x32xf32, #tpu.memory_space<vmem_shared>>
    %dma_wait3A_264 = arith.constant 0 : i32
    %dma_wait3A_265 = arith.constant 0 : i32
    %dma_wait3A_266 = tpu.memref_slice %arg9[%dma_wait3A_252, %dma_wait3A_253, %dma_wait3A_264, %dma_wait3A_265] : memref<2x5x80x32xf32, #tpu.memory_space<vmem>> -> memref<1x1x80x32xf32, #tpu.memory_space<vmem>>
    %dma_wait3A_267 = tpu.memref_squeeze %dma_wait3A_266 : memref<1x1x80x32xf32, #tpu.memory_space<vmem>> -> memref<80x32xf32, #tpu.memory_space<vmem>>
    tpu.wait_dma2 semaphore(%arg11 : memref<!tpu.dma_semaphore, #tpu.memory_space<semaphore_mem>>) src(%dma_wait3A_267 : memref<80x32xf32, #tpu.memory_space<vmem>>) dst(%dma_wait3A_263 : memref<80x32xf32, #tpu.memory_space<vmem_shared>>)
    %dma_wait3A_268 = arith.constant 0 : i32
    %dma_wait3A_269 = arith.constant 3 : i32
    %dma_wait3A_270 = arith.constant 0 : i32
    %dma_wait3A_271 = arith.constant 0 : i32
    %dma_wait3A_272 = tpu.memref_slice %arg9[%dma_wait3A_268, %dma_wait3A_269, %dma_wait3A_270, %dma_wait3A_271] : memref<2x5x80x32xf32, #tpu.memory_space<vmem>> -> memref<1x1x80x32xf32, #tpu.memory_space<vmem>>
    %dma_wait3A_273 = tpu.memref_squeeze %dma_wait3A_272 : memref<1x1x80x32xf32, #tpu.memory_space<vmem>> -> memref<80x32xf32, #tpu.memory_space<vmem>>
    %dma_wait3A_274 = arith.constant 0 : i32
    %dma_wait3A_275 = arith.constant 0 : i32
    %dma_wait3A_276 = tpu.memref_slice %arg6[%dma_wait3A_274, %dma_wait3A_275] : memref<50000x32xf32, #tpu.memory_space<vmem_shared>> -> memref<80x32xf32, #tpu.memory_space<vmem_shared>>
    %dma_wait3A_277 = arith.constant 0 : i32
    %dma_wait3A_278 = arith.constant 0 : i32
    %dma_wait3A_279 = tpu.memref_slice %arg6[%dma_wait3A_277, %dma_wait3A_278] : memref<50000x32xf32, #tpu.memory_space<vmem_shared>> -> memref<80x32xf32, #tpu.memory_space<vmem_shared>>
    %dma_wait3A_280 = arith.constant 0 : i32
    %dma_wait3A_281 = arith.constant 0 : i32
    %dma_wait3A_282 = tpu.memref_slice %arg9[%dma_wait3A_268, %dma_wait3A_269, %dma_wait3A_280, %dma_wait3A_281] : memref<2x5x80x32xf32, #tpu.memory_space<vmem>> -> memref<1x1x80x32xf32, #tpu.memory_space<vmem>>
    %dma_wait3A_283 = tpu.memref_squeeze %dma_wait3A_282 : memref<1x1x80x32xf32, #tpu.memory_space<vmem>> -> memref<80x32xf32, #tpu.memory_space<vmem>>
    tpu.wait_dma2 semaphore(%arg11 : memref<!tpu.dma_semaphore, #tpu.memory_space<semaphore_mem>>) src(%dma_wait3A_283 : memref<80x32xf32, #tpu.memory_space<vmem>>) dst(%dma_wait3A_279 : memref<80x32xf32, #tpu.memory_space<vmem_shared>>)
    %dma_wait3A_284 = arith.constant 0 : i32
    %dma_wait3A_285 = arith.constant 4 : i32
    %dma_wait3A_286 = arith.constant 0 : i32
    %dma_wait3A_287 = arith.constant 0 : i32
    %dma_wait3A_288 = tpu.memref_slice %arg9[%dma_wait3A_284, %dma_wait3A_285, %dma_wait3A_286, %dma_wait3A_287] : memref<2x5x80x32xf32, #tpu.memory_space<vmem>> -> memref<1x1x80x32xf32, #tpu.memory_space<vmem>>
    %dma_wait3A_289 = tpu.memref_squeeze %dma_wait3A_288 : memref<1x1x80x32xf32, #tpu.memory_space<vmem>> -> memref<80x32xf32, #tpu.memory_space<vmem>>
    %dma_wait3A_290 = arith.constant 0 : i32
    %dma_wait3A_291 = arith.constant 0 : i32
    %dma_wait3A_292 = tpu.memref_slice %arg6[%dma_wait3A_290, %dma_wait3A_291] : memref<50000x32xf32, #tpu.memory_space<vmem_shared>> -> memref<80x32xf32, #tpu.memory_space<vmem_shared>>
    %dma_wait3A_293 = arith.constant 0 : i32
    %dma_wait3A_294 = arith.constant 0 : i32
    %dma_wait3A_295 = tpu.memref_slice %arg6[%dma_wait3A_293, %dma_wait3A_294] : memref<50000x32xf32, #tpu.memory_space<vmem_shared>> -> memref<80x32xf32, #tpu.memory_space<vmem_shared>>
    %dma_wait3A_296 = arith.constant 0 : i32
    %dma_wait3A_297 = arith.constant 0 : i32
    %dma_wait3A_298 = tpu.memref_slice %arg9[%dma_wait3A_284, %dma_wait3A_285, %dma_wait3A_296, %dma_wait3A_297] : memref<2x5x80x32xf32, #tpu.memory_space<vmem>> -> memref<1x1x80x32xf32, #tpu.memory_space<vmem>>
    %dma_wait3A_299 = tpu.memref_squeeze %dma_wait3A_298 : memref<1x1x80x32xf32, #tpu.memory_space<vmem>> -> memref<80x32xf32, #tpu.memory_space<vmem>>
    tpu.wait_dma2 semaphore(%arg11 : memref<!tpu.dma_semaphore, #tpu.memory_space<semaphore_mem>>) src(%dma_wait3A_299 : memref<80x32xf32, #tpu.memory_space<vmem>>) dst(%dma_wait3A_295 : memref<80x32xf32, #tpu.memory_space<vmem_shared>>)
    %barrier3A_300 = arith.constant 0 : index
    tpu.barrier barrier_id(%barrier3A_300)
    %mul3A_301 = arith.constant 3125 : i32
    %mul3A_302 = arith.muli %arg1, %mul3A_301 : i32
    %add3A_303 = arith.constant 0 : i32
    %add3A_304 = arith.addi %mul3A_302, %add3A_303 : i32
    %mul3A_305 = arith.constant 3125 : i32
    %mul3A_306 = arith.muli %arg1, %mul3A_305 : i32
    %add3A_307 = arith.addi %mul3A_0, %mul3A_306 : i32
    %add3A_308 = arith.constant 0 : i32
    %add3A_309 = arith.addi %add3A_307, %add3A_308 : i32
    "tpu.region"() ({
      %run_scoped3A = tpu.sem_alloc : memref<!tpu.dma_semaphore, #tpu.memory_space<semaphore_mem>>
      %dma_start3A_346 = arith.constant 0 : i32
      %dma_start3A_347 = tpu.memref_slice %arg5[%add3A_309, %dma_start3A_346] : memref<102400x32xf32, #tpu.memory_space<hbm>> -> memref<625x32xf32, #tpu.memory_space<hbm>>
      %dma_start3A_348 = arith.constant 0 : i32
      %dma_start3A_349 = tpu.memref_slice %arg6[%add3A_304, %dma_start3A_348] : memref<50000x32xf32, #tpu.memory_space<vmem_shared>> -> memref<625x32xf32, #tpu.memory_space<vmem_shared>>
      tpu.enqueue_dma source(%dma_start3A_349 : memref<625x32xf32, #tpu.memory_space<vmem_shared>>) target(%dma_start3A_347 : memref<625x32xf32, #tpu.memory_space<hbm>>) target_semaphore(%run_scoped3A : memref<!tpu.dma_semaphore, #tpu.memory_space<semaphore_mem>>)
      %dma_wait3A_350 = arith.constant 0 : i32
      %dma_wait3A_351 = tpu.memref_slice %arg5[%add3A_309, %dma_wait3A_350] : memref<102400x32xf32, #tpu.memory_space<hbm>> -> memref<625x32xf32, #tpu.memory_space<hbm>>
      %dma_wait3A_352 = arith.constant 0 : i32
      %dma_wait3A_353 = tpu.memref_slice %arg6[%add3A_304, %dma_wait3A_352] : memref<50000x32xf32, #tpu.memory_space<vmem_shared>> -> memref<625x32xf32, #tpu.memory_space<vmem_shared>>
      tpu.wait_dma2 semaphore(%run_scoped3A : memref<!tpu.dma_semaphore, #tpu.memory_space<semaphore_mem>>) src(%dma_wait3A_353 : memref<625x32xf32, #tpu.memory_space<vmem_shared>>) dst(%dma_wait3A_351 : memref<625x32xf32, #tpu.memory_space<hbm>>)
      tpu.yield
    }) : () -> ()
    %mul3A_310 = arith.constant 3125 : i32
    %mul3A_311 = arith.muli %arg1, %mul3A_310 : i32
    %add3A_312 = arith.constant 625 : i32
    %add3A_313 = arith.addi %mul3A_311, %add3A_312 : i32
    %mul3A_314 = arith.constant 3125 : i32
    %mul3A_315 = arith.muli %arg1, %mul3A_314 : i32
    %add3A_316 = arith.addi %mul3A_0, %mul3A_315 : i32
    %add3A_317 = arith.constant 625 : i32
    %add3A_318 = arith.addi %add3A_316, %add3A_317 : i32
    "tpu.region"() ({
      %run_scoped3A = tpu.sem_alloc : memref<!tpu.dma_semaphore, #tpu.memory_space<semaphore_mem>>
      %dma_start3A_346 = arith.constant 0 : i32
      %dma_start3A_347 = tpu.memref_slice %arg5[%add3A_318, %dma_start3A_346] : memref<102400x32xf32, #tpu.memory_space<hbm>> -> memref<625x32xf32, #tpu.memory_space<hbm>>
      %dma_start3A_348 = arith.constant 0 : i32
      %dma_start3A_349 = tpu.memref_slice %arg6[%add3A_313, %dma_start3A_348] : memref<50000x32xf32, #tpu.memory_space<vmem_shared>> -> memref<625x32xf32, #tpu.memory_space<vmem_shared>>
      tpu.enqueue_dma source(%dma_start3A_349 : memref<625x32xf32, #tpu.memory_space<vmem_shared>>) target(%dma_start3A_347 : memref<625x32xf32, #tpu.memory_space<hbm>>) target_semaphore(%run_scoped3A : memref<!tpu.dma_semaphore, #tpu.memory_space<semaphore_mem>>)
      %dma_wait3A_350 = arith.constant 0 : i32
      %dma_wait3A_351 = tpu.memref_slice %arg5[%add3A_318, %dma_wait3A_350] : memref<102400x32xf32, #tpu.memory_space<hbm>> -> memref<625x32xf32, #tpu.memory_space<hbm>>
      %dma_wait3A_352 = arith.constant 0 : i32
      %dma_wait3A_353 = tpu.memref_slice %arg6[%add3A_313, %dma_wait3A_352] : memref<50000x32xf32, #tpu.memory_space<vmem_shared>> -> memref<625x32xf32, #tpu.memory_space<vmem_shared>>
      tpu.wait_dma2 semaphore(%run_scoped3A : memref<!tpu.dma_semaphore, #tpu.memory_space<semaphore_mem>>) src(%dma_wait3A_353 : memref<625x32xf32, #tpu.memory_space<vmem_shared>>) dst(%dma_wait3A_351 : memref<625x32xf32, #tpu.memory_space<hbm>>)
      tpu.yield
    }) : () -> ()
    %mul3A_319 = arith.constant 3125 : i32
    %mul3A_320 = arith.muli %arg1, %mul3A_319 : i32
    %add3A_321 = arith.constant 1250 : i32
    %add3A_322 = arith.addi %mul3A_320, %add3A_321 : i32
    %mul3A_323 = arith.constant 3125 : i32
    %mul3A_324 = arith.muli %arg1, %mul3A_323 : i32
    %add3A_325 = arith.addi %mul3A_0, %mul3A_324 : i32
    %add3A_326 = arith.constant 1250 : i32
    %add3A_327 = arith.addi %add3A_325, %add3A_326 : i32
    "tpu.region"() ({
      %run_scoped3A = tpu.sem_alloc : memref<!tpu.dma_semaphore, #tpu.memory_space<semaphore_mem>>
      %dma_start3A_346 = arith.constant 0 : i32
      %dma_start3A_347 = tpu.memref_slice %arg5[%add3A_327, %dma_start3A_346] : memref<102400x32xf32, #tpu.memory_space<hbm>> -> memref<625x32xf32, #tpu.memory_space<hbm>>
      %dma_start3A_348 = arith.constant 0 : i32
      %dma_start3A_349 = tpu.memref_slice %arg6[%add3A_322, %dma_start3A_348] : memref<50000x32xf32, #tpu.memory_space<vmem_shared>> -> memref<625x32xf32, #tpu.memory_space<vmem_shared>>
      tpu.enqueue_dma source(%dma_start3A_349 : memref<625x32xf32, #tpu.memory_space<vmem_shared>>) target(%dma_start3A_347 : memref<625x32xf32, #tpu.memory_space<hbm>>) target_semaphore(%run_scoped3A : memref<!tpu.dma_semaphore, #tpu.memory_space<semaphore_mem>>)
      %dma_wait3A_350 = arith.constant 0 : i32
      %dma_wait3A_351 = tpu.memref_slice %arg5[%add3A_327, %dma_wait3A_350] : memref<102400x32xf32, #tpu.memory_space<hbm>> -> memref<625x32xf32, #tpu.memory_space<hbm>>
      %dma_wait3A_352 = arith.constant 0 : i32
      %dma_wait3A_353 = tpu.memref_slice %arg6[%add3A_322, %dma_wait3A_352] : memref<50000x32xf32, #tpu.memory_space<vmem_shared>> -> memref<625x32xf32, #tpu.memory_space<vmem_shared>>
      tpu.wait_dma2 semaphore(%run_scoped3A : memref<!tpu.dma_semaphore, #tpu.memory_space<semaphore_mem>>) src(%dma_wait3A_353 : memref<625x32xf32, #tpu.memory_space<vmem_shared>>) dst(%dma_wait3A_351 : memref<625x32xf32, #tpu.memory_space<hbm>>)
      tpu.yield
    }) : () -> ()
    %mul3A_328 = arith.constant 3125 : i32
    %mul3A_329 = arith.muli %arg1, %mul3A_328 : i32
    %add3A_330 = arith.constant 1875 : i32
    %add3A_331 = arith.addi %mul3A_329, %add3A_330 : i32
    %mul3A_332 = arith.constant 3125 : i32
    %mul3A_333 = arith.muli %arg1, %mul3A_332 : i32
    %add3A_334 = arith.addi %mul3A_0, %mul3A_333 : i32
    %add3A_335 = arith.constant 1875 : i32
    %add3A_336 = arith.addi %add3A_334, %add3A_335 : i32
    "tpu.region"() ({
      %run_scoped3A = tpu.sem_alloc : memref<!tpu.dma_semaphore, #tpu.memory_space<semaphore_mem>>
      %dma_start3A_346 = arith.constant 0 : i32
      %dma_start3A_347 = tpu.memref_slice %arg5[%add3A_336, %dma_start3A_346] : memref<102400x32xf32, #tpu.memory_space<hbm>> -> memref<625x32xf32, #tpu.memory_space<hbm>>
      %dma_start3A_348 = arith.constant 0 : i32
      %dma_start3A_349 = tpu.memref_slice %arg6[%add3A_331, %dma_start3A_348] : memref<50000x32xf32, #tpu.memory_space<vmem_shared>> -> memref<625x32xf32, #tpu.memory_space<vmem_shared>>
      tpu.enqueue_dma source(%dma_start3A_349 : memref<625x32xf32, #tpu.memory_space<vmem_shared>>) target(%dma_start3A_347 : memref<625x32xf32, #tpu.memory_space<hbm>>) target_semaphore(%run_scoped3A : memref<!tpu.dma_semaphore, #tpu.memory_space<semaphore_mem>>)
      %dma_wait3A_350 = arith.constant 0 : i32
      %dma_wait3A_351 = tpu.memref_slice %arg5[%add3A_336, %dma_wait3A_350] : memref<102400x32xf32, #tpu.memory_space<hbm>> -> memref<625x32xf32, #tpu.memory_space<hbm>>
      %dma_wait3A_352 = arith.constant 0 : i32
      %dma_wait3A_353 = tpu.memref_slice %arg6[%add3A_331, %dma_wait3A_352] : memref<50000x32xf32, #tpu.memory_space<vmem_shared>> -> memref<625x32xf32, #tpu.memory_space<vmem_shared>>
      tpu.wait_dma2 semaphore(%run_scoped3A : memref<!tpu.dma_semaphore, #tpu.memory_space<semaphore_mem>>) src(%dma_wait3A_353 : memref<625x32xf32, #tpu.memory_space<vmem_shared>>) dst(%dma_wait3A_351 : memref<625x32xf32, #tpu.memory_space<hbm>>)
      tpu.yield
    }) : () -> ()
    %mul3A_337 = arith.constant 3125 : i32
    %mul3A_338 = arith.muli %arg1, %mul3A_337 : i32
    %add3A_339 = arith.constant 2500 : i32
    %add3A_340 = arith.addi %mul3A_338, %add3A_339 : i32
    %mul3A_341 = arith.constant 3125 : i32
    %mul3A_342 = arith.muli %arg1, %mul3A_341 : i32
    %add3A_343 = arith.addi %mul3A_0, %mul3A_342 : i32
    %add3A_344 = arith.constant 2500 : i32
    %add3A_345 = arith.addi %add3A_343, %add3A_344 : i32
    "tpu.region"() ({
      %run_scoped3A = tpu.sem_alloc : memref<!tpu.dma_semaphore, #tpu.memory_space<semaphore_mem>>
      %dma_start3A_346 = arith.constant 0 : i32
      %dma_start3A_347 = tpu.memref_slice %arg5[%add3A_345, %dma_start3A_346] : memref<102400x32xf32, #tpu.memory_space<hbm>> -> memref<625x32xf32, #tpu.memory_space<hbm>>
      %dma_start3A_348 = arith.constant 0 : i32
      %dma_start3A_349 = tpu.memref_slice %arg6[%add3A_340, %dma_start3A_348] : memref<50000x32xf32, #tpu.memory_space<vmem_shared>> -> memref<625x32xf32, #tpu.memory_space<vmem_shared>>
      tpu.enqueue_dma source(%dma_start3A_349 : memref<625x32xf32, #tpu.memory_space<vmem_shared>>) target(%dma_start3A_347 : memref<625x32xf32, #tpu.memory_space<hbm>>) target_semaphore(%run_scoped3A : memref<!tpu.dma_semaphore, #tpu.memory_space<semaphore_mem>>)
      %dma_wait3A_350 = arith.constant 0 : i32
      %dma_wait3A_351 = tpu.memref_slice %arg5[%add3A_345, %dma_wait3A_350] : memref<102400x32xf32, #tpu.memory_space<hbm>> -> memref<625x32xf32, #tpu.memory_space<hbm>>
      %dma_wait3A_352 = arith.constant 0 : i32
      %dma_wait3A_353 = tpu.memref_slice %arg6[%add3A_340, %dma_wait3A_352] : memref<50000x32xf32, #tpu.memory_space<vmem_shared>> -> memref<625x32xf32, #tpu.memory_space<vmem_shared>>
      tpu.wait_dma2 semaphore(%run_scoped3A : memref<!tpu.dma_semaphore, #tpu.memory_space<semaphore_mem>>) src(%dma_wait3A_353 : memref<625x32xf32, #tpu.memory_space<vmem_shared>>) dst(%dma_wait3A_351 : memref<625x32xf32, #tpu.memory_space<hbm>>)
      tpu.yield
    }) : () -> ()
    return
  }
}

module attributes {stable_mosaic.version = 14 : i64} {
  func.func @_mlp_body(%arg0: i32, %arg1: i32, %arg2: memref<512x128xf32, #tpu.memory_space<vmem>>, %arg3: memref<512x128xf32, #tpu.memory_space<vmem>>, %arg4: memref<256x256xf32, #tpu.memory_space<vmem>>, %arg5: memref<1x256xf32, #tpu.memory_space<vmem>>, %arg6: memref<256x128xf32, #tpu.memory_space<vmem>>, %arg7: memref<256x128xf32, #tpu.memory_space<vmem>>, %arg8: memref<1x128xf32, #tpu.memory_space<vmem>>, %arg9: memref<1x128xf32, #tpu.memory_space<vmem>>, %arg10: memref<512x128xf32, #tpu.memory_space<vmem>>) attributes {dimension_semantics = [#tpu.dimension_semantics<arbitrary>, #tpu.dimension_semantics<arbitrary>], iteration_bounds = array<i64: 25, 2>, scalar_prefetch = 0 : i64, scratch_operands = 0 : i64, tpu.core_type = #tpu.core_type<tc>, window_params = [{transform_indices = @transform_0, window_bounds = array<i64: 512, 128>}, {transform_indices = @transform_1, window_bounds = array<i64: 512, 128>}, {pipeline_mode = #tpu.pipeline_mode<synchronous>, transform_indices = @transform_2, window_bounds = array<i64: 256, 256>}, {pipeline_mode = #tpu.pipeline_mode<synchronous>, transform_indices = @transform_3, window_bounds = array<i64: 1, 256>}, {pipeline_mode = #tpu.pipeline_mode<synchronous>, transform_indices = @transform_4, window_bounds = array<i64: 256, 128>}, {pipeline_mode = #tpu.pipeline_mode<synchronous>, transform_indices = @transform_5, window_bounds = array<i64: 256, 128>}, {pipeline_mode = #tpu.pipeline_mode<synchronous>, transform_indices = @transform_6, window_bounds = array<i64: 1, 128>}, {pipeline_mode = #tpu.pipeline_mode<synchronous>, transform_indices = @transform_7, window_bounds = array<i64: 1, 128>}, {transform_indices = @transform_8, window_bounds = array<i64: 512, 128>}]} {
    %get3A = arith.constant 0 : index
    %get3A_0 = arith.constant 0 : index
    %get3A_1 = vector.load %arg2[%get3A, %get3A_0] : memref<512x128xf32, #tpu.memory_space<vmem>>, vector<512x128xf32>
    %get3A_2 = arith.constant 0 : index
    %get3A_3 = arith.constant 0 : index
    %get3A_4 = vector.load %arg3[%get3A_2, %get3A_3] : memref<512x128xf32, #tpu.memory_space<vmem>>, vector<512x128xf32>
    %concatenate3A = tpu.concatenate %get3A_1, %get3A_4 in 1 : vector<512x128xf32>, vector<512x128xf32> -> vector<512x256xf32>
    %get3A_5 = arith.constant 0 : index
    %get3A_6 = arith.constant 0 : index
    %get3A_7 = vector.load %arg4[%get3A_5, %get3A_6] : memref<256x256xf32, #tpu.memory_space<vmem>>, vector<256x256xf32>
    %dot_general3A = arith.constant dense<0.000000e+00> : vector<512x256xf32>
    %dot_general3A_8 = tpu.matmul %concatenate3A, %get3A_7, %dot_general3A {dimension_numbers = #tpu.dot_dimension_numbers<[1], [0], [0], [1], [0, 0, 1, 1], [], []>, transpose_lhs_hint = false} : vector<512x256xf32>, vector<256x256xf32>, vector<512x256xf32> -> vector<512x256xf32>
    %get3A_9 = arith.constant 0 : index
    %get3A_10 = arith.constant 0 : index
    %get3A_11 = vector.load %arg5[%get3A_9, %get3A_10] : memref<1x256xf32, #tpu.memory_space<vmem>>, vector<1x256xf32>
    %add3A = vector.broadcast %get3A_11 : vector<1x256xf32> to vector<512x256xf32>
    %add3A_12 = arith.addf %dot_general3A_8, %add3A : vector<512x256xf32>
    %max3A = arith.constant 0.000000e+00 : f32
    %max3A_13 = vector.broadcast %max3A : f32 to vector<512x256xf32>
    %max3A_14 = arith.maximumf %add3A_12, %max3A_13 : vector<512x256xf32>
    %eq3A = arith.constant 0 : i32
    %eq3A_15 = arith.cmpi eq, %arg1, %eq3A : i32
    %get3A_16 = arith.constant 0 : index
    %get3A_17 = arith.constant 0 : index
    %get3A_18 = vector.load %arg6[%get3A_16, %get3A_17] : memref<256x128xf32, #tpu.memory_space<vmem>>, vector<256x128xf32>
    %get3A_19 = arith.constant 0 : index
    %get3A_20 = arith.constant 0 : index
    %get3A_21 = vector.load %arg7[%get3A_19, %get3A_20] : memref<256x128xf32, #tpu.memory_space<vmem>>, vector<256x128xf32>
    %select_n3A = arith.select %eq3A_15, %get3A_18, %get3A_21 : vector<256x128xf32>
    %eq3A_22 = arith.constant 0 : i32
    %eq3A_23 = arith.cmpi eq, %arg1, %eq3A_22 : i32
    %get3A_24 = arith.constant 0 : index
    %get3A_25 = arith.constant 0 : index
    %get3A_26 = vector.load %arg8[%get3A_24, %get3A_25] : memref<1x128xf32, #tpu.memory_space<vmem>>, vector<1x128xf32>
    %get3A_27 = arith.constant 0 : index
    %get3A_28 = arith.constant 0 : index
    %get3A_29 = vector.load %arg9[%get3A_27, %get3A_28] : memref<1x128xf32, #tpu.memory_space<vmem>>, vector<1x128xf32>
    %select_n3A_30 = arith.select %eq3A_23, %get3A_26, %get3A_29 : vector<1x128xf32>
    %dot_general3A_31 = arith.constant dense<0.000000e+00> : vector<512x128xf32>
    %dot_general3A_32 = tpu.matmul %max3A_14, %select_n3A, %dot_general3A_31 {dimension_numbers = #tpu.dot_dimension_numbers<[1], [0], [0], [1], [0, 0, 1, 1], [], []>, transpose_lhs_hint = false} : vector<512x256xf32>, vector<256x128xf32>, vector<512x128xf32> -> vector<512x128xf32>
    %add3A_33 = vector.broadcast %select_n3A_30 : vector<1x128xf32> to vector<512x128xf32>
    %add3A_34 = arith.addf %dot_general3A_32, %add3A_33 : vector<512x128xf32>
    %max3A_35 = arith.constant 0.000000e+00 : f32
    %max3A_36 = vector.broadcast %max3A_35 : f32 to vector<512x128xf32>
    %max3A_37 = arith.maximumf %add3A_34, %max3A_36 : vector<512x128xf32>
    %swap3A = arith.constant 0 : index
    %swap3A_38 = arith.constant 0 : index
    %swap3A_39 = vector.load %arg10[%swap3A, %swap3A_38] : memref<512x128xf32, #tpu.memory_space<vmem>>, vector<512x128xf32>
    tpu.vector_store %arg10[%swap3A, %swap3A_38], %max3A_37 {strides = array<i32>} : memref<512x128xf32, #tpu.memory_space<vmem>>, vector<512x128xf32>,
    return
  }
  func.func @transform_0(%arg0: i32, %arg1: i32) -> (i32, i32) {
    %c0_i32 = arith.constant 0 : i32
    %c0_i32_0 = arith.constant 0 : i32
    return %arg0, %c0_i32 : i32, i32
  }
  func.func @transform_1(%arg0: i32, %arg1: i32) -> (i32, i32) {
    %add3A = arith.constant 25 : i32
    %add3A_0 = arith.addi %add3A, %arg0 : i32
    %c0_i32 = arith.constant 0 : i32
    %c0_i32_1 = arith.constant 0 : i32
    return %add3A_0, %c0_i32 : i32, i32
  }
  func.func @transform_2(%arg0: i32, %arg1: i32) -> (i32, i32) {
    %c0_i32 = arith.constant 0 : i32
    %c0_i32_0 = arith.constant 0 : i32
    %c0_i32_1 = arith.constant 0 : i32
    return %c0_i32, %c0_i32_0 : i32, i32
  }
  func.func @transform_3(%arg0: i32, %arg1: i32) -> (i32, i32) {
    %c0_i32 = arith.constant 0 : i32
    %c0_i32_0 = arith.constant 0 : i32
    %c0_i32_1 = arith.constant 0 : i32
    return %c0_i32, %c0_i32_0 : i32, i32
  }
  func.func @transform_4(%arg0: i32, %arg1: i32) -> (i32, i32) {
    %c0_i32 = arith.constant 0 : i32
    %c0_i32_0 = arith.constant 0 : i32
    %c0_i32_1 = arith.constant 0 : i32
    return %c0_i32, %c0_i32_0 : i32, i32
  }
  func.func @transform_5(%arg0: i32, %arg1: i32) -> (i32, i32) {
    %c0_i32 = arith.constant 0 : i32
    %c0_i32_0 = arith.constant 0 : i32
    %c0_i32_1 = arith.constant 0 : i32
    return %c0_i32, %c0_i32_0 : i32, i32
  }
  func.func @transform_6(%arg0: i32, %arg1: i32) -> (i32, i32) {
    %c0_i32 = arith.constant 0 : i32
    %c0_i32_0 = arith.constant 0 : i32
    %c0_i32_1 = arith.constant 0 : i32
    return %c0_i32, %c0_i32_0 : i32, i32
  }
  func.func @transform_7(%arg0: i32, %arg1: i32) -> (i32, i32) {
    %c0_i32 = arith.constant 0 : i32
    %c0_i32_0 = arith.constant 0 : i32
    %c0_i32_1 = arith.constant 0 : i32
    return %c0_i32, %c0_i32_0 : i32, i32
  }
  func.func @transform_8(%arg0: i32, %arg1: i32) -> (i32, i32) {
    %mul3A = arith.constant 25 : i32
    %mul3A_0 = arith.muli %arg1, %mul3A : i32
    %add3A = arith.addi %mul3A_0, %arg0 : i32
    %c0_i32 = arith.constant 0 : i32
    %c0_i32_1 = arith.constant 0 : i32
    return %add3A, %c0_i32 : i32, i32
  }
}

module attributes {stable_mosaic.version = 14 : i64} {
  func.func @_mlp_pool_body(%arg0: i32, %arg1: i32, %arg2: memref<512x128xf32, #tpu.memory_space<vmem>>, %arg3: memref<512x128xf32, #tpu.memory_space<vmem>>, %arg4: memref<256x256xf32, #tpu.memory_space<vmem>>, %arg5: memref<1x256xf32, #tpu.memory_space<vmem>>, %arg6: memref<256x128xf32, #tpu.memory_space<vmem>>, %arg7: memref<256x128xf32, #tpu.memory_space<vmem>>, %arg8: memref<1x128xf32, #tpu.memory_space<vmem>>, %arg9: memref<1x128xf32, #tpu.memory_space<vmem>>, %arg10: memref<512x4xi32, #tpu.memory_space<vmem>>, %arg11: memref<1x128x128xf32, #tpu.memory_space<vmem>>) attributes {dimension_semantics = [#tpu.dimension_semantics<arbitrary>, #tpu.dimension_semantics<arbitrary>], iteration_bounds = array<i64: 25, 2>, scalar_prefetch = 0 : i64, scratch_operands = 0 : i64, tpu.core_type = #tpu.core_type<tc>, window_params = [{transform_indices = @transform_0, window_bounds = array<i64: 512, 128>}, {transform_indices = @transform_1, window_bounds = array<i64: 512, 128>}, {pipeline_mode = #tpu.pipeline_mode<synchronous>, transform_indices = @transform_2, window_bounds = array<i64: 256, 256>}, {pipeline_mode = #tpu.pipeline_mode<synchronous>, transform_indices = @transform_3, window_bounds = array<i64: 1, 256>}, {pipeline_mode = #tpu.pipeline_mode<synchronous>, transform_indices = @transform_4, window_bounds = array<i64: 256, 128>}, {pipeline_mode = #tpu.pipeline_mode<synchronous>, transform_indices = @transform_5, window_bounds = array<i64: 256, 128>}, {pipeline_mode = #tpu.pipeline_mode<synchronous>, transform_indices = @transform_6, window_bounds = array<i64: 1, 128>}, {pipeline_mode = #tpu.pipeline_mode<synchronous>, transform_indices = @transform_7, window_bounds = array<i64: 1, 128>}, {transform_indices = @transform_8, window_bounds = array<i64: 512, 4>}, {transform_indices = @transform_9, window_bounds = array<i64: 1, 128, 128>}]} {
    %get3A = arith.constant 0 : index
    %get3A_0 = arith.constant 0 : index
    %get3A_1 = vector.load %arg2[%get3A, %get3A_0] : memref<512x128xf32, #tpu.memory_space<vmem>>, vector<512x128xf32>
    %get3A_2 = arith.constant 0 : index
    %get3A_3 = arith.constant 0 : index
    %get3A_4 = vector.load %arg3[%get3A_2, %get3A_3] : memref<512x128xf32, #tpu.memory_space<vmem>>, vector<512x128xf32>
    %concatenate3A = tpu.concatenate %get3A_1, %get3A_4 in 1 : vector<512x128xf32>, vector<512x128xf32> -> vector<512x256xf32>
    %get3A_5 = arith.constant 0 : index
    %get3A_6 = arith.constant 0 : index
    %get3A_7 = vector.load %arg4[%get3A_5, %get3A_6] : memref<256x256xf32, #tpu.memory_space<vmem>>, vector<256x256xf32>
    %dot_general3A = arith.constant dense<0.000000e+00> : vector<512x256xf32>
    %dot_general3A_8 = tpu.matmul %concatenate3A, %get3A_7, %dot_general3A {dimension_numbers = #tpu.dot_dimension_numbers<[1], [0], [0], [1], [0, 0, 1, 1], [], []>, transpose_lhs_hint = false} : vector<512x256xf32>, vector<256x256xf32>, vector<512x256xf32> -> vector<512x256xf32>
    %get3A_9 = arith.constant 0 : index
    %get3A_10 = arith.constant 0 : index
    %get3A_11 = vector.load %arg5[%get3A_9, %get3A_10] : memref<1x256xf32, #tpu.memory_space<vmem>>, vector<1x256xf32>
    %add3A = vector.broadcast %get3A_11 : vector<1x256xf32> to vector<512x256xf32>
    %add3A_12 = arith.addf %dot_general3A_8, %add3A : vector<512x256xf32>
    %max3A = arith.constant 0.000000e+00 : f32
    %max3A_13 = vector.broadcast %max3A : f32 to vector<512x256xf32>
    %max3A_14 = arith.maximumf %add3A_12, %max3A_13 : vector<512x256xf32>
    %eq3A = arith.constant 0 : i32
    %eq3A_15 = arith.cmpi eq, %arg1, %eq3A : i32
    %get3A_16 = arith.constant 0 : index
    %get3A_17 = arith.constant 0 : index
    %get3A_18 = vector.load %arg6[%get3A_16, %get3A_17] : memref<256x128xf32, #tpu.memory_space<vmem>>, vector<256x128xf32>
    %get3A_19 = arith.constant 0 : index
    %get3A_20 = arith.constant 0 : index
    %get3A_21 = vector.load %arg7[%get3A_19, %get3A_20] : memref<256x128xf32, #tpu.memory_space<vmem>>, vector<256x128xf32>
    %select_n3A = arith.select %eq3A_15, %get3A_18, %get3A_21 : vector<256x128xf32>
    %eq3A_22 = arith.constant 0 : i32
    %eq3A_23 = arith.cmpi eq, %arg1, %eq3A_22 : i32
    %get3A_24 = arith.constant 0 : index
    %get3A_25 = arith.constant 0 : index
    %get3A_26 = vector.load %arg8[%get3A_24, %get3A_25] : memref<1x128xf32, #tpu.memory_space<vmem>>, vector<1x128xf32>
    %get3A_27 = arith.constant 0 : index
    %get3A_28 = arith.constant 0 : index
    %get3A_29 = vector.load %arg9[%get3A_27, %get3A_28] : memref<1x128xf32, #tpu.memory_space<vmem>>, vector<1x128xf32>
    %select_n3A_30 = arith.select %eq3A_23, %get3A_26, %get3A_29 : vector<1x128xf32>
    %dot_general3A_31 = arith.constant dense<0.000000e+00> : vector<512x128xf32>
    %dot_general3A_32 = tpu.matmul %max3A_14, %select_n3A, %dot_general3A_31 {dimension_numbers = #tpu.dot_dimension_numbers<[1], [0], [0], [1], [0, 0, 1, 1], [], []>, transpose_lhs_hint = false} : vector<512x256xf32>, vector<256x128xf32>, vector<512x128xf32> -> vector<512x128xf32>
    %add3A_33 = vector.broadcast %select_n3A_30 : vector<1x128xf32> to vector<512x128xf32>
    %add3A_34 = arith.addf %dot_general3A_32, %add3A_33 : vector<512x128xf32>
    %max3A_35 = arith.constant 0.000000e+00 : f32
    %max3A_36 = vector.broadcast %max3A_35 : f32 to vector<512x128xf32>
    %max3A_37 = arith.maximumf %add3A_34, %max3A_36 : vector<512x128xf32>
    %iota3A = tpu.iota {dimensions = array<i32: 0>} : vector<512x128xi32>
    %mul3A = arith.constant 512 : i32
    %mul3A_38 = arith.muli %arg0, %mul3A : i32
    %sub3A = arith.constant 12500 : i32
    %sub3A_39 = arith.subi %sub3A, %mul3A_38 : i32
    %lt3A = vector.broadcast %sub3A_39 : i32 to vector<512x128xi32>
    %lt3A_40 = arith.cmpi slt, %iota3A, %lt3A : vector<512x128xi32>
    %jit3A = arith.constant 0.000000e+00 : f32
    %broadcast_in_dim3A = vector.broadcast %jit3A : f32 to vector<512x128xf32>
    %select_n3A_41 = arith.select %lt3A_40, %max3A_37, %broadcast_in_dim3A : vector<512x128xi1>, vector<512x128xf32>
    %iota3A_42 = tpu.iota {dimensions = array<i32: 1>} : vector<512x128xi32>
    %iota3A_43 = tpu.iota {dimensions = array<i32: 1>} : vector<128x128xi32>
    %get3A_44 = arith.constant 0 : index
    %get3A_45 = arith.constant 0 : index
    %get3A_46 = vector.load %arg10[%get3A_44, %get3A_45] : memref<512x4xi32, #tpu.memory_space<vmem>>, vector<512x4xi32>
    %broadcast_in_dim3A_47 = arith.constant 0.000000e+00 : f32
    %broadcast_in_dim3A_48 = vector.broadcast %broadcast_in_dim3A_47 : f32 to vector<128x128xf32>
    %slice3A = vector.extract_strided_slice %get3A_46 {offsets = [0, 0], sizes = [512, 1], strides = [1, 1]} : vector<512x4xi32> to vector<512x1xi32>
    %eq3A_49 = vector.broadcast %slice3A : vector<512x1xi32> to vector<512x128xi32>
    %eq3A_50 = arith.cmpi eq, %eq3A_49, %iota3A_42 : vector<512x128xi32>
    %convert_element_type3A = arith.extui %eq3A_50 : vector<512x128xi1> to vector<512x128xi32>
    %convert_element_type3A_51 = arith.sitofp %convert_element_type3A : vector<512x128xi32> to vector<512x128xf32>
    %dot_general3A_52 = arith.constant dense<0.000000e+00> : vector<128x128xf32>
    %dot_general3A_53 = tpu.matmul %convert_element_type3A_51, %select_n3A_41, %dot_general3A_52 {dimension_numbers = #tpu.dot_dimension_numbers<[0], [0], [1], [1], [0, 1, 1, 1], [], []>, transpose_lhs_hint = false} : vector<512x128xf32>, vector<512x128xf32>, vector<128x128xf32> -> vector<128x128xf32>
    %jit3A_54 = arith.constant 32 : i32
    %div3A = vector.broadcast %jit3A_54 : i32 to vector<128x128xi32>
    %div3A_55 = arith.divsi %iota3A_43, %div3A : vector<128x128xi32>
    %sign3A = arith.constant 0 : i32
    %sign3A_56 = vector.broadcast %sign3A : i32 to vector<128x128xi32>
    %sign3A_57 = arith.cmpi sgt, %iota3A_43, %sign3A_56 : vector<128x128xi32>
    %sign3A_58 = arith.extui %sign3A_57 : vector<128x128xi1> to vector<128x128xi32>
    %sign3A_59 = arith.constant 0 : i32
    %sign3A_60 = vector.broadcast %sign3A_59 : i32 to vector<128x128xi32>
    %sign3A_61 = arith.cmpi slt, %iota3A_43, %sign3A_60 : vector<128x128xi32>
    %sign3A_62 = arith.extui %sign3A_61 : vector<128x128xi1> to vector<128x128xi32>
    %sign3A_63 = arith.subi %sign3A_58, %sign3A_62 : vector<128x128xi32>
    %sign3A_64 = arith.constant 0 : i32
    %sign3A_65 = arith.cmpi sgt, %jit3A_54, %sign3A_64 : i32
    %sign3A_66 = arith.extui %sign3A_65 : i1 to i32
    %sign3A_67 = arith.constant 0 : i32
    %sign3A_68 = arith.cmpi slt, %jit3A_54, %sign3A_67 : i32
    %sign3A_69 = arith.extui %sign3A_68 : i1 to i32
    %sign3A_70 = arith.subi %sign3A_66, %sign3A_69 : i32
    %ne3A = vector.broadcast %sign3A_70 : i32 to vector<128x128xi32>
    %ne3A_71 = arith.cmpi ne, %sign3A_63, %ne3A : vector<128x128xi32>
    %rem3A = vector.broadcast %jit3A_54 : i32 to vector<128x128xi32>
    %rem3A_72 = arith.remsi %iota3A_43, %rem3A : vector<128x128xi32>
    %ne3A_73 = arith.constant 0 : i32
    %ne3A_74 = vector.broadcast %ne3A_73 : i32 to vector<128x128xi32>
    %ne3A_75 = arith.cmpi ne, %rem3A_72, %ne3A_74 : vector<128x128xi32>
    %and3A = arith.andi %ne3A_71, %ne3A_75 : vector<128x128xi1>
    %sub3A_76 = arith.constant 1 : i32
    %sub3A_77 = vector.broadcast %sub3A_76 : i32 to vector<128x128xi32>
    %sub3A_78 = arith.subi %div3A_55, %sub3A_77 : vector<128x128xi32>
    %select_n3A_79 = arith.select %and3A, %sub3A_78, %div3A_55 : vector<128x128xi1>, vector<128x128xi32>
    %eq3A_80 = arith.constant 0 : i32
    %eq3A_81 = vector.broadcast %eq3A_80 : i32 to vector<128x128xi32>
    %eq3A_82 = arith.cmpi eq, %select_n3A_79, %eq3A_81 : vector<128x128xi32>
    %jit3A_83 = arith.constant 0.000000e+00 : f32
    %broadcast_in_dim3A_84 = vector.broadcast %jit3A_83 : f32 to vector<128x128xf32>
    %select_n3A_85 = arith.select %eq3A_82, %dot_general3A_53, %broadcast_in_dim3A_84 : vector<128x128xi1>, vector<128x128xf32>
    %add3A_86 = arith.addf %broadcast_in_dim3A_48, %select_n3A_85 : vector<128x128xf32>
    %slice3A_87 = vector.extract_strided_slice %get3A_46 {offsets = [0, 1], sizes = [512, 1], strides = [1, 1]} : vector<512x4xi32> to vector<512x1xi32>
    %eq3A_88 = vector.broadcast %slice3A_87 : vector<512x1xi32> to vector<512x128xi32>
    %eq3A_89 = arith.cmpi eq, %eq3A_88, %iota3A_42 : vector<512x128xi32>
    %convert_element_type3A_90 = arith.extui %eq3A_89 : vector<512x128xi1> to vector<512x128xi32>
    %convert_element_type3A_91 = arith.sitofp %convert_element_type3A_90 : vector<512x128xi32> to vector<512x128xf32>
    %dot_general3A_92 = arith.constant dense<0.000000e+00> : vector<128x128xf32>
    %dot_general3A_93 = tpu.matmul %convert_element_type3A_91, %select_n3A_41, %dot_general3A_92 {dimension_numbers = #tpu.dot_dimension_numbers<[0], [0], [1], [1], [0, 1, 1, 1], [], []>, transpose_lhs_hint = false} : vector<512x128xf32>, vector<512x128xf32>, vector<128x128xf32> -> vector<128x128xf32>
    %jit3A_94 = arith.constant 32 : i32
    %div3A_95 = vector.broadcast %jit3A_94 : i32 to vector<128x128xi32>
    %div3A_96 = arith.divsi %iota3A_43, %div3A_95 : vector<128x128xi32>
    %sign3A_97 = arith.constant 0 : i32
    %sign3A_98 = vector.broadcast %sign3A_97 : i32 to vector<128x128xi32>
    %sign3A_99 = arith.cmpi sgt, %iota3A_43, %sign3A_98 : vector<128x128xi32>
    %sign3A_100 = arith.extui %sign3A_99 : vector<128x128xi1> to vector<128x128xi32>
    %sign3A_101 = arith.constant 0 : i32
    %sign3A_102 = vector.broadcast %sign3A_101 : i32 to vector<128x128xi32>
    %sign3A_103 = arith.cmpi slt, %iota3A_43, %sign3A_102 : vector<128x128xi32>
    %sign3A_104 = arith.extui %sign3A_103 : vector<128x128xi1> to vector<128x128xi32>
    %sign3A_105 = arith.subi %sign3A_100, %sign3A_104 : vector<128x128xi32>
    %sign3A_106 = arith.constant 0 : i32
    %sign3A_107 = arith.cmpi sgt, %jit3A_94, %sign3A_106 : i32
    %sign3A_108 = arith.extui %sign3A_107 : i1 to i32
    %sign3A_109 = arith.constant 0 : i32
    %sign3A_110 = arith.cmpi slt, %jit3A_94, %sign3A_109 : i32
    %sign3A_111 = arith.extui %sign3A_110 : i1 to i32
    %sign3A_112 = arith.subi %sign3A_108, %sign3A_111 : i32
    %ne3A_113 = vector.broadcast %sign3A_112 : i32 to vector<128x128xi32>
    %ne3A_114 = arith.cmpi ne, %sign3A_105, %ne3A_113 : vector<128x128xi32>
    %rem3A_115 = vector.broadcast %jit3A_94 : i32 to vector<128x128xi32>
    %rem3A_116 = arith.remsi %iota3A_43, %rem3A_115 : vector<128x128xi32>
    %ne3A_117 = arith.constant 0 : i32
    %ne3A_118 = vector.broadcast %ne3A_117 : i32 to vector<128x128xi32>
    %ne3A_119 = arith.cmpi ne, %rem3A_116, %ne3A_118 : vector<128x128xi32>
    %and3A_120 = arith.andi %ne3A_114, %ne3A_119 : vector<128x128xi1>
    %sub3A_121 = arith.constant 1 : i32
    %sub3A_122 = vector.broadcast %sub3A_121 : i32 to vector<128x128xi32>
    %sub3A_123 = arith.subi %div3A_96, %sub3A_122 : vector<128x128xi32>
    %select_n3A_124 = arith.select %and3A_120, %sub3A_123, %div3A_96 : vector<128x128xi1>, vector<128x128xi32>
    %eq3A_125 = arith.constant 1 : i32
    %eq3A_126 = vector.broadcast %eq3A_125 : i32 to vector<128x128xi32>
    %eq3A_127 = arith.cmpi eq, %select_n3A_124, %eq3A_126 : vector<128x128xi32>
    %jit3A_128 = arith.constant 0.000000e+00 : f32
    %broadcast_in_dim3A_129 = vector.broadcast %jit3A_128 : f32 to vector<128x128xf32>
    %select_n3A_130 = arith.select %eq3A_127, %dot_general3A_93, %broadcast_in_dim3A_129 : vector<128x128xi1>, vector<128x128xf32>
    %add3A_131 = arith.addf %add3A_86, %select_n3A_130 : vector<128x128xf32>
    %slice3A_132 = vector.extract_strided_slice %get3A_46 {offsets = [0, 2], sizes = [512, 1], strides = [1, 1]} : vector<512x4xi32> to vector<512x1xi32>
    %eq3A_133 = vector.broadcast %slice3A_132 : vector<512x1xi32> to vector<512x128xi32>
    %eq3A_134 = arith.cmpi eq, %eq3A_133, %iota3A_42 : vector<512x128xi32>
    %convert_element_type3A_135 = arith.extui %eq3A_134 : vector<512x128xi1> to vector<512x128xi32>
    %convert_element_type3A_136 = arith.sitofp %convert_element_type3A_135 : vector<512x128xi32> to vector<512x128xf32>
    %dot_general3A_137 = arith.constant dense<0.000000e+00> : vector<128x128xf32>
    %dot_general3A_138 = tpu.matmul %convert_element_type3A_136, %select_n3A_41, %dot_general3A_137 {dimension_numbers = #tpu.dot_dimension_numbers<[0], [0], [1], [1], [0, 1, 1, 1], [], []>, transpose_lhs_hint = false} : vector<512x128xf32>, vector<512x128xf32>, vector<128x128xf32> -> vector<128x128xf32>
    %jit3A_139 = arith.constant 32 : i32
    %div3A_140 = vector.broadcast %jit3A_139 : i32 to vector<128x128xi32>
    %div3A_141 = arith.divsi %iota3A_43, %div3A_140 : vector<128x128xi32>
    %sign3A_142 = arith.constant 0 : i32
    %sign3A_143 = vector.broadcast %sign3A_142 : i32 to vector<128x128xi32>
    %sign3A_144 = arith.cmpi sgt, %iota3A_43, %sign3A_143 : vector<128x128xi32>
    %sign3A_145 = arith.extui %sign3A_144 : vector<128x128xi1> to vector<128x128xi32>
    %sign3A_146 = arith.constant 0 : i32
    %sign3A_147 = vector.broadcast %sign3A_146 : i32 to vector<128x128xi32>
    %sign3A_148 = arith.cmpi slt, %iota3A_43, %sign3A_147 : vector<128x128xi32>
    %sign3A_149 = arith.extui %sign3A_148 : vector<128x128xi1> to vector<128x128xi32>
    %sign3A_150 = arith.subi %sign3A_145, %sign3A_149 : vector<128x128xi32>
    %sign3A_151 = arith.constant 0 : i32
    %sign3A_152 = arith.cmpi sgt, %jit3A_139, %sign3A_151 : i32
    %sign3A_153 = arith.extui %sign3A_152 : i1 to i32
    %sign3A_154 = arith.constant 0 : i32
    %sign3A_155 = arith.cmpi slt, %jit3A_139, %sign3A_154 : i32
    %sign3A_156 = arith.extui %sign3A_155 : i1 to i32
    %sign3A_157 = arith.subi %sign3A_153, %sign3A_156 : i32
    %ne3A_158 = vector.broadcast %sign3A_157 : i32 to vector<128x128xi32>
    %ne3A_159 = arith.cmpi ne, %sign3A_150, %ne3A_158 : vector<128x128xi32>
    %rem3A_160 = vector.broadcast %jit3A_139 : i32 to vector<128x128xi32>
    %rem3A_161 = arith.remsi %iota3A_43, %rem3A_160 : vector<128x128xi32>
    %ne3A_162 = arith.constant 0 : i32
    %ne3A_163 = vector.broadcast %ne3A_162 : i32 to vector<128x128xi32>
    %ne3A_164 = arith.cmpi ne, %rem3A_161, %ne3A_163 : vector<128x128xi32>
    %and3A_165 = arith.andi %ne3A_159, %ne3A_164 : vector<128x128xi1>
    %sub3A_166 = arith.constant 1 : i32
    %sub3A_167 = vector.broadcast %sub3A_166 : i32 to vector<128x128xi32>
    %sub3A_168 = arith.subi %div3A_141, %sub3A_167 : vector<128x128xi32>
    %select_n3A_169 = arith.select %and3A_165, %sub3A_168, %div3A_141 : vector<128x128xi1>, vector<128x128xi32>
    %eq3A_170 = arith.constant 2 : i32
    %eq3A_171 = vector.broadcast %eq3A_170 : i32 to vector<128x128xi32>
    %eq3A_172 = arith.cmpi eq, %select_n3A_169, %eq3A_171 : vector<128x128xi32>
    %jit3A_173 = arith.constant 0.000000e+00 : f32
    %broadcast_in_dim3A_174 = vector.broadcast %jit3A_173 : f32 to vector<128x128xf32>
    %select_n3A_175 = arith.select %eq3A_172, %dot_general3A_138, %broadcast_in_dim3A_174 : vector<128x128xi1>, vector<128x128xf32>
    %add3A_176 = arith.addf %add3A_131, %select_n3A_175 : vector<128x128xf32>
    %slice3A_177 = vector.extract_strided_slice %get3A_46 {offsets = [0, 3], sizes = [512, 1], strides = [1, 1]} : vector<512x4xi32> to vector<512x1xi32>
    %eq3A_178 = vector.broadcast %slice3A_177 : vector<512x1xi32> to vector<512x128xi32>
    %eq3A_179 = arith.cmpi eq, %eq3A_178, %iota3A_42 : vector<512x128xi32>
    %convert_element_type3A_180 = arith.extui %eq3A_179 : vector<512x128xi1> to vector<512x128xi32>
    %convert_element_type3A_181 = arith.sitofp %convert_element_type3A_180 : vector<512x128xi32> to vector<512x128xf32>
    %dot_general3A_182 = arith.constant dense<0.000000e+00> : vector<128x128xf32>
    %dot_general3A_183 = tpu.matmul %convert_element_type3A_181, %select_n3A_41, %dot_general3A_182 {dimension_numbers = #tpu.dot_dimension_numbers<[0], [0], [1], [1], [0, 1, 1, 1], [], []>, transpose_lhs_hint = false} : vector<512x128xf32>, vector<512x128xf32>, vector<128x128xf32> -> vector<128x128xf32>
    %jit3A_184 = arith.constant 32 : i32
    %div3A_185 = vector.broadcast %jit3A_184 : i32 to vector<128x128xi32>
    %div3A_186 = arith.divsi %iota3A_43, %div3A_185 : vector<128x128xi32>
    %sign3A_187 = arith.constant 0 : i32
    %sign3A_188 = vector.broadcast %sign3A_187 : i32 to vector<128x128xi32>
    %sign3A_189 = arith.cmpi sgt, %iota3A_43, %sign3A_188 : vector<128x128xi32>
    %sign3A_190 = arith.extui %sign3A_189 : vector<128x128xi1> to vector<128x128xi32>
    %sign3A_191 = arith.constant 0 : i32
    %sign3A_192 = vector.broadcast %sign3A_191 : i32 to vector<128x128xi32>
    %sign3A_193 = arith.cmpi slt, %iota3A_43, %sign3A_192 : vector<128x128xi32>
    %sign3A_194 = arith.extui %sign3A_193 : vector<128x128xi1> to vector<128x128xi32>
    %sign3A_195 = arith.subi %sign3A_190, %sign3A_194 : vector<128x128xi32>
    %sign3A_196 = arith.constant 0 : i32
    %sign3A_197 = arith.cmpi sgt, %jit3A_184, %sign3A_196 : i32
    %sign3A_198 = arith.extui %sign3A_197 : i1 to i32
    %sign3A_199 = arith.constant 0 : i32
    %sign3A_200 = arith.cmpi slt, %jit3A_184, %sign3A_199 : i32
    %sign3A_201 = arith.extui %sign3A_200 : i1 to i32
    %sign3A_202 = arith.subi %sign3A_198, %sign3A_201 : i32
    %ne3A_203 = vector.broadcast %sign3A_202 : i32 to vector<128x128xi32>
    %ne3A_204 = arith.cmpi ne, %sign3A_195, %ne3A_203 : vector<128x128xi32>
    %rem3A_205 = vector.broadcast %jit3A_184 : i32 to vector<128x128xi32>
    %rem3A_206 = arith.remsi %iota3A_43, %rem3A_205 : vector<128x128xi32>
    %ne3A_207 = arith.constant 0 : i32
    %ne3A_208 = vector.broadcast %ne3A_207 : i32 to vector<128x128xi32>
    %ne3A_209 = arith.cmpi ne, %rem3A_206, %ne3A_208 : vector<128x128xi32>
    %and3A_210 = arith.andi %ne3A_204, %ne3A_209 : vector<128x128xi1>
    %sub3A_211 = arith.constant 1 : i32
    %sub3A_212 = vector.broadcast %sub3A_211 : i32 to vector<128x128xi32>
    %sub3A_213 = arith.subi %div3A_186, %sub3A_212 : vector<128x128xi32>
    %select_n3A_214 = arith.select %and3A_210, %sub3A_213, %div3A_186 : vector<128x128xi1>, vector<128x128xi32>
    %eq3A_215 = arith.constant 3 : i32
    %eq3A_216 = vector.broadcast %eq3A_215 : i32 to vector<128x128xi32>
    %eq3A_217 = arith.cmpi eq, %select_n3A_214, %eq3A_216 : vector<128x128xi32>
    %jit3A_218 = arith.constant 0.000000e+00 : f32
    %broadcast_in_dim3A_219 = vector.broadcast %jit3A_218 : f32 to vector<128x128xf32>
    %select_n3A_220 = arith.select %eq3A_217, %dot_general3A_183, %broadcast_in_dim3A_219 : vector<128x128xi1>, vector<128x128xf32>
    %add3A_221 = arith.addf %add3A_176, %select_n3A_220 : vector<128x128xf32>
    %eq3A_222 = arith.constant 0 : i32
    %eq3A_223 = arith.cmpi eq, %arg0, %eq3A_222 : i32
    %convert_element_type3A_224 = arith.extui %eq3A_223 : i1 to i32
    %cond3A = arith.constant 0 : i32
    %cond3A_225 = arith.cmpi ne, %convert_element_type3A_224, %cond3A : i32
    scf.if %cond3A_225 {
      %swap3A = arith.constant 0 : index
      %swap3A_230 = arith.constant 0 : index
      %swap3A_231 = arith.constant 0 : index
      %swap3A_232 = vector.load %arg11[%swap3A, %swap3A_230, %swap3A_231] : memref<1x128x128xf32, #tpu.memory_space<vmem>>, vector<1x128x128xf32>
      %swap3A_233 = vector.shape_cast %swap3A_232 : vector<1x128x128xf32> to vector<128x128xf32>
      %swap3A_234 = vector.shape_cast %add3A_221 : vector<128x128xf32> to vector<1x128x128xf32>
      tpu.vector_store %arg11[%swap3A, %swap3A_230, %swap3A_231], %swap3A_234 {strides = array<i32>} : memref<1x128x128xf32, #tpu.memory_space<vmem>>, vector<1x128x128xf32>,
    } else {
    }
    %gt3A = arith.constant 0 : i32
    %gt3A_226 = arith.cmpi sgt, %arg0, %gt3A : i32
    %convert_element_type3A_227 = arith.extui %gt3A_226 : i1 to i32
    %cond3A_228 = arith.constant 0 : i32
    %cond3A_229 = arith.cmpi ne, %convert_element_type3A_227, %cond3A_228 : i32
    scf.if %cond3A_229 {
      %get3A_230 = arith.constant 0 : index
      %get3A_231 = arith.constant 0 : index
      %get3A_232 = arith.constant 0 : index
      %get3A_233 = vector.load %arg11[%get3A_230, %get3A_231, %get3A_232] : memref<1x128x128xf32, #tpu.memory_space<vmem>>, vector<1x128x128xf32>
      %get3A_234 = vector.shape_cast %get3A_233 : vector<1x128x128xf32> to vector<128x128xf32>
      %add3A_235 = arith.addf %get3A_234, %add3A_221 : vector<128x128xf32>
      %swap3A = arith.constant 0 : index
      %swap3A_236 = arith.constant 0 : index
      %swap3A_237 = arith.constant 0 : index
      %swap3A_238 = vector.load %arg11[%swap3A, %swap3A_236, %swap3A_237] : memref<1x128x128xf32, #tpu.memory_space<vmem>>, vector<1x128x128xf32>
      %swap3A_239 = vector.shape_cast %swap3A_238 : vector<1x128x128xf32> to vector<128x128xf32>
      %swap3A_240 = vector.shape_cast %add3A_235 : vector<128x128xf32> to vector<1x128x128xf32>
      tpu.vector_store %arg11[%swap3A, %swap3A_236, %swap3A_237], %swap3A_240 {strides = array<i32>} : memref<1x128x128xf32, #tpu.memory_space<vmem>>, vector<1x128x128xf32>,
    } else {
    }
    return
  }
  func.func @transform_0(%arg0: i32, %arg1: i32) -> (i32, i32) {
    %c0_i32 = arith.constant 0 : i32
    %c0_i32_0 = arith.constant 0 : i32
    return %arg0, %c0_i32 : i32, i32
  }
  func.func @transform_1(%arg0: i32, %arg1: i32) -> (i32, i32) {
    %add3A = arith.constant 25 : i32
    %add3A_0 = arith.addi %add3A, %arg0 : i32
    %c0_i32 = arith.constant 0 : i32
    %c0_i32_1 = arith.constant 0 : i32
    return %add3A_0, %c0_i32 : i32, i32
  }
  func.func @transform_2(%arg0: i32, %arg1: i32) -> (i32, i32) {
    %c0_i32 = arith.constant 0 : i32
    %c0_i32_0 = arith.constant 0 : i32
    %c0_i32_1 = arith.constant 0 : i32
    return %c0_i32, %c0_i32_0 : i32, i32
  }
  func.func @transform_3(%arg0: i32, %arg1: i32) -> (i32, i32) {
    %c0_i32 = arith.constant 0 : i32
    %c0_i32_0 = arith.constant 0 : i32
    %c0_i32_1 = arith.constant 0 : i32
    return %c0_i32, %c0_i32_0 : i32, i32
  }
  func.func @transform_4(%arg0: i32, %arg1: i32) -> (i32, i32) {
    %c0_i32 = arith.constant 0 : i32
    %c0_i32_0 = arith.constant 0 : i32
    %c0_i32_1 = arith.constant 0 : i32
    return %c0_i32, %c0_i32_0 : i32, i32
  }
  func.func @transform_5(%arg0: i32, %arg1: i32) -> (i32, i32) {
    %c0_i32 = arith.constant 0 : i32
    %c0_i32_0 = arith.constant 0 : i32
    %c0_i32_1 = arith.constant 0 : i32
    return %c0_i32, %c0_i32_0 : i32, i32
  }
  func.func @transform_6(%arg0: i32, %arg1: i32) -> (i32, i32) {
    %c0_i32 = arith.constant 0 : i32
    %c0_i32_0 = arith.constant 0 : i32
    %c0_i32_1 = arith.constant 0 : i32
    return %c0_i32, %c0_i32_0 : i32, i32
  }
  func.func @transform_7(%arg0: i32, %arg1: i32) -> (i32, i32) {
    %c0_i32 = arith.constant 0 : i32
    %c0_i32_0 = arith.constant 0 : i32
    %c0_i32_1 = arith.constant 0 : i32
    return %c0_i32, %c0_i32_0 : i32, i32
  }
  func.func @transform_8(%arg0: i32, %arg1: i32) -> (i32, i32) {
    %c0_i32 = arith.constant 0 : i32
    %c0_i32_0 = arith.constant 0 : i32
    return %arg0, %c0_i32 : i32, i32
  }
  func.func @transform_9(%arg0: i32, %arg1: i32) -> (i32, i32, i32) {
    %c0_i32 = arith.constant 0 : i32
    %c0_i32_0 = arith.constant 0 : i32
    %c0_i32_1 = arith.constant 0 : i32
    return %arg1, %c0_i32, %c0_i32_0 : i32, i32, i32
  }
}

module attributes {stable_mosaic.version = 14 : i64} {
  func.func @_final_body(%arg0: memref<2x128x128xf32, #tpu.memory_space<vmem>>, %arg1: memref<64x64xf32, #tpu.memory_space<vmem>>, %arg2: memref<1x64xf32, #tpu.memory_space<vmem>>, %arg3: memref<64x1xf32, #tpu.memory_space<vmem>>, %arg4: memref<1x1xf32, #tpu.memory_space<vmem>>, %arg5: memref<128x1xf32, #tpu.memory_space<vmem>>) attributes {dimension_semantics = [], scalar_prefetch = 0 : i64, scratch_operands = 0 : i64, tpu.core_type = #tpu.core_type<tc>} {
    %get3A = arith.constant 0 : index
    %get3A_0 = arith.constant 0 : index
    %get3A_1 = arith.constant 0 : index
    %get3A_2 = vector.load %arg0[%get3A, %get3A_0, %get3A_1] : memref<2x128x128xf32, #tpu.memory_space<vmem>>, vector<1x128x128xf32>
    %get3A_3 = vector.shape_cast %get3A_2 : vector<1x128x128xf32> to vector<128x128xf32>
    %slice3A = vector.extract_strided_slice %get3A_3 {offsets = [0, 0], sizes = [128, 32], strides = [1, 1]} : vector<128x128xf32> to vector<128x32xf32>
    %get3A_4 = arith.constant 0 : index
    %get3A_5 = arith.constant 0 : index
    %get3A_6 = arith.constant 0 : index
    %get3A_7 = vector.load %arg0[%get3A_4, %get3A_5, %get3A_6] : memref<2x128x128xf32, #tpu.memory_space<vmem>>, vector<1x128x128xf32>
    %get3A_8 = vector.shape_cast %get3A_7 : vector<1x128x128xf32> to vector<128x128xf32>
    %slice3A_9 = vector.extract_strided_slice %get3A_8 {offsets = [0, 32], sizes = [128, 32], strides = [1, 1]} : vector<128x128xf32> to vector<128x32xf32>
    %add3A = arith.addf %slice3A, %slice3A_9 : vector<128x32xf32>
    %get3A_10 = arith.constant 0 : index
    %get3A_11 = arith.constant 0 : index
    %get3A_12 = arith.constant 0 : index
    %get3A_13 = vector.load %arg0[%get3A_10, %get3A_11, %get3A_12] : memref<2x128x128xf32, #tpu.memory_space<vmem>>, vector<1x128x128xf32>
    %get3A_14 = vector.shape_cast %get3A_13 : vector<1x128x128xf32> to vector<128x128xf32>
    %slice3A_15 = vector.extract_strided_slice %get3A_14 {offsets = [0, 64], sizes = [128, 32], strides = [1, 1]} : vector<128x128xf32> to vector<128x32xf32>
    %add3A_16 = arith.addf %add3A, %slice3A_15 : vector<128x32xf32>
    %get3A_17 = arith.constant 0 : index
    %get3A_18 = arith.constant 0 : index
    %get3A_19 = arith.constant 0 : index
    %get3A_20 = vector.load %arg0[%get3A_17, %get3A_18, %get3A_19] : memref<2x128x128xf32, #tpu.memory_space<vmem>>, vector<1x128x128xf32>
    %get3A_21 = vector.shape_cast %get3A_20 : vector<1x128x128xf32> to vector<128x128xf32>
    %slice3A_22 = vector.extract_strided_slice %get3A_21 {offsets = [0, 96], sizes = [128, 32], strides = [1, 1]} : vector<128x128xf32> to vector<128x32xf32>
    %add3A_23 = arith.addf %add3A_16, %slice3A_22 : vector<128x32xf32>
    %get3A_24 = arith.constant 1 : index
    %get3A_25 = arith.constant 0 : index
    %get3A_26 = arith.constant 0 : index
    %get3A_27 = vector.load %arg0[%get3A_24, %get3A_25, %get3A_26] : memref<2x128x128xf32, #tpu.memory_space<vmem>>, vector<1x128x128xf32>
    %get3A_28 = vector.shape_cast %get3A_27 : vector<1x128x128xf32> to vector<128x128xf32>
    %slice3A_29 = vector.extract_strided_slice %get3A_28 {offsets = [0, 0], sizes = [128, 32], strides = [1, 1]} : vector<128x128xf32> to vector<128x32xf32>
    %get3A_30 = arith.constant 1 : index
    %get3A_31 = arith.constant 0 : index
    %get3A_32 = arith.constant 0 : index
    %get3A_33 = vector.load %arg0[%get3A_30, %get3A_31, %get3A_32] : memref<2x128x128xf32, #tpu.memory_space<vmem>>, vector<1x128x128xf32>
    %get3A_34 = vector.shape_cast %get3A_33 : vector<1x128x128xf32> to vector<128x128xf32>
    %slice3A_35 = vector.extract_strided_slice %get3A_34 {offsets = [0, 32], sizes = [128, 32], strides = [1, 1]} : vector<128x128xf32> to vector<128x32xf32>
    %add3A_36 = arith.addf %slice3A_29, %slice3A_35 : vector<128x32xf32>
    %get3A_37 = arith.constant 1 : index
    %get3A_38 = arith.constant 0 : index
    %get3A_39 = arith.constant 0 : index
    %get3A_40 = vector.load %arg0[%get3A_37, %get3A_38, %get3A_39] : memref<2x128x128xf32, #tpu.memory_space<vmem>>, vector<1x128x128xf32>
    %get3A_41 = vector.shape_cast %get3A_40 : vector<1x128x128xf32> to vector<128x128xf32>
    %slice3A_42 = vector.extract_strided_slice %get3A_41 {offsets = [0, 64], sizes = [128, 32], strides = [1, 1]} : vector<128x128xf32> to vector<128x32xf32>
    %add3A_43 = arith.addf %add3A_36, %slice3A_42 : vector<128x32xf32>
    %get3A_44 = arith.constant 1 : index
    %get3A_45 = arith.constant 0 : index
    %get3A_46 = arith.constant 0 : index
    %get3A_47 = vector.load %arg0[%get3A_44, %get3A_45, %get3A_46] : memref<2x128x128xf32, #tpu.memory_space<vmem>>, vector<1x128x128xf32>
    %get3A_48 = vector.shape_cast %get3A_47 : vector<1x128x128xf32> to vector<128x128xf32>
    %slice3A_49 = vector.extract_strided_slice %get3A_48 {offsets = [0, 96], sizes = [128, 32], strides = [1, 1]} : vector<128x128xf32> to vector<128x32xf32>
    %add3A_50 = arith.addf %add3A_43, %slice3A_49 : vector<128x32xf32>
    %concatenate3A = tpu.concatenate %add3A_23, %add3A_50 in 1 : vector<128x32xf32>, vector<128x32xf32> -> vector<128x64xf32>
    %get3A_51 = arith.constant 0 : index
    %get3A_52 = arith.constant 0 : index
    %get3A_53 = vector.load %arg1[%get3A_51, %get3A_52] : memref<64x64xf32, #tpu.memory_space<vmem>>, vector<64x64xf32>
    %dot_general3A = arith.constant dense<0.000000e+00> : vector<128x64xf32>
    %dot_general3A_54 = tpu.matmul %concatenate3A, %get3A_53, %dot_general3A {dimension_numbers = #tpu.dot_dimension_numbers<[1], [0], [0], [1], [0, 0, 1, 1], [], []>, transpose_lhs_hint = false} : vector<128x64xf32>, vector<64x64xf32>, vector<128x64xf32> -> vector<128x64xf32>
    %get3A_55 = arith.constant 0 : index
    %get3A_56 = arith.constant 0 : index
    %get3A_57 = vector.load %arg2[%get3A_55, %get3A_56] : memref<1x64xf32, #tpu.memory_space<vmem>>, vector<1x64xf32>
    %add3A_58 = vector.broadcast %get3A_57 : vector<1x64xf32> to vector<128x64xf32>
    %add3A_59 = arith.addf %dot_general3A_54, %add3A_58 : vector<128x64xf32>
    %max3A = arith.constant 0.000000e+00 : f32
    %max3A_60 = vector.broadcast %max3A : f32 to vector<128x64xf32>
    %max3A_61 = arith.maximumf %add3A_59, %max3A_60 : vector<128x64xf32>
    %get3A_62 = arith.constant 0 : index
    %get3A_63 = arith.constant 0 : index
    %get3A_64 = vector.load %arg3[%get3A_62, %get3A_63] : memref<64x1xf32, #tpu.memory_space<vmem>>, vector<64x1xf32>
    %dot_general3A_65 = arith.constant dense<0.000000e+00> : vector<128x1xf32>
    %dot_general3A_66 = tpu.matmul %max3A_61, %get3A_64, %dot_general3A_65 {dimension_numbers = #tpu.dot_dimension_numbers<[1], [0], [0], [1], [0, 0, 1, 1], [], []>, transpose_lhs_hint = false} : vector<128x64xf32>, vector<64x1xf32>, vector<128x1xf32> -> vector<128x1xf32>
    %get3A_67 = arith.constant 0 : index
    %get3A_68 = arith.constant 0 : index
    %get3A_69 = vector.load %arg4[%get3A_67, %get3A_68] : memref<1x1xf32, #tpu.memory_space<vmem>>, vector<1x1xf32>
    %add3A_70 = vector.broadcast %get3A_69 : vector<1x1xf32> to vector<128x1xf32>
    %add3A_71 = arith.addf %dot_general3A_66, %add3A_70 : vector<128x1xf32>
    %swap3A = arith.constant 0 : index
    %swap3A_72 = arith.constant 0 : index
    %swap3A_73 = vector.load %arg5[%swap3A, %swap3A_72] : memref<128x1xf32, #tpu.memory_space<vmem>>, vector<128x1xf32>
    tpu.vector_store %arg5[%swap3A, %swap3A_72], %add3A_71 {strides = array<i32>} : memref<128x1xf32, #tpu.memory_space<vmem>>, vector<128x1xf32>,
    return
  }
}

</mosaic_0001>

<sc_bundles>
// kernel: kernel.12.cloned.1.call-start
scs
__scs_entry_jumppad:
0x0: {  	(pc) =	sbr.rel $0x88, $3  }
0x1: {  	(tag) =	ssettag $0x0;
	lr =	simm.s32 $0x1  }
0x2: {  	[smem:$0x3F8E] =	sst lr;
	_ =	strace $0xD0000000  }
0x3: {  	_ = 	snop  }
0x4: {  	_ = 	snop  }
0x5: {  	_ = 	snop  }
0x6: {  	_ = 	snop  }
0x7: {  	_ = 	snop  }
__scs_overlays_trampoline_lowered:
0x8: {  	[smem:$0x3F9D] =	sst s0  }
0x9: {  	[smem:$0x3F9E] =	sst s1  }
0xa: {  	[smem:$0x3F9F] =	sst s2  }
0xb: {  	[smem:$0x3FA0] =	sst s3  }
0xc: {  	[smem:$0x3FA1] =	sst s4  }
0xd: {  	[smem:$0x3FA2] =	sst s5  }
0xe: {  	[smem:$0x3FA3] =	sst s6  }
0xf: {  	[smem:$0x3FA4] =	sst s7  }
0x10: {  	[smem:$0x3FA5] =	sst s8  }
0x11: {  	[smem:$0x3FA6] =	sst s9;
	s0 =	simm.s32 @!p0 $0x0  }
0x12: {  	s1 =	sld [smem:$0x3F8C];
	s0 =	simm.s32 @p0 $0x1  }
0x13: {  	[smem:$0x3FA7] =	sst s0;
	s0 =	simm.s32 @!p1 $0x0  }
0x14: {  	s2 =	sld [smem:$0x3F8B];
	s0 =	simm.s32 @p1 $0x1  }
0x15: {  	[smem:$0x3FA8] =	sst s0;
	s0 =	simm.s32 @!p2 $0x0  }
0x16: {  	s3 =	sld [smem:$0x3FDB];
	s0 =	simm.s32 @p2 $0x1  }
0x17: {  	s4 =	simm.s32 $0x1BF5;
	[smem:$0x3FAA] =	sst s0  }
0x18: {  	s0 =	sld [smem:$0x3F8D];
	_ =	swait.ge [sflag:s4], $0x0  }
0x19: {  	s7 =	sld [smem:$0x3F8E]  }
0x1a: {  	s8 =	sadd.s32 $0xFFFFE003, lr  }
0x1b: {  	s9 =	sadd.s32 $0xFFFFFEF7, lr;
	s5 =	simm.s32 $0xFFFFFFFF;
	p2 =	slt.u32 s8, $0xFFFFF086  }
0x1c: {  	p1 =	slt.u32 s9, $0xF7A;
	s5 =	simm.s32 @!p2 $0x0  }
0x1d: {  	s5 =	simm.s32 @p1 $0x1;
	p0 =	seq.s32 s7, s2  }
0x1e: {  	s7 =	smul.u32 @!p0 $0xF7A, s2;
	p2 =	seq.s32 @!p0 s5, $0x0  }
0x1f: {  	s9 =	smul.u32 $0xF7A, s1;
	s8 =	simm.s32 @!p0 $0x1BF5;
	p2 =	por !p2, p0  }
0x20: {  	[sflag:s8] =	ssyncset.s32 @!p0 $0xFFFFF086;
	s6 =	sadd.s32 @!p0 s3, s7;
	s7 =	simm.s32 @!p0 $0x108  }
0x21: {  	s3 =	sadd.s32 s3, s9;
	s6 =	sadd.s32 @!p0 $0x88, s6;
	s7 =	simm.s32 @p2 $0x1082  }
0x22: {  	[simem:s7], [sflag:s8] =	dma.local @!p0 [hbm:s6], $0xF7A  }
0x23: {  	s9 =	sor.u32 $0xD0000000, s2;
	s6 =	simm.s32 $0x108;
	_ =	swait.ge @!p0 [sflag:s8], $0x0  }
0x24: {  	s3 =	sadd.s32 $0x88, s3;
	s6 =	simm.s32 @!p1 $0x1082;
	[sflag:s4] =	ssyncset.s32 $0xFFFFF086  }
0x25: {  	[simem:s6], [sflag:s4] =	dma.local [hbm:s3], $0xF7A  }
0x26: {  	[smem:$0x3F8E] =	sst s1;
	(tag) =	ssettag s2;
	_ =	strace s9  }
0x27: {  	s1 =	sld [smem:$0x3F9E]  }
0x28: {  	s2 =	sld [smem:$0x3F9F]  }
0x29: {  	s4 =	sld [smem:$0x3FA1]  }
0x2a: {  	p0 =	seq.s32 s5, $0x0;
	s5 =	sld [smem:$0x3FA2]  }
0x2b: {  	s6 =	sld [smem:$0x3FA3]  }
0x2c: {  	s7 =	sld [smem:$0x3FA4]  }
0x2d: {  	s3 =	simm.s32 $0x108;
	s8 =	sld [smem:$0x3FA5]  }
0x2e: {  	s3 =	simm.s32 @!p0 $0x1082;
	s9 =	sld [smem:$0x3FA6]  }
0x2f: {  	lr =	sadd.s32 s0, s3;
	s0 =	sld [smem:$0x3F9D]  }
0x30: {  	s3 =	sld [smem:$0x3FA0]  }
0x31: {  	[smem:$0x3FA9] =	sst s10  }
0x32: {  	s10 =	sld [smem:$0x3FA7];
	_ =	sdelay $0x3  }
0x33: {  	p0 =	seq.s32 s10, $0x1;
	s10 =	sld [smem:$0x3FA9];
	_ =	sdelay $0x3  }
0x34: {  	[smem:$0x3FA9] =	sst s10  }
0x35: {  	s10 =	sld [smem:$0x3FA8];
	_ =	sdelay $0x3  }
0x36: {  	p1 =	seq.s32 s10, $0x1;
	s10 =	sld [smem:$0x3FA9];
	_ =	sdelay $0x3  }
0x37: {  	[smem:$0x3FA9] =	sst s10  }
0x38: {  	s10 =	sld [smem:$0x3FAA]  }
0x39: {  	_ = 	snop;
	(pc) =	sbr.ind lr, $3  }
0x3a: {  	_ = 	snop  }
0x3b: {  	_ = 	snop  }
0x3c: {  	p2 =	seq.s32 s10, $0x1;
	s10 =	sld [smem:$0x3FA9]  }
0x3d: {  	_ =	shalt  }
0x3e: {  	_ =	shalt  }
0x3f: {  	_ =	shalt  }
0x40: {  	_ =	shalt  }
0x41: {  	_ =	shalt  }
0x42: {  	_ =	shalt  }
0x43: {  	_ =	shalt  }
0x44: {  	_ =	shalt  }
0x45: {  	_ =	shalt  }
0x46: {  	_ =	shalt  }
0x47: {  	_ =	shalt  }
0x48: {  	_ =	shalt  }
0x49: {  	_ =	shalt  }
0x4a: {  	_ =	shalt  }
0x4b: {  	_ =	shalt  }
0x4c: {  	_ =	shalt  }
0x4d: {  	_ =	shalt  }
0x4e: {  	_ =	shalt  }
0x4f: {  	_ =	shalt  }
0x50: {  	_ =	shalt  }
0x51: {  	_ =	shalt  }
0x52: {  	_ =	shalt  }
0x53: {  	_ =	shalt  }
0x54: {  	_ =	shalt  }
0x55: {  	_ =	shalt  }
0x56: {  	_ =	shalt  }
0x57: {  	_ =	shalt  }
0x58: {  	_ =	shalt  }
0x59: {  	_ =	shalt  }
0x5a: {  	_ =	shalt  }
0x5b: {  	_ =	shalt  }
0x5c: {  	_ =	shalt  }
0x5d: {  	_ =	shalt  }
0x5e: {  	_ =	shalt  }
0x5f: {  	_ =	shalt  }
0x60: {  	_ =	shalt  }
0x61: {  	_ =	shalt  }
0x62: {  	_ =	shalt  }
0x63: {  	_ =	shalt  }
0x64: {  	_ =	shalt  }
0x65: {  	_ =	shalt  }
0x66: {  	_ =	shalt  }
0x67: {  	_ =	shalt  }
0x68: {  	_ =	shalt  }
0x69: {  	_ =	shalt  }
0x6a: {  	_ =	shalt  }
0x6b: {  	_ =	shalt  }
0x6c: {  	_ =	shalt  }
0x6d: {  	_ =	shalt  }
0x6e: {  	_ =	shalt  }
0x6f: {  	_ =	shalt  }
0x70: {  	_ =	shalt  }
0x71: {  	_ =	shalt  }
0x72: {  	_ =	shalt  }
0x73: {  	_ =	shalt  }
0x74: {  	_ =	shalt  }
0x75: {  	_ =	shalt  }
0x76: {  	_ =	shalt  }
0x77: {  	_ =	shalt  }
0x78: {  	_ =	shalt  }
0x79: {  	_ =	shalt  }
0x7a: {  	_ =	shalt  }
0x7b: {  	_ =	shalt  }
0x7c: {  	_ =	shalt  }
0x7d: {  	_ =	shalt  }
0x7e: {  	_ =	shalt  }
0x7f: {  	_ =	shalt  }
0x80: {  	_ =	shalt  }
0x81: {  	_ =	shalt  }
0x82: {  	_ =	shalt  }
0x83: {  	_ =	shalt  }
0x84: {  	_ =	shalt  }
0x85: {  	_ =	shalt  }
0x86: {  	_ =	shalt  }
0x87: {  	_ =	shalt  }
.Lfunc_end0:
.L_simem_size_0:
called_computation.1_lowered:
.L_overlay_start_0:
0x88: {  	s2 =	sld [smem:$0x3FD9]  }
0x89: {  	s3 =	sld [smem:$0x3FFE];
	_ =	sdelay $0x1  }
0x8a: {  	s1 =	srdreg.scid  }
0x8b: {  	s0 =	sand.u32 $0x1, s1  }
0x8c: {  	s16 =	sshll.u32 s0, $0xA;
	s2 =	sadd.s32 s3, s2  }
0x8d: {  	s2 =	sadd.s32 s2, s16  }
0x8e: {  	[smem:$0x3FB5] =	sst s2  }
0x8f: {  	_ = 	snop  }
0x90: {  	(tm) =	ssettm $0x1  }
0x91: {  	s17 =	sld [smem:$0x3FFB];
	_ =	sdelay $0x3  }
0x92: {  	_ =	strace s17  }
0x93: {  	s2 =	sld [smem:$0x3FFC];
	_ =	sdelay $0x3  }
0x94: {  	_ =	strace s2  }
0x95: {  	s2 =	sld [smem:$0x3FFD];
	_ =	sdelay $0x3  }
0x96: {  	_ =	strace s2  }
0x97: {  	_ =	strace $0x8FFFFFFF  }
0x98: {  	s18 =	sld [smem:$0x3FDB];
	_ =	sdelay $0x1  }
0x99: {  	s19 =	simm.s32 $_scs_section_size  }
0x9a: {  	s4 =	simm.s32 $_size__tile_overlayer_lowered;
	s5 =	simm.s32 $_tile_overlayer_lowered  }
0x9b: {  	s22 =	simm.s32 $0x1BFF;
	s21 =	sshll.u32 s5, $0x1;
	s2 =	sadd.s32 s19, s18  }
0x9c: {  	s6 =	simm.s32 $0x0;
	s20 =	sshll.u32 s4, $0x1;
	s4 =	sadd.s32 s21, s2  }
0x9d: {  	[timem:s6], [sflag:s22] =	dma.local [hbm:s4], s20  }
0x9e: {  	_ =	swait.ge [sflag:s22], s20  }
0x9f: {  	s3 =	ssub.s32 $0x0, s20;
	[sflag:s22] =	ssyncset.done $0x0  }
0xa0: {  	[sflag:s22] =	ssyncadd.s32 s3;
	_ =	sdelay $0x1  }
0xa1: {  	s23 =	simm.s32 $0x1B8B  }
0xa2: {  	_ =	swait.ge [sflag:s23], $0x1  }
0xa3: {  	[sflag:s23] =	ssyncset.done $0x0  }
0xa4: {  	s25 =	simm.s32 $0x1B8E;
	s24 =	sld [smem:$0x3FFE];
	[sflag:s23] =	ssyncadd.s32 $0xFFFFFFFF  }
0xa5: {  	s26 =	simm.s32 $execute0_lowered;
	[smem:$0x3FD2] =	sst s25  }
0xa6: {  	s4 =	sshll.u32 s26, $0x1;
	_ =	strace $0x80000049;
	[dreg:$0x1] =	wrdreg $0xFFFFFFFF  }
0xa7: {  	s28 =	simm.s32 $_size_execute0_lowered;
	s2 =	sadd.s32 s2, s4;
	[dreg:$0x0] =	wrdreg $0x0  }
0xa8: {  	s4 =	sshll.u32 s28, $0x1;
	[dreg:$0x2] =	wrdreg s2  }
0xa9: {  	[dreg:$0x3] =	wrdreg s4  }
0xaa: {  	[dreg:$0x4] =	wrdreg $0xC0  }
0xab: {  	_ =	task [dreg:s6], $0x5FFFF  }
0xac: {  	[dreg:$0x1] =	wrdreg $0xFFFFFFFF  }
0xad: {  	[dreg:$0x0] =	wrdreg $0x60  }
0xae: {  	[dreg:$0x2] =	wrdreg s24  }
0xaf: {  	[dreg:$0x3] =	wrdreg $0x0  }
0xb0: {  	[dreg:$0x4] =	wrdreg $0x9  }
0xb1: {  	_ =	task.clear_ibuf [dreg:s6], $0x5FFFF;
	_ =	strace $0x90000049  }
0xb2: {  	s29 =	simm.s32 $0x9;
	_ =	strace $0x8000004B  }
0xb3: {  	_ =	swait.ge [sflag:s29], $0x1  }
0xb4: {  	[sflag:s29] =	ssyncadd.s32 $0xFFFFFFFF  }
0xb5: {  	_ =	strace $0x9000004B  }
0xb6: {  	_ =	sfence  }
0xb7: {  	s30 =	sld [smem:$0x0];
	_ =	sdelay $0x2  }
0xb8: {  	s31 =	sshll.u32 s1, $0xD;
	s1 =	sshrl.u32 s1, $0x2  }
0xb9: {  	s3 =	sand.u32 $0x4000, s31;
	s1 =	sadd.s32 s1, s30  }
0xba: {  	s0 =	sor.u32 s3, s0;
	s1 =	sshll.u32 s1, $0x11  }
0xbb: {  	s0 =	sor.u32 s1, s0  }
0xbc: {  	s0 =	sadd.s32 $0x8F2B, s0  }
0xbd: {  	[sflag:s0] =	ssyncadd.remote.s32 $0x1  }
0xbe: {  	_ =	sfence.sel $0xFFFF  }
0xbf: {  	[dreg:$0x0] =	wrdreg $0xFFFFFFFF;
	(pc) =	sbr.abs _section_cstart, $3  }
0xc0: {  	[dreg:$0x1] =	wrdreg $0xFFFFFFFF  }
0xc1: {  	_ =	task.clear_ibuf [dreg:s6], $0x2FFFF;
	_ =	strace $0x9FFFFFFF  }
0xc2: {  	(tm) =	ssettm $0x7FFFFFFF  }
0xc3: {  	_ =	shalt  }
tec
execute0_lowered:
.L_overlay_start_1:
0x0: {  	(tag) =	ssettag $0x1  }
0x1: {  	s0 =	rddreg [dreg:$0x0]  }
0x2: {  	s1 =	rddreg [dreg:$0x1];
	s3 =	simm.s32 $0x0;
	s14 =	stileid.u32  }
0x3: {  	s2 =	srdreg.scid;
	s29 =	simm.s32 $0x4;
	s6 =	smul.u32 $0xC35, s14  }
0x4: {  	s31 =	simm.s32 $0x1;
	[smem:$0x7FF] =	sst s3;
	s9 =	smul.u32 $0x61A80, s14  }
0x5: {  	s2 =	sand.u32 $0x1, s2;
	s5 =	sadd.s32 $0x35400, s0;
	s24 =	smul.u32 $0x186A, s14  }
0x6: {  	s7 =	sadd.s32 $0x1CC00, s0;
	s21 =	sshll.u32 s14, $0x6;
	s14 =	smul.u32 $0xC350, s14  }
0x7: {  	s10 =	sadd.s32 $0x4400, s0;
	s0 =	sadd.s32 $0x99400, s0;
	s4 =	smul.u32 $0xC800, s2  }
0x8: {  	_ =	strace $0x8000004A;
	s8 =	ssub.s32 $0x2, s2;
	s20 =	sshrl.u32 s9, $0x2  }
0x9: {  	s2 =	smul.u32 $0x32000, s2;
	s6 =	sadd.s32 s6, s4;
	s4 =	sadd.s32 s20, s1  }
0xa: {  	s11 =	sshrl.u32 s8, $0x1;
	s14 =	sshrl.u32 s14, $0x3;
	s12 =	sadd.s32 $0x4E20, s4  }
0xb: {  	s18 =	sadd.s32 s10, s24;
	s13 =	sadd.s32 $0x9C40, s4;
	[dreg:$0x4] =	wrdreg s12  }
0xc: {  	s17 =	sadd.s32 $0x32, s14;
	s26 =	sadd.s32 $0xEA60, s4;
	[dreg:$0x6] =	wrdreg s13  }
0xd: {  	s9 =	sshll.u32 s6, $0x2;
	s19 =	sadd.s32 s10, s17;
	[dreg:$0x8] =	wrdreg s26  }
0xe: {  	s8 =	ssub.s32 s8, s11;
	s22 =	sadd.s32 s5, s9;
	[dreg:$0xb] =	wrdreg s19  }
0xf: {  	s11 =	sadd.s32 $0x9C4, s9;
	s26 =	sadd.s32 $0x13880, s4;
	[dreg:$0x3] =	wrdreg s22  }
0x10: {  	s25 =	sadd.s32 $0x1388, s9;
	s23 =	sadd.s32 s5, s11;
	[dreg:$0x12] =	wrdreg s26  }
0x11: {  	s28 =	sadd.s32 $0x1D4C, s9;
	s15 =	sadd.s32 s5, s25;
	[dreg:$0x5] =	wrdreg s23  }
0x12: {  	s20 =	sadd.s32 $0x2710, s9;
	s16 =	sadd.s32 s5, s28;
	[dreg:$0x7] =	wrdreg s15  }
0x13: {  	s6 =	sor.u32 $0x1C04, s21;
	s21 =	sadd.s32 s5, s20;
	[dreg:$0x9] =	wrdreg s16  }
0x14: {  	s30 =	smov.u32 s18;
	s22 =	sadd.s32 s0, s9;
	[dreg:$0xc] =	wrdreg s21  }
0x15: {  	s16 =	sadd.s32 s7, s24;
	s7 =	sadd.s32 s7, s17;
	[dreg:$0xd] =	wrdreg s22  }
0x16: {  	s17 =	sadd.s32 s5, s2;
	s23 =	sadd.s32 s0, s11;
	[dreg:$0xa] =	wrdreg s7  }
0x17: {  	s24 =	sadd.s32 s0, s25;
	s25 =	sadd.s32 s0, s28;
	[dreg:$0xe] =	wrdreg s23  }
.Ltmp0:
0x18: {  	s0 =	sadd.s32 s0, s20;
	[dreg:$0xf] =	wrdreg s24;
	(pc) =	sbr.rel .LBB2_1-.Ltmp0, $4  }
0x19: {  	s28 =	smax.u32 s8, $0x1;
	s15 =	sadd.s32 $0x64, s18;
	[dreg:$0x10] =	wrdreg s25  }
0x1a: {  	s2 =	simm.s32 $0x50;
	s5 =	simm.s32 $0x2;
	[dreg:$0x11] =	wrdreg s0  }
0x1b: {  	s24 =	smov.u32 s4;
	[dreg:$0x13] =	wrdreg s28;
	s25 =	smov.u32 s16  }
0x1c: {  	s16 =	sadd.s32 $0x64, s16;
	s0 =	simm.s32 $0x3;
	s7 =	simm.s32 $0x0  }
.LBB2_5:
0x1d: {  	_ =	swait.ge [sflag:s5], $0xA00  }
0x1e: {  	[sflag:s5] =	ssyncset.done $0x0  }
0x1f: {  	[sflag:s5] =	ssyncadd.s32 $0xFFFFF600  }
0x20: {  	_ =	swait.ge [sflag:s5], $0xA00  }
0x21: {  	[sflag:s5] =	ssyncset.done $0x0  }
0x22: {  	[sflag:s5] =	ssyncadd.s32 $0xFFFFF600  }
0x23: {  	_ =	swait.ge [sflag:s5], $0xA00  }
0x24: {  	[sflag:s5] =	ssyncset.done $0x0  }
0x25: {  	[sflag:s5] =	ssyncadd.s32 $0xFFFFF600  }
0x26: {  	_ =	swait.ge [sflag:s5], $0xA00  }
0x27: {  	[sflag:s5] =	ssyncset.done $0x0  }
0x28: {  	[sflag:s5] =	ssyncadd.s32 $0xFFFFF600  }
0x29: {  	_ =	swait.ge [sflag:s5], $0xA00  }
0x2a: {  	[sflag:s5] =	ssyncset.done $0x0  }
0x2b: {  	[sflag:s5] =	ssyncadd.s32 $0xFFFFF600  }
0x2c: {  	[bflag:$0x0] =	sbarrier.arrive $0xFFFF  }
0x2d: {  	s4 =	rddreg [dreg:$0xd]  }
0x2e: {  	[hbm:s4], [sflag:s6] =	dma.local [spmem:s8], $0x9C4  }
0x2f: {  	_ =	swait.ge [sflag:s29], $0x9C4  }
0x30: {  	[sflag:s29] =	ssyncset.done $0x0  }
0x31: {  	s21 =	rddreg [dreg:$0xe];
	[sflag:s29] =	ssyncadd.s32 $0xFFFFF63C  }
0x32: {  	[hbm:s21], [sflag:s6] =	dma.local [spmem:s9], $0x9C4  }
0x33: {  	_ =	swait.ge [sflag:s29], $0x9C4  }
0x34: {  	[sflag:s29] =	ssyncset.done $0x0  }
0x35: {  	s22 =	rddreg [dreg:$0xf];
	[sflag:s29] =	ssyncadd.s32 $0xFFFFF63C  }
0x36: {  	[hbm:s22], [sflag:s6] =	dma.local [spmem:s10], $0x9C4  }
0x37: {  	_ =	swait.ge [sflag:s29], $0x9C4  }
0x38: {  	[sflag:s29] =	ssyncset.done $0x0  }
0x39: {  	s23 =	rddreg [dreg:$0x10];
	[sflag:s29] =	ssyncadd.s32 $0xFFFFF63C  }
0x3a: {  	[hbm:s23], [sflag:s6] =	dma.local [spmem:s11], $0x9C4  }
0x3b: {  	_ =	swait.ge [sflag:s29], $0x9C4  }
0x3c: {  	[sflag:s29] =	ssyncset.done $0x0  }
0x3d: {  	s26 =	rddreg [dreg:$0x11];
	[sflag:s29] =	ssyncadd.s32 $0xFFFFF63C  }
0x3e: {  	[hbm:s26], [sflag:s6] =	dma.local [spmem:s12], $0x9C4  }
0x3f: {  	_ =	swait.ge [sflag:s29], $0x9C4  }
0x40: {  	s7 =	sadd.s32 $0x1, s7;
	s28 =	rddreg [dreg:$0x13]  }
0x41: {  	p0 =	sne.s32 s7, s28  }
.Ltmp1:
0x42: {  	_ = 	snop;
	(pc) =	sbr.rel @!p0 .LBB2_6-.Ltmp1, $3  }
0x43: {  	_ =	sdelay $0x1  }
0x44: {  	[sflag:s29] =	ssyncset.done $0x0  }
0x45: {  	[sflag:s29] =	ssyncadd.s32 $0xFFFFF63C  }
.LBB2_1:
0x46: {  	s8 =	sshrl.u32 s24, $0x3;
	s4 =	rddreg [dreg:$0x3]  }
0x47: {  	[spmem:s8], [sflag:s6] =	dma.local [hbm:s4], $0x9C4  }
0x48: {  	_ =	swait.ge [sflag:s29], $0x9C4  }
0x49: {  	[sflag:s29] =	ssyncset.done $0x0;
	s23 =	rddreg [dreg:$0x4]  }
0x4a: {  	s26 =	rddreg [dreg:$0x5];
	[sflag:s29] =	ssyncadd.s32 $0xFFFFF63C;
	s9 =	sshrl.u32 s23, $0x3  }
0x4b: {  	[spmem:s9], [sflag:s6] =	dma.local [hbm:s26], $0x9C4  }
0x4c: {  	_ =	swait.ge [sflag:s29], $0x9C4  }
0x4d: {  	[sflag:s29] =	ssyncset.done $0x0;
	s10 =	rddreg [dreg:$0x6]  }
0x4e: {  	s11 =	rddreg [dreg:$0x7];
	[sflag:s29] =	ssyncadd.s32 $0xFFFFF63C;
	s10 =	sshrl.u32 s10, $0x3  }
0x4f: {  	[spmem:s10], [sflag:s6] =	dma.local [hbm:s11], $0x9C4  }
0x50: {  	_ =	swait.ge [sflag:s29], $0x9C4  }
0x51: {  	[sflag:s29] =	ssyncset.done $0x0;
	s12 =	rddreg [dreg:$0x8]  }
0x52: {  	s13 =	rddreg [dreg:$0x9];
	[sflag:s29] =	ssyncadd.s32 $0xFFFFF63C;
	s11 =	sshrl.u32 s12, $0x3  }
0x53: {  	[spmem:s11], [sflag:s6] =	dma.local [hbm:s13], $0x9C4  }
0x54: {  	_ =	swait.ge [sflag:s29], $0x9C4  }
0x55: {  	[sflag:s29] =	ssyncset.done $0x0;
	s14 =	rddreg [dreg:$0x12]  }
0x56: {  	s18 =	rddreg [dreg:$0xc];
	[sflag:s29] =	ssyncadd.s32 $0xFFFFF63C;
	s12 =	sshrl.u32 s14, $0x3  }
0x57: {  	[spmem:s12], [sflag:s6] =	dma.local [hbm:s18], $0x9C4  }
0x58: {  	_ =	swait.ge [sflag:s29], $0x9C4  }
0x59: {  	[sflag:s29] =	ssyncset.done $0x0  }
0x5a: {  	[sflag:s29] =	ssyncadd.s32 $0xFFFFF63C  }
0x5b: {  	s19 =	simm.s32 $0x186A0;
	[bflag:$0x0] =	sbarrier.arrive $0xFFFF  }
0x5c: {  	[tilespmem:s19], [sflag:$0x3] =	stream.linear.gather [hbm4b:s25+s3], $0x190, $0x38;
	[tilespmem:$0x1F400] =	vst v63  }
0x5d: {  	s13 =	simm.s32 $0x18B50  }
0x5e: {  	[tilespmem:s13], [sflag:$0x3] =	stream.linear.gather [hbm4b:s30+s3], $0x190, $0x38;
	[tilespmem:$0x1F400] =	vst v63  }
0x5f: {  	_ =	swait.ge [sflag:s0], $0x190  }
0x60: {  	[sflag:s0] =	ssyncset.done $0x0  }
0x61: {  	[sflag:s0] =	ssyncadd.s32 $0xFFFFFE70  }
0x62: {  	_ =	swait.ge [sflag:s0], $0x190  }
0x63: {  	[sflag:s0] =	ssyncset.done $0x0  }
0x64: {  	s20 =	simm.s32 $0x19000;
	[sflag:s0] =	ssyncadd.s32 $0xFFFFFE70  }
0x65: {  	[tilespmem:s20], [sflag:$0x1] =	stream.indirect.gather [hbm4b:s17+s2], $0x20, s19, s2, $0xb8;
	[tilespmem:$0x1F400] =	vst v63  }
0x66: {  	s21 =	simm.s32 $0x186F0;
	s22 =	simm.s32 $0x19A00  }
0x67: {  	[tilespmem:s22], [sflag:$0x1] =	stream.indirect.gather [hbm4b:s17+s2], $0x20, s21, s2, $0xb8;
	[tilespmem:$0x1F400] =	vst v63  }
0x68: {  	s23 =	simm.s32 $0x18740;
	s26 =	simm.s32 $0x1A400  }
0x69: {  	[tilespmem:s26], [sflag:$0x1] =	stream.indirect.gather [hbm4b:s17+s2], $0x20, s23, s2, $0xb8;
	[tilespmem:$0x1F400] =	vst v63  }
0x6a: {  	s14 =	simm.s32 $0x18790;
	s18 =	simm.s32 $0x1AE00  }
0x6b: {  	[tilespmem:s18], [sflag:$0x1] =	stream.indirect.gather [hbm4b:s17+s2], $0x20, s14, s2, $0xb8;
	[tilespmem:$0x1F400] =	vst v63  }
0x6c: {  	s19 =	simm.s32 $0x187E0;
	s20 =	simm.s32 $0x1B800  }
0x6d: {  	[tilespmem:s20], [sflag:$0x1] =	stream.indirect.gather [hbm4b:s17+s2], $0x20, s19, s2, $0xb8;
	[tilespmem:$0x1F400] =	vst v63  }
.Ltmp2:
0x6e: {  	s21 =	rddreg [dreg:$0xa];
	s22 =	simm.s32 $0x18830;
	(pc) =	sbr.rel .LBB2_2-.Ltmp2, $4  }
0x6f: {  	[tilespmem:s22], [sflag:$0x3] =	stream.linear.gather [hbm4b:s21+s3], $0x190, $0x38;
	[tilespmem:$0x1F400] =	vst v63  }
0x70: {  	s23 =	rddreg [dreg:$0xb];
	s26 =	simm.s32 $0x18CE0  }
0x71: {  	[tilespmem:s26], [sflag:$0x3] =	stream.linear.gather [hbm4b:s23+s3], $0x190, $0x38;
	[tilespmem:$0x1F400] =	vst v63  }
0x72: {  	s28 =	smov.u32 s15;
	s13 =	simm.s32 $0x0;
	s26 =	smov.u32 s16  }
.LBB2_4:
0x73: {  	s4 =	sshrl.u32 s19, $0x9  }
0x74: {  	s4 =	sand.u32 $0x7F, s4  }
0x75: {  	s4 =	smul.u32 $0x3, s4;
	_ =	sdelay $0x1  }
0x76: {  	s4 =	ssub.s32 s13, s4  }
0x77: {  	s19 =	smul.u32 $0xC800, s14;
	s4 =	sand.u32 $0xFF, s4  }
0x78: {  	s4 =	smul.u32 $0x640, s4  }
0x79: {  	_ =	swait.ge [sflag:s31], $0xA00  }
0x7a: {  	[sflag:s31] =	ssyncset.done $0x0;
	s13 =	sshrl.u32 s19, $0x2;
	s4 =	sshrl.u32 s4, $0x2  }
0x7b: {  	[sflag:s31] =	ssyncadd.s32 $0xFFFFF600;
	s20 =	sadd.s32 $0x19000, s13;
	s21 =	sadd.s32 $0x18B50, s4  }
0x7c: {  	[spmem:s1] =	stream.indirect.scatter.add.f32 [tilespmem:s20], [sflag:$0x2], $0x20, s21, s2, $0xb8;
	[tilespmem:$0x1F400] =	vst v63  }
0x7d: {  	_ =	swait.ge [sflag:s31], $0xA00  }
0x7e: {  	[sflag:s31] =	ssyncset.done $0x0  }
0x7f: {  	s22 =	sadd.s32 $0x19A00, s13;
	s23 =	sadd.s32 $0x18BA0, s4;
	[sflag:s31] =	ssyncadd.s32 $0xFFFFF600  }
0x80: {  	[spmem:s1] =	stream.indirect.scatter.add.f32 [tilespmem:s22], [sflag:$0x2], $0x20, s23, s2, $0xb8;
	[tilespmem:$0x1F400] =	vst v63  }
0x81: {  	_ =	swait.ge [sflag:s31], $0xA00  }
0x82: {  	[sflag:s31] =	ssyncset.done $0x0  }
0x83: {  	s20 =	sadd.s32 $0x1A400, s13;
	s21 =	sadd.s32 $0x18BF0, s4;
	[sflag:s31] =	ssyncadd.s32 $0xFFFFF600  }
0x84: {  	[spmem:s1] =	stream.indirect.scatter.add.f32 [tilespmem:s20], [sflag:$0x2], $0x20, s21, s2, $0xb8;
	[tilespmem:$0x1F400] =	vst v63  }
0x85: {  	_ =	swait.ge [sflag:s31], $0xA00  }
0x86: {  	p0 =	sne.s32 s18, $0x7D;
	[sflag:s31] =	ssyncset.done $0x0  }
0x87: {  	s22 =	sadd.s32 $0x1AE00, s13;
	s23 =	sadd.s32 $0x18C40, s4;
	[sflag:s31] =	ssyncadd.s32 $0xFFFFF600  }
0x88: {  	[spmem:s1] =	stream.indirect.scatter.add.f32 [tilespmem:s22], [sflag:$0x2], $0x20, s23, s2, $0xb8;
	[tilespmem:$0x1F400] =	vst v63  }
.Ltmp3:
0x89: {  	_ =	swait.ge [sflag:s31], $0xA00;
	(pc) =	sbr.rel @!p0 .LBB2_5-.Ltmp3, $4  }
0x8a: {  	[sflag:s31] =	ssyncset.done $0x0  }
0x8b: {  	s13 =	sadd.s32 $0x1B800, s13;
	s4 =	sadd.s32 $0x18C90, s4;
	[sflag:s31] =	ssyncadd.s32 $0xFFFFF600  }
0x8c: {  	[spmem:s1] =	stream.indirect.scatter.add.f32 [tilespmem:s13], [sflag:$0x2], $0x20, s4, s2, $0xb8;
	[tilespmem:$0x1F400] =	vst v63  }
0x8d: {  	s26 =	sadd.s32 $0x32, s26;
	s28 =	sadd.s32 $0x32, s28;
	s13 =	smov.u32 s18  }
.LBB2_2:
0x8e: {  	p0 =	seq.s32 s13, $0x0  }
0x8f: {  	s20 =	simm.s32 @!p0 $0x2  }
0x90: {  	_ =	swait.ge @!p0 [sflag:s20], $0xA00  }
0x91: {  	[sflag:s20] =	ssyncset.done @!p0 $0x0  }
0x92: {  	[sflag:s20] =	ssyncadd.s32 @!p0 $0xFFFFF600  }
0x93: {  	_ =	swait.ge @!p0 [sflag:s20], $0xA00  }
0x94: {  	[sflag:s20] =	ssyncset.done @!p0 $0x0  }
0x95: {  	[sflag:s20] =	ssyncadd.s32 @!p0 $0xFFFFF600  }
0x96: {  	_ =	swait.ge @!p0 [sflag:s20], $0xA00  }
0x97: {  	[sflag:s20] =	ssyncset.done @!p0 $0x0  }
0x98: {  	p1 =	seq.s32 @!p0 s13, $0x7C;
	[sflag:s20] =	ssyncadd.s32 @!p0 $0xFFFFF600  }
0x99: {  	p1 =	por p0, !p1;
	_ =	swait.ge @!p0 [sflag:s20], $0xA00  }
.Ltmp4:
0x9a: {  	[sflag:s20] =	ssyncset.done @!p0 $0x0;
	(pc) =	sbr.rel @!p1 .LBB2_4-.Ltmp4, $4  }
0x9b: {  	[sflag:s20] =	ssyncadd.s32 @!p0 $0xFFFFF600  }
0x9c: {  	_ =	swait.ge @!p0 [sflag:s20], $0xA00  }
0x9d: {  	s19 =	smul.u32 $0xAB, s13;
	[sflag:s20] =	ssyncset.done @!p0 $0x0  }
0x9e: {  	s14 =	sand.u32 $0x1, s13;
	s18 =	sadd.s32 $0x1, s13;
	[sflag:s20] =	ssyncadd.s32 @!p0 $0xFFFFF600  }
0x9f: {  	s20 =	sadd.s32 $0xAB, s19  }
0xa0: {  	s20 =	sshrl.u32 s20, $0x9  }
0xa1: {  	s20 =	sand.u32 $0x7F, s20  }
0xa2: {  	s20 =	smul.u32 $0x3, s20  }
0xa3: {  	_ =	swait.ge [sflag:s0], $0x190  }
0xa4: {  	s21 =	sxor.u32 $0x1, s14;
	s22 =	sadd.s32 $0x156, s19;
	s20 =	ssub.s32 s18, s20  }
0xa5: {  	[sflag:s0] =	ssyncset.done $0x0;
	s21 =	smul.u32 $0xC800, s21;
	s20 =	sand.u32 $0xFF, s20  }
0xa6: {  	s22 =	sshrl.u32 s22, $0x9;
	[sflag:s0] =	ssyncadd.s32 $0xFFFFFE70;
	s20 =	smul.u32 $0x640, s20  }
0xa7: {  	s22 =	sand.u32 $0x7F, s22;
	_ =	swait.ge [sflag:s0], $0x190  }
0xa8: {  	s21 =	sshrl.u32 s21, $0x2;
	[sflag:s0] =	ssyncset.done $0x0;
	s20 =	sshrl.u32 s20, $0x2  }
0xa9: {  	s23 =	sadd.s32 $0x19000, s21;
	[sflag:s0] =	ssyncadd.s32 $0xFFFFFE70;
	s4 =	sadd.s32 $0x186A0, s20  }
0xaa: {  	[tilespmem:s23], [sflag:$0x1] =	stream.indirect.gather [hbm4b:s17+s2], $0x20, s4, s2, $0xb8;
	[tilespmem:$0x1F400] =	vst v63  }
0xab: {  	s4 =	smul.u32 $0x3, s22;
	s22 =	sadd.s32 $0x19A00, s21;
	s23 =	sadd.s32 $0x186F0, s20  }
0xac: {  	[tilespmem:s22], [sflag:$0x1] =	stream.indirect.gather [hbm4b:s17+s2], $0x20, s23, s2, $0xb8;
	[tilespmem:$0x1F400] =	vst v63  }
0xad: {  	p0 =	sgt.u32 s13, $0x7A;
	s4 =	ssub.s32 s13, s4  }
0xae: {  	s22 =	sadd.s32 $0x1A400, s21;
	s23 =	sadd.s32 $0x18740, s20;
	s4 =	sadd.s32 $0x2, s4  }
0xaf: {  	[tilespmem:s22], [sflag:$0x1] =	stream.indirect.gather [hbm4b:s17+s2], $0x20, s23, s2, $0xb8;
	[tilespmem:$0x1F400] =	vst v63  }
0xb0: {  	s22 =	sadd.s32 $0x1AE00, s21;
	s23 =	sadd.s32 $0x18790, s20;
	s4 =	sand.u32 $0xFF, s4  }
0xb1: {  	[tilespmem:s22], [sflag:$0x1] =	stream.indirect.gather [hbm4b:s17+s2], $0x20, s23, s2, $0xb8;
	[tilespmem:$0x1F400] =	vst v63  }
0xb2: {  	s21 =	sadd.s32 $0x1B800, s21;
	s20 =	sadd.s32 $0x187E0, s20;
	s4 =	smul.u32 @!p0 $0x190, s4  }
0xb3: {  	[tilespmem:s21], [sflag:$0x1] =	stream.indirect.gather [hbm4b:s17+s2], $0x20, s20, s2, $0xb8;
	[tilespmem:$0x1F400] =	vst v63  }
.Ltmp5:
0xb4: {  	_ = 	snop;
	(pc) =	sbr.rel .LBB2_4-.Ltmp5, $4  }
0xb5: {  	s20 =	sadd.s32 @!p0 $0x186A0, s4;
	s21 =	simm.s32 @!p0 $0x0  }
0xb6: {  	[tilespmem:s20], [sflag:$0x3] =	stream.linear.gather @!p0 [hbm4b:s26+s21], $0x190, $0x38;
	[tilespmem:$0x1F400] =	vst v63  }
0xb7: {  	s4 =	sadd.s32 @!p0 $0x18B50, s4  }
0xb8: {  	[tilespmem:s4], [sflag:$0x3] =	stream.linear.gather @!p0 [hbm4b:s28+s21], $0x190, $0x38;
	[tilespmem:$0x1F400] =	vst v63  }
.LBB2_6:
0xb9: {  	_ =	sfence.sel $0x180000  }
0xba: {  	[bflag:$0x0] =	sbarrier.arrive $0xFFFF  }
0xbb: {  	_ =	strace $0x9000004A  }
0xbc: {  	s0 =	stileid.u32;
	[bflag:$0x2] =	sbarrier.arrive $0xFFFF  }
0xbd: {  	p0 =	sne.s32 s0, $0x0;
	s0 =	rddreg [dreg:$0x2]  }
0xbe: {  	s0 =	sadd.s32 @!p0 $0x100000, s0  }
0xbf: {  	[sflag:s0] =	ssyncadd.tile.s32 @!p0 $0x1;
	_ =	shalt  }
.Lfunc_end2:
_tile_overlayer_lowered:
.L_overlay_start_2:
0xc0: {  	(tag) =	ssettag $0x2  }
0xc1: {  	s0 =	rddreg [dreg:$0x0];
	s2 =	stileid.u32  }
0xc2: {  	s1 =	rddreg [dreg:$0x1];
	p0 =	sne.s32 s2, $0x0  }
0xc3: {  	s3 =	rddreg [dreg:$0x2];
	[bflag:$0x3] =	sbarrier.arrive $0xFFFF;
	s2 =	simm.s32 @!p0 $0x1C04  }
0xc4: {  	[timem:s3], [sflag:s2] =	dma.local @!p0 [hbm:s0], s1  }
0xc5: {  	s0 =	simm.s32 @!p0 $0x4  }
0xc6: {  	_ =	swait.ge @!p0 [sflag:s0], s1  }
0xc7: {  	s1 =	ssub.s32 @!p0 $0x0, s1;
	[sflag:s0] =	ssyncset.done @!p0 $0x0  }
0xc8: {  	[sflag:s0] =	ssyncadd.s32 @!p0 s1  }
0xc9: {  	[bflag:$0x3] =	sbarrier.arrive $0xFFFF  }
0xca: {  	_ =	shalt  }

// kernel: kernel.15.cloned.1.call-start
scs
__scs_entry_jumppad:
0x0: {  	(pc) =	sbr.rel $0x88, $3  }
0x1: {  	(tag) =	ssettag $0x0;
	lr =	simm.s32 $0x1  }
0x2: {  	[smem:$0x3F8E] =	sst lr;
	_ =	strace $0xD0000000  }
0x3: {  	_ = 	snop  }
0x4: {  	_ = 	snop  }
0x5: {  	_ = 	snop  }
0x6: {  	_ = 	snop  }
0x7: {  	_ = 	snop  }
__scs_overlays_trampoline_lowered:
0x8: {  	[smem:$0x3F9D] =	sst s0  }
0x9: {  	[smem:$0x3F9E] =	sst s1  }
0xa: {  	[smem:$0x3F9F] =	sst s2  }
0xb: {  	[smem:$0x3FA0] =	sst s3  }
0xc: {  	[smem:$0x3FA1] =	sst s4  }
0xd: {  	[smem:$0x3FA2] =	sst s5  }
0xe: {  	[smem:$0x3FA3] =	sst s6  }
0xf: {  	[smem:$0x3FA4] =	sst s7  }
0x10: {  	[smem:$0x3FA5] =	sst s8  }
0x11: {  	[smem:$0x3FA6] =	sst s9;
	s0 =	simm.s32 @!p0 $0x0  }
0x12: {  	s1 =	sld [smem:$0x3F8C];
	s0 =	simm.s32 @p0 $0x1  }
0x13: {  	[smem:$0x3FA7] =	sst s0;
	s0 =	simm.s32 @!p1 $0x0  }
0x14: {  	s2 =	sld [smem:$0x3F8B];
	s0 =	simm.s32 @p1 $0x1  }
0x15: {  	[smem:$0x3FA8] =	sst s0;
	s0 =	simm.s32 @!p2 $0x0  }
0x16: {  	s3 =	sld [smem:$0x3FDB];
	s0 =	simm.s32 @p2 $0x1  }
0x17: {  	s4 =	simm.s32 $0x1BF5;
	[smem:$0x3FAA] =	sst s0  }
0x18: {  	s0 =	sld [smem:$0x3F8D];
	_ =	swait.ge [sflag:s4], $0x0  }
0x19: {  	s7 =	sld [smem:$0x3F8E]  }
0x1a: {  	s8 =	sadd.s32 $0xFFFFE003, lr  }
0x1b: {  	s9 =	sadd.s32 $0xFFFFFEF7, lr;
	s5 =	simm.s32 $0xFFFFFFFF;
	p2 =	slt.u32 s8, $0xFFFFF086  }
0x1c: {  	p1 =	slt.u32 s9, $0xF7A;
	s5 =	simm.s32 @!p2 $0x0  }
0x1d: {  	s5 =	simm.s32 @p1 $0x1;
	p0 =	seq.s32 s7, s2  }
0x1e: {  	s7 =	smul.u32 @!p0 $0xF7A, s2;
	p2 =	seq.s32 @!p0 s5, $0x0  }
0x1f: {  	s9 =	smul.u32 $0xF7A, s1;
	s8 =	simm.s32 @!p0 $0x1BF5;
	p2 =	por !p2, p0  }
0x20: {  	[sflag:s8] =	ssyncset.s32 @!p0 $0xFFFFF086;
	s6 =	sadd.s32 @!p0 s3, s7;
	s7 =	simm.s32 @!p0 $0x108  }
0x21: {  	s3 =	sadd.s32 s3, s9;
	s6 =	sadd.s32 @!p0 $0x88, s6;
	s7 =	simm.s32 @p2 $0x1082  }
0x22: {  	[simem:s7], [sflag:s8] =	dma.local @!p0 [hbm:s6], $0xF7A  }
0x23: {  	s9 =	sor.u32 $0xD0000000, s2;
	s6 =	simm.s32 $0x108;
	_ =	swait.ge @!p0 [sflag:s8], $0x0  }
0x24: {  	s3 =	sadd.s32 $0x88, s3;
	s6 =	simm.s32 @!p1 $0x1082;
	[sflag:s4] =	ssyncset.s32 $0xFFFFF086  }
0x25: {  	[simem:s6], [sflag:s4] =	dma.local [hbm:s3], $0xF7A  }
0x26: {  	[smem:$0x3F8E] =	sst s1;
	(tag) =	ssettag s2;
	_ =	strace s9  }
0x27: {  	s1 =	sld [smem:$0x3F9E]  }
0x28: {  	s2 =	sld [smem:$0x3F9F]  }
0x29: {  	s4 =	sld [smem:$0x3FA1]  }
0x2a: {  	p0 =	seq.s32 s5, $0x0;
	s5 =	sld [smem:$0x3FA2]  }
0x2b: {  	s6 =	sld [smem:$0x3FA3]  }
0x2c: {  	s7 =	sld [smem:$0x3FA4]  }
0x2d: {  	s3 =	simm.s32 $0x108;
	s8 =	sld [smem:$0x3FA5]  }
0x2e: {  	s3 =	simm.s32 @!p0 $0x1082;
	s9 =	sld [smem:$0x3FA6]  }
0x2f: {  	lr =	sadd.s32 s0, s3;
	s0 =	sld [smem:$0x3F9D]  }
0x30: {  	s3 =	sld [smem:$0x3FA0]  }
0x31: {  	[smem:$0x3FA9] =	sst s10  }
0x32: {  	s10 =	sld [smem:$0x3FA7];
	_ =	sdelay $0x3  }
0x33: {  	p0 =	seq.s32 s10, $0x1;
	s10 =	sld [smem:$0x3FA9];
	_ =	sdelay $0x3  }
0x34: {  	[smem:$0x3FA9] =	sst s10  }
0x35: {  	s10 =	sld [smem:$0x3FA8];
	_ =	sdelay $0x3  }
0x36: {  	p1 =	seq.s32 s10, $0x1;
	s10 =	sld [smem:$0x3FA9];
	_ =	sdelay $0x3  }
0x37: {  	[smem:$0x3FA9] =	sst s10  }
0x38: {  	s10 =	sld [smem:$0x3FAA]  }
0x39: {  	_ = 	snop;
	(pc) =	sbr.ind lr, $3  }
0x3a: {  	_ = 	snop  }
0x3b: {  	_ = 	snop  }
0x3c: {  	p2 =	seq.s32 s10, $0x1;
	s10 =	sld [smem:$0x3FA9]  }
0x3d: {  	_ =	shalt  }
0x3e: {  	_ =	shalt  }
0x3f: {  	_ =	shalt  }
0x40: {  	_ =	shalt  }
0x41: {  	_ =	shalt  }
0x42: {  	_ =	shalt  }
0x43: {  	_ =	shalt  }
0x44: {  	_ =	shalt  }
0x45: {  	_ =	shalt  }
0x46: {  	_ =	shalt  }
0x47: {  	_ =	shalt  }
0x48: {  	_ =	shalt  }
0x49: {  	_ =	shalt  }
0x4a: {  	_ =	shalt  }
0x4b: {  	_ =	shalt  }
0x4c: {  	_ =	shalt  }
0x4d: {  	_ =	shalt  }
0x4e: {  	_ =	shalt  }
0x4f: {  	_ =	shalt  }
0x50: {  	_ =	shalt  }
0x51: {  	_ =	shalt  }
0x52: {  	_ =	shalt  }
0x53: {  	_ =	shalt  }
0x54: {  	_ =	shalt  }
0x55: {  	_ =	shalt  }
0x56: {  	_ =	shalt  }
0x57: {  	_ =	shalt  }
0x58: {  	_ =	shalt  }
0x59: {  	_ =	shalt  }
0x5a: {  	_ =	shalt  }
0x5b: {  	_ =	shalt  }
0x5c: {  	_ =	shalt  }
0x5d: {  	_ =	shalt  }
0x5e: {  	_ =	shalt  }
0x5f: {  	_ =	shalt  }
0x60: {  	_ =	shalt  }
0x61: {  	_ =	shalt  }
0x62: {  	_ =	shalt  }
0x63: {  	_ =	shalt  }
0x64: {  	_ =	shalt  }
0x65: {  	_ =	shalt  }
0x66: {  	_ =	shalt  }
0x67: {  	_ =	shalt  }
0x68: {  	_ =	shalt  }
0x69: {  	_ =	shalt  }
0x6a: {  	_ =	shalt  }
0x6b: {  	_ =	shalt  }
0x6c: {  	_ =	shalt  }
0x6d: {  	_ =	shalt  }
0x6e: {  	_ =	shalt  }
0x6f: {  	_ =	shalt  }
0x70: {  	_ =	shalt  }
0x71: {  	_ =	shalt  }
0x72: {  	_ =	shalt  }
0x73: {  	_ =	shalt  }
0x74: {  	_ =	shalt  }
0x75: {  	_ =	shalt  }
0x76: {  	_ =	shalt  }
0x77: {  	_ =	shalt  }
0x78: {  	_ =	shalt  }
0x79: {  	_ =	shalt  }
0x7a: {  	_ =	shalt  }
0x7b: {  	_ =	shalt  }
0x7c: {  	_ =	shalt  }
0x7d: {  	_ =	shalt  }
0x7e: {  	_ =	shalt  }
0x7f: {  	_ =	shalt  }
0x80: {  	_ =	shalt  }
0x81: {  	_ =	shalt  }
0x82: {  	_ =	shalt  }
0x83: {  	_ =	shalt  }
0x84: {  	_ =	shalt  }
0x85: {  	_ =	shalt  }
0x86: {  	_ =	shalt  }
0x87: {  	_ =	shalt  }
.Lfunc_end0:
.L_simem_size_0:
called_computation.2_lowered:
.L_overlay_start_0:
0x88: {  	s2 =	sld [smem:$0x3FD9]  }
0x89: {  	s3 =	sld [smem:$0x3FFE];
	_ =	sdelay $0x1  }
0x8a: {  	s1 =	srdreg.scid  }
0x8b: {  	s0 =	sand.u32 $0x1, s1  }
0x8c: {  	s16 =	sshll.u32 s0, $0xA;
	s2 =	sadd.s32 s3, s2  }
0x8d: {  	s2 =	sadd.s32 s2, s16  }
0x8e: {  	[smem:$0x3FB5] =	sst s2  }
0x8f: {  	_ = 	snop  }
0x90: {  	(tm) =	ssettm $0x1  }
0x91: {  	s17 =	sld [smem:$0x3FFB];
	_ =	sdelay $0x3  }
0x92: {  	_ =	strace s17  }
0x93: {  	s2 =	sld [smem:$0x3FFC];
	_ =	sdelay $0x3  }
0x94: {  	_ =	strace s2  }
0x95: {  	s2 =	sld [smem:$0x3FFD];
	_ =	sdelay $0x3  }
0x96: {  	_ =	strace s2  }
0x97: {  	_ =	strace $0x8FFFFFFF  }
0x98: {  	s18 =	sld [smem:$0x3FDB];
	_ =	sdelay $0x1  }
0x99: {  	s19 =	simm.s32 $_scs_section_size  }
0x9a: {  	s4 =	simm.s32 $_size__tile_overlayer_lowered;
	s5 =	simm.s32 $_tile_overlayer_lowered  }
0x9b: {  	s22 =	simm.s32 $0x1BFF;
	s21 =	sshll.u32 s5, $0x1;
	s2 =	sadd.s32 s19, s18  }
0x9c: {  	s6 =	simm.s32 $0x0;
	s20 =	sshll.u32 s4, $0x1;
	s4 =	sadd.s32 s21, s2  }
0x9d: {  	[timem:s6], [sflag:s22] =	dma.local [hbm:s4], s20  }
0x9e: {  	_ =	swait.ge [sflag:s22], s20  }
0x9f: {  	s3 =	ssub.s32 $0x0, s20;
	[sflag:s22] =	ssyncset.done $0x0  }
0xa0: {  	[sflag:s22] =	ssyncadd.s32 s3;
	_ =	sdelay $0x1  }
0xa1: {  	s23 =	simm.s32 $0x1B8B  }
0xa2: {  	_ =	swait.ge [sflag:s23], $0x1  }
0xa3: {  	[sflag:s23] =	ssyncset.done $0x0  }
0xa4: {  	s25 =	simm.s32 $0x1B8E;
	s24 =	sld [smem:$0x3FFE];
	[sflag:s23] =	ssyncadd.s32 $0xFFFFFFFF  }
0xa5: {  	s26 =	simm.s32 $execute0_lowered;
	[smem:$0x3FD2] =	sst s25  }
0xa6: {  	s4 =	sshll.u32 s26, $0x1;
	_ =	strace $0x8000004C;
	[dreg:$0x1] =	wrdreg $0xFFFFFFFF  }
0xa7: {  	s28 =	simm.s32 $_size_execute0_lowered;
	s2 =	sadd.s32 s2, s4;
	[dreg:$0x0] =	wrdreg $0x0  }
0xa8: {  	s4 =	sshll.u32 s28, $0x1;
	[dreg:$0x2] =	wrdreg s2  }
0xa9: {  	[dreg:$0x3] =	wrdreg s4  }
0xaa: {  	[dreg:$0x4] =	wrdreg $0xC0  }
0xab: {  	_ =	task [dreg:s6], $0x5FFFF  }
0xac: {  	[dreg:$0x1] =	wrdreg $0xFFFFFFFF  }
0xad: {  	[dreg:$0x0] =	wrdreg $0x60  }
0xae: {  	[dreg:$0x2] =	wrdreg s24  }
0xaf: {  	[dreg:$0x3] =	wrdreg $0x0  }
0xb0: {  	[dreg:$0x4] =	wrdreg $0x9  }
0xb1: {  	_ =	task.clear_ibuf [dreg:s6], $0x5FFFF;
	_ =	strace $0x9000004C  }
0xb2: {  	s29 =	simm.s32 $0x9;
	_ =	strace $0x8000004E  }
0xb3: {  	_ =	swait.ge [sflag:s29], $0x1  }
0xb4: {  	[sflag:s29] =	ssyncadd.s32 $0xFFFFFFFF  }
0xb5: {  	_ =	strace $0x9000004E  }
0xb6: {  	_ =	sfence  }
0xb7: {  	s30 =	sld [smem:$0x0];
	_ =	sdelay $0x2  }
0xb8: {  	s31 =	sshll.u32 s1, $0xD;
	s1 =	sshrl.u32 s1, $0x2  }
0xb9: {  	s3 =	sand.u32 $0x4000, s31;
	s1 =	sadd.s32 s1, s30  }
0xba: {  	s0 =	sor.u32 s3, s0;
	s1 =	sshll.u32 s1, $0x11  }
0xbb: {  	s0 =	sor.u32 s1, s0  }
0xbc: {  	s0 =	sadd.s32 $0x8F2B, s0  }
0xbd: {  	[sflag:s0] =	ssyncadd.remote.s32 $0x1  }
0xbe: {  	_ =	sfence.sel $0xFFFF  }
0xbf: {  	[dreg:$0x0] =	wrdreg $0xFFFFFFFF;
	(pc) =	sbr.abs _section_cstart, $3  }
0xc0: {  	[dreg:$0x1] =	wrdreg $0xFFFFFFFF  }
0xc1: {  	_ =	task.clear_ibuf [dreg:s6], $0x2FFFF;
	_ =	strace $0x9FFFFFFF  }
0xc2: {  	(tm) =	ssettm $0x7FFFFFFF  }
0xc3: {  	_ =	shalt  }
tec
execute0_lowered:
.L_overlay_start_1:
0x0: {  	(tag) =	ssettag $0x1  }
0x1: {  	s0 =	rddreg [dreg:$0x0]  }
0x2: {  	s1 =	rddreg [dreg:$0x1];
	s3 =	simm.s32 $0x0;
	s14 =	stileid.u32  }
0x3: {  	s2 =	srdreg.scid;
	s29 =	simm.s32 $0x4;
	s6 =	smul.u32 $0xC35, s14  }
0x4: {  	s31 =	simm.s32 $0x1;
	[smem:$0x7FF] =	sst s3;
	s9 =	smul.u32 $0x61A80, s14  }
0x5: {  	s2 =	sand.u32 $0x1, s2;
	s5 =	sadd.s32 $0x35400, s0;
	s24 =	smul.u32 $0x186A, s14  }
0x6: {  	s7 =	sadd.s32 $0x1CC00, s0;
	s21 =	sshll.u32 s14, $0x6;
	s14 =	smul.u32 $0xC350, s14  }
0x7: {  	s10 =	sadd.s32 $0x4400, s0;
	s0 =	sadd.s32 $0x99400, s0;
	s4 =	smul.u32 $0xC800, s2  }
0x8: {  	_ =	strace $0x8000004D;
	s8 =	ssub.s32 $0x2, s2;
	s20 =	sshrl.u32 s9, $0x2  }
0x9: {  	s2 =	smul.u32 $0x32000, s2;
	s6 =	sadd.s32 s6, s4;
	s4 =	sadd.s32 s20, s1  }
0xa: {  	s11 =	sshrl.u32 s8, $0x1;
	s14 =	sshrl.u32 s14, $0x3;
	s12 =	sadd.s32 $0x4E20, s4  }
0xb: {  	s18 =	sadd.s32 s10, s24;
	s13 =	sadd.s32 $0x9C40, s4;
	[dreg:$0x4] =	wrdreg s12  }
0xc: {  	s17 =	sadd.s32 $0x32, s14;
	s26 =	sadd.s32 $0xEA60, s4;
	[dreg:$0x6] =	wrdreg s13  }
0xd: {  	s9 =	sshll.u32 s6, $0x2;
	s19 =	sadd.s32 s10, s17;
	[dreg:$0x8] =	wrdreg s26  }
0xe: {  	s8 =	ssub.s32 s8, s11;
	s22 =	sadd.s32 s5, s9;
	[dreg:$0xb] =	wrdreg s19  }
0xf: {  	s11 =	sadd.s32 $0x9C4, s9;
	s26 =	sadd.s32 $0x13880, s4;
	[dreg:$0x3] =	wrdreg s22  }
0x10: {  	s25 =	sadd.s32 $0x1388, s9;
	s23 =	sadd.s32 s5, s11;
	[dreg:$0x12] =	wrdreg s26  }
0x11: {  	s28 =	sadd.s32 $0x1D4C, s9;
	s15 =	sadd.s32 s5, s25;
	[dreg:$0x5] =	wrdreg s23  }
0x12: {  	s20 =	sadd.s32 $0x2710, s9;
	s16 =	sadd.s32 s5, s28;
	[dreg:$0x7] =	wrdreg s15  }
0x13: {  	s6 =	sor.u32 $0x1C04, s21;
	s21 =	sadd.s32 s5, s20;
	[dreg:$0x9] =	wrdreg s16  }
0x14: {  	s30 =	smov.u32 s18;
	s22 =	sadd.s32 s0, s9;
	[dreg:$0xc] =	wrdreg s21  }
0x15: {  	s16 =	sadd.s32 s7, s24;
	s7 =	sadd.s32 s7, s17;
	[dreg:$0xd] =	wrdreg s22  }
0x16: {  	s17 =	sadd.s32 s5, s2;
	s23 =	sadd.s32 s0, s11;
	[dreg:$0xa] =	wrdreg s7  }
0x17: {  	s24 =	sadd.s32 s0, s25;
	s25 =	sadd.s32 s0, s28;
	[dreg:$0xe] =	wrdreg s23  }
.Ltmp0:
0x18: {  	s0 =	sadd.s32 s0, s20;
	[dreg:$0xf] =	wrdreg s24;
	(pc) =	sbr.rel .LBB2_1-.Ltmp0, $4  }
0x19: {  	s28 =	smax.u32 s8, $0x1;
	s15 =	sadd.s32 $0x64, s18;
	[dreg:$0x10] =	wrdreg s25  }
0x1a: {  	s2 =	simm.s32 $0x50;
	s5 =	simm.s32 $0x2;
	[dreg:$0x11] =	wrdreg s0  }
0x1b: {  	s24 =	smov.u32 s4;
	[dreg:$0x13] =	wrdreg s28;
	s25 =	smov.u32 s16  }
0x1c: {  	s16 =	sadd.s32 $0x64, s16;
	s0 =	simm.s32 $0x3;
	s7 =	simm.s32 $0x0  }
.LBB2_5:
0x1d: {  	_ =	swait.ge [sflag:s5], $0xA00  }
0x1e: {  	[sflag:s5] =	ssyncset.done $0x0  }
0x1f: {  	[sflag:s5] =	ssyncadd.s32 $0xFFFFF600  }
0x20: {  	_ =	swait.ge [sflag:s5], $0xA00  }
0x21: {  	[sflag:s5] =	ssyncset.done $0x0  }
0x22: {  	[sflag:s5] =	ssyncadd.s32 $0xFFFFF600  }
0x23: {  	_ =	swait.ge [sflag:s5], $0xA00  }
0x24: {  	[sflag:s5] =	ssyncset.done $0x0  }
0x25: {  	[sflag:s5] =	ssyncadd.s32 $0xFFFFF600  }
0x26: {  	_ =	swait.ge [sflag:s5], $0xA00  }
0x27: {  	[sflag:s5] =	ssyncset.done $0x0  }
0x28: {  	[sflag:s5] =	ssyncadd.s32 $0xFFFFF600  }
0x29: {  	_ =	swait.ge [sflag:s5], $0xA00  }
0x2a: {  	[sflag:s5] =	ssyncset.done $0x0  }
0x2b: {  	[sflag:s5] =	ssyncadd.s32 $0xFFFFF600  }
0x2c: {  	[bflag:$0x0] =	sbarrier.arrive $0xFFFF  }
0x2d: {  	s4 =	rddreg [dreg:$0xd]  }
0x2e: {  	[hbm:s4], [sflag:s6] =	dma.local [spmem:s8], $0x9C4  }
0x2f: {  	_ =	swait.ge [sflag:s29], $0x9C4  }
0x30: {  	[sflag:s29] =	ssyncset.done $0x0  }
0x31: {  	s21 =	rddreg [dreg:$0xe];
	[sflag:s29] =	ssyncadd.s32 $0xFFFFF63C  }
0x32: {  	[hbm:s21], [sflag:s6] =	dma.local [spmem:s9], $0x9C4  }
0x33: {  	_ =	swait.ge [sflag:s29], $0x9C4  }
0x34: {  	[sflag:s29] =	ssyncset.done $0x0  }
0x35: {  	s22 =	rddreg [dreg:$0xf];
	[sflag:s29] =	ssyncadd.s32 $0xFFFFF63C  }
0x36: {  	[hbm:s22], [sflag:s6] =	dma.local [spmem:s10], $0x9C4  }
0x37: {  	_ =	swait.ge [sflag:s29], $0x9C4  }
0x38: {  	[sflag:s29] =	ssyncset.done $0x0  }
0x39: {  	s23 =	rddreg [dreg:$0x10];
	[sflag:s29] =	ssyncadd.s32 $0xFFFFF63C  }
0x3a: {  	[hbm:s23], [sflag:s6] =	dma.local [spmem:s11], $0x9C4  }
0x3b: {  	_ =	swait.ge [sflag:s29], $0x9C4  }
0x3c: {  	[sflag:s29] =	ssyncset.done $0x0  }
0x3d: {  	s26 =	rddreg [dreg:$0x11];
	[sflag:s29] =	ssyncadd.s32 $0xFFFFF63C  }
0x3e: {  	[hbm:s26], [sflag:s6] =	dma.local [spmem:s12], $0x9C4  }
0x3f: {  	_ =	swait.ge [sflag:s29], $0x9C4  }
0x40: {  	s7 =	sadd.s32 $0x1, s7;
	s28 =	rddreg [dreg:$0x13]  }
0x41: {  	p0 =	sne.s32 s7, s28  }
.Ltmp1:
0x42: {  	_ = 	snop;
	(pc) =	sbr.rel @!p0 .LBB2_6-.Ltmp1, $3  }
0x43: {  	_ =	sdelay $0x1  }
0x44: {  	[sflag:s29] =	ssyncset.done $0x0  }
0x45: {  	[sflag:s29] =	ssyncadd.s32 $0xFFFFF63C  }
.LBB2_1:
0x46: {  	s8 =	sshrl.u32 s24, $0x3;
	s4 =	rddreg [dreg:$0x3]  }
0x47: {  	[spmem:s8], [sflag:s6] =	dma.local [hbm:s4], $0x9C4  }
0x48: {  	_ =	swait.ge [sflag:s29], $0x9C4  }
0x49: {  	[sflag:s29] =	ssyncset.done $0x0;
	s23 =	rddreg [dreg:$0x4]  }
0x4a: {  	s26 =	rddreg [dreg:$0x5];
	[sflag:s29] =	ssyncadd.s32 $0xFFFFF63C;
	s9 =	sshrl.u32 s23, $0x3  }
0x4b: {  	[spmem:s9], [sflag:s6] =	dma.local [hbm:s26], $0x9C4  }
0x4c: {  	_ =	swait.ge [sflag:s29], $0x9C4  }
0x4d: {  	[sflag:s29] =	ssyncset.done $0x0;
	s10 =	rddreg [dreg:$0x6]  }
0x4e: {  	s11 =	rddreg [dreg:$0x7];
	[sflag:s29] =	ssyncadd.s32 $0xFFFFF63C;
	s10 =	sshrl.u32 s10, $0x3  }
0x4f: {  	[spmem:s10], [sflag:s6] =	dma.local [hbm:s11], $0x9C4  }
0x50: {  	_ =	swait.ge [sflag:s29], $0x9C4  }
0x51: {  	[sflag:s29] =	ssyncset.done $0x0;
	s12 =	rddreg [dreg:$0x8]  }
0x52: {  	s13 =	rddreg [dreg:$0x9];
	[sflag:s29] =	ssyncadd.s32 $0xFFFFF63C;
	s11 =	sshrl.u32 s12, $0x3  }
0x53: {  	[spmem:s11], [sflag:s6] =	dma.local [hbm:s13], $0x9C4  }
0x54: {  	_ =	swait.ge [sflag:s29], $0x9C4  }
0x55: {  	[sflag:s29] =	ssyncset.done $0x0;
	s14 =	rddreg [dreg:$0x12]  }
0x56: {  	s18 =	rddreg [dreg:$0xc];
	[sflag:s29] =	ssyncadd.s32 $0xFFFFF63C;
	s12 =	sshrl.u32 s14, $0x3  }
0x57: {  	[spmem:s12], [sflag:s6] =	dma.local [hbm:s18], $0x9C4  }
0x58: {  	_ =	swait.ge [sflag:s29], $0x9C4  }
0x59: {  	[sflag:s29] =	ssyncset.done $0x0  }
0x5a: {  	[sflag:s29] =	ssyncadd.s32 $0xFFFFF63C  }
0x5b: {  	s19 =	simm.s32 $0x186A0;
	[bflag:$0x0] =	sbarrier.arrive $0xFFFF  }
0x5c: {  	[tilespmem:s19], [sflag:$0x3] =	stream.linear.gather [hbm4b:s25+s3], $0x190, $0x38;
	[tilespmem:$0x1F400] =	vst v63  }
0x5d: {  	s13 =	simm.s32 $0x18B50  }
0x5e: {  	[tilespmem:s13], [sflag:$0x3] =	stream.linear.gather [hbm4b:s30+s3], $0x190, $0x38;
	[tilespmem:$0x1F400] =	vst v63  }
0x5f: {  	_ =	swait.ge [sflag:s0], $0x190  }
0x60: {  	[sflag:s0] =	ssyncset.done $0x0  }
0x61: {  	[sflag:s0] =	ssyncadd.s32 $0xFFFFFE70  }
0x62: {  	_ =	swait.ge [sflag:s0], $0x190  }
0x63: {  	[sflag:s0] =	ssyncset.done $0x0  }
0x64: {  	s20 =	simm.s32 $0x19000;
	[sflag:s0] =	ssyncadd.s32 $0xFFFFFE70  }
0x65: {  	[tilespmem:s20], [sflag:$0x1] =	stream.indirect.gather [hbm4b:s17+s2], $0x20, s19, s2, $0xb8;
	[tilespmem:$0x1F400] =	vst v63  }
0x66: {  	s21 =	simm.s32 $0x186F0;
	s22 =	simm.s32 $0x19A00  }
0x67: {  	[tilespmem:s22], [sflag:$0x1] =	stream.indirect.gather [hbm4b:s17+s2], $0x20, s21, s2, $0xb8;
	[tilespmem:$0x1F400] =	vst v63  }
0x68: {  	s23 =	simm.s32 $0x18740;
	s26 =	simm.s32 $0x1A400  }
0x69: {  	[tilespmem:s26], [sflag:$0x1] =	stream.indirect.gather [hbm4b:s17+s2], $0x20, s23, s2, $0xb8;
	[tilespmem:$0x1F400] =	vst v63  }
0x6a: {  	s14 =	simm.s32 $0x18790;
	s18 =	simm.s32 $0x1AE00  }
0x6b: {  	[tilespmem:s18], [sflag:$0x1] =	stream.indirect.gather [hbm4b:s17+s2], $0x20, s14, s2, $0xb8;
	[tilespmem:$0x1F400] =	vst v63  }
0x6c: {  	s19 =	simm.s32 $0x187E0;
	s20 =	simm.s32 $0x1B800  }
0x6d: {  	[tilespmem:s20], [sflag:$0x1] =	stream.indirect.gather [hbm4b:s17+s2], $0x20, s19, s2, $0xb8;
	[tilespmem:$0x1F400] =	vst v63  }
.Ltmp2:
0x6e: {  	s21 =	rddreg [dreg:$0xa];
	s22 =	simm.s32 $0x18830;
	(pc) =	sbr.rel .LBB2_2-.Ltmp2, $4  }
0x6f: {  	[tilespmem:s22], [sflag:$0x3] =	stream.linear.gather [hbm4b:s21+s3], $0x190, $0x38;
	[tilespmem:$0x1F400] =	vst v63  }
0x70: {  	s23 =	rddreg [dreg:$0xb];
	s26 =	simm.s32 $0x18CE0  }
0x71: {  	[tilespmem:s26], [sflag:$0x3] =	stream.linear.gather [hbm4b:s23+s3], $0x190, $0x38;
	[tilespmem:$0x1F400] =	vst v63  }
0x72: {  	s28 =	smov.u32 s15;
	s13 =	simm.s32 $0x0;
	s26 =	smov.u32 s16  }
.LBB2_4:
0x73: {  	s4 =	sshrl.u32 s19, $0x9  }
0x74: {  	s4 =	sand.u32 $0x7F, s4  }
0x75: {  	s4 =	smul.u32 $0x3, s4;
	_ =	sdelay $0x1  }
0x76: {  	s4 =	ssub.s32 s13, s4  }
0x77: {  	s19 =	smul.u32 $0xC800, s14;
	s4 =	sand.u32 $0xFF, s4  }
0x78: {  	s4 =	smul.u32 $0x640, s4  }
0x79: {  	_ =	swait.ge [sflag:s31], $0xA00  }
0x7a: {  	[sflag:s31] =	ssyncset.done $0x0;
	s13 =	sshrl.u32 s19, $0x2;
	s4 =	sshrl.u32 s4, $0x2  }
0x7b: {  	[sflag:s31] =	ssyncadd.s32 $0xFFFFF600;
	s20 =	sadd.s32 $0x19000, s13;
	s21 =	sadd.s32 $0x18B50, s4  }
0x7c: {  	[spmem:s1] =	stream.indirect.scatter.add.f32 [tilespmem:s20], [sflag:$0x2], $0x20, s21, s2, $0xb8;
	[tilespmem:$0x1F400] =	vst v63  }
0x7d: {  	_ =	swait.ge [sflag:s31], $0xA00  }
0x7e: {  	[sflag:s31] =	ssyncset.done $0x0  }
0x7f: {  	s22 =	sadd.s32 $0x19A00, s13;
	s23 =	sadd.s32 $0x18BA0, s4;
	[sflag:s31] =	ssyncadd.s32 $0xFFFFF600  }
0x80: {  	[spmem:s1] =	stream.indirect.scatter.add.f32 [tilespmem:s22], [sflag:$0x2], $0x20, s23, s2, $0xb8;
	[tilespmem:$0x1F400] =	vst v63  }
0x81: {  	_ =	swait.ge [sflag:s31], $0xA00  }
0x82: {  	[sflag:s31] =	ssyncset.done $0x0  }
0x83: {  	s20 =	sadd.s32 $0x1A400, s13;
	s21 =	sadd.s32 $0x18BF0, s4;
	[sflag:s31] =	ssyncadd.s32 $0xFFFFF600  }
0x84: {  	[spmem:s1] =	stream.indirect.scatter.add.f32 [tilespmem:s20], [sflag:$0x2], $0x20, s21, s2, $0xb8;
	[tilespmem:$0x1F400] =	vst v63  }
0x85: {  	_ =	swait.ge [sflag:s31], $0xA00  }
0x86: {  	p0 =	sne.s32 s18, $0x7D;
	[sflag:s31] =	ssyncset.done $0x0  }
0x87: {  	s22 =	sadd.s32 $0x1AE00, s13;
	s23 =	sadd.s32 $0x18C40, s4;
	[sflag:s31] =	ssyncadd.s32 $0xFFFFF600  }
0x88: {  	[spmem:s1] =	stream.indirect.scatter.add.f32 [tilespmem:s22], [sflag:$0x2], $0x20, s23, s2, $0xb8;
	[tilespmem:$0x1F400] =	vst v63  }
.Ltmp3:
0x89: {  	_ =	swait.ge [sflag:s31], $0xA00;
	(pc) =	sbr.rel @!p0 .LBB2_5-.Ltmp3, $4  }
0x8a: {  	[sflag:s31] =	ssyncset.done $0x0  }
0x8b: {  	s13 =	sadd.s32 $0x1B800, s13;
	s4 =	sadd.s32 $0x18C90, s4;
	[sflag:s31] =	ssyncadd.s32 $0xFFFFF600  }
0x8c: {  	[spmem:s1] =	stream.indirect.scatter.add.f32 [tilespmem:s13], [sflag:$0x2], $0x20, s4, s2, $0xb8;
	[tilespmem:$0x1F400] =	vst v63  }
0x8d: {  	s26 =	sadd.s32 $0x32, s26;
	s28 =	sadd.s32 $0x32, s28;
	s13 =	smov.u32 s18  }
.LBB2_2:
0x8e: {  	p0 =	seq.s32 s13, $0x0  }
0x8f: {  	s20 =	simm.s32 @!p0 $0x2  }
0x90: {  	_ =	swait.ge @!p0 [sflag:s20], $0xA00  }
0x91: {  	[sflag:s20] =	ssyncset.done @!p0 $0x0  }
0x92: {  	[sflag:s20] =	ssyncadd.s32 @!p0 $0xFFFFF600  }
0x93: {  	_ =	swait.ge @!p0 [sflag:s20], $0xA00  }
0x94: {  	[sflag:s20] =	ssyncset.done @!p0 $0x0  }
0x95: {  	[sflag:s20] =	ssyncadd.s32 @!p0 $0xFFFFF600  }
0x96: {  	_ =	swait.ge @!p0 [sflag:s20], $0xA00  }
0x97: {  	[sflag:s20] =	ssyncset.done @!p0 $0x0  }
0x98: {  	p1 =	seq.s32 @!p0 s13, $0x7C;
	[sflag:s20] =	ssyncadd.s32 @!p0 $0xFFFFF600  }
0x99: {  	p1 =	por p0, !p1;
	_ =	swait.ge @!p0 [sflag:s20], $0xA00  }
.Ltmp4:
0x9a: {  	[sflag:s20] =	ssyncset.done @!p0 $0x0;
	(pc) =	sbr.rel @!p1 .LBB2_4-.Ltmp4, $4  }
0x9b: {  	[sflag:s20] =	ssyncadd.s32 @!p0 $0xFFFFF600  }
0x9c: {  	_ =	swait.ge @!p0 [sflag:s20], $0xA00  }
0x9d: {  	s19 =	smul.u32 $0xAB, s13;
	[sflag:s20] =	ssyncset.done @!p0 $0x0  }
0x9e: {  	s14 =	sand.u32 $0x1, s13;
	s18 =	sadd.s32 $0x1, s13;
	[sflag:s20] =	ssyncadd.s32 @!p0 $0xFFFFF600  }
0x9f: {  	s20 =	sadd.s32 $0xAB, s19  }
0xa0: {  	s20 =	sshrl.u32 s20, $0x9  }
0xa1: {  	s20 =	sand.u32 $0x7F, s20  }
0xa2: {  	s20 =	smul.u32 $0x3, s20  }
0xa3: {  	_ =	swait.ge [sflag:s0], $0x190  }
0xa4: {  	s21 =	sxor.u32 $0x1, s14;
	s22 =	sadd.s32 $0x156, s19;
	s20 =	ssub.s32 s18, s20  }
0xa5: {  	[sflag:s0] =	ssyncset.done $0x0;
	s21 =	smul.u32 $0xC800, s21;
	s20 =	sand.u32 $0xFF, s20  }
0xa6: {  	s22 =	sshrl.u32 s22, $0x9;
	[sflag:s0] =	ssyncadd.s32 $0xFFFFFE70;
	s20 =	smul.u32 $0x640, s20  }
0xa7: {  	s22 =	sand.u32 $0x7F, s22;
	_ =	swait.ge [sflag:s0], $0x190  }
0xa8: {  	s21 =	sshrl.u32 s21, $0x2;
	[sflag:s0] =	ssyncset.done $0x0;
	s20 =	sshrl.u32 s20, $0x2  }
0xa9: {  	s23 =	sadd.s32 $0x19000, s21;
	[sflag:s0] =	ssyncadd.s32 $0xFFFFFE70;
	s4 =	sadd.s32 $0x186A0, s20  }
0xaa: {  	[tilespmem:s23], [sflag:$0x1] =	stream.indirect.gather [hbm4b:s17+s2], $0x20, s4, s2, $0xb8;
	[tilespmem:$0x1F400] =	vst v63  }
0xab: {  	s4 =	smul.u32 $0x3, s22;
	s22 =	sadd.s32 $0x19A00, s21;
	s23 =	sadd.s32 $0x186F0, s20  }
0xac: {  	[tilespmem:s22], [sflag:$0x1] =	stream.indirect.gather [hbm4b:s17+s2], $0x20, s23, s2, $0xb8;
	[tilespmem:$0x1F400] =	vst v63  }
0xad: {  	p0 =	sgt.u32 s13, $0x7A;
	s4 =	ssub.s32 s13, s4  }
0xae: {  	s22 =	sadd.s32 $0x1A400, s21;
	s23 =	sadd.s32 $0x18740, s20;
	s4 =	sadd.s32 $0x2, s4  }
0xaf: {  	[tilespmem:s22], [sflag:$0x1] =	stream.indirect.gather [hbm4b:s17+s2], $0x20, s23, s2, $0xb8;
	[tilespmem:$0x1F400] =	vst v63  }
0xb0: {  	s22 =	sadd.s32 $0x1AE00, s21;
	s23 =	sadd.s32 $0x18790, s20;
	s4 =	sand.u32 $0xFF, s4  }
0xb1: {  	[tilespmem:s22], [sflag:$0x1] =	stream.indirect.gather [hbm4b:s17+s2], $0x20, s23, s2, $0xb8;
	[tilespmem:$0x1F400] =	vst v63  }
0xb2: {  	s21 =	sadd.s32 $0x1B800, s21;
	s20 =	sadd.s32 $0x187E0, s20;
	s4 =	smul.u32 @!p0 $0x190, s4  }
0xb3: {  	[tilespmem:s21], [sflag:$0x1] =	stream.indirect.gather [hbm4b:s17+s2], $0x20, s20, s2, $0xb8;
	[tilespmem:$0x1F400] =	vst v63  }
.Ltmp5:
0xb4: {  	_ = 	snop;
	(pc) =	sbr.rel .LBB2_4-.Ltmp5, $4  }
0xb5: {  	s20 =	sadd.s32 @!p0 $0x186A0, s4;
	s21 =	simm.s32 @!p0 $0x0  }
0xb6: {  	[tilespmem:s20], [sflag:$0x3] =	stream.linear.gather @!p0 [hbm4b:s26+s21], $0x190, $0x38;
	[tilespmem:$0x1F400] =	vst v63  }
0xb7: {  	s4 =	sadd.s32 @!p0 $0x18B50, s4  }
0xb8: {  	[tilespmem:s4], [sflag:$0x3] =	stream.linear.gather @!p0 [hbm4b:s28+s21], $0x190, $0x38;
	[tilespmem:$0x1F400] =	vst v63  }
.LBB2_6:
0xb9: {  	_ =	sfence.sel $0x180000  }
0xba: {  	[bflag:$0x0] =	sbarrier.arrive $0xFFFF  }
0xbb: {  	_ =	strace $0x9000004D  }
0xbc: {  	s0 =	stileid.u32;
	[bflag:$0x2] =	sbarrier.arrive $0xFFFF  }
0xbd: {  	p0 =	sne.s32 s0, $0x0;
	s0 =	rddreg [dreg:$0x2]  }
0xbe: {  	s0 =	sadd.s32 @!p0 $0x100000, s0  }
0xbf: {  	[sflag:s0] =	ssyncadd.tile.s32 @!p0 $0x1;
	_ =	shalt  }
.Lfunc_end2:
_tile_overlayer_lowered:
.L_overlay_start_2:
0xc0: {  	(tag) =	ssettag $0x2  }
0xc1: {  	s0 =	rddreg [dreg:$0x0];
	s2 =	stileid.u32  }
0xc2: {  	s1 =	rddreg [dreg:$0x1];
	p0 =	sne.s32 s2, $0x0  }
0xc3: {  	s3 =	rddreg [dreg:$0x2];
	[bflag:$0x3] =	sbarrier.arrive $0xFFFF;
	s2 =	simm.s32 @!p0 $0x1C04  }
0xc4: {  	[timem:s3], [sflag:s2] =	dma.local @!p0 [hbm:s0], s1  }
0xc5: {  	s0 =	simm.s32 @!p0 $0x4  }
0xc6: {  	_ =	swait.ge @!p0 [sflag:s0], s1  }
0xc7: {  	s1 =	ssub.s32 @!p0 $0x0, s1;
	[sflag:s0] =	ssyncset.done @!p0 $0x0  }
0xc8: {  	[sflag:s0] =	ssyncadd.s32 @!p0 s1  }
0xc9: {  	[bflag:$0x3] =	sbarrier.arrive $0xFFFF  }
0xca: {  	_ =	shalt  }

// kernel: kernel.9.cloned.1.call-start
scs
__scs_entry_jumppad:
0x0: {  	(pc) =	sbr.rel $0x88, $3  }
0x1: {  	(tag) =	ssettag $0x0;
	lr =	simm.s32 $0x1  }
0x2: {  	[smem:$0x3F8E] =	sst lr;
	_ =	strace $0xD0000000  }
0x3: {  	_ = 	snop  }
0x4: {  	_ = 	snop  }
0x5: {  	_ = 	snop  }
0x6: {  	_ = 	snop  }
0x7: {  	_ = 	snop  }
__scs_overlays_trampoline_lowered:
0x8: {  	[smem:$0x3F9D] =	sst s0  }
0x9: {  	[smem:$0x3F9E] =	sst s1  }
0xa: {  	[smem:$0x3F9F] =	sst s2  }
0xb: {  	[smem:$0x3FA0] =	sst s3  }
0xc: {  	[smem:$0x3FA1] =	sst s4  }
0xd: {  	[smem:$0x3FA2] =	sst s5  }
0xe: {  	[smem:$0x3FA3] =	sst s6  }
0xf: {  	[smem:$0x3FA4] =	sst s7  }
0x10: {  	[smem:$0x3FA5] =	sst s8  }
0x11: {  	[smem:$0x3FA6] =	sst s9;
	s0 =	simm.s32 @!p0 $0x0  }
0x12: {  	s1 =	sld [smem:$0x3F8C];
	s0 =	simm.s32 @p0 $0x1  }
0x13: {  	[smem:$0x3FA7] =	sst s0;
	s0 =	simm.s32 @!p1 $0x0  }
0x14: {  	s2 =	sld [smem:$0x3F8B];
	s0 =	simm.s32 @p1 $0x1  }
0x15: {  	[smem:$0x3FA8] =	sst s0;
	s0 =	simm.s32 @!p2 $0x0  }
0x16: {  	s3 =	sld [smem:$0x3FDB];
	s0 =	simm.s32 @p2 $0x1  }
0x17: {  	s4 =	simm.s32 $0x1BF5;
	[smem:$0x3FAA] =	sst s0  }
0x18: {  	s0 =	sld [smem:$0x3F8D];
	_ =	swait.ge [sflag:s4], $0x0  }
0x19: {  	s7 =	sld [smem:$0x3F8E]  }
0x1a: {  	s8 =	sadd.s32 $0xFFFFE003, lr  }
0x1b: {  	s9 =	sadd.s32 $0xFFFFFEF7, lr;
	s5 =	simm.s32 $0xFFFFFFFF;
	p2 =	slt.u32 s8, $0xFFFFF086  }
0x1c: {  	p1 =	slt.u32 s9, $0xF7A;
	s5 =	simm.s32 @!p2 $0x0  }
0x1d: {  	s5 =	simm.s32 @p1 $0x1;
	p0 =	seq.s32 s7, s2  }
0x1e: {  	s7 =	smul.u32 @!p0 $0xF7A, s2;
	p2 =	seq.s32 @!p0 s5, $0x0  }
0x1f: {  	s9 =	smul.u32 $0xF7A, s1;
	s8 =	simm.s32 @!p0 $0x1BF5;
	p2 =	por !p2, p0  }
0x20: {  	[sflag:s8] =	ssyncset.s32 @!p0 $0xFFFFF086;
	s6 =	sadd.s32 @!p0 s3, s7;
	s7 =	simm.s32 @!p0 $0x108  }
0x21: {  	s3 =	sadd.s32 s3, s9;
	s6 =	sadd.s32 @!p0 $0x88, s6;
	s7 =	simm.s32 @p2 $0x1082  }
0x22: {  	[simem:s7], [sflag:s8] =	dma.local @!p0 [hbm:s6], $0xF7A  }
0x23: {  	s9 =	sor.u32 $0xD0000000, s2;
	s6 =	simm.s32 $0x108;
	_ =	swait.ge @!p0 [sflag:s8], $0x0  }
0x24: {  	s3 =	sadd.s32 $0x88, s3;
	s6 =	simm.s32 @!p1 $0x1082;
	[sflag:s4] =	ssyncset.s32 $0xFFFFF086  }
0x25: {  	[simem:s6], [sflag:s4] =	dma.local [hbm:s3], $0xF7A  }
0x26: {  	[smem:$0x3F8E] =	sst s1;
	(tag) =	ssettag s2;
	_ =	strace s9  }
0x27: {  	s1 =	sld [smem:$0x3F9E]  }
0x28: {  	s2 =	sld [smem:$0x3F9F]  }
0x29: {  	s4 =	sld [smem:$0x3FA1]  }
0x2a: {  	p0 =	seq.s32 s5, $0x0;
	s5 =	sld [smem:$0x3FA2]  }
0x2b: {  	s6 =	sld [smem:$0x3FA3]  }
0x2c: {  	s7 =	sld [smem:$0x3FA4]  }
0x2d: {  	s3 =	simm.s32 $0x108;
	s8 =	sld [smem:$0x3FA5]  }
0x2e: {  	s3 =	simm.s32 @!p0 $0x1082;
	s9 =	sld [smem:$0x3FA6]  }
0x2f: {  	lr =	sadd.s32 s0, s3;
	s0 =	sld [smem:$0x3F9D]  }
0x30: {  	s3 =	sld [smem:$0x3FA0]  }
0x31: {  	[smem:$0x3FA9] =	sst s10  }
0x32: {  	s10 =	sld [smem:$0x3FA7];
	_ =	sdelay $0x3  }
0x33: {  	p0 =	seq.s32 s10, $0x1;
	s10 =	sld [smem:$0x3FA9];
	_ =	sdelay $0x3  }
0x34: {  	[smem:$0x3FA9] =	sst s10  }
0x35: {  	s10 =	sld [smem:$0x3FA8];
	_ =	sdelay $0x3  }
0x36: {  	p1 =	seq.s32 s10, $0x1;
	s10 =	sld [smem:$0x3FA9];
	_ =	sdelay $0x3  }
0x37: {  	[smem:$0x3FA9] =	sst s10  }
0x38: {  	s10 =	sld [smem:$0x3FAA]  }
0x39: {  	_ = 	snop;
	(pc) =	sbr.ind lr, $3  }
0x3a: {  	_ = 	snop  }
0x3b: {  	_ = 	snop  }
0x3c: {  	p2 =	seq.s32 s10, $0x1;
	s10 =	sld [smem:$0x3FA9]  }
0x3d: {  	_ =	shalt  }
0x3e: {  	_ =	shalt  }
0x3f: {  	_ =	shalt  }
0x40: {  	_ =	shalt  }
0x41: {  	_ =	shalt  }
0x42: {  	_ =	shalt  }
0x43: {  	_ =	shalt  }
0x44: {  	_ =	shalt  }
0x45: {  	_ =	shalt  }
0x46: {  	_ =	shalt  }
0x47: {  	_ =	shalt  }
0x48: {  	_ =	shalt  }
0x49: {  	_ =	shalt  }
0x4a: {  	_ =	shalt  }
0x4b: {  	_ =	shalt  }
0x4c: {  	_ =	shalt  }
0x4d: {  	_ =	shalt  }
0x4e: {  	_ =	shalt  }
0x4f: {  	_ =	shalt  }
0x50: {  	_ =	shalt  }
0x51: {  	_ =	shalt  }
0x52: {  	_ =	shalt  }
0x53: {  	_ =	shalt  }
0x54: {  	_ =	shalt  }
0x55: {  	_ =	shalt  }
0x56: {  	_ =	shalt  }
0x57: {  	_ =	shalt  }
0x58: {  	_ =	shalt  }
0x59: {  	_ =	shalt  }
0x5a: {  	_ =	shalt  }
0x5b: {  	_ =	shalt  }
0x5c: {  	_ =	shalt  }
0x5d: {  	_ =	shalt  }
0x5e: {  	_ =	shalt  }
0x5f: {  	_ =	shalt  }
0x60: {  	_ =	shalt  }
0x61: {  	_ =	shalt  }
0x62: {  	_ =	shalt  }
0x63: {  	_ =	shalt  }
0x64: {  	_ =	shalt  }
0x65: {  	_ =	shalt  }
0x66: {  	_ =	shalt  }
0x67: {  	_ =	shalt  }
0x68: {  	_ =	shalt  }
0x69: {  	_ =	shalt  }
0x6a: {  	_ =	shalt  }
0x6b: {  	_ =	shalt  }
0x6c: {  	_ =	shalt  }
0x6d: {  	_ =	shalt  }
0x6e: {  	_ =	shalt  }
0x6f: {  	_ =	shalt  }
0x70: {  	_ =	shalt  }
0x71: {  	_ =	shalt  }
0x72: {  	_ =	shalt  }
0x73: {  	_ =	shalt  }
0x74: {  	_ =	shalt  }
0x75: {  	_ =	shalt  }
0x76: {  	_ =	shalt  }
0x77: {  	_ =	shalt  }
0x78: {  	_ =	shalt  }
0x79: {  	_ =	shalt  }
0x7a: {  	_ =	shalt  }
0x7b: {  	_ =	shalt  }
0x7c: {  	_ =	shalt  }
0x7d: {  	_ =	shalt  }
0x7e: {  	_ =	shalt  }
0x7f: {  	_ =	shalt  }
0x80: {  	_ =	shalt  }
0x81: {  	_ =	shalt  }
0x82: {  	_ =	shalt  }
0x83: {  	_ =	shalt  }
0x84: {  	_ =	shalt  }
0x85: {  	_ =	shalt  }
0x86: {  	_ =	shalt  }
0x87: {  	_ =	shalt  }
.Lfunc_end0:
.L_simem_size_0:
called_computation_lowered:
.L_overlay_start_0:
0x88: {  	s2 =	sld [smem:$0x3FD9]  }
0x89: {  	s3 =	sld [smem:$0x3FFE];
	_ =	sdelay $0x1  }
0x8a: {  	s1 =	srdreg.scid  }
0x8b: {  	s0 =	sand.u32 $0x1, s1  }
0x8c: {  	s16 =	sshll.u32 s0, $0xA;
	s2 =	sadd.s32 s3, s2  }
0x8d: {  	s2 =	sadd.s32 s2, s16  }
0x8e: {  	[smem:$0x3FB5] =	sst s2  }
0x8f: {  	_ = 	snop  }
0x90: {  	(tm) =	ssettm $0x1  }
0x91: {  	s17 =	sld [smem:$0x3FFB];
	_ =	sdelay $0x3  }
0x92: {  	_ =	strace s17  }
0x93: {  	s2 =	sld [smem:$0x3FFC];
	_ =	sdelay $0x3  }
0x94: {  	_ =	strace s2  }
0x95: {  	s2 =	sld [smem:$0x3FFD];
	_ =	sdelay $0x3  }
0x96: {  	_ =	strace s2  }
0x97: {  	_ =	strace $0x8FFFFFFF  }
0x98: {  	s18 =	sld [smem:$0x3FDB];
	_ =	sdelay $0x1  }
0x99: {  	s19 =	simm.s32 $_scs_section_size  }
0x9a: {  	s4 =	simm.s32 $_size__tile_overlayer_lowered;
	s5 =	simm.s32 $_tile_overlayer_lowered  }
0x9b: {  	s22 =	simm.s32 $0x1BFF;
	s21 =	sshll.u32 s5, $0x1;
	s2 =	sadd.s32 s19, s18  }
0x9c: {  	s6 =	simm.s32 $0x0;
	s20 =	sshll.u32 s4, $0x1;
	s4 =	sadd.s32 s21, s2  }
0x9d: {  	[timem:s6], [sflag:s22] =	dma.local [hbm:s4], s20  }
0x9e: {  	_ =	swait.ge [sflag:s22], s20  }
0x9f: {  	s3 =	ssub.s32 $0x0, s20;
	[sflag:s22] =	ssyncset.done $0x0  }
0xa0: {  	[sflag:s22] =	ssyncadd.s32 s3;
	_ =	sdelay $0x1  }
0xa1: {  	s23 =	simm.s32 $0x1B8B  }
0xa2: {  	_ =	swait.ge [sflag:s23], $0x1  }
0xa3: {  	[sflag:s23] =	ssyncset.done $0x0  }
0xa4: {  	s25 =	simm.s32 $0x1B8E;
	s24 =	sld [smem:$0x3FFE];
	[sflag:s23] =	ssyncadd.s32 $0xFFFFFFFF  }
0xa5: {  	s26 =	simm.s32 $execute0_lowered;
	[smem:$0x3FD2] =	sst s25  }
0xa6: {  	s4 =	sshll.u32 s26, $0x1;
	_ =	strace $0x80000046;
	[dreg:$0x1] =	wrdreg $0xFFFFFFFF  }
0xa7: {  	s28 =	simm.s32 $_size_execute0_lowered;
	s2 =	sadd.s32 s2, s4;
	[dreg:$0x0] =	wrdreg $0x0  }
0xa8: {  	s4 =	sshll.u32 s28, $0x1;
	[dreg:$0x2] =	wrdreg s2  }
0xa9: {  	[dreg:$0x3] =	wrdreg s4  }
0xaa: {  	[dreg:$0x4] =	wrdreg $0xC0  }
0xab: {  	_ =	task [dreg:s6], $0x5FFFF  }
0xac: {  	[dreg:$0x1] =	wrdreg $0xFFFFFFFF  }
0xad: {  	[dreg:$0x0] =	wrdreg $0x60  }
0xae: {  	[dreg:$0x2] =	wrdreg s24  }
0xaf: {  	[dreg:$0x3] =	wrdreg $0x0  }
0xb0: {  	[dreg:$0x4] =	wrdreg $0x9  }
0xb1: {  	_ =	task.clear_ibuf [dreg:s6], $0x5FFFF;
	_ =	strace $0x90000046  }
0xb2: {  	s29 =	simm.s32 $0x9;
	_ =	strace $0x80000048  }
0xb3: {  	_ =	swait.ge [sflag:s29], $0x1  }
0xb4: {  	[sflag:s29] =	ssyncadd.s32 $0xFFFFFFFF  }
0xb5: {  	_ =	strace $0x90000048  }
0xb6: {  	_ =	sfence  }
0xb7: {  	s30 =	sld [smem:$0x0];
	_ =	sdelay $0x2  }
0xb8: {  	s31 =	sshll.u32 s1, $0xD;
	s1 =	sshrl.u32 s1, $0x2  }
0xb9: {  	s3 =	sand.u32 $0x4000, s31;
	s1 =	sadd.s32 s1, s30  }
0xba: {  	s0 =	sor.u32 s3, s0;
	s1 =	sshll.u32 s1, $0x11  }
0xbb: {  	s0 =	sor.u32 s1, s0  }
0xbc: {  	s0 =	sadd.s32 $0x8F2B, s0  }
0xbd: {  	[sflag:s0] =	ssyncadd.remote.s32 $0x1  }
0xbe: {  	_ =	sfence.sel $0xFFFF  }
0xbf: {  	[dreg:$0x0] =	wrdreg $0xFFFFFFFF;
	(pc) =	sbr.abs _section_cstart, $3  }
0xc0: {  	[dreg:$0x1] =	wrdreg $0xFFFFFFFF  }
0xc1: {  	_ =	task.clear_ibuf [dreg:s6], $0x2FFFF;
	_ =	strace $0x9FFFFFFF  }
0xc2: {  	(tm) =	ssettm $0x7FFFFFFF  }
0xc3: {  	_ =	shalt  }
tec
execute0_lowered:
.L_overlay_start_1:
0x0: {  	(tag) =	ssettag $0x1  }
0x1: {  	s0 =	rddreg [dreg:$0x0]  }
0x2: {  	s1 =	rddreg [dreg:$0x1];
	s2 =	simm.s32 $0x0;
	s14 =	stileid.u32  }
0x3: {  	s3 =	srdreg.scid;
	s29 =	simm.s32 $0x4;
	s6 =	smul.u32 $0xC35, s14  }
0x4: {  	s31 =	simm.s32 $0x1;
	[smem:$0x7FF] =	sst s2;
	s9 =	smul.u32 $0x61A80, s14  }
0x5: {  	s3 =	sand.u32 $0x1, s3;
	s5 =	sadd.s32 $0x194400, s0;
	s24 =	smul.u32 $0x186A, s14  }
0x6: {  	s7 =	sadd.s32 $0x1CC00, s0;
	s21 =	sshll.u32 s14, $0x6;
	s14 =	smul.u32 $0xC350, s14  }
0x7: {  	s10 =	sadd.s32 $0x4400, s0;
	s0 =	sadd.s32 $0x35400, s0;
	s4 =	smul.u32 $0xC800, s3  }
0x8: {  	_ =	strace $0x80000047;
	s8 =	ssub.s32 $0x2, s3;
	s20 =	sshrl.u32 s9, $0x2  }
0x9: {  	s3 =	smul.u32 $0x32000, s3;
	s6 =	sadd.s32 s6, s4;
	s4 =	sadd.s32 s20, s1  }
0xa: {  	s11 =	sshrl.u32 s8, $0x1;
	s14 =	sshrl.u32 s14, $0x3;
	s12 =	sadd.s32 $0x4E20, s4  }
0xb: {  	s18 =	sadd.s32 s10, s24;
	s13 =	sadd.s32 $0x9C40, s4;
	[dreg:$0x4] =	wrdreg s12  }
0xc: {  	s17 =	sadd.s32 $0x32, s14;
	s26 =	sadd.s32 $0xEA60, s4;
	[dreg:$0x6] =	wrdreg s13  }
0xd: {  	s9 =	sshll.u32 s6, $0x2;
	s19 =	sadd.s32 s10, s17;
	[dreg:$0x8] =	wrdreg s26  }
0xe: {  	s8 =	ssub.s32 s8, s11;
	s22 =	sadd.s32 s5, s9;
	[dreg:$0xb] =	wrdreg s19  }
0xf: {  	s11 =	sadd.s32 $0x9C4, s9;
	s26 =	sadd.s32 $0x13880, s4;
	[dreg:$0x3] =	wrdreg s22  }
0x10: {  	s25 =	sadd.s32 $0x1388, s9;
	s23 =	sadd.s32 s5, s11;
	[dreg:$0x12] =	wrdreg s26  }
0x11: {  	s28 =	sadd.s32 $0x1D4C, s9;
	s15 =	sadd.s32 s5, s25;
	[dreg:$0x5] =	wrdreg s23  }
0x12: {  	s20 =	sadd.s32 $0x2710, s9;
	s16 =	sadd.s32 s5, s28;
	[dreg:$0x7] =	wrdreg s15  }
0x13: {  	s6 =	sor.u32 $0x1C04, s21;
	s21 =	sadd.s32 s5, s20;
	[dreg:$0x9] =	wrdreg s16  }
0x14: {  	s30 =	smov.u32 s18;
	s22 =	sadd.s32 s0, s9;
	[dreg:$0xc] =	wrdreg s21  }
0x15: {  	s16 =	sadd.s32 s7, s24;
	s7 =	sadd.s32 s7, s17;
	[dreg:$0xd] =	wrdreg s22  }
0x16: {  	s17 =	sadd.s32 s5, s3;
	s23 =	sadd.s32 s0, s11;
	[dreg:$0xa] =	wrdreg s7  }
0x17: {  	s24 =	sadd.s32 s0, s25;
	s25 =	sadd.s32 s0, s28;
	[dreg:$0xe] =	wrdreg s23  }
.Ltmp0:
0x18: {  	s0 =	sadd.s32 s0, s20;
	[dreg:$0xf] =	wrdreg s24;
	(pc) =	sbr.rel .LBB2_1-.Ltmp0, $4  }
0x19: {  	s28 =	smax.u32 s8, $0x1;
	s15 =	sadd.s32 $0x64, s18;
	[dreg:$0x10] =	wrdreg s25  }
0x1a: {  	s3 =	simm.s32 $0x50;
	s5 =	simm.s32 $0x2;
	[dreg:$0x11] =	wrdreg s0  }
0x1b: {  	s24 =	smov.u32 s4;
	[dreg:$0x13] =	wrdreg s28;
	s25 =	smov.u32 s16  }
0x1c: {  	s16 =	sadd.s32 $0x64, s16;
	s0 =	simm.s32 $0x3;
	s7 =	simm.s32 $0x0  }
.LBB2_5:
0x1d: {  	_ =	swait.ge [sflag:s5], $0xA00  }
0x1e: {  	[sflag:s5] =	ssyncset.done $0x0  }
0x1f: {  	[sflag:s5] =	ssyncadd.s32 $0xFFFFF600  }
0x20: {  	_ =	swait.ge [sflag:s5], $0xA00  }
0x21: {  	[sflag:s5] =	ssyncset.done $0x0  }
0x22: {  	[sflag:s5] =	ssyncadd.s32 $0xFFFFF600  }
0x23: {  	_ =	swait.ge [sflag:s5], $0xA00  }
0x24: {  	[sflag:s5] =	ssyncset.done $0x0  }
0x25: {  	[sflag:s5] =	ssyncadd.s32 $0xFFFFF600  }
0x26: {  	_ =	swait.ge [sflag:s5], $0xA00  }
0x27: {  	[sflag:s5] =	ssyncset.done $0x0  }
0x28: {  	[sflag:s5] =	ssyncadd.s32 $0xFFFFF600  }
0x29: {  	_ =	swait.ge [sflag:s5], $0xA00  }
0x2a: {  	[sflag:s5] =	ssyncset.done $0x0  }
0x2b: {  	[sflag:s5] =	ssyncadd.s32 $0xFFFFF600  }
0x2c: {  	[bflag:$0x0] =	sbarrier.arrive $0xFFFF  }
0x2d: {  	s4 =	rddreg [dreg:$0xd]  }
0x2e: {  	[hbm:s4], [sflag:s6] =	dma.local [spmem:s8], $0x9C4  }
0x2f: {  	_ =	swait.ge [sflag:s29], $0x9C4  }
0x30: {  	[sflag:s29] =	ssyncset.done $0x0  }
0x31: {  	s21 =	rddreg [dreg:$0xe];
	[sflag:s29] =	ssyncadd.s32 $0xFFFFF63C  }
0x32: {  	[hbm:s21], [sflag:s6] =	dma.local [spmem:s9], $0x9C4  }
0x33: {  	_ =	swait.ge [sflag:s29], $0x9C4  }
0x34: {  	[sflag:s29] =	ssyncset.done $0x0  }
0x35: {  	s22 =	rddreg [dreg:$0xf];
	[sflag:s29] =	ssyncadd.s32 $0xFFFFF63C  }
0x36: {  	[hbm:s22], [sflag:s6] =	dma.local [spmem:s10], $0x9C4  }
0x37: {  	_ =	swait.ge [sflag:s29], $0x9C4  }
0x38: {  	[sflag:s29] =	ssyncset.done $0x0  }
0x39: {  	s23 =	rddreg [dreg:$0x10];
	[sflag:s29] =	ssyncadd.s32 $0xFFFFF63C  }
0x3a: {  	[hbm:s23], [sflag:s6] =	dma.local [spmem:s11], $0x9C4  }
0x3b: {  	_ =	swait.ge [sflag:s29], $0x9C4  }
0x3c: {  	[sflag:s29] =	ssyncset.done $0x0  }
0x3d: {  	s26 =	rddreg [dreg:$0x11];
	[sflag:s29] =	ssyncadd.s32 $0xFFFFF63C  }
0x3e: {  	[hbm:s26], [sflag:s6] =	dma.local [spmem:s12], $0x9C4  }
0x3f: {  	_ =	swait.ge [sflag:s29], $0x9C4  }
0x40: {  	s7 =	sadd.s32 $0x1, s7;
	s28 =	rddreg [dreg:$0x13]  }
0x41: {  	p0 =	sne.s32 s7, s28  }
.Ltmp1:
0x42: {  	_ = 	snop;
	(pc) =	sbr.rel @!p0 .LBB2_6-.Ltmp1, $3  }
0x43: {  	_ =	sdelay $0x1  }
0x44: {  	[sflag:s29] =	ssyncset.done $0x0  }
0x45: {  	[sflag:s29] =	ssyncadd.s32 $0xFFFFF63C  }
.LBB2_1:
0x46: {  	s8 =	sshrl.u32 s24, $0x3;
	s4 =	rddreg [dreg:$0x3]  }
0x47: {  	[spmem:s8], [sflag:s6] =	dma.local [hbm:s4], $0x9C4  }
0x48: {  	_ =	swait.ge [sflag:s29], $0x9C4  }
0x49: {  	[sflag:s29] =	ssyncset.done $0x0;
	s23 =	rddreg [dreg:$0x4]  }
0x4a: {  	s26 =	rddreg [dreg:$0x5];
	[sflag:s29] =	ssyncadd.s32 $0xFFFFF63C;
	s9 =	sshrl.u32 s23, $0x3  }
0x4b: {  	[spmem:s9], [sflag:s6] =	dma.local [hbm:s26], $0x9C4  }
0x4c: {  	_ =	swait.ge [sflag:s29], $0x9C4  }
0x4d: {  	[sflag:s29] =	ssyncset.done $0x0;
	s10 =	rddreg [dreg:$0x6]  }
0x4e: {  	s11 =	rddreg [dreg:$0x7];
	[sflag:s29] =	ssyncadd.s32 $0xFFFFF63C;
	s10 =	sshrl.u32 s10, $0x3  }
0x4f: {  	[spmem:s10], [sflag:s6] =	dma.local [hbm:s11], $0x9C4  }
0x50: {  	_ =	swait.ge [sflag:s29], $0x9C4  }
0x51: {  	[sflag:s29] =	ssyncset.done $0x0;
	s12 =	rddreg [dreg:$0x8]  }
0x52: {  	s13 =	rddreg [dreg:$0x9];
	[sflag:s29] =	ssyncadd.s32 $0xFFFFF63C;
	s11 =	sshrl.u32 s12, $0x3  }
0x53: {  	[spmem:s11], [sflag:s6] =	dma.local [hbm:s13], $0x9C4  }
0x54: {  	_ =	swait.ge [sflag:s29], $0x9C4  }
0x55: {  	[sflag:s29] =	ssyncset.done $0x0;
	s14 =	rddreg [dreg:$0x12]  }
0x56: {  	s18 =	rddreg [dreg:$0xc];
	[sflag:s29] =	ssyncadd.s32 $0xFFFFF63C;
	s12 =	sshrl.u32 s14, $0x3  }
0x57: {  	[spmem:s12], [sflag:s6] =	dma.local [hbm:s18], $0x9C4  }
0x58: {  	_ =	swait.ge [sflag:s29], $0x9C4  }
0x59: {  	[sflag:s29] =	ssyncset.done $0x0  }
0x5a: {  	[sflag:s29] =	ssyncadd.s32 $0xFFFFF63C  }
0x5b: {  	s19 =	simm.s32 $0x186A0;
	[bflag:$0x0] =	sbarrier.arrive $0xFFFF  }
0x5c: {  	[tilespmem:s19], [sflag:$0x3] =	stream.linear.gather [hbm4b:s25+s2], $0x190, $0x38;
	[tilespmem:$0x1F400] =	vst v63  }
0x5d: {  	s13 =	simm.s32 $0x18B50  }
0x5e: {  	[tilespmem:s13], [sflag:$0x3] =	stream.linear.gather [hbm4b:s30+s2], $0x190, $0x38;
	[tilespmem:$0x1F400] =	vst v63  }
0x5f: {  	_ =	swait.ge [sflag:s0], $0x190  }
0x60: {  	[sflag:s0] =	ssyncset.done $0x0  }
0x61: {  	[sflag:s0] =	ssyncadd.s32 $0xFFFFFE70  }
0x62: {  	_ =	swait.ge [sflag:s0], $0x190  }
0x63: {  	[sflag:s0] =	ssyncset.done $0x0  }
0x64: {  	s20 =	simm.s32 $0x19000;
	[sflag:s0] =	ssyncadd.s32 $0xFFFFFE70  }
0x65: {  	[tilespmem:s20], [sflag:$0x1] =	stream.indirect.gather [hbm4b:s17+s3], $0x20, s19, s3, $0xb8;
	[tilespmem:$0x1F400] =	vst v63  }
0x66: {  	s21 =	simm.s32 $0x186F0;
	s22 =	simm.s32 $0x19A00  }
0x67: {  	[tilespmem:s22], [sflag:$0x1] =	stream.indirect.gather [hbm4b:s17+s3], $0x20, s21, s3, $0xb8;
	[tilespmem:$0x1F400] =	vst v63  }
0x68: {  	s23 =	simm.s32 $0x18740;
	s26 =	simm.s32 $0x1A400  }
0x69: {  	[tilespmem:s26], [sflag:$0x1] =	stream.indirect.gather [hbm4b:s17+s3], $0x20, s23, s3, $0xb8;
	[tilespmem:$0x1F400] =	vst v63  }
0x6a: {  	s14 =	simm.s32 $0x18790;
	s18 =	simm.s32 $0x1AE00  }
0x6b: {  	[tilespmem:s18], [sflag:$0x1] =	stream.indirect.gather [hbm4b:s17+s3], $0x20, s14, s3, $0xb8;
	[tilespmem:$0x1F400] =	vst v63  }
0x6c: {  	s19 =	simm.s32 $0x187E0;
	s20 =	simm.s32 $0x1B800  }
0x6d: {  	[tilespmem:s20], [sflag:$0x1] =	stream.indirect.gather [hbm4b:s17+s3], $0x20, s19, s3, $0xb8;
	[tilespmem:$0x1F400] =	vst v63  }
.Ltmp2:
0x6e: {  	s21 =	rddreg [dreg:$0xa];
	s22 =	simm.s32 $0x18830;
	(pc) =	sbr.rel .LBB2_2-.Ltmp2, $4  }
0x6f: {  	[tilespmem:s22], [sflag:$0x3] =	stream.linear.gather [hbm4b:s21+s2], $0x190, $0x38;
	[tilespmem:$0x1F400] =	vst v63  }
0x70: {  	s23 =	rddreg [dreg:$0xb];
	s26 =	simm.s32 $0x18CE0  }
0x71: {  	[tilespmem:s26], [sflag:$0x3] =	stream.linear.gather [hbm4b:s23+s2], $0x190, $0x38;
	[tilespmem:$0x1F400] =	vst v63  }
0x72: {  	s28 =	smov.u32 s15;
	s13 =	simm.s32 $0x0;
	s26 =	smov.u32 s16  }
.LBB2_4:
0x73: {  	s4 =	sshrl.u32 s19, $0x9  }
0x74: {  	s4 =	sand.u32 $0x7F, s4  }
0x75: {  	s4 =	smul.u32 $0x3, s4;
	_ =	sdelay $0x1  }
0x76: {  	s4 =	ssub.s32 s13, s4  }
0x77: {  	s19 =	smul.u32 $0xC800, s14;
	s4 =	sand.u32 $0xFF, s4  }
0x78: {  	s4 =	smul.u32 $0x640, s4  }
0x79: {  	_ =	swait.ge [sflag:s31], $0xA00  }
0x7a: {  	[sflag:s31] =	ssyncset.done $0x0;
	s13 =	sshrl.u32 s19, $0x2;
	s4 =	sshrl.u32 s4, $0x2  }
0x7b: {  	[sflag:s31] =	ssyncadd.s32 $0xFFFFF600;
	s20 =	sadd.s32 $0x19000, s13;
	s21 =	sadd.s32 $0x18B50, s4  }
0x7c: {  	[spmem:s1] =	stream.indirect.scatter.add.f32 [tilespmem:s20], [sflag:$0x2], $0x20, s21, s3, $0xb8;
	[tilespmem:$0x1F400] =	vst v63  }
0x7d: {  	_ =	swait.ge [sflag:s31], $0xA00  }
0x7e: {  	[sflag:s31] =	ssyncset.done $0x0  }
0x7f: {  	s22 =	sadd.s32 $0x19A00, s13;
	s23 =	sadd.s32 $0x18BA0, s4;
	[sflag:s31] =	ssyncadd.s32 $0xFFFFF600  }
0x80: {  	[spmem:s1] =	stream.indirect.scatter.add.f32 [tilespmem:s22], [sflag:$0x2], $0x20, s23, s3, $0xb8;
	[tilespmem:$0x1F400] =	vst v63  }
0x81: {  	_ =	swait.ge [sflag:s31], $0xA00  }
0x82: {  	[sflag:s31] =	ssyncset.done $0x0  }
0x83: {  	s20 =	sadd.s32 $0x1A400, s13;
	s21 =	sadd.s32 $0x18BF0, s4;
	[sflag:s31] =	ssyncadd.s32 $0xFFFFF600  }
0x84: {  	[spmem:s1] =	stream.indirect.scatter.add.f32 [tilespmem:s20], [sflag:$0x2], $0x20, s21, s3, $0xb8;
	[tilespmem:$0x1F400] =	vst v63  }
0x85: {  	_ =	swait.ge [sflag:s31], $0xA00  }
0x86: {  	p0 =	sne.s32 s18, $0x7D;
	[sflag:s31] =	ssyncset.done $0x0  }
0x87: {  	s22 =	sadd.s32 $0x1AE00, s13;
	s23 =	sadd.s32 $0x18C40, s4;
	[sflag:s31] =	ssyncadd.s32 $0xFFFFF600  }
0x88: {  	[spmem:s1] =	stream.indirect.scatter.add.f32 [tilespmem:s22], [sflag:$0x2], $0x20, s23, s3, $0xb8;
	[tilespmem:$0x1F400] =	vst v63  }
.Ltmp3:
0x89: {  	_ =	swait.ge [sflag:s31], $0xA00;
	(pc) =	sbr.rel @!p0 .LBB2_5-.Ltmp3, $4  }
0x8a: {  	[sflag:s31] =	ssyncset.done $0x0  }
0x8b: {  	s13 =	sadd.s32 $0x1B800, s13;
	s4 =	sadd.s32 $0x18C90, s4;
	[sflag:s31] =	ssyncadd.s32 $0xFFFFF600  }
0x8c: {  	[spmem:s1] =	stream.indirect.scatter.add.f32 [tilespmem:s13], [sflag:$0x2], $0x20, s4, s3, $0xb8;
	[tilespmem:$0x1F400] =	vst v63  }
0x8d: {  	s26 =	sadd.s32 $0x32, s26;
	s28 =	sadd.s32 $0x32, s28;
	s13 =	smov.u32 s18  }
.LBB2_2:
0x8e: {  	p0 =	seq.s32 s13, $0x0  }
0x8f: {  	s20 =	simm.s32 @!p0 $0x2  }
0x90: {  	_ =	swait.ge @!p0 [sflag:s20], $0xA00  }
0x91: {  	[sflag:s20] =	ssyncset.done @!p0 $0x0  }
0x92: {  	[sflag:s20] =	ssyncadd.s32 @!p0 $0xFFFFF600  }
0x93: {  	_ =	swait.ge @!p0 [sflag:s20], $0xA00  }
0x94: {  	[sflag:s20] =	ssyncset.done @!p0 $0x0  }
0x95: {  	[sflag:s20] =	ssyncadd.s32 @!p0 $0xFFFFF600  }
0x96: {  	_ =	swait.ge @!p0 [sflag:s20], $0xA00  }
0x97: {  	[sflag:s20] =	ssyncset.done @!p0 $0x0  }
0x98: {  	p1 =	seq.s32 @!p0 s13, $0x7C;
	[sflag:s20] =	ssyncadd.s32 @!p0 $0xFFFFF600  }
0x99: {  	p1 =	por p0, !p1;
	_ =	swait.ge @!p0 [sflag:s20], $0xA00  }
.Ltmp4:
0x9a: {  	[sflag:s20] =	ssyncset.done @!p0 $0x0;
	(pc) =	sbr.rel @!p1 .LBB2_4-.Ltmp4, $4  }
0x9b: {  	[sflag:s20] =	ssyncadd.s32 @!p0 $0xFFFFF600  }
0x9c: {  	_ =	swait.ge @!p0 [sflag:s20], $0xA00  }
0x9d: {  	s19 =	smul.u32 $0xAB, s13;
	[sflag:s20] =	ssyncset.done @!p0 $0x0  }
0x9e: {  	s14 =	sand.u32 $0x1, s13;
	s18 =	sadd.s32 $0x1, s13;
	[sflag:s20] =	ssyncadd.s32 @!p0 $0xFFFFF600  }
0x9f: {  	s20 =	sadd.s32 $0xAB, s19  }
0xa0: {  	s20 =	sshrl.u32 s20, $0x9  }
0xa1: {  	s20 =	sand.u32 $0x7F, s20  }
0xa2: {  	s20 =	smul.u32 $0x3, s20  }
0xa3: {  	_ =	swait.ge [sflag:s0], $0x190  }
0xa4: {  	s21 =	sxor.u32 $0x1, s14;
	s22 =	sadd.s32 $0x156, s19;
	s20 =	ssub.s32 s18, s20  }
0xa5: {  	[sflag:s0] =	ssyncset.done $0x0;
	s21 =	smul.u32 $0xC800, s21;
	s20 =	sand.u32 $0xFF, s20  }
0xa6: {  	s22 =	sshrl.u32 s22, $0x9;
	[sflag:s0] =	ssyncadd.s32 $0xFFFFFE70;
	s20 =	smul.u32 $0x640, s20  }
0xa7: {  	s22 =	sand.u32 $0x7F, s22;
	_ =	swait.ge [sflag:s0], $0x190  }
0xa8: {  	s21 =	sshrl.u32 s21, $0x2;
	[sflag:s0] =	ssyncset.done $0x0;
	s20 =	sshrl.u32 s20, $0x2  }
0xa9: {  	s23 =	sadd.s32 $0x19000, s21;
	[sflag:s0] =	ssyncadd.s32 $0xFFFFFE70;
	s4 =	sadd.s32 $0x186A0, s20  }
0xaa: {  	[tilespmem:s23], [sflag:$0x1] =	stream.indirect.gather [hbm4b:s17+s3], $0x20, s4, s3, $0xb8;
	[tilespmem:$0x1F400] =	vst v63  }
0xab: {  	s4 =	smul.u32 $0x3, s22;
	s22 =	sadd.s32 $0x19A00, s21;
	s23 =	sadd.s32 $0x186F0, s20  }
0xac: {  	[tilespmem:s22], [sflag:$0x1] =	stream.indirect.gather [hbm4b:s17+s3], $0x20, s23, s3, $0xb8;
	[tilespmem:$0x1F400] =	vst v63  }
0xad: {  	p0 =	sgt.u32 s13, $0x7A;
	s4 =	ssub.s32 s13, s4  }
0xae: {  	s22 =	sadd.s32 $0x1A400, s21;
	s23 =	sadd.s32 $0x18740, s20;
	s4 =	sadd.s32 $0x2, s4  }
0xaf: {  	[tilespmem:s22], [sflag:$0x1] =	stream.indirect.gather [hbm4b:s17+s3], $0x20, s23, s3, $0xb8;
	[tilespmem:$0x1F400] =	vst v63  }
0xb0: {  	s22 =	sadd.s32 $0x1AE00, s21;
	s23 =	sadd.s32 $0x18790, s20;
	s4 =	sand.u32 $0xFF, s4  }
0xb1: {  	[tilespmem:s22], [sflag:$0x1] =	stream.indirect.gather [hbm4b:s17+s3], $0x20, s23, s3, $0xb8;
	[tilespmem:$0x1F400] =	vst v63  }
0xb2: {  	s21 =	sadd.s32 $0x1B800, s21;
	s20 =	sadd.s32 $0x187E0, s20;
	s4 =	smul.u32 @!p0 $0x190, s4  }
0xb3: {  	[tilespmem:s21], [sflag:$0x1] =	stream.indirect.gather [hbm4b:s17+s3], $0x20, s20, s3, $0xb8;
	[tilespmem:$0x1F400] =	vst v63  }
.Ltmp5:
0xb4: {  	_ = 	snop;
	(pc) =	sbr.rel .LBB2_4-.Ltmp5, $4  }
0xb5: {  	s20 =	sadd.s32 @!p0 $0x186A0, s4;
	s21 =	simm.s32 @!p0 $0x0  }
0xb6: {  	[tilespmem:s20], [sflag:$0x3] =	stream.linear.gather @!p0 [hbm4b:s26+s21], $0x190, $0x38;
	[tilespmem:$0x1F400] =	vst v63  }
0xb7: {  	s4 =	sadd.s32 @!p0 $0x18B50, s4  }
0xb8: {  	[tilespmem:s4], [sflag:$0x3] =	stream.linear.gather @!p0 [hbm4b:s28+s21], $0x190, $0x38;
	[tilespmem:$0x1F400] =	vst v63  }
.LBB2_6:
0xb9: {  	_ =	sfence.sel $0x180000  }
0xba: {  	[bflag:$0x0] =	sbarrier.arrive $0xFFFF  }
0xbb: {  	_ =	strace $0x90000047  }
0xbc: {  	s0 =	stileid.u32;
	[bflag:$0x2] =	sbarrier.arrive $0xFFFF  }
0xbd: {  	p0 =	sne.s32 s0, $0x0;
	s0 =	rddreg [dreg:$0x2]  }
0xbe: {  	s0 =	sadd.s32 @!p0 $0x100000, s0  }
0xbf: {  	[sflag:s0] =	ssyncadd.tile.s32 @!p0 $0x1;
	_ =	shalt  }
.Lfunc_end2:
_tile_overlayer_lowered:
.L_overlay_start_2:
0xc0: {  	(tag) =	ssettag $0x2  }
0xc1: {  	s0 =	rddreg [dreg:$0x0];
	s2 =	stileid.u32  }
0xc2: {  	s1 =	rddreg [dreg:$0x1];
	p0 =	sne.s32 s2, $0x0  }
0xc3: {  	s3 =	rddreg [dreg:$0x2];
	[bflag:$0x3] =	sbarrier.arrive $0xFFFF;
	s2 =	simm.s32 @!p0 $0x1C04  }
0xc4: {  	[timem:s3], [sflag:s2] =	dma.local @!p0 [hbm:s0], s1  }
0xc5: {  	s0 =	simm.s32 @!p0 $0x4  }
0xc6: {  	_ =	swait.ge @!p0 [sflag:s0], s1  }
0xc7: {  	s1 =	ssub.s32 @!p0 $0x0, s1;
	[sflag:s0] =	ssyncset.done @!p0 $0x0  }
0xc8: {  	[sflag:s0] =	ssyncadd.s32 @!p0 s1  }
0xc9: {  	[bflag:$0x3] =	sbarrier.arrive $0xFFFF  }
0xca: {  	_ =	shalt  }

</sc_bundles>
